<compile_context>
chip_gen: v7x
topology: tpu7x:2x2x1
jax: 0.10.2.dev20260603
libtpu: 0.0.44.dev20260713+nightly
codegen_flags: <defaults>
</compile_context>

<pallas_src>
import functools

import jax
import jax.numpy as jnp
from jax import lax
from jax.experimental import pallas as pl
from jax.experimental.pallas import tpu as pltpu
from jax.experimental.pallas import tpu_sc as plsc

_f32 = jnp.float32


def _k1_body(x_ref, w1_ref, b1_ref, w2_ref, b2_ref, wms_ref, wmd_ref,
             relt_ref, wmr_ref, bm1_ref, wmw_ref,
             nodes_ref, nsd_ref, relp_ref):
    x = x_ref[...]
    h = jnp.maximum(jnp.dot(x, w1_ref[...], preferred_element_type=_f32)
                    + b1_ref[...], 0.0)
    nodes = jnp.maximum(jnp.dot(h, w2_ref[...], preferred_element_type=_f32)
                        + b2_ref[...], 0.0)
    nodes_ref[...] = jnp.concatenate([nodes, jnp.zeros_like(nodes)], axis=1)
    ns = jnp.dot(nodes, wms_ref[...], preferred_element_type=_f32)
    nd = jnp.dot(nodes, wmd_ref[...], preferred_element_type=_f32)
    nsd_ref[...] = jnp.concatenate([ns, nd], axis=1)

    @pl.when(pl.program_id(0) == 0)
    def _():
        rp = (jnp.dot(relt_ref[...], wmr_ref[...],
                      preferred_element_type=_f32) + bm1_ref[...])
        rowid = lax.broadcasted_iota(jnp.int32, rp.shape, 0)
        rp = jnp.where(rowid == rp.shape[0] - 1,
                       jnp.broadcast_to(wmw_ref[...], rp.shape), rp)
        relp_ref[...] = jnp.concatenate([rp, jnp.zeros_like(rp)], axis=1)


def _build_sc_edge_kernel(Np, H, chunks_per_worker, C):
    mesh = plsc.VectorSubcoreMesh(core_axis_name="c", subcore_axis_name="s",
                                  num_cores=2, num_subcores=16)
    rows_per_tile = Np // 16
    nf = H // 16

    @functools.partial(
        pl.kernel,
        out_type=jax.ShapeDtypeStruct((2 * Np, H), _f32),
        mesh=mesh,
        scratch_types=[
            pltpu.VMEM((C, 2 * H), _f32),
            pltpu.VMEM((C, 2 * H), _f32),
            pltpu.VMEM((C, H), _f32),
            pltpu.VMEM((16, C), _f32),
            pltpu.VMEM((16,), jnp.int32),
            pltpu.VMEM((C,), jnp.int32),
            pltpu.VMEM((C,), jnp.int32),
            pltpu.VMEM((16, H), _f32),
            pltpu.VMEM((8, 2 * H), _f32),
            pltpu.VMEM_SHARED((Np, H), _f32),
            pltpu.SemaphoreType.DMA,
            pltpu.SemaphoreType.DMA,
        ],
    )
    def sc_edge(nsd_hbm, relp_hbm, combo_hbm,
                agg_out,
                bufA, bufB, bufO, combuf, rows16, sidx, didx, zbuf, relp_v,
                agg_sh, semA, semB):
        cid = lax.axis_index("c")
        sid = lax.axis_index("s")
        wid = cid * 16 + sid

        for i in range(16):
            for f in range(nf):
                zbuf[i, pl.ds(f * 16, 16)] = jnp.zeros((16,), _f32)
        for t in range(rows_per_tile // 16):
            pltpu.sync_copy(
                zbuf, agg_sh.at[pl.ds(sid * rows_per_tile + t * 16, 16)])
        pltpu.sync_copy(relp_hbm, relp_v)
        plsc.subcore_barrier()

        wm_regs = [relp_v[7, pl.ds(f * 16, 16)] for f in range(nf)]
        lane4 = jnp.bitwise_and(lax.iota(jnp.int32, 16), 3)

        def group_body(g, c2):
            w_vec = combuf[3, pl.ds(g * 16, 16)]
            r_vec = combuf[2, pl.ds(g * 16, 16)].astype(jnp.int32)
            for l in range(16):
                e = g * 16 + l
                wsp = jnp.broadcast_to(w_vec[l], (16,))
                r = r_vec[l]
                for f in range(nf):
                    sl = pl.ds(f * 16, 16)
                    slb = pl.ds(H + f * 16, 16)
                    v = bufA[e, sl] + bufB[e, slb] + relp_v[r, sl] \
                        + wsp * wm_regs[f]
                    bufO[e, sl] = jnp.maximum(v, 0.0)
            return c2

        @pl.loop(0, chunks_per_worker)
        def _chunk(k):
            row = wid * chunks_per_worker + k
            rows16[...] = jnp.broadcast_to(4 * row, (16,)) + lane4
            pltpu.async_copy(combo_hbm.at[rows16], combuf, semA).wait()
            for i in range(C // 16):
                sl = pl.ds(i * 16, 16)
                sidx[sl] = combuf[0, sl].astype(jnp.int32)
                didx[sl] = combuf[1, sl].astype(jnp.int32)
            pltpu.async_copy(nsd_hbm.at[sidx], bufA, semA).wait()
            pltpu.async_copy(nsd_hbm.at[didx], bufB, semB).wait()
            lax.fori_loop(0, C // 16, group_body, 0)
            pltpu.sync_copy(bufO, agg_sh.at[didx], add=True)

        plsc.subcore_barrier()

        for t in range(rows_per_tile // C):
            r = sid * rows_per_tile + t * C
            pltpu.sync_copy(agg_sh.at[pl.ds(r, C)], bufO)
            pltpu.sync_copy(bufO, agg_out.at[pl.ds(cid * Np + r, C)])

    return sc_edge


def _copy1_body(a_ref, ao_ref):
    ao_ref[...] = a_ref[...]


def _k2tc_body(idx_ref, wch_ref, nsd_ref, relp_ref, agg_ref, *, H, C):
    @pl.when(pl.program_id(0) == 0)
    def _():
        agg_ref[...] = jnp.zeros_like(agg_ref)

    wmw = relp_ref[7:8, pl.ds(0, H)]
    for l in range(C):
        sidx = idx_ref[0, 0, l]
        didx = idx_ref[0, 1, l]
        ridx = idx_ref[0, 2, l]
        w = wch_ref[0, 0, l]
        a = nsd_ref[pl.ds(sidx, 1), pl.ds(0, H)]
        b = nsd_ref[pl.ds(didx, 1), pl.ds(H, H)]
        cc = relp_ref[pl.ds(ridx, 1), pl.ds(0, H)]
        msg = jnp.maximum(a + b + cc + w * wmw, 0.0)
        agg_ref[pl.ds(didx, 1), :] += msg


def _k3_body(nodes_ref, a0_ref, a1_ref, wm2_ref, g_ref, b_ref,
             lnn_ref, acc_ref, *, n_valid, bn):
    i = pl.program_id(0)
    hh = wm2_ref.shape[0]
    agg = jnp.dot(a0_ref[...] + a1_ref[...], wm2_ref[...],
                  preferred_element_type=_f32)
    h = nodes_ref[:, pl.ds(0, hh)] + agg
    mu = jnp.mean(h, axis=1, keepdims=True)
    var = jnp.mean((h - mu) ** 2, axis=1, keepdims=True)
    ln = (h - mu) * lax.rsqrt(var + 1e-5) * g_ref[...] + b_ref[...]
    lnn_ref[...] = jnp.concatenate([ln, jnp.zeros_like(ln)], axis=1)
    row = i * bn + lax.broadcasted_iota(jnp.int32, (bn, 1), 0)
    lnm = jnp.where(row < n_valid, ln, 0.0)
    s = jnp.sum(lnm, axis=0, keepdims=True)

    @pl.when(i == 0)
    def _():
        acc_ref[...] = jnp.zeros_like(acc_ref)

    acc_ref[...] += jnp.broadcast_to(s, acc_ref.shape)


def _build_sc_gather_kernel(Np, H2, A, C):
    mesh = plsc.VectorSubcoreMesh(core_axis_name="c", subcore_axis_name="s",
                                  num_cores=2, num_subcores=16)
    nchunk = A // C

    @functools.partial(
        pl.kernel,
        out_type=jax.ShapeDtypeStruct((2 * A, H2), _f32),
        mesh=mesh,
        scratch_types=[
            pltpu.VMEM((C,), jnp.int32),
            pltpu.VMEM((C, H2), _f32),
            pltpu.SemaphoreType.DMA,
        ],
    )
    def sc_gather(lnn_hbm, cbi_hbm, cti_hbm, out_hbm, cidx, crow, sem):
        cid = lax.axis_index("c")
        sid = lax.axis_index("s")
        for t in range(nchunk):
            @pl.when((sid == t) & (cid == 0))
            def _(t=t):
                pltpu.sync_copy(cbi_hbm.at[pl.ds(t * C, C)], cidx)
                pltpu.async_copy(lnn_hbm.at[cidx], crow, sem).wait()
                pltpu.sync_copy(crow, out_hbm.at[pl.ds(t * C, C)])

            @pl.when((sid == nchunk + t) & (cid == 0))
            def _(t=t):
                pltpu.sync_copy(cti_hbm.at[pl.ds(t * C, C)], cidx)
                pltpu.async_copy(lnn_hbm.at[cidx], crow, sem).wait()
                pltpu.sync_copy(crow, out_hbm.at[pl.ds(A + t * C, C)])

    return sc_gather


def _k5_body(lc_ref, prim_ref, has_ref, gacc_ref,
             wa1b_ref, wa1t_ref, wa1g_ref, wa1d_ref, wa1p_ref,
             wa1h_ref, ba1_ref, wa2_ref, ba2_ref, wpa_ref, wpb_ref, wpc_ref,
             wpd_ref, bp1_ref, wp2_ref, bp2_ref,
             out_ref, enc_s, u_s, v_s, *, A, H, Bj, n_nodes):
    j = pl.program_id(0)

    @pl.when(j == 0)
    def _():
        hb = lc_ref[pl.ds(0, A), pl.ds(0, H)]
        has = has_ref[...]
        tgt = lc_ref[pl.ds(A, A), pl.ds(0, H)] * has
        graph = gacc_ref[pl.ds(0, 1), :] * (1.0 / n_nodes)
        oh = (lax.broadcasted_iota(jnp.int32, (A, 16), 1)
              == prim_ref[...]).astype(_f32)
        pre = (jnp.dot(hb, wa1b_ref[...], preferred_element_type=_f32)
               + jnp.dot(tgt, wa1t_ref[...], preferred_element_type=_f32)
               + jnp.dot(jnp.abs(hb - tgt), wa1d_ref[...],
                         preferred_element_type=_f32)
               + jnp.dot(oh, wa1p_ref[...], preferred_element_type=_f32)
               + jnp.dot(graph, wa1g_ref[...], preferred_element_type=_f32)
               + has * wa1h_ref[...]
               + ba1_ref[...])
        e1 = jnp.maximum(pre, 0.0)
        enc = jnp.maximum(jnp.dot(e1, wa2_ref[...],
                                  preferred_element_type=_f32)
                          + ba2_ref[...], 0.0)
        enc_s[...] = enc
        u_s[...] = (jnp.dot(enc, wpa_ref[...] + wpc_ref[...],
                            preferred_element_type=_f32) + bp1_ref[...])
        v_s[...] = jnp.dot(enc, wpb_ref[...] - wpc_ref[...],
                           preferred_element_type=_f32)
        out_ref[...] = jnp.zeros_like(out_ref)

    enc = enc_s[...]
    ej = enc_s[pl.ds(j * Bj, Bj), :]
    vj = v_s[pl.ds(j * Bj, Bj), :]
    d = jnp.abs(enc[:, None, :] - ej[None, :, :])
    t = jnp.dot(d.reshape(A * Bj, H), wpd_ref[...],
                preferred_element_type=_f32).reshape(A, Bj, H)
    t = t + u_s[...][:, None, :] + vj[None, :, :]
    t = jnp.maximum(t, 0.0)
    logits = jnp.sum(t * wp2_ref[...][None, :, :], axis=-1) + bp2_ref[0, 0]
    sig = jax.nn.sigmoid(logits)
    rows = lax.broadcasted_iota(jnp.int32, (A, Bj), 0)
    cols = lax.broadcasted_iota(jnp.int32, (A, Bj), 1) + j * Bj
    sig = jnp.where(rows == cols, 0.0, sig)
    s = jnp.sum(sig, axis=1) * (1.0 / (A - 1))
    out_ref[...] += jnp.broadcast_to(s[:, None], out_ref.shape)


def kernel(block_features, edge_index, edge_rel, edge_weight,
           cand_block_index, cand_target_index, cand_primitive_id,
           cand_has_target, W1, b1, W2, b2, rel_table, Wm1, bm1, Wm2, bm2,
           ln_gamma, ln_beta, Wa1, ba1, Wa2, ba2, Wp1, bp1, Wp2, bp2):
    N, D = block_features.shape
    H = W1.shape[1]
    E = edge_index.shape[1]
    A = cand_block_index.shape[0]
    R = rel_table.shape[0]

    BN = 512
    Np = -(-N // BN) * BN
    C = 128
    NW = 32
    Ep = -(-E // (NW * C)) * (NW * C)
    CPW = Ep // (NW * C)

    x_p = jnp.pad(block_features, ((0, Np - N), (0, 0)))
    pe = Ep - E
    src_p = jnp.pad(edge_index[0], (0, pe)).reshape(-1, C)
    dst_p = jnp.pad(edge_index[1], (0, pe),
                    constant_values=N).reshape(-1, C)
    rel_p = jnp.pad(edge_rel, (0, pe)).reshape(-1, C)
    w_p = jnp.pad(edge_weight, (0, pe)).reshape(-1, C)
    relt_p = jnp.pad(rel_table, ((0, 8 - R), (0, 0)))
    b1r = b1[None, :]
    b2r = b2[None, :]
    bm1r = bm1[None, :]
    wm1_s = Wm1[0:H]
    wm1_d = Wm1[H:2 * H]
    wm1_r = Wm1[2 * H:3 * H]
    wm1_w = Wm1[3 * H]

    grid1 = Np // BN
    nodes, nsd, relp = pl.pallas_call(
        _k1_body,
        grid=(grid1,),
        in_specs=[
            pl.BlockSpec((BN, D), lambda i: (i, 0)),
            pl.BlockSpec((D, H), lambda i: (0, 0)),
            pl.BlockSpec((1, H), lambda i: (0, 0)),
            pl.BlockSpec((H, H), lambda i: (0, 0)),
            pl.BlockSpec((1, H), lambda i: (0, 0)),
            pl.BlockSpec((H, H), lambda i: (0, 0)),
            pl.BlockSpec((H, H), lambda i: (0, 0)),
            pl.BlockSpec((8, H), lambda i: (0, 0)),
            pl.BlockSpec((H, H), lambda i: (0, 0)),
            pl.BlockSpec((1, H), lambda i: (0, 0)),
            pl.BlockSpec((1, H), lambda i: (0, 0)),
        ],
        out_specs=[
            pl.BlockSpec((BN, 2 * H), lambda i: (i, 0)),
            pl.BlockSpec((BN, 2 * H), lambda i: (i, 0)),
            pl.BlockSpec((8, 2 * H), lambda i: (0, 0)),
        ],
        out_shape=[
            jax.ShapeDtypeStruct((Np, 2 * H), _f32),
            jax.ShapeDtypeStruct((Np, 2 * H), _f32),
            jax.ShapeDtypeStruct((8, 2 * H), _f32),
        ],
    )(x_p, W1, b1r, W2, b2r, wm1_s, wm1_d, relt_p, wm1_r, bm1r,
      wm1_w[None, :])

    NCH = Ep // C
    idx3 = jnp.stack([src_p, dst_p, rel_p], axis=1)
    w3 = w_p[:, None, :]
    agg1 = pl.pallas_call(
        functools.partial(_k2tc_body, H=H, C=C),
        grid=(NCH,),
        in_specs=[
            pl.BlockSpec((1, 3, C), lambda c: (c, 0, 0),
                         memory_space=pltpu.SMEM),
            pl.BlockSpec((1, 1, C), lambda c: (c, 0, 0),
                         memory_space=pltpu.SMEM),
            pl.BlockSpec((Np, 2 * H), lambda c: (0, 0)),
            pl.BlockSpec((8, 2 * H), lambda c: (0, 0)),
        ],
        out_specs=pl.BlockSpec((Np, H), lambda c: (0, 0)),
        out_shape=jax.ShapeDtypeStruct((Np, H), _f32),
    )(idx3, w3, nsd, relp)
    agg2 = jnp.concatenate([agg1, jnp.zeros_like(agg1)], axis=0)

    lnn, gacc = pl.pallas_call(
        functools.partial(_k3_body, n_valid=N, bn=BN),
        grid=(grid1,),
        in_specs=[
            pl.BlockSpec((BN, 2 * H), lambda i: (i, 0)),
            pl.BlockSpec((BN, H), lambda i: (i, 0)),
            pl.BlockSpec((BN, H), lambda i: (i + Np // BN, 0)),
            pl.BlockSpec((H, H), lambda i: (0, 0)),
            pl.BlockSpec((1, H), lambda i: (0, 0)),
            pl.BlockSpec((1, H), lambda i: (0, 0)),
        ],
        out_specs=[
            pl.BlockSpec((BN, 2 * H), lambda i: (i, 0)),
            pl.BlockSpec((8, H), lambda i: (0, 0)),
        ],
        out_shape=[
            jax.ShapeDtypeStruct((Np, 2 * H), _f32),
            jax.ShapeDtypeStruct((8, H), _f32),
        ],
    )(nodes, agg2, agg2, Wm2, ln_gamma[None, :], ln_beta[None, :])

    sc_gather = _build_sc_gather_kernel(Np, 2 * H, A, C)
    lncand = sc_gather(lnn, cand_block_index, cand_target_index)

    Bj = 32
    grid5 = A // Bj
    wa1p_p = jnp.pad(Wa1[4 * H:4 * H + 12], ((0, 4), (0, 0)))
    out = pl.pallas_call(
        functools.partial(_k5_body, A=A, H=H, Bj=Bj, n_nodes=N),
        grid=(grid5,),
        in_specs=[
            pl.BlockSpec((2 * A, 2 * H), lambda j: (0, 0)),
            pl.BlockSpec((A, 1), lambda j: (0, 0)),
            pl.BlockSpec((A, 1), lambda j: (0, 0)),
            pl.BlockSpec((8, H), lambda j: (0, 0)),
            pl.BlockSpec((H, H), lambda j: (0, 0)),
            pl.BlockSpec((H, H), lambda j: (0, 0)),
            pl.BlockSpec((H, H), lambda j: (0, 0)),
            pl.BlockSpec((H, H), lambda j: (0, 0)),
            pl.BlockSpec((16, H), lambda j: (0, 0)),
            pl.BlockSpec((1, H), lambda j: (0, 0)),
            pl.BlockSpec((1, H), lambda j: (0, 0)),
            pl.BlockSpec((H, H), lambda j: (0, 0)),
            pl.BlockSpec((1, H), lambda j: (0, 0)),
            pl.BlockSpec((H, H), lambda j: (0, 0)),
            pl.BlockSpec((H, H), lambda j: (0, 0)),
            pl.BlockSpec((H, H), lambda j: (0, 0)),
            pl.BlockSpec((H, H), lambda j: (0, 0)),
            pl.BlockSpec((1, H), lambda j: (0, 0)),
            pl.BlockSpec((1, H), lambda j: (0, 0)),
            pl.BlockSpec((1, H), lambda j: (0, 0)),
        ],
        out_specs=pl.BlockSpec((A, 128), lambda j: (0, 0)),
        out_shape=jax.ShapeDtypeStruct((A, 128), _f32),
        scratch_shapes=[
            pltpu.VMEM((A, H), _f32),
            pltpu.VMEM((A, H), _f32),
            pltpu.VMEM((A, H), _f32),
        ],
    )(lncand, cand_primitive_id[:, None], cand_has_target[:, None],
      gacc,
      Wa1[0:H], Wa1[H:2 * H], Wa1[2 * H:3 * H], Wa1[3 * H:4 * H],
      wa1p_p, Wa1[4 * H + 12:4 * H + 13], ba1[None, :], Wa2, ba2[None, :],
      Wp1[0:H], Wp1[H:2 * H], Wp1[2 * H:3 * H], Wp1[3 * H:4 * H],
      bp1[None, :], Wp2.reshape(1, H), jnp.broadcast_to(bp2[None, :], (1, H)))

    return out[:, 0]

# --- scband reference (transcript-rebuilt; emitter-appended) ---
"""Pipeline reference for scband-joint-typed-graph-action-ranker-51823075393573 (READ-ONLY COPY).

The authoritative reference and input builder live on the scoring server;
editing this copy changes nothing except your own understanding.
"""

import jax, jax.numpy as jnp
import numpy as np

N, E, D, H, A, P, R = 10000, 160000, 256, 64, 512, 12, 6

def setup_inputs(seed: int = 0) -> dict:
    key = jax.random.key(seed)
    k = lambda i: jax.random.fold_in(key, i)
    s = 0.05
    inp = {}
    inp['block_features'] = jax.random.normal(k(0), (N, D), dtype=jnp.float32)
    inp['edge_index'] = jax.random.randint(k(1), (2, E), 0, N, dtype=jnp.int32)
    inp['edge_rel'] = jax.random.randint(k(2), (E,), 0, R, dtype=jnp.int32)
    inp['edge_weight'] = jax.random.uniform(k(3), (E,), dtype=jnp.float32)
    inp['cand_block_index'] = jax.random.randint(k(4), (A,), 0, N, dtype=jnp.int32)
    inp['cand_target_index'] = jax.random.randint(k(5), (A,), 0, N, dtype=jnp.int32)
    inp['cand_primitive_id'] = jax.random.randint(k(6), (A,), 0, P, dtype=jnp.int32)
    inp['cand_has_target'] = jnp.ones((A,), dtype=jnp.float32)
    inp['W1'] = jax.random.normal(k(10), (D, H), dtype=jnp.float32) * s
    inp['b1'] = jnp.zeros((H,), dtype=jnp.float32)
    inp['W2'] = jax.random.normal(k(11), (H, H), dtype=jnp.float32) * s
    inp['b2'] = jnp.zeros((H,), dtype=jnp.float32)
    inp['rel_table'] = jax.random.normal(k(12), (R, H), dtype=jnp.float32) * s
    inp['Wm1'] = jax.random.normal(k(13), (3 * H + 1, H), dtype=jnp.float32) * s
    inp['bm1'] = jnp.zeros((H,), dtype=jnp.float32)
    inp['Wm2'] = jax.random.normal(k(14), (H, H), dtype=jnp.float32) * s
    inp['bm2'] = jnp.zeros((H,), dtype=jnp.float32)
    inp['ln_gamma'] = jnp.ones((H,), dtype=jnp.float32)
    inp['ln_beta'] = jnp.zeros((H,), dtype=jnp.float32)
    inp['Wa1'] = jax.random.normal(k(15), (4 * H + P + 1, H), dtype=jnp.float32) * s
    inp['ba1'] = jnp.zeros((H,), dtype=jnp.float32)
    inp['Wa2'] = jax.random.normal(k(16), (H, H), dtype=jnp.float32) * s
    inp['ba2'] = jnp.zeros((H,), dtype=jnp.float32)
    inp['Wp1'] = jax.random.normal(k(17), (4 * H, H), dtype=jnp.float32) * s
    inp['bp1'] = jnp.zeros((H,), dtype=jnp.float32)
    inp['Wp2'] = jax.random.normal(k(18), (H, 1), dtype=jnp.float32) * s
    inp['bp2'] = jnp.zeros((1,), dtype=jnp.float32)
    return inp

def reference(block_features, edge_index, edge_rel, edge_weight, cand_block_index, cand_target_index, cand_primitive_id, cand_has_target, W1, b1, W2, b2, rel_table, Wm1, bm1, Wm2, bm2, ln_gamma, ln_beta, Wa1, ba1, Wa2, ba2, Wp1, bp1, Wp2, bp2):
    # node_proj: Linear-ReLU-Linear-ReLU
    nodes = jax.nn.relu(jax.nn.relu(block_features @ W1 + b1) @ W2 + b2)
    # typed-edge message passing (vectorized over edges), scatter-add to dst
    src = edge_index[0]
    dst = edge_index[1]
    rel = jnp.take(rel_table, edge_rel, axis=0)
    msg_in = jnp.concatenate([nodes[src], nodes[dst], rel, edge_weight[:, None]], axis=-1)
    msg = jax.nn.relu(msg_in @ Wm1 + bm1) @ Wm2 + bm2
    agg = jnp.zeros_like(nodes).at[dst].add(msg)
    # residual + LayerNorm
    h = nodes + agg
    mu = jnp.mean(h, axis=-1, keepdims=True)
    var = jnp.mean((h - mu) ** 2, axis=-1, keepdims=True)
    nodes = (h - mu) / jnp.sqrt(var + 1e-5) * ln_gamma + ln_beta
    graph = jnp.mean(nodes, axis=0)
    # action encoding
    block = nodes[cand_block_index]
    target = nodes[cand_target_index] * cand_has_target[:, None]
    prim = jax.nn.one_hot(cand_primitive_id, P, dtype=jnp.float32)
    graph_b = jnp.broadcast_to(graph[None, :], (block.shape[0], H))
    act_in = jnp.concatenate([block, target, graph_b, jnp.abs(block - target), prim, cand_has_target[:, None]], axis=-1)
    encoded = jax.nn.relu(jax.nn.relu(act_in @ Wa1 + ba1) @ Wa2 + ba2)
    # pairwise logits
    An = encoded.shape[0]
    lhs = jnp.broadcast_to(encoded[:, None, :], (An, An, H))
    rhs = jnp.broadcast_to(encoded[None, :, :], (An, An, H))
    diff = lhs - rhs
    pair = jnp.concatenate([lhs, rhs, diff, jnp.abs(diff)], axis=-1)
    logits = (jax.nn.relu(pair @ Wp1 + bp1) @ Wp2 + bp2)[..., 0]
    # score_candidates: zero diagonal, mean over opponents
    mask = 1.0 - jnp.eye(An, dtype=jnp.float32)
    scores = jnp.sum(jax.nn.sigmoid(logits) * mask, axis=1) / max(An - 1, 1)
    return scores

if __name__ == "__main__":
    import jax
    _d = setup_inputs()
    print(jax.jit(kernel)(*tuple(_d.values())))

</pallas_src>

<mosaic_0001>
#map = affine_map<(d0, d1) -> (0, 0)>
#map1 = affine_map<(d0, d1) -> (0)>
module attributes {stable_mosaic.version = 14 : i64} {
  func.func @sc_gather(%arg0: i32, %arg1: i32, %arg2: memref<10240x128xf32, #tpu.memory_space<hbm>>, %arg3: memref<512xi32, #tpu.memory_space<hbm>>, %arg4: memref<512xi32, #tpu.memory_space<hbm>>, %arg5: memref<1024x128xf32, #tpu.memory_space<hbm>>, %arg6: memref<128xi32, #tpu.memory_space<vmem>>, %arg7: memref<128x128xf32, #tpu.memory_space<vmem>>, %arg8: memref<!tpu.dma_semaphore, #tpu.memory_space<semaphore_mem>>) attributes {dimension_semantics = [#tpu.dimension_semantics<core_parallel>, #tpu.dimension_semantics<subcore_parallel>], iteration_bounds = array<i64: 2, 16>, scalar_prefetch = 0 : i64, scratch_operands = 3 : i64, tpu.core_type = #tpu.core_type<sc_vector_subcore>, window_params = [{transform_indices = #map}, {transform_indices = #map1}, {transform_indices = #map1}, {transform_indices = #map}]} {
    %eq3A = arith.constant 0 : i32
    %eq3A_0 = arith.cmpi eq, %arg1, %eq3A : i32
    %eq3A_1 = arith.constant 0 : i32
    %eq3A_2 = arith.cmpi eq, %arg0, %eq3A_1 : i32
    %and3A = arith.andi %eq3A_0, %eq3A_2 : i1
    %convert_element_type3A = arith.extui %and3A : i1 to i32
    %cond3A = arith.constant 0 : i32
    %cond3A_3 = arith.cmpi ne, %convert_element_type3A, %cond3A : i32
    scf.if %cond3A_3 {
      "tpu.region"() ({
        %run_scoped3A = tpu.sem_alloc : memref<!tpu.dma_semaphore, #tpu.memory_space<semaphore_mem>>
        %dma_start3A_64 = arith.constant 0 : i32
        %dma_start3A_65 = tpu.memref_slice %arg3[%dma_start3A_64] : memref<512xi32, #tpu.memory_space<hbm>> -> memref<128xi32, #tpu.memory_space<hbm>>
        %dma_start3A_66 = arith.constant 0 : i32
        %dma_start3A_67 = tpu.memref_slice %arg3[%dma_start3A_66] : memref<512xi32, #tpu.memory_space<hbm>> -> memref<128xi32, #tpu.memory_space<hbm>>
        tpu.enqueue_dma source(%dma_start3A_67 : memref<128xi32, #tpu.memory_space<hbm>>) target(%arg6 : memref<128xi32, #tpu.memory_space<vmem>>) target_semaphore(%run_scoped3A : memref<!tpu.dma_semaphore, #tpu.memory_space<semaphore_mem>>)
        %dma_wait3A_68 = arith.constant 0 : i32
        %dma_wait3A_69 = tpu.memref_slice %arg3[%dma_wait3A_68] : memref<512xi32, #tpu.memory_space<hbm>> -> memref<128xi32, #tpu.memory_space<hbm>>
        %dma_wait3A_70 = arith.constant 0 : i32
        %dma_wait3A_71 = tpu.memref_slice %arg3[%dma_wait3A_70] : memref<512xi32, #tpu.memory_space<hbm>> -> memref<128xi32, #tpu.memory_space<hbm>>
        tpu.wait_dma2 semaphore(%run_scoped3A : memref<!tpu.dma_semaphore, #tpu.memory_space<semaphore_mem>>) src(%dma_wait3A_71 : memref<128xi32, #tpu.memory_space<hbm>>) dst(%arg6 : memref<128xi32, #tpu.memory_space<vmem>>)
        tpu.yield
      }) : () -> ()
      %dma_start3A = arith.constant 0 : i32
      %dma_start3A_60 = arith.constant 0 : i32
      %dma_start3A_61 = tpu.memref_slice %arg2[%dma_start3A, %dma_start3A_60] : memref<10240x128xf32, #tpu.memory_space<hbm>> -> memref<10240x128xf32, #tpu.memory_space<hbm>>
      tpu.enqueue_indirect_dma source(%dma_start3A_61 : memref<10240x128xf32, #tpu.memory_space<hbm>>) target(%arg7 : memref<128x128xf32, #tpu.memory_space<vmem>>) offsets(%arg6 : memref<128xi32, #tpu.memory_space<vmem>>) semaphore(%arg8 : memref<!tpu.dma_semaphore, #tpu.memory_space<semaphore_mem>>)
      %dma_wait3A = arith.constant 0 : i32
      %dma_wait3A_62 = arith.constant 0 : i32
      %dma_wait3A_63 = tpu.memref_slice %arg2[%dma_wait3A, %dma_wait3A_62] : memref<10240x128xf32, #tpu.memory_space<hbm>> -> memref<10240x128xf32, #tpu.memory_space<hbm>>
      tpu.wait_indirect_dma semaphore(%arg8 : memref<!tpu.dma_semaphore, #tpu.memory_space<semaphore_mem>>) src(%dma_wait3A_63 : memref<10240x128xf32, #tpu.memory_space<hbm>>) dst(%arg7 : memref<128x128xf32, #tpu.memory_space<vmem>>)
      "tpu.region"() ({
        %run_scoped3A = tpu.sem_alloc : memref<!tpu.dma_semaphore, #tpu.memory_space<semaphore_mem>>
        %dma_start3A_64 = arith.constant 0 : i32
        %dma_start3A_65 = arith.constant 0 : i32
        %dma_start3A_66 = tpu.memref_slice %arg5[%dma_start3A_64, %dma_start3A_65] : memref<1024x128xf32, #tpu.memory_space<hbm>> -> memref<128x128xf32, #tpu.memory_space<hbm>>
        %dma_start3A_67 = arith.constant 0 : i32
        %dma_start3A_68 = arith.constant 0 : i32
        %dma_start3A_69 = tpu.memref_slice %arg5[%dma_start3A_67, %dma_start3A_68] : memref<1024x128xf32, #tpu.memory_space<hbm>> -> memref<128x128xf32, #tpu.memory_space<hbm>>
        tpu.enqueue_dma source(%arg7 : memref<128x128xf32, #tpu.memory_space<vmem>>) target(%dma_start3A_69 : memref<128x128xf32, #tpu.memory_space<hbm>>) target_semaphore(%run_scoped3A : memref<!tpu.dma_semaphore, #tpu.memory_space<semaphore_mem>>)
        %dma_wait3A_70 = arith.constant 0 : i32
        %dma_wait3A_71 = arith.constant 0 : i32
        %dma_wait3A_72 = tpu.memref_slice %arg5[%dma_wait3A_70, %dma_wait3A_71] : memref<1024x128xf32, #tpu.memory_space<hbm>> -> memref<128x128xf32, #tpu.memory_space<hbm>>
        %dma_wait3A_73 = arith.constant 0 : i32
        %dma_wait3A_74 = arith.constant 0 : i32
        %dma_wait3A_75 = tpu.memref_slice %arg5[%dma_wait3A_73, %dma_wait3A_74] : memref<1024x128xf32, #tpu.memory_space<hbm>> -> memref<128x128xf32, #tpu.memory_space<hbm>>
        tpu.wait_dma2 semaphore(%run_scoped3A : memref<!tpu.dma_semaphore, #tpu.memory_space<semaphore_mem>>) src(%arg7 : memref<128x128xf32, #tpu.memory_space<vmem>>) dst(%dma_wait3A_75 : memref<128x128xf32, #tpu.memory_space<hbm>>)
        tpu.yield
      }) : () -> ()
    } else {
    }
    %eq3A_4 = arith.constant 4 : i32
    %eq3A_5 = arith.cmpi eq, %arg1, %eq3A_4 : i32
    %eq3A_6 = arith.constant 0 : i32
    %eq3A_7 = arith.cmpi eq, %arg0, %eq3A_6 : i32
    %and3A_8 = arith.andi %eq3A_5, %eq3A_7 : i1
    %convert_element_type3A_9 = arith.extui %and3A_8 : i1 to i32
    %cond3A_10 = arith.constant 0 : i32
    %cond3A_11 = arith.cmpi ne, %convert_element_type3A_9, %cond3A_10 : i32
    scf.if %cond3A_11 {
      "tpu.region"() ({
        %run_scoped3A = tpu.sem_alloc : memref<!tpu.dma_semaphore, #tpu.memory_space<semaphore_mem>>
        %dma_start3A_64 = arith.constant 0 : i32
        %dma_start3A_65 = tpu.memref_slice %arg4[%dma_start3A_64] : memref<512xi32, #tpu.memory_space<hbm>> -> memref<128xi32, #tpu.memory_space<hbm>>
        %dma_start3A_66 = arith.constant 0 : i32
        %dma_start3A_67 = tpu.memref_slice %arg4[%dma_start3A_66] : memref<512xi32, #tpu.memory_space<hbm>> -> memref<128xi32, #tpu.memory_space<hbm>>
        tpu.enqueue_dma source(%dma_start3A_67 : memref<128xi32, #tpu.memory_space<hbm>>) target(%arg6 : memref<128xi32, #tpu.memory_space<vmem>>) target_semaphore(%run_scoped3A : memref<!tpu.dma_semaphore, #tpu.memory_space<semaphore_mem>>)
        %dma_wait3A_68 = arith.constant 0 : i32
        %dma_wait3A_69 = tpu.memref_slice %arg4[%dma_wait3A_68] : memref<512xi32, #tpu.memory_space<hbm>> -> memref<128xi32, #tpu.memory_space<hbm>>
        %dma_wait3A_70 = arith.constant 0 : i32
        %dma_wait3A_71 = tpu.memref_slice %arg4[%dma_wait3A_70] : memref<512xi32, #tpu.memory_space<hbm>> -> memref<128xi32, #tpu.memory_space<hbm>>
        tpu.wait_dma2 semaphore(%run_scoped3A : memref<!tpu.dma_semaphore, #tpu.memory_space<semaphore_mem>>) src(%dma_wait3A_71 : memref<128xi32, #tpu.memory_space<hbm>>) dst(%arg6 : memref<128xi32, #tpu.memory_space<vmem>>)
        tpu.yield
      }) : () -> ()
      %dma_start3A = arith.constant 0 : i32
      %dma_start3A_60 = arith.constant 0 : i32
      %dma_start3A_61 = tpu.memref_slice %arg2[%dma_start3A, %dma_start3A_60] : memref<10240x128xf32, #tpu.memory_space<hbm>> -> memref<10240x128xf32, #tpu.memory_space<hbm>>
      tpu.enqueue_indirect_dma source(%dma_start3A_61 : memref<10240x128xf32, #tpu.memory_space<hbm>>) target(%arg7 : memref<128x128xf32, #tpu.memory_space<vmem>>) offsets(%arg6 : memref<128xi32, #tpu.memory_space<vmem>>) semaphore(%arg8 : memref<!tpu.dma_semaphore, #tpu.memory_space<semaphore_mem>>)
      %dma_wait3A = arith.constant 0 : i32
      %dma_wait3A_62 = arith.constant 0 : i32
      %dma_wait3A_63 = tpu.memref_slice %arg2[%dma_wait3A, %dma_wait3A_62] : memref<10240x128xf32, #tpu.memory_space<hbm>> -> memref<10240x128xf32, #tpu.memory_space<hbm>>
      tpu.wait_indirect_dma semaphore(%arg8 : memref<!tpu.dma_semaphore, #tpu.memory_space<semaphore_mem>>) src(%dma_wait3A_63 : memref<10240x128xf32, #tpu.memory_space<hbm>>) dst(%arg7 : memref<128x128xf32, #tpu.memory_space<vmem>>)
      "tpu.region"() ({
        %run_scoped3A = tpu.sem_alloc : memref<!tpu.dma_semaphore, #tpu.memory_space<semaphore_mem>>
        %dma_start3A_64 = arith.constant 512 : i32
        %dma_start3A_65 = arith.constant 0 : i32
        %dma_start3A_66 = tpu.memref_slice %arg5[%dma_start3A_64, %dma_start3A_65] : memref<1024x128xf32, #tpu.memory_space<hbm>> -> memref<128x128xf32, #tpu.memory_space<hbm>>
        %dma_start3A_67 = arith.constant 512 : i32
        %dma_start3A_68 = arith.constant 0 : i32
        %dma_start3A_69 = tpu.memref_slice %arg5[%dma_start3A_67, %dma_start3A_68] : memref<1024x128xf32, #tpu.memory_space<hbm>> -> memref<128x128xf32, #tpu.memory_space<hbm>>
        tpu.enqueue_dma source(%arg7 : memref<128x128xf32, #tpu.memory_space<vmem>>) target(%dma_start3A_69 : memref<128x128xf32, #tpu.memory_space<hbm>>) target_semaphore(%run_scoped3A : memref<!tpu.dma_semaphore, #tpu.memory_space<semaphore_mem>>)
        %dma_wait3A_70 = arith.constant 512 : i32
        %dma_wait3A_71 = arith.constant 0 : i32
        %dma_wait3A_72 = tpu.memref_slice %arg5[%dma_wait3A_70, %dma_wait3A_71] : memref<1024x128xf32, #tpu.memory_space<hbm>> -> memref<128x128xf32, #tpu.memory_space<hbm>>
        %dma_wait3A_73 = arith.constant 512 : i32
        %dma_wait3A_74 = arith.constant 0 : i32
        %dma_wait3A_75 = tpu.memref_slice %arg5[%dma_wait3A_73, %dma_wait3A_74] : memref<1024x128xf32, #tpu.memory_space<hbm>> -> memref<128x128xf32, #tpu.memory_space<hbm>>
        tpu.wait_dma2 semaphore(%run_scoped3A : memref<!tpu.dma_semaphore, #tpu.memory_space<semaphore_mem>>) src(%arg7 : memref<128x128xf32, #tpu.memory_space<vmem>>) dst(%dma_wait3A_75 : memref<128x128xf32, #tpu.memory_space<hbm>>)
        tpu.yield
      }) : () -> ()
    } else {
    }
    %eq3A_12 = arith.constant 1 : i32
    %eq3A_13 = arith.cmpi eq, %arg1, %eq3A_12 : i32
    %eq3A_14 = arith.constant 0 : i32
    %eq3A_15 = arith.cmpi eq, %arg0, %eq3A_14 : i32
    %and3A_16 = arith.andi %eq3A_13, %eq3A_15 : i1
    %convert_element_type3A_17 = arith.extui %and3A_16 : i1 to i32
    %cond3A_18 = arith.constant 0 : i32
    %cond3A_19 = arith.cmpi ne, %convert_element_type3A_17, %cond3A_18 : i32
    scf.if %cond3A_19 {
      "tpu.region"() ({
        %run_scoped3A = tpu.sem_alloc : memref<!tpu.dma_semaphore, #tpu.memory_space<semaphore_mem>>
        %dma_start3A_64 = arith.constant 128 : i32
        %dma_start3A_65 = tpu.memref_slice %arg3[%dma_start3A_64] : memref<512xi32, #tpu.memory_space<hbm>> -> memref<128xi32, #tpu.memory_space<hbm>>
        %dma_start3A_66 = arith.constant 128 : i32
        %dma_start3A_67 = tpu.memref_slice %arg3[%dma_start3A_66] : memref<512xi32, #tpu.memory_space<hbm>> -> memref<128xi32, #tpu.memory_space<hbm>>
        tpu.enqueue_dma source(%dma_start3A_67 : memref<128xi32, #tpu.memory_space<hbm>>) target(%arg6 : memref<128xi32, #tpu.memory_space<vmem>>) target_semaphore(%run_scoped3A : memref<!tpu.dma_semaphore, #tpu.memory_space<semaphore_mem>>)
        %dma_wait3A_68 = arith.constant 128 : i32
        %dma_wait3A_69 = tpu.memref_slice %arg3[%dma_wait3A_68] : memref<512xi32, #tpu.memory_space<hbm>> -> memref<128xi32, #tpu.memory_space<hbm>>
        %dma_wait3A_70 = arith.constant 128 : i32
        %dma_wait3A_71 = tpu.memref_slice %arg3[%dma_wait3A_70] : memref<512xi32, #tpu.memory_space<hbm>> -> memref<128xi32, #tpu.memory_space<hbm>>
        tpu.wait_dma2 semaphore(%run_scoped3A : memref<!tpu.dma_semaphore, #tpu.memory_space<semaphore_mem>>) src(%dma_wait3A_71 : memref<128xi32, #tpu.memory_space<hbm>>) dst(%arg6 : memref<128xi32, #tpu.memory_space<vmem>>)
        tpu.yield
      }) : () -> ()
      %dma_start3A = arith.constant 0 : i32
      %dma_start3A_60 = arith.constant 0 : i32
      %dma_start3A_61 = tpu.memref_slice %arg2[%dma_start3A, %dma_start3A_60] : memref<10240x128xf32, #tpu.memory_space<hbm>> -> memref<10240x128xf32, #tpu.memory_space<hbm>>
      tpu.enqueue_indirect_dma source(%dma_start3A_61 : memref<10240x128xf32, #tpu.memory_space<hbm>>) target(%arg7 : memref<128x128xf32, #tpu.memory_space<vmem>>) offsets(%arg6 : memref<128xi32, #tpu.memory_space<vmem>>) semaphore(%arg8 : memref<!tpu.dma_semaphore, #tpu.memory_space<semaphore_mem>>)
      %dma_wait3A = arith.constant 0 : i32
      %dma_wait3A_62 = arith.constant 0 : i32
      %dma_wait3A_63 = tpu.memref_slice %arg2[%dma_wait3A, %dma_wait3A_62] : memref<10240x128xf32, #tpu.memory_space<hbm>> -> memref<10240x128xf32, #tpu.memory_space<hbm>>
      tpu.wait_indirect_dma semaphore(%arg8 : memref<!tpu.dma_semaphore, #tpu.memory_space<semaphore_mem>>) src(%dma_wait3A_63 : memref<10240x128xf32, #tpu.memory_space<hbm>>) dst(%arg7 : memref<128x128xf32, #tpu.memory_space<vmem>>)
      "tpu.region"() ({
        %run_scoped3A = tpu.sem_alloc : memref<!tpu.dma_semaphore, #tpu.memory_space<semaphore_mem>>
        %dma_start3A_64 = arith.constant 128 : i32
        %dma_start3A_65 = arith.constant 0 : i32
        %dma_start3A_66 = tpu.memref_slice %arg5[%dma_start3A_64, %dma_start3A_65] : memref<1024x128xf32, #tpu.memory_space<hbm>> -> memref<128x128xf32, #tpu.memory_space<hbm>>
        %dma_start3A_67 = arith.constant 128 : i32
        %dma_start3A_68 = arith.constant 0 : i32
        %dma_start3A_69 = tpu.memref_slice %arg5[%dma_start3A_67, %dma_start3A_68] : memref<1024x128xf32, #tpu.memory_space<hbm>> -> memref<128x128xf32, #tpu.memory_space<hbm>>
        tpu.enqueue_dma source(%arg7 : memref<128x128xf32, #tpu.memory_space<vmem>>) target(%dma_start3A_69 : memref<128x128xf32, #tpu.memory_space<hbm>>) target_semaphore(%run_scoped3A : memref<!tpu.dma_semaphore, #tpu.memory_space<semaphore_mem>>)
        %dma_wait3A_70 = arith.constant 128 : i32
        %dma_wait3A_71 = arith.constant 0 : i32
        %dma_wait3A_72 = tpu.memref_slice %arg5[%dma_wait3A_70, %dma_wait3A_71] : memref<1024x128xf32, #tpu.memory_space<hbm>> -> memref<128x128xf32, #tpu.memory_space<hbm>>
        %dma_wait3A_73 = arith.constant 128 : i32
        %dma_wait3A_74 = arith.constant 0 : i32
        %dma_wait3A_75 = tpu.memref_slice %arg5[%dma_wait3A_73, %dma_wait3A_74] : memref<1024x128xf32, #tpu.memory_space<hbm>> -> memref<128x128xf32, #tpu.memory_space<hbm>>
        tpu.wait_dma2 semaphore(%run_scoped3A : memref<!tpu.dma_semaphore, #tpu.memory_space<semaphore_mem>>) src(%arg7 : memref<128x128xf32, #tpu.memory_space<vmem>>) dst(%dma_wait3A_75 : memref<128x128xf32, #tpu.memory_space<hbm>>)
        tpu.yield
      }) : () -> ()
    } else {
    }
    %eq3A_20 = arith.constant 5 : i32
    %eq3A_21 = arith.cmpi eq, %arg1, %eq3A_20 : i32
    %eq3A_22 = arith.constant 0 : i32
    %eq3A_23 = arith.cmpi eq, %arg0, %eq3A_22 : i32
    %and3A_24 = arith.andi %eq3A_21, %eq3A_23 : i1
    %convert_element_type3A_25 = arith.extui %and3A_24 : i1 to i32
    %cond3A_26 = arith.constant 0 : i32
    %cond3A_27 = arith.cmpi ne, %convert_element_type3A_25, %cond3A_26 : i32
    scf.if %cond3A_27 {
      "tpu.region"() ({
        %run_scoped3A = tpu.sem_alloc : memref<!tpu.dma_semaphore, #tpu.memory_space<semaphore_mem>>
        %dma_start3A_64 = arith.constant 128 : i32
        %dma_start3A_65 = tpu.memref_slice %arg4[%dma_start3A_64] : memref<512xi32, #tpu.memory_space<hbm>> -> memref<128xi32, #tpu.memory_space<hbm>>
        %dma_start3A_66 = arith.constant 128 : i32
        %dma_start3A_67 = tpu.memref_slice %arg4[%dma_start3A_66] : memref<512xi32, #tpu.memory_space<hbm>> -> memref<128xi32, #tpu.memory_space<hbm>>
        tpu.enqueue_dma source(%dma_start3A_67 : memref<128xi32, #tpu.memory_space<hbm>>) target(%arg6 : memref<128xi32, #tpu.memory_space<vmem>>) target_semaphore(%run_scoped3A : memref<!tpu.dma_semaphore, #tpu.memory_space<semaphore_mem>>)
        %dma_wait3A_68 = arith.constant 128 : i32
        %dma_wait3A_69 = tpu.memref_slice %arg4[%dma_wait3A_68] : memref<512xi32, #tpu.memory_space<hbm>> -> memref<128xi32, #tpu.memory_space<hbm>>
        %dma_wait3A_70 = arith.constant 128 : i32
        %dma_wait3A_71 = tpu.memref_slice %arg4[%dma_wait3A_70] : memref<512xi32, #tpu.memory_space<hbm>> -> memref<128xi32, #tpu.memory_space<hbm>>
        tpu.wait_dma2 semaphore(%run_scoped3A : memref<!tpu.dma_semaphore, #tpu.memory_space<semaphore_mem>>) src(%dma_wait3A_71 : memref<128xi32, #tpu.memory_space<hbm>>) dst(%arg6 : memref<128xi32, #tpu.memory_space<vmem>>)
        tpu.yield
      }) : () -> ()
      %dma_start3A = arith.constant 0 : i32
      %dma_start3A_60 = arith.constant 0 : i32
      %dma_start3A_61 = tpu.memref_slice %arg2[%dma_start3A, %dma_start3A_60] : memref<10240x128xf32, #tpu.memory_space<hbm>> -> memref<10240x128xf32, #tpu.memory_space<hbm>>
      tpu.enqueue_indirect_dma source(%dma_start3A_61 : memref<10240x128xf32, #tpu.memory_space<hbm>>) target(%arg7 : memref<128x128xf32, #tpu.memory_space<vmem>>) offsets(%arg6 : memref<128xi32, #tpu.memory_space<vmem>>) semaphore(%arg8 : memref<!tpu.dma_semaphore, #tpu.memory_space<semaphore_mem>>)
      %dma_wait3A = arith.constant 0 : i32
      %dma_wait3A_62 = arith.constant 0 : i32
      %dma_wait3A_63 = tpu.memref_slice %arg2[%dma_wait3A, %dma_wait3A_62] : memref<10240x128xf32, #tpu.memory_space<hbm>> -> memref<10240x128xf32, #tpu.memory_space<hbm>>
      tpu.wait_indirect_dma semaphore(%arg8 : memref<!tpu.dma_semaphore, #tpu.memory_space<semaphore_mem>>) src(%dma_wait3A_63 : memref<10240x128xf32, #tpu.memory_space<hbm>>) dst(%arg7 : memref<128x128xf32, #tpu.memory_space<vmem>>)
      "tpu.region"() ({
        %run_scoped3A = tpu.sem_alloc : memref<!tpu.dma_semaphore, #tpu.memory_space<semaphore_mem>>
        %dma_start3A_64 = arith.constant 640 : i32
        %dma_start3A_65 = arith.constant 0 : i32
        %dma_start3A_66 = tpu.memref_slice %arg5[%dma_start3A_64, %dma_start3A_65] : memref<1024x128xf32, #tpu.memory_space<hbm>> -> memref<128x128xf32, #tpu.memory_space<hbm>>
        %dma_start3A_67 = arith.constant 640 : i32
        %dma_start3A_68 = arith.constant 0 : i32
        %dma_start3A_69 = tpu.memref_slice %arg5[%dma_start3A_67, %dma_start3A_68] : memref<1024x128xf32, #tpu.memory_space<hbm>> -> memref<128x128xf32, #tpu.memory_space<hbm>>
        tpu.enqueue_dma source(%arg7 : memref<128x128xf32, #tpu.memory_space<vmem>>) target(%dma_start3A_69 : memref<128x128xf32, #tpu.memory_space<hbm>>) target_semaphore(%run_scoped3A : memref<!tpu.dma_semaphore, #tpu.memory_space<semaphore_mem>>)
        %dma_wait3A_70 = arith.constant 640 : i32
        %dma_wait3A_71 = arith.constant 0 : i32
        %dma_wait3A_72 = tpu.memref_slice %arg5[%dma_wait3A_70, %dma_wait3A_71] : memref<1024x128xf32, #tpu.memory_space<hbm>> -> memref<128x128xf32, #tpu.memory_space<hbm>>
        %dma_wait3A_73 = arith.constant 640 : i32
        %dma_wait3A_74 = arith.constant 0 : i32
        %dma_wait3A_75 = tpu.memref_slice %arg5[%dma_wait3A_73, %dma_wait3A_74] : memref<1024x128xf32, #tpu.memory_space<hbm>> -> memref<128x128xf32, #tpu.memory_space<hbm>>
        tpu.wait_dma2 semaphore(%run_scoped3A : memref<!tpu.dma_semaphore, #tpu.memory_space<semaphore_mem>>) src(%arg7 : memref<128x128xf32, #tpu.memory_space<vmem>>) dst(%dma_wait3A_75 : memref<128x128xf32, #tpu.memory_space<hbm>>)
        tpu.yield
      }) : () -> ()
    } else {
    }
    %eq3A_28 = arith.constant 2 : i32
    %eq3A_29 = arith.cmpi eq, %arg1, %eq3A_28 : i32
    %eq3A_30 = arith.constant 0 : i32
    %eq3A_31 = arith.cmpi eq, %arg0, %eq3A_30 : i32
    %and3A_32 = arith.andi %eq3A_29, %eq3A_31 : i1
    %convert_element_type3A_33 = arith.extui %and3A_32 : i1 to i32
    %cond3A_34 = arith.constant 0 : i32
    %cond3A_35 = arith.cmpi ne, %convert_element_type3A_33, %cond3A_34 : i32
    scf.if %cond3A_35 {
      "tpu.region"() ({
        %run_scoped3A = tpu.sem_alloc : memref<!tpu.dma_semaphore, #tpu.memory_space<semaphore_mem>>
        %dma_start3A_64 = arith.constant 256 : i32
        %dma_start3A_65 = tpu.memref_slice %arg3[%dma_start3A_64] : memref<512xi32, #tpu.memory_space<hbm>> -> memref<128xi32, #tpu.memory_space<hbm>>
        %dma_start3A_66 = arith.constant 256 : i32
        %dma_start3A_67 = tpu.memref_slice %arg3[%dma_start3A_66] : memref<512xi32, #tpu.memory_space<hbm>> -> memref<128xi32, #tpu.memory_space<hbm>>
        tpu.enqueue_dma source(%dma_start3A_67 : memref<128xi32, #tpu.memory_space<hbm>>) target(%arg6 : memref<128xi32, #tpu.memory_space<vmem>>) target_semaphore(%run_scoped3A : memref<!tpu.dma_semaphore, #tpu.memory_space<semaphore_mem>>)
        %dma_wait3A_68 = arith.constant 256 : i32
        %dma_wait3A_69 = tpu.memref_slice %arg3[%dma_wait3A_68] : memref<512xi32, #tpu.memory_space<hbm>> -> memref<128xi32, #tpu.memory_space<hbm>>
        %dma_wait3A_70 = arith.constant 256 : i32
        %dma_wait3A_71 = tpu.memref_slice %arg3[%dma_wait3A_70] : memref<512xi32, #tpu.memory_space<hbm>> -> memref<128xi32, #tpu.memory_space<hbm>>
        tpu.wait_dma2 semaphore(%run_scoped3A : memref<!tpu.dma_semaphore, #tpu.memory_space<semaphore_mem>>) src(%dma_wait3A_71 : memref<128xi32, #tpu.memory_space<hbm>>) dst(%arg6 : memref<128xi32, #tpu.memory_space<vmem>>)
        tpu.yield
      }) : () -> ()
      %dma_start3A = arith.constant 0 : i32
      %dma_start3A_60 = arith.constant 0 : i32
      %dma_start3A_61 = tpu.memref_slice %arg2[%dma_start3A, %dma_start3A_60] : memref<10240x128xf32, #tpu.memory_space<hbm>> -> memref<10240x128xf32, #tpu.memory_space<hbm>>
      tpu.enqueue_indirect_dma source(%dma_start3A_61 : memref<10240x128xf32, #tpu.memory_space<hbm>>) target(%arg7 : memref<128x128xf32, #tpu.memory_space<vmem>>) offsets(%arg6 : memref<128xi32, #tpu.memory_space<vmem>>) semaphore(%arg8 : memref<!tpu.dma_semaphore, #tpu.memory_space<semaphore_mem>>)
      %dma_wait3A = arith.constant 0 : i32
      %dma_wait3A_62 = arith.constant 0 : i32
      %dma_wait3A_63 = tpu.memref_slice %arg2[%dma_wait3A, %dma_wait3A_62] : memref<10240x128xf32, #tpu.memory_space<hbm>> -> memref<10240x128xf32, #tpu.memory_space<hbm>>
      tpu.wait_indirect_dma semaphore(%arg8 : memref<!tpu.dma_semaphore, #tpu.memory_space<semaphore_mem>>) src(%dma_wait3A_63 : memref<10240x128xf32, #tpu.memory_space<hbm>>) dst(%arg7 : memref<128x128xf32, #tpu.memory_space<vmem>>)
      "tpu.region"() ({
        %run_scoped3A = tpu.sem_alloc : memref<!tpu.dma_semaphore, #tpu.memory_space<semaphore_mem>>
        %dma_start3A_64 = arith.constant 256 : i32
        %dma_start3A_65 = arith.constant 0 : i32
        %dma_start3A_66 = tpu.memref_slice %arg5[%dma_start3A_64, %dma_start3A_65] : memref<1024x128xf32, #tpu.memory_space<hbm>> -> memref<128x128xf32, #tpu.memory_space<hbm>>
        %dma_start3A_67 = arith.constant 256 : i32
        %dma_start3A_68 = arith.constant 0 : i32
        %dma_start3A_69 = tpu.memref_slice %arg5[%dma_start3A_67, %dma_start3A_68] : memref<1024x128xf32, #tpu.memory_space<hbm>> -> memref<128x128xf32, #tpu.memory_space<hbm>>
        tpu.enqueue_dma source(%arg7 : memref<128x128xf32, #tpu.memory_space<vmem>>) target(%dma_start3A_69 : memref<128x128xf32, #tpu.memory_space<hbm>>) target_semaphore(%run_scoped3A : memref<!tpu.dma_semaphore, #tpu.memory_space<semaphore_mem>>)
        %dma_wait3A_70 = arith.constant 256 : i32
        %dma_wait3A_71 = arith.constant 0 : i32
        %dma_wait3A_72 = tpu.memref_slice %arg5[%dma_wait3A_70, %dma_wait3A_71] : memref<1024x128xf32, #tpu.memory_space<hbm>> -> memref<128x128xf32, #tpu.memory_space<hbm>>
        %dma_wait3A_73 = arith.constant 256 : i32
        %dma_wait3A_74 = arith.constant 0 : i32
        %dma_wait3A_75 = tpu.memref_slice %arg5[%dma_wait3A_73, %dma_wait3A_74] : memref<1024x128xf32, #tpu.memory_space<hbm>> -> memref<128x128xf32, #tpu.memory_space<hbm>>
        tpu.wait_dma2 semaphore(%run_scoped3A : memref<!tpu.dma_semaphore, #tpu.memory_space<semaphore_mem>>) src(%arg7 : memref<128x128xf32, #tpu.memory_space<vmem>>) dst(%dma_wait3A_75 : memref<128x128xf32, #tpu.memory_space<hbm>>)
        tpu.yield
      }) : () -> ()
    } else {
    }
    %eq3A_36 = arith.constant 6 : i32
    %eq3A_37 = arith.cmpi eq, %arg1, %eq3A_36 : i32
    %eq3A_38 = arith.constant 0 : i32
    %eq3A_39 = arith.cmpi eq, %arg0, %eq3A_38 : i32
    %and3A_40 = arith.andi %eq3A_37, %eq3A_39 : i1
    %convert_element_type3A_41 = arith.extui %and3A_40 : i1 to i32
    %cond3A_42 = arith.constant 0 : i32
    %cond3A_43 = arith.cmpi ne, %convert_element_type3A_41, %cond3A_42 : i32
    scf.if %cond3A_43 {
      "tpu.region"() ({
        %run_scoped3A = tpu.sem_alloc : memref<!tpu.dma_semaphore, #tpu.memory_space<semaphore_mem>>
        %dma_start3A_64 = arith.constant 256 : i32
        %dma_start3A_65 = tpu.memref_slice %arg4[%dma_start3A_64] : memref<512xi32, #tpu.memory_space<hbm>> -> memref<128xi32, #tpu.memory_space<hbm>>
        %dma_start3A_66 = arith.constant 256 : i32
        %dma_start3A_67 = tpu.memref_slice %arg4[%dma_start3A_66] : memref<512xi32, #tpu.memory_space<hbm>> -> memref<128xi32, #tpu.memory_space<hbm>>
        tpu.enqueue_dma source(%dma_start3A_67 : memref<128xi32, #tpu.memory_space<hbm>>) target(%arg6 : memref<128xi32, #tpu.memory_space<vmem>>) target_semaphore(%run_scoped3A : memref<!tpu.dma_semaphore, #tpu.memory_space<semaphore_mem>>)
        %dma_wait3A_68 = arith.constant 256 : i32
        %dma_wait3A_69 = tpu.memref_slice %arg4[%dma_wait3A_68] : memref<512xi32, #tpu.memory_space<hbm>> -> memref<128xi32, #tpu.memory_space<hbm>>
        %dma_wait3A_70 = arith.constant 256 : i32
        %dma_wait3A_71 = tpu.memref_slice %arg4[%dma_wait3A_70] : memref<512xi32, #tpu.memory_space<hbm>> -> memref<128xi32, #tpu.memory_space<hbm>>
        tpu.wait_dma2 semaphore(%run_scoped3A : memref<!tpu.dma_semaphore, #tpu.memory_space<semaphore_mem>>) src(%dma_wait3A_71 : memref<128xi32, #tpu.memory_space<hbm>>) dst(%arg6 : memref<128xi32, #tpu.memory_space<vmem>>)
        tpu.yield
      }) : () -> ()
      %dma_start3A = arith.constant 0 : i32
      %dma_start3A_60 = arith.constant 0 : i32
      %dma_start3A_61 = tpu.memref_slice %arg2[%dma_start3A, %dma_start3A_60] : memref<10240x128xf32, #tpu.memory_space<hbm>> -> memref<10240x128xf32, #tpu.memory_space<hbm>>
      tpu.enqueue_indirect_dma source(%dma_start3A_61 : memref<10240x128xf32, #tpu.memory_space<hbm>>) target(%arg7 : memref<128x128xf32, #tpu.memory_space<vmem>>) offsets(%arg6 : memref<128xi32, #tpu.memory_space<vmem>>) semaphore(%arg8 : memref<!tpu.dma_semaphore, #tpu.memory_space<semaphore_mem>>)
      %dma_wait3A = arith.constant 0 : i32
      %dma_wait3A_62 = arith.constant 0 : i32
      %dma_wait3A_63 = tpu.memref_slice %arg2[%dma_wait3A, %dma_wait3A_62] : memref<10240x128xf32, #tpu.memory_space<hbm>> -> memref<10240x128xf32, #tpu.memory_space<hbm>>
      tpu.wait_indirect_dma semaphore(%arg8 : memref<!tpu.dma_semaphore, #tpu.memory_space<semaphore_mem>>) src(%dma_wait3A_63 : memref<10240x128xf32, #tpu.memory_space<hbm>>) dst(%arg7 : memref<128x128xf32, #tpu.memory_space<vmem>>)
      "tpu.region"() ({
        %run_scoped3A = tpu.sem_alloc : memref<!tpu.dma_semaphore, #tpu.memory_space<semaphore_mem>>
        %dma_start3A_64 = arith.constant 768 : i32
        %dma_start3A_65 = arith.constant 0 : i32
        %dma_start3A_66 = tpu.memref_slice %arg5[%dma_start3A_64, %dma_start3A_65] : memref<1024x128xf32, #tpu.memory_space<hbm>> -> memref<128x128xf32, #tpu.memory_space<hbm>>
        %dma_start3A_67 = arith.constant 768 : i32
        %dma_start3A_68 = arith.constant 0 : i32
        %dma_start3A_69 = tpu.memref_slice %arg5[%dma_start3A_67, %dma_start3A_68] : memref<1024x128xf32, #tpu.memory_space<hbm>> -> memref<128x128xf32, #tpu.memory_space<hbm>>
        tpu.enqueue_dma source(%arg7 : memref<128x128xf32, #tpu.memory_space<vmem>>) target(%dma_start3A_69 : memref<128x128xf32, #tpu.memory_space<hbm>>) target_semaphore(%run_scoped3A : memref<!tpu.dma_semaphore, #tpu.memory_space<semaphore_mem>>)
        %dma_wait3A_70 = arith.constant 768 : i32
        %dma_wait3A_71 = arith.constant 0 : i32
        %dma_wait3A_72 = tpu.memref_slice %arg5[%dma_wait3A_70, %dma_wait3A_71] : memref<1024x128xf32, #tpu.memory_space<hbm>> -> memref<128x128xf32, #tpu.memory_space<hbm>>
        %dma_wait3A_73 = arith.constant 768 : i32
        %dma_wait3A_74 = arith.constant 0 : i32
        %dma_wait3A_75 = tpu.memref_slice %arg5[%dma_wait3A_73, %dma_wait3A_74] : memref<1024x128xf32, #tpu.memory_space<hbm>> -> memref<128x128xf32, #tpu.memory_space<hbm>>
        tpu.wait_dma2 semaphore(%run_scoped3A : memref<!tpu.dma_semaphore, #tpu.memory_space<semaphore_mem>>) src(%arg7 : memref<128x128xf32, #tpu.memory_space<vmem>>) dst(%dma_wait3A_75 : memref<128x128xf32, #tpu.memory_space<hbm>>)
        tpu.yield
      }) : () -> ()
    } else {
    }
    %eq3A_44 = arith.constant 3 : i32
    %eq3A_45 = arith.cmpi eq, %arg1, %eq3A_44 : i32
    %eq3A_46 = arith.constant 0 : i32
    %eq3A_47 = arith.cmpi eq, %arg0, %eq3A_46 : i32
    %and3A_48 = arith.andi %eq3A_45, %eq3A_47 : i1
    %convert_element_type3A_49 = arith.extui %and3A_48 : i1 to i32
    %cond3A_50 = arith.constant 0 : i32
    %cond3A_51 = arith.cmpi ne, %convert_element_type3A_49, %cond3A_50 : i32
    scf.if %cond3A_51 {
      "tpu.region"() ({
        %run_scoped3A = tpu.sem_alloc : memref<!tpu.dma_semaphore, #tpu.memory_space<semaphore_mem>>
        %dma_start3A_64 = arith.constant 384 : i32
        %dma_start3A_65 = tpu.memref_slice %arg3[%dma_start3A_64] : memref<512xi32, #tpu.memory_space<hbm>> -> memref<128xi32, #tpu.memory_space<hbm>>
        %dma_start3A_66 = arith.constant 384 : i32
        %dma_start3A_67 = tpu.memref_slice %arg3[%dma_start3A_66] : memref<512xi32, #tpu.memory_space<hbm>> -> memref<128xi32, #tpu.memory_space<hbm>>
        tpu.enqueue_dma source(%dma_start3A_67 : memref<128xi32, #tpu.memory_space<hbm>>) target(%arg6 : memref<128xi32, #tpu.memory_space<vmem>>) target_semaphore(%run_scoped3A : memref<!tpu.dma_semaphore, #tpu.memory_space<semaphore_mem>>)
        %dma_wait3A_68 = arith.constant 384 : i32
        %dma_wait3A_69 = tpu.memref_slice %arg3[%dma_wait3A_68] : memref<512xi32, #tpu.memory_space<hbm>> -> memref<128xi32, #tpu.memory_space<hbm>>
        %dma_wait3A_70 = arith.constant 384 : i32
        %dma_wait3A_71 = tpu.memref_slice %arg3[%dma_wait3A_70] : memref<512xi32, #tpu.memory_space<hbm>> -> memref<128xi32, #tpu.memory_space<hbm>>
        tpu.wait_dma2 semaphore(%run_scoped3A : memref<!tpu.dma_semaphore, #tpu.memory_space<semaphore_mem>>) src(%dma_wait3A_71 : memref<128xi32, #tpu.memory_space<hbm>>) dst(%arg6 : memref<128xi32, #tpu.memory_space<vmem>>)
        tpu.yield
      }) : () -> ()
      %dma_start3A = arith.constant 0 : i32
      %dma_start3A_60 = arith.constant 0 : i32
      %dma_start3A_61 = tpu.memref_slice %arg2[%dma_start3A, %dma_start3A_60] : memref<10240x128xf32, #tpu.memory_space<hbm>> -> memref<10240x128xf32, #tpu.memory_space<hbm>>
      tpu.enqueue_indirect_dma source(%dma_start3A_61 : memref<10240x128xf32, #tpu.memory_space<hbm>>) target(%arg7 : memref<128x128xf32, #tpu.memory_space<vmem>>) offsets(%arg6 : memref<128xi32, #tpu.memory_space<vmem>>) semaphore(%arg8 : memref<!tpu.dma_semaphore, #tpu.memory_space<semaphore_mem>>)
      %dma_wait3A = arith.constant 0 : i32
      %dma_wait3A_62 = arith.constant 0 : i32
      %dma_wait3A_63 = tpu.memref_slice %arg2[%dma_wait3A, %dma_wait3A_62] : memref<10240x128xf32, #tpu.memory_space<hbm>> -> memref<10240x128xf32, #tpu.memory_space<hbm>>
      tpu.wait_indirect_dma semaphore(%arg8 : memref<!tpu.dma_semaphore, #tpu.memory_space<semaphore_mem>>) src(%dma_wait3A_63 : memref<10240x128xf32, #tpu.memory_space<hbm>>) dst(%arg7 : memref<128x128xf32, #tpu.memory_space<vmem>>)
      "tpu.region"() ({
        %run_scoped3A = tpu.sem_alloc : memref<!tpu.dma_semaphore, #tpu.memory_space<semaphore_mem>>
        %dma_start3A_64 = arith.constant 384 : i32
        %dma_start3A_65 = arith.constant 0 : i32
        %dma_start3A_66 = tpu.memref_slice %arg5[%dma_start3A_64, %dma_start3A_65] : memref<1024x128xf32, #tpu.memory_space<hbm>> -> memref<128x128xf32, #tpu.memory_space<hbm>>
        %dma_start3A_67 = arith.constant 384 : i32
        %dma_start3A_68 = arith.constant 0 : i32
        %dma_start3A_69 = tpu.memref_slice %arg5[%dma_start3A_67, %dma_start3A_68] : memref<1024x128xf32, #tpu.memory_space<hbm>> -> memref<128x128xf32, #tpu.memory_space<hbm>>
        tpu.enqueue_dma source(%arg7 : memref<128x128xf32, #tpu.memory_space<vmem>>) target(%dma_start3A_69 : memref<128x128xf32, #tpu.memory_space<hbm>>) target_semaphore(%run_scoped3A : memref<!tpu.dma_semaphore, #tpu.memory_space<semaphore_mem>>)
        %dma_wait3A_70 = arith.constant 384 : i32
        %dma_wait3A_71 = arith.constant 0 : i32
        %dma_wait3A_72 = tpu.memref_slice %arg5[%dma_wait3A_70, %dma_wait3A_71] : memref<1024x128xf32, #tpu.memory_space<hbm>> -> memref<128x128xf32, #tpu.memory_space<hbm>>
        %dma_wait3A_73 = arith.constant 384 : i32
        %dma_wait3A_74 = arith.constant 0 : i32
        %dma_wait3A_75 = tpu.memref_slice %arg5[%dma_wait3A_73, %dma_wait3A_74] : memref<1024x128xf32, #tpu.memory_space<hbm>> -> memref<128x128xf32, #tpu.memory_space<hbm>>
        tpu.wait_dma2 semaphore(%run_scoped3A : memref<!tpu.dma_semaphore, #tpu.memory_space<semaphore_mem>>) src(%arg7 : memref<128x128xf32, #tpu.memory_space<vmem>>) dst(%dma_wait3A_75 : memref<128x128xf32, #tpu.memory_space<hbm>>)
        tpu.yield
      }) : () -> ()
    } else {
    }
    %eq3A_52 = arith.constant 7 : i32
    %eq3A_53 = arith.cmpi eq, %arg1, %eq3A_52 : i32
    %eq3A_54 = arith.constant 0 : i32
    %eq3A_55 = arith.cmpi eq, %arg0, %eq3A_54 : i32
    %and3A_56 = arith.andi %eq3A_53, %eq3A_55 : i1
    %convert_element_type3A_57 = arith.extui %and3A_56 : i1 to i32
    %cond3A_58 = arith.constant 0 : i32
    %cond3A_59 = arith.cmpi ne, %convert_element_type3A_57, %cond3A_58 : i32
    scf.if %cond3A_59 {
      "tpu.region"() ({
        %run_scoped3A = tpu.sem_alloc : memref<!tpu.dma_semaphore, #tpu.memory_space<semaphore_mem>>
        %dma_start3A_64 = arith.constant 384 : i32
        %dma_start3A_65 = tpu.memref_slice %arg4[%dma_start3A_64] : memref<512xi32, #tpu.memory_space<hbm>> -> memref<128xi32, #tpu.memory_space<hbm>>
        %dma_start3A_66 = arith.constant 384 : i32
        %dma_start3A_67 = tpu.memref_slice %arg4[%dma_start3A_66] : memref<512xi32, #tpu.memory_space<hbm>> -> memref<128xi32, #tpu.memory_space<hbm>>
        tpu.enqueue_dma source(%dma_start3A_67 : memref<128xi32, #tpu.memory_space<hbm>>) target(%arg6 : memref<128xi32, #tpu.memory_space<vmem>>) target_semaphore(%run_scoped3A : memref<!tpu.dma_semaphore, #tpu.memory_space<semaphore_mem>>)
        %dma_wait3A_68 = arith.constant 384 : i32
        %dma_wait3A_69 = tpu.memref_slice %arg4[%dma_wait3A_68] : memref<512xi32, #tpu.memory_space<hbm>> -> memref<128xi32, #tpu.memory_space<hbm>>
        %dma_wait3A_70 = arith.constant 384 : i32
        %dma_wait3A_71 = tpu.memref_slice %arg4[%dma_wait3A_70] : memref<512xi32, #tpu.memory_space<hbm>> -> memref<128xi32, #tpu.memory_space<hbm>>
        tpu.wait_dma2 semaphore(%run_scoped3A : memref<!tpu.dma_semaphore, #tpu.memory_space<semaphore_mem>>) src(%dma_wait3A_71 : memref<128xi32, #tpu.memory_space<hbm>>) dst(%arg6 : memref<128xi32, #tpu.memory_space<vmem>>)
        tpu.yield
      }) : () -> ()
      %dma_start3A = arith.constant 0 : i32
      %dma_start3A_60 = arith.constant 0 : i32
      %dma_start3A_61 = tpu.memref_slice %arg2[%dma_start3A, %dma_start3A_60] : memref<10240x128xf32, #tpu.memory_space<hbm>> -> memref<10240x128xf32, #tpu.memory_space<hbm>>
      tpu.enqueue_indirect_dma source(%dma_start3A_61 : memref<10240x128xf32, #tpu.memory_space<hbm>>) target(%arg7 : memref<128x128xf32, #tpu.memory_space<vmem>>) offsets(%arg6 : memref<128xi32, #tpu.memory_space<vmem>>) semaphore(%arg8 : memref<!tpu.dma_semaphore, #tpu.memory_space<semaphore_mem>>)
      %dma_wait3A = arith.constant 0 : i32
      %dma_wait3A_62 = arith.constant 0 : i32
      %dma_wait3A_63 = tpu.memref_slice %arg2[%dma_wait3A, %dma_wait3A_62] : memref<10240x128xf32, #tpu.memory_space<hbm>> -> memref<10240x128xf32, #tpu.memory_space<hbm>>
      tpu.wait_indirect_dma semaphore(%arg8 : memref<!tpu.dma_semaphore, #tpu.memory_space<semaphore_mem>>) src(%dma_wait3A_63 : memref<10240x128xf32, #tpu.memory_space<hbm>>) dst(%arg7 : memref<128x128xf32, #tpu.memory_space<vmem>>)
      "tpu.region"() ({
        %run_scoped3A = tpu.sem_alloc : memref<!tpu.dma_semaphore, #tpu.memory_space<semaphore_mem>>
        %dma_start3A_64 = arith.constant 896 : i32
        %dma_start3A_65 = arith.constant 0 : i32
        %dma_start3A_66 = tpu.memref_slice %arg5[%dma_start3A_64, %dma_start3A_65] : memref<1024x128xf32, #tpu.memory_space<hbm>> -> memref<128x128xf32, #tpu.memory_space<hbm>>
        %dma_start3A_67 = arith.constant 896 : i32
        %dma_start3A_68 = arith.constant 0 : i32
        %dma_start3A_69 = tpu.memref_slice %arg5[%dma_start3A_67, %dma_start3A_68] : memref<1024x128xf32, #tpu.memory_space<hbm>> -> memref<128x128xf32, #tpu.memory_space<hbm>>
        tpu.enqueue_dma source(%arg7 : memref<128x128xf32, #tpu.memory_space<vmem>>) target(%dma_start3A_69 : memref<128x128xf32, #tpu.memory_space<hbm>>) target_semaphore(%run_scoped3A : memref<!tpu.dma_semaphore, #tpu.memory_space<semaphore_mem>>)
        %dma_wait3A_70 = arith.constant 896 : i32
        %dma_wait3A_71 = arith.constant 0 : i32
        %dma_wait3A_72 = tpu.memref_slice %arg5[%dma_wait3A_70, %dma_wait3A_71] : memref<1024x128xf32, #tpu.memory_space<hbm>> -> memref<128x128xf32, #tpu.memory_space<hbm>>
        %dma_wait3A_73 = arith.constant 896 : i32
        %dma_wait3A_74 = arith.constant 0 : i32
        %dma_wait3A_75 = tpu.memref_slice %arg5[%dma_wait3A_73, %dma_wait3A_74] : memref<1024x128xf32, #tpu.memory_space<hbm>> -> memref<128x128xf32, #tpu.memory_space<hbm>>
        tpu.wait_dma2 semaphore(%run_scoped3A : memref<!tpu.dma_semaphore, #tpu.memory_space<semaphore_mem>>) src(%arg7 : memref<128x128xf32, #tpu.memory_space<vmem>>) dst(%dma_wait3A_75 : memref<128x128xf32, #tpu.memory_space<hbm>>)
        tpu.yield
      }) : () -> ()
    } else {
    }
    return
  }
}

module attributes {stable_mosaic.version = 14 : i64} {
  func.func @_k1_body(%arg0: i32, %arg1: memref<512x256xf32, #tpu.memory_space<vmem>>, %arg2: memref<256x64xf32, #tpu.memory_space<vmem>>, %arg3: memref<1x64xf32, #tpu.memory_space<vmem>>, %arg4: memref<64x64xf32, #tpu.memory_space<vmem>>, %arg5: memref<1x64xf32, #tpu.memory_space<vmem>>, %arg6: memref<64x64xf32, #tpu.memory_space<vmem>>, %arg7: memref<64x64xf32, #tpu.memory_space<vmem>>, %arg8: memref<8x64xf32, #tpu.memory_space<vmem>>, %arg9: memref<64x64xf32, #tpu.memory_space<vmem>>, %arg10: memref<1x64xf32, #tpu.memory_space<vmem>>, %arg11: memref<1x64xf32, #tpu.memory_space<vmem>>, %arg12: memref<512x128xf32, #tpu.memory_space<vmem>>, %arg13: memref<512x128xf32, #tpu.memory_space<vmem>>, %arg14: memref<8x128xf32, #tpu.memory_space<vmem>>) attributes {dimension_semantics = [#tpu.dimension_semantics<arbitrary>], iteration_bounds = array<i64: 20>, scalar_prefetch = 0 : i64, scratch_operands = 0 : i64, tpu.core_type = #tpu.core_type<tc>, window_params = [{transform_indices = @transform_0, window_bounds = array<i64: 512, 256>}, {pipeline_mode = #tpu.pipeline_mode<synchronous>, transform_indices = @transform_1, window_bounds = array<i64: 256, 64>}, {pipeline_mode = #tpu.pipeline_mode<synchronous>, transform_indices = @transform_2, window_bounds = array<i64: 1, 64>}, {pipeline_mode = #tpu.pipeline_mode<synchronous>, transform_indices = @transform_3, window_bounds = array<i64: 64, 64>}, {pipeline_mode = #tpu.pipeline_mode<synchronous>, transform_indices = @transform_4, window_bounds = array<i64: 1, 64>}, {pipeline_mode = #tpu.pipeline_mode<synchronous>, transform_indices = @transform_5, window_bounds = array<i64: 64, 64>}, {pipeline_mode = #tpu.pipeline_mode<synchronous>, transform_indices = @transform_6, window_bounds = array<i64: 64, 64>}, {pipeline_mode = #tpu.pipeline_mode<synchronous>, transform_indices = @transform_7, window_bounds = array<i64: 8, 64>}, {pipeline_mode = #tpu.pipeline_mode<synchronous>, transform_indices = @transform_8, window_bounds = array<i64: 64, 64>}, {pipeline_mode = #tpu.pipeline_mode<synchronous>, transform_indices = @transform_9, window_bounds = array<i64: 1, 64>}, {pipeline_mode = #tpu.pipeline_mode<synchronous>, transform_indices = @transform_10, window_bounds = array<i64: 1, 64>}, {transform_indices = @transform_11, window_bounds = array<i64: 512, 128>}, {transform_indices = @transform_12, window_bounds = array<i64: 512, 128>}, {pipeline_mode = #tpu.pipeline_mode<synchronous>, transform_indices = @transform_13, window_bounds = array<i64: 8, 128>}]} {
    %get3A = arith.constant 0 : index
    %get3A_0 = arith.constant 0 : index
    %get3A_1 = vector.load %arg1[%get3A, %get3A_0] : memref<512x256xf32, #tpu.memory_space<vmem>>, vector<512x256xf32>
    %get3A_2 = arith.constant 0 : index
    %get3A_3 = arith.constant 0 : index
    %get3A_4 = vector.load %arg2[%get3A_2, %get3A_3] : memref<256x64xf32, #tpu.memory_space<vmem>>, vector<256x64xf32>
    %dot_general3A = arith.constant dense<0.000000e+00> : vector<512x64xf32>
    %dot_general3A_5 = tpu.matmul %get3A_1, %get3A_4, %dot_general3A {dimension_numbers = #tpu.dot_dimension_numbers<[1], [0], [0], [1], [0, 0, 1, 1], [], []>, transpose_lhs_hint = false} : vector<512x256xf32>, vector<256x64xf32>, vector<512x64xf32> -> vector<512x64xf32>
    %get3A_6 = arith.constant 0 : index
    %get3A_7 = arith.constant 0 : index
    %get3A_8 = vector.load %arg3[%get3A_6, %get3A_7] : memref<1x64xf32, #tpu.memory_space<vmem>>, vector<1x64xf32>
    %add3A = vector.broadcast %get3A_8 : vector<1x64xf32> to vector<512x64xf32>
    %add3A_9 = arith.addf %dot_general3A_5, %add3A : vector<512x64xf32>
    %max3A = arith.constant 0.000000e+00 : f32
    %max3A_10 = vector.broadcast %max3A : f32 to vector<512x64xf32>
    %max3A_11 = arith.maximumf %add3A_9, %max3A_10 : vector<512x64xf32>
    %get3A_12 = arith.constant 0 : index
    %get3A_13 = arith.constant 0 : index
    %get3A_14 = vector.load %arg4[%get3A_12, %get3A_13] : memref<64x64xf32, #tpu.memory_space<vmem>>, vector<64x64xf32>
    %dot_general3A_15 = arith.constant dense<0.000000e+00> : vector<512x64xf32>
    %dot_general3A_16 = tpu.matmul %max3A_11, %get3A_14, %dot_general3A_15 {dimension_numbers = #tpu.dot_dimension_numbers<[1], [0], [0], [1], [0, 0, 1, 1], [], []>, transpose_lhs_hint = false} : vector<512x64xf32>, vector<64x64xf32>, vector<512x64xf32> -> vector<512x64xf32>
    %get3A_17 = arith.constant 0 : index
    %get3A_18 = arith.constant 0 : index
    %get3A_19 = vector.load %arg5[%get3A_17, %get3A_18] : memref<1x64xf32, #tpu.memory_space<vmem>>, vector<1x64xf32>
    %add3A_20 = vector.broadcast %get3A_19 : vector<1x64xf32> to vector<512x64xf32>
    %add3A_21 = arith.addf %dot_general3A_16, %add3A_20 : vector<512x64xf32>
    %max3A_22 = arith.constant 0.000000e+00 : f32
    %max3A_23 = vector.broadcast %max3A_22 : f32 to vector<512x64xf32>
    %max3A_24 = arith.maximumf %add3A_21, %max3A_23 : vector<512x64xf32>
    %broadcast_in_dim3A = arith.constant 0.000000e+00 : f32
    %broadcast_in_dim3A_25 = vector.broadcast %broadcast_in_dim3A : f32 to vector<512x64xf32>
    %concatenate3A = tpu.concatenate %max3A_24, %broadcast_in_dim3A_25 in 1 : vector<512x64xf32>, vector<512x64xf32> -> vector<512x128xf32>
    %swap3A = arith.constant 0 : index
    %swap3A_26 = arith.constant 0 : index
    %swap3A_27 = vector.load %arg12[%swap3A, %swap3A_26] : memref<512x128xf32, #tpu.memory_space<vmem>>, vector<512x128xf32>
    tpu.vector_store %arg12[%swap3A, %swap3A_26], %concatenate3A {strides = array<i32>} : memref<512x128xf32, #tpu.memory_space<vmem>>, vector<512x128xf32>,
    %get3A_28 = arith.constant 0 : index
    %get3A_29 = arith.constant 0 : index
    %get3A_30 = vector.load %arg6[%get3A_28, %get3A_29] : memref<64x64xf32, #tpu.memory_space<vmem>>, vector<64x64xf32>
    %dot_general3A_31 = arith.constant dense<0.000000e+00> : vector<512x64xf32>
    %dot_general3A_32 = tpu.matmul %max3A_24, %get3A_30, %dot_general3A_31 {dimension_numbers = #tpu.dot_dimension_numbers<[1], [0], [0], [1], [0, 0, 1, 1], [], []>, transpose_lhs_hint = false} : vector<512x64xf32>, vector<64x64xf32>, vector<512x64xf32> -> vector<512x64xf32>
    %get3A_33 = arith.constant 0 : index
    %get3A_34 = arith.constant 0 : index
    %get3A_35 = vector.load %arg7[%get3A_33, %get3A_34] : memref<64x64xf32, #tpu.memory_space<vmem>>, vector<64x64xf32>
    %dot_general3A_36 = arith.constant dense<0.000000e+00> : vector<512x64xf32>
    %dot_general3A_37 = tpu.matmul %max3A_24, %get3A_35, %dot_general3A_36 {dimension_numbers = #tpu.dot_dimension_numbers<[1], [0], [0], [1], [0, 0, 1, 1], [], []>, transpose_lhs_hint = false} : vector<512x64xf32>, vector<64x64xf32>, vector<512x64xf32> -> vector<512x64xf32>
    %concatenate3A_38 = tpu.concatenate %dot_general3A_32, %dot_general3A_37 in 1 : vector<512x64xf32>, vector<512x64xf32> -> vector<512x128xf32>
    %swap3A_39 = arith.constant 0 : index
    %swap3A_40 = arith.constant 0 : index
    %swap3A_41 = vector.load %arg13[%swap3A_39, %swap3A_40] : memref<512x128xf32, #tpu.memory_space<vmem>>, vector<512x128xf32>
    tpu.vector_store %arg13[%swap3A_39, %swap3A_40], %concatenate3A_38 {strides = array<i32>} : memref<512x128xf32, #tpu.memory_space<vmem>>, vector<512x128xf32>,
    %eq3A = arith.constant 0 : i32
    %eq3A_42 = arith.cmpi eq, %arg0, %eq3A : i32
    %convert_element_type3A = arith.extui %eq3A_42 : i1 to i32
    %cond3A = arith.constant 0 : i32
    %cond3A_43 = arith.cmpi ne, %convert_element_type3A, %cond3A : i32
    scf.if %cond3A_43 {
      %get3A_44 = arith.constant 0 : index
      %get3A_45 = arith.constant 0 : index
      %get3A_46 = vector.load %arg8[%get3A_44, %get3A_45] : memref<8x64xf32, #tpu.memory_space<vmem>>, vector<8x64xf32>
      %get3A_47 = arith.constant 0 : index
      %get3A_48 = arith.constant 0 : index
      %get3A_49 = vector.load %arg9[%get3A_47, %get3A_48] : memref<64x64xf32, #tpu.memory_space<vmem>>, vector<64x64xf32>
      %dot_general3A_50 = arith.constant dense<0.000000e+00> : vector<8x64xf32>
      %dot_general3A_51 = tpu.matmul %get3A_46, %get3A_49, %dot_general3A_50 {dimension_numbers = #tpu.dot_dimension_numbers<[1], [0], [0], [1], [0, 0, 1, 1], [], []>, transpose_lhs_hint = false} : vector<8x64xf32>, vector<64x64xf32>, vector<8x64xf32> -> vector<8x64xf32>
      %get3A_52 = arith.constant 0 : index
      %get3A_53 = arith.constant 0 : index
      %get3A_54 = vector.load %arg10[%get3A_52, %get3A_53] : memref<1x64xf32, #tpu.memory_space<vmem>>, vector<1x64xf32>
      %add3A_55 = vector.broadcast %get3A_54 : vector<1x64xf32> to vector<8x64xf32>
      %add3A_56 = arith.addf %dot_general3A_51, %add3A_55 : vector<8x64xf32>
      %iota3A = tpu.iota {dimensions = array<i32: 0>} : vector<8x64xi32>
      %eq3A_57 = arith.constant 7 : i32
      %eq3A_58 = vector.broadcast %eq3A_57 : i32 to vector<8x64xi32>
      %eq3A_59 = arith.cmpi eq, %iota3A, %eq3A_58 : vector<8x64xi32>
      %get3A_60 = arith.constant 0 : index
      %get3A_61 = arith.constant 0 : index
      %get3A_62 = vector.load %arg11[%get3A_60, %get3A_61] : memref<1x64xf32, #tpu.memory_space<vmem>>, vector<1x64xf32>
      %broadcast_in_dim3A_63 = vector.shape_cast %get3A_62 : vector<1x64xf32> to vector<1x64xf32>
      %broadcast_in_dim3A_64 = vector.broadcast %broadcast_in_dim3A_63 : vector<1x64xf32> to vector<8x64xf32>
      %select_n3A = arith.select %eq3A_59, %broadcast_in_dim3A_64, %add3A_56 : vector<8x64xi1>, vector<8x64xf32>
      %broadcast_in_dim3A_65 = arith.constant 0.000000e+00 : f32
      %broadcast_in_dim3A_66 = vector.broadcast %broadcast_in_dim3A_65 : f32 to vector<8x64xf32>
      %concatenate3A_67 = tpu.concatenate %select_n3A, %broadcast_in_dim3A_66 in 1 : vector<8x64xf32>, vector<8x64xf32> -> vector<8x128xf32>
      %swap3A_68 = arith.constant 0 : index
      %swap3A_69 = arith.constant 0 : index
      %swap3A_70 = vector.load %arg14[%swap3A_68, %swap3A_69] : memref<8x128xf32, #tpu.memory_space<vmem>>, vector<8x128xf32>
      tpu.vector_store %arg14[%swap3A_68, %swap3A_69], %concatenate3A_67 {strides = array<i32>} : memref<8x128xf32, #tpu.memory_space<vmem>>, vector<8x128xf32>,
    } else {
    }
    return
  }
  func.func @transform_0(%arg0: i32) -> (i32, i32) {
    %c0_i32 = arith.constant 0 : i32
    %c0_i32_0 = arith.constant 0 : i32
    return %arg0, %c0_i32 : i32, i32
  }
  func.func @transform_1(%arg0: i32) -> (i32, i32) {
    %c0_i32 = arith.constant 0 : i32
    %c0_i32_0 = arith.constant 0 : i32
    %c0_i32_1 = arith.constant 0 : i32
    return %c0_i32, %c0_i32_0 : i32, i32
  }
  func.func @transform_2(%arg0: i32) -> (i32, i32) {
    %c0_i32 = arith.constant 0 : i32
    %c0_i32_0 = arith.constant 0 : i32
    %c0_i32_1 = arith.constant 0 : i32
    return %c0_i32, %c0_i32_0 : i32, i32
  }
  func.func @transform_3(%arg0: i32) -> (i32, i32) {
    %c0_i32 = arith.constant 0 : i32
    %c0_i32_0 = arith.constant 0 : i32
    %c0_i32_1 = arith.constant 0 : i32
    return %c0_i32, %c0_i32_0 : i32, i32
  }
  func.func @transform_4(%arg0: i32) -> (i32, i32) {
    %c0_i32 = arith.constant 0 : i32
    %c0_i32_0 = arith.constant 0 : i32
    %c0_i32_1 = arith.constant 0 : i32
    return %c0_i32, %c0_i32_0 : i32, i32
  }
  func.func @transform_5(%arg0: i32) -> (i32, i32) {
    %c0_i32 = arith.constant 0 : i32
    %c0_i32_0 = arith.constant 0 : i32
    %c0_i32_1 = arith.constant 0 : i32
    return %c0_i32, %c0_i32_0 : i32, i32
  }
  func.func @transform_6(%arg0: i32) -> (i32, i32) {
    %c0_i32 = arith.constant 0 : i32
    %c0_i32_0 = arith.constant 0 : i32
    %c0_i32_1 = arith.constant 0 : i32
    return %c0_i32, %c0_i32_0 : i32, i32
  }
  func.func @transform_7(%arg0: i32) -> (i32, i32) {
    %c0_i32 = arith.constant 0 : i32
    %c0_i32_0 = arith.constant 0 : i32
    %c0_i32_1 = arith.constant 0 : i32
    return %c0_i32, %c0_i32_0 : i32, i32
  }
  func.func @transform_8(%arg0: i32) -> (i32, i32) {
    %c0_i32 = arith.constant 0 : i32
    %c0_i32_0 = arith.constant 0 : i32
    %c0_i32_1 = arith.constant 0 : i32
    return %c0_i32, %c0_i32_0 : i32, i32
  }
  func.func @transform_9(%arg0: i32) -> (i32, i32) {
    %c0_i32 = arith.constant 0 : i32
    %c0_i32_0 = arith.constant 0 : i32
    %c0_i32_1 = arith.constant 0 : i32
    return %c0_i32, %c0_i32_0 : i32, i32
  }
  func.func @transform_10(%arg0: i32) -> (i32, i32) {
    %c0_i32 = arith.constant 0 : i32
    %c0_i32_0 = arith.constant 0 : i32
    %c0_i32_1 = arith.constant 0 : i32
    return %c0_i32, %c0_i32_0 : i32, i32
  }
  func.func @transform_11(%arg0: i32) -> (i32, i32) {
    %c0_i32 = arith.constant 0 : i32
    %c0_i32_0 = arith.constant 0 : i32
    return %arg0, %c0_i32 : i32, i32
  }
  func.func @transform_12(%arg0: i32) -> (i32, i32) {
    %c0_i32 = arith.constant 0 : i32
    %c0_i32_0 = arith.constant 0 : i32
    return %arg0, %c0_i32 : i32, i32
  }
  func.func @transform_13(%arg0: i32) -> (i32, i32) {
    %c0_i32 = arith.constant 0 : i32
    %c0_i32_0 = arith.constant 0 : i32
    %c0_i32_1 = arith.constant 0 : i32
    return %c0_i32, %c0_i32_0 : i32, i32
  }
}

module attributes {stable_mosaic.version = 14 : i64} {
  func.func @_k2tc_body(%arg0: i32, %arg1: memref<1x3x128xi32, #tpu.memory_space<smem>>, %arg2: memref<1x1x128xf32, #tpu.memory_space<smem>>, %arg3: memref<10240x128xf32, #tpu.memory_space<vmem>>, %arg4: memref<8x128xf32, #tpu.memory_space<vmem>>, %arg5: memref<10240x64xf32, #tpu.memory_space<vmem>>) attributes {dimension_semantics = [#tpu.dimension_semantics<arbitrary>], iteration_bounds = array<i64: 1280>, scalar_prefetch = 0 : i64, scratch_operands = 0 : i64, tpu.core_type = #tpu.core_type<tc>, window_params = [{transform_indices = @transform_0, window_bounds = array<i64: 1, 3, 128>}, {transform_indices = @transform_1, window_bounds = array<i64: 1, 1, 128>}, {pipeline_mode = #tpu.pipeline_mode<synchronous>, transform_indices = @transform_2, window_bounds = array<i64: 10240, 128>}, {pipeline_mode = #tpu.pipeline_mode<synchronous>, transform_indices = @transform_3, window_bounds = array<i64: 8, 128>}, {pipeline_mode = #tpu.pipeline_mode<synchronous>, transform_indices = @transform_4, window_bounds = array<i64: 10240, 64>}]} {
    %eq3A = arith.constant 0 : i32
    %eq3A_0 = arith.cmpi eq, %arg0, %eq3A : i32
    %convert_element_type3A = arith.extui %eq3A_0 : i1 to i32
    %cond3A = arith.constant 0 : i32
    %cond3A_1 = arith.cmpi ne, %convert_element_type3A, %cond3A : i32
    scf.if %cond3A_1 {
      %broadcast_in_dim3A = arith.constant 0.000000e+00 : f32
      %broadcast_in_dim3A_5120 = vector.broadcast %broadcast_in_dim3A : f32 to vector<10240x64xf32>
      %swap3A_5121 = arith.constant 0 : index
      %swap3A_5122 = arith.constant 0 : index
      %swap3A_5123 = vector.load %arg5[%swap3A_5121, %swap3A_5122] : memref<10240x64xf32, #tpu.memory_space<vmem>>, vector<10240x64xf32>
      tpu.vector_store %arg5[%swap3A_5121, %swap3A_5122], %broadcast_in_dim3A_5120 {strides = array<i32>} : memref<10240x64xf32, #tpu.memory_space<vmem>>, vector<10240x64xf32>,
    } else {
    }
    %get3A = arith.constant 7 : index
    %get3A_2 = arith.constant 0 : index
    %get3A_3 = vector.load %arg4[%get3A, %get3A_2] : memref<8x128xf32, #tpu.memory_space<vmem>>, vector<1x64xf32>
    %get3A_4 = arith.constant 0 : index
    %get3A_5 = arith.constant 0 : index
    %get3A_6 = arith.constant 0 : index
    %get3A_7 = memref.load %arg1[%get3A_4, %get3A_5, %get3A_6] : memref<1x3x128xi32, #tpu.memory_space<smem>>
    %get3A_8 = arith.constant 0 : index
    %get3A_9 = arith.constant 1 : index
    %get3A_10 = arith.constant 0 : index
    %get3A_11 = memref.load %arg1[%get3A_8, %get3A_9, %get3A_10] : memref<1x3x128xi32, #tpu.memory_space<smem>>
    %get3A_12 = arith.constant 0 : index
    %get3A_13 = arith.constant 2 : index
    %get3A_14 = arith.constant 0 : index
    %get3A_15 = memref.load %arg1[%get3A_12, %get3A_13, %get3A_14] : memref<1x3x128xi32, #tpu.memory_space<smem>>
    %get3A_16 = arith.constant 0 : index
    %get3A_17 = arith.constant 0 : index
    %get3A_18 = arith.constant 0 : index
    %get3A_19 = memref.load %arg2[%get3A_16, %get3A_17, %get3A_18] : memref<1x1x128xf32, #tpu.memory_space<smem>>
    %get3A_20 = arith.index_cast %get3A_7 : i32 to index
    %get3A_21 = arith.constant 0 : index
    %get3A_22 = vector.load %arg3[%get3A_20, %get3A_21] : memref<10240x128xf32, #tpu.memory_space<vmem>>, vector<1x64xf32>
    %get3A_23 = arith.index_cast %get3A_11 : i32 to index
    %get3A_24 = arith.constant 64 : index
    %get3A_25 = vector.load %arg3[%get3A_23, %get3A_24] : memref<10240x128xf32, #tpu.memory_space<vmem>>, vector<1x64xf32>
    %get3A_26 = arith.index_cast %get3A_15 : i32 to index
    %get3A_27 = arith.constant 0 : index
    %get3A_28 = vector.load %arg4[%get3A_26, %get3A_27] : memref<8x128xf32, #tpu.memory_space<vmem>>, vector<1x64xf32>
    %add3A = arith.addf %get3A_22, %get3A_25 : vector<1x64xf32>
    %add3A_29 = arith.addf %add3A, %get3A_28 : vector<1x64xf32>
    %mul3A = vector.broadcast %get3A_19 : f32 to vector<1x64xf32>
    %mul3A_30 = arith.mulf %mul3A, %get3A_3 : vector<1x64xf32>
    %add3A_31 = arith.addf %add3A_29, %mul3A_30 : vector<1x64xf32>
    %max3A = arith.constant 0.000000e+00 : f32
    %max3A_32 = vector.broadcast %max3A : f32 to vector<1x64xf32>
    %max3A_33 = arith.maximumf %add3A_31, %max3A_32 : vector<1x64xf32>
    %get3A_34 = arith.index_cast %get3A_11 : i32 to index
    %get3A_35 = arith.constant 0 : index
    %get3A_36 = vector.load %arg5[%get3A_34, %get3A_35] : memref<10240x64xf32, #tpu.memory_space<vmem>>, vector<1x64xf32>
    %add3A_37 = arith.addf %get3A_36, %max3A_33 : vector<1x64xf32>
    %swap3A = arith.index_cast %get3A_11 : i32 to index
    %swap3A_38 = arith.constant 0 : index
    %swap3A_39 = vector.load %arg5[%swap3A, %swap3A_38] : memref<10240x64xf32, #tpu.memory_space<vmem>>, vector<1x64xf32>
    tpu.vector_store %arg5[%swap3A, %swap3A_38], %add3A_37 {strides = array<i32>} : memref<10240x64xf32, #tpu.memory_space<vmem>>, vector<1x64xf32>,
    %get3A_40 = arith.constant 0 : index
    %get3A_41 = arith.constant 0 : index
    %get3A_42 = arith.constant 1 : index
    %get3A_43 = memref.load %arg1[%get3A_40, %get3A_41, %get3A_42] : memref<1x3x128xi32, #tpu.memory_space<smem>>
    %get3A_44 = arith.constant 0 : index
    %get3A_45 = arith.constant 1 : index
    %get3A_46 = arith.constant 1 : index
    %get3A_47 = memref.load %arg1[%get3A_44, %get3A_45, %get3A_46] : memref<1x3x128xi32, #tpu.memory_space<smem>>
    %get3A_48 = arith.constant 0 : index
    %get3A_49 = arith.constant 2 : index
    %get3A_50 = arith.constant 1 : index
    %get3A_51 = memref.load %arg1[%get3A_48, %get3A_49, %get3A_50] : memref<1x3x128xi32, #tpu.memory_space<smem>>
    %get3A_52 = arith.constant 0 : index
    %get3A_53 = arith.constant 0 : index
    %get3A_54 = arith.constant 1 : index
    %get3A_55 = memref.load %arg2[%get3A_52, %get3A_53, %get3A_54] : memref<1x1x128xf32, #tpu.memory_space<smem>>
    %get3A_56 = arith.index_cast %get3A_43 : i32 to index
    %get3A_57 = arith.constant 0 : index
    %get3A_58 = vector.load %arg3[%get3A_56, %get3A_57] : memref<10240x128xf32, #tpu.memory_space<vmem>>, vector<1x64xf32>
    %get3A_59 = arith.index_cast %get3A_47 : i32 to index
    %get3A_60 = arith.constant 64 : index
    %get3A_61 = vector.load %arg3[%get3A_59, %get3A_60] : memref<10240x128xf32, #tpu.memory_space<vmem>>, vector<1x64xf32>
    %get3A_62 = arith.index_cast %get3A_51 : i32 to index
    %get3A_63 = arith.constant 0 : index
    %get3A_64 = vector.load %arg4[%get3A_62, %get3A_63] : memref<8x128xf32, #tpu.memory_space<vmem>>, vector<1x64xf32>
    %add3A_65 = arith.addf %get3A_58, %get3A_61 : vector<1x64xf32>
    %add3A_66 = arith.addf %add3A_65, %get3A_64 : vector<1x64xf32>
    %mul3A_67 = vector.broadcast %get3A_55 : f32 to vector<1x64xf32>
    %mul3A_68 = arith.mulf %mul3A_67, %get3A_3 : vector<1x64xf32>
    %add3A_69 = arith.addf %add3A_66, %mul3A_68 : vector<1x64xf32>
    %max3A_70 = arith.constant 0.000000e+00 : f32
    %max3A_71 = vector.broadcast %max3A_70 : f32 to vector<1x64xf32>
    %max3A_72 = arith.maximumf %add3A_69, %max3A_71 : vector<1x64xf32>
    %get3A_73 = arith.index_cast %get3A_47 : i32 to index
    %get3A_74 = arith.constant 0 : index
    %get3A_75 = vector.load %arg5[%get3A_73, %get3A_74] : memref<10240x64xf32, #tpu.memory_space<vmem>>, vector<1x64xf32>
    %add3A_76 = arith.addf %get3A_75, %max3A_72 : vector<1x64xf32>
    %swap3A_77 = arith.index_cast %get3A_47 : i32 to index
    %swap3A_78 = arith.constant 0 : index
    %swap3A_79 = vector.load %arg5[%swap3A_77, %swap3A_78] : memref<10240x64xf32, #tpu.memory_space<vmem>>, vector<1x64xf32>
    tpu.vector_store %arg5[%swap3A_77, %swap3A_78], %add3A_76 {strides = array<i32>} : memref<10240x64xf32, #tpu.memory_space<vmem>>, vector<1x64xf32>,
    %get3A_80 = arith.constant 0 : index
    %get3A_81 = arith.constant 0 : index
    %get3A_82 = arith.constant 2 : index
    %get3A_83 = memref.load %arg1[%get3A_80, %get3A_81, %get3A_82] : memref<1x3x128xi32, #tpu.memory_space<smem>>
    %get3A_84 = arith.constant 0 : index
    %get3A_85 = arith.constant 1 : index
    %get3A_86 = arith.constant 2 : index
    %get3A_87 = memref.load %arg1[%get3A_84, %get3A_85, %get3A_86] : memref<1x3x128xi32, #tpu.memory_space<smem>>
    %get3A_88 = arith.constant 0 : index
    %get3A_89 = arith.constant 2 : index
    %get3A_90 = arith.constant 2 : index
    %get3A_91 = memref.load %arg1[%get3A_88, %get3A_89, %get3A_90] : memref<1x3x128xi32, #tpu.memory_space<smem>>
    %get3A_92 = arith.constant 0 : index
    %get3A_93 = arith.constant 0 : index
    %get3A_94 = arith.constant 2 : index
    %get3A_95 = memref.load %arg2[%get3A_92, %get3A_93, %get3A_94] : memref<1x1x128xf32, #tpu.memory_space<smem>>
    %get3A_96 = arith.index_cast %get3A_83 : i32 to index
    %get3A_97 = arith.constant 0 : index
    %get3A_98 = vector.load %arg3[%get3A_96, %get3A_97] : memref<10240x128xf32, #tpu.memory_space<vmem>>, vector<1x64xf32>
    %get3A_99 = arith.index_cast %get3A_87 : i32 to index
    %get3A_100 = arith.constant 64 : index
    %get3A_101 = vector.load %arg3[%get3A_99, %get3A_100] : memref<10240x128xf32, #tpu.memory_space<vmem>>, vector<1x64xf32>
    %get3A_102 = arith.index_cast %get3A_91 : i32 to index
    %get3A_103 = arith.constant 0 : index
    %get3A_104 = vector.load %arg4[%get3A_102, %get3A_103] : memref<8x128xf32, #tpu.memory_space<vmem>>, vector<1x64xf32>
    %add3A_105 = arith.addf %get3A_98, %get3A_101 : vector<1x64xf32>
    %add3A_106 = arith.addf %add3A_105, %get3A_104 : vector<1x64xf32>
    %mul3A_107 = vector.broadcast %get3A_95 : f32 to vector<1x64xf32>
    %mul3A_108 = arith.mulf %mul3A_107, %get3A_3 : vector<1x64xf32>
    %add3A_109 = arith.addf %add3A_106, %mul3A_108 : vector<1x64xf32>
    %max3A_110 = arith.constant 0.000000e+00 : f32
    %max3A_111 = vector.broadcast %max3A_110 : f32 to vector<1x64xf32>
    %max3A_112 = arith.maximumf %add3A_109, %max3A_111 : vector<1x64xf32>
    %get3A_113 = arith.index_cast %get3A_87 : i32 to index
    %get3A_114 = arith.constant 0 : index
    %get3A_115 = vector.load %arg5[%get3A_113, %get3A_114] : memref<10240x64xf32, #tpu.memory_space<vmem>>, vector<1x64xf32>
    %add3A_116 = arith.addf %get3A_115, %max3A_112 : vector<1x64xf32>
    %swap3A_117 = arith.index_cast %get3A_87 : i32 to index
    %swap3A_118 = arith.constant 0 : index
    %swap3A_119 = vector.load %arg5[%swap3A_117, %swap3A_118] : memref<10240x64xf32, #tpu.memory_space<vmem>>, vector<1x64xf32>
    tpu.vector_store %arg5[%swap3A_117, %swap3A_118], %add3A_116 {strides = array<i32>} : memref<10240x64xf32, #tpu.memory_space<vmem>>, vector<1x64xf32>,
    %get3A_120 = arith.constant 0 : index
    %get3A_121 = arith.constant 0 : index
    %get3A_122 = arith.constant 3 : index
    %get3A_123 = memref.load %arg1[%get3A_120, %get3A_121, %get3A_122] : memref<1x3x128xi32, #tpu.memory_space<smem>>
    %get3A_124 = arith.constant 0 : index
    %get3A_125 = arith.constant 1 : index
    %get3A_126 = arith.constant 3 : index
    %get3A_127 = memref.load %arg1[%get3A_124, %get3A_125, %get3A_126] : memref<1x3x128xi32, #tpu.memory_space<smem>>
    %get3A_128 = arith.constant 0 : index
    %get3A_129 = arith.constant 2 : index
    %get3A_130 = arith.constant 3 : index
    %get3A_131 = memref.load %arg1[%get3A_128, %get3A_129, %get3A_130] : memref<1x3x128xi32, #tpu.memory_space<smem>>
    %get3A_132 = arith.constant 0 : index
    %get3A_133 = arith.constant 0 : index
    %get3A_134 = arith.constant 3 : index
    %get3A_135 = memref.load %arg2[%get3A_132, %get3A_133, %get3A_134] : memref<1x1x128xf32, #tpu.memory_space<smem>>
    %get3A_136 = arith.index_cast %get3A_123 : i32 to index
    %get3A_137 = arith.constant 0 : index
    %get3A_138 = vector.load %arg3[%get3A_136, %get3A_137] : memref<10240x128xf32, #tpu.memory_space<vmem>>, vector<1x64xf32>
    %get3A_139 = arith.index_cast %get3A_127 : i32 to index
    %get3A_140 = arith.constant 64 : index
    %get3A_141 = vector.load %arg3[%get3A_139, %get3A_140] : memref<10240x128xf32, #tpu.memory_space<vmem>>, vector<1x64xf32>
    %get3A_142 = arith.index_cast %get3A_131 : i32 to index
    %get3A_143 = arith.constant 0 : index
    %get3A_144 = vector.load %arg4[%get3A_142, %get3A_143] : memref<8x128xf32, #tpu.memory_space<vmem>>, vector<1x64xf32>
    %add3A_145 = arith.addf %get3A_138, %get3A_141 : vector<1x64xf32>
    %add3A_146 = arith.addf %add3A_145, %get3A_144 : vector<1x64xf32>
    %mul3A_147 = vector.broadcast %get3A_135 : f32 to vector<1x64xf32>
    %mul3A_148 = arith.mulf %mul3A_147, %get3A_3 : vector<1x64xf32>
    %add3A_149 = arith.addf %add3A_146, %mul3A_148 : vector<1x64xf32>
    %max3A_150 = arith.constant 0.000000e+00 : f32
    %max3A_151 = vector.broadcast %max3A_150 : f32 to vector<1x64xf32>
    %max3A_152 = arith.maximumf %add3A_149, %max3A_151 : vector<1x64xf32>
    %get3A_153 = arith.index_cast %get3A_127 : i32 to index
    %get3A_154 = arith.constant 0 : index
    %get3A_155 = vector.load %arg5[%get3A_153, %get3A_154] : memref<10240x64xf32, #tpu.memory_space<vmem>>, vector<1x64xf32>
    %add3A_156 = arith.addf %get3A_155, %max3A_152 : vector<1x64xf32>
    %swap3A_157 = arith.index_cast %get3A_127 : i32 to index
    %swap3A_158 = arith.constant 0 : index
    %swap3A_159 = vector.load %arg5[%swap3A_157, %swap3A_158] : memref<10240x64xf32, #tpu.memory_space<vmem>>, vector<1x64xf32>
    tpu.vector_store %arg5[%swap3A_157, %swap3A_158], %add3A_156 {strides = array<i32>} : memref<10240x64xf32, #tpu.memory_space<vmem>>, vector<1x64xf32>,
    %get3A_160 = arith.constant 0 : index
    %get3A_161 = arith.constant 0 : index
    %get3A_162 = arith.constant 4 : index
    %get3A_163 = memref.load %arg1[%get3A_160, %get3A_161, %get3A_162] : memref<1x3x128xi32, #tpu.memory_space<smem>>
    %get3A_164 = arith.constant 0 : index
    %get3A_165 = arith.constant 1 : index
    %get3A_166 = arith.constant 4 : index
    %get3A_167 = memref.load %arg1[%get3A_164, %get3A_165, %get3A_166] : memref<1x3x128xi32, #tpu.memory_space<smem>>
    %get3A_168 = arith.constant 0 : index
    %get3A_169 = arith.constant 2 : index
    %get3A_170 = arith.constant 4 : index
    %get3A_171 = memref.load %arg1[%get3A_168, %get3A_169, %get3A_170] : memref<1x3x128xi32, #tpu.memory_space<smem>>
    %get3A_172 = arith.constant 0 : index
    %get3A_173 = arith.constant 0 : index
    %get3A_174 = arith.constant 4 : index
    %get3A_175 = memref.load %arg2[%get3A_172, %get3A_173, %get3A_174] : memref<1x1x128xf32, #tpu.memory_space<smem>>
    %get3A_176 = arith.index_cast %get3A_163 : i32 to index
    %get3A_177 = arith.constant 0 : index
    %get3A_178 = vector.load %arg3[%get3A_176, %get3A_177] : memref<10240x128xf32, #tpu.memory_space<vmem>>, vector<1x64xf32>
    %get3A_179 = arith.index_cast %get3A_167 : i32 to index
    %get3A_180 = arith.constant 64 : index
    %get3A_181 = vector.load %arg3[%get3A_179, %get3A_180] : memref<10240x128xf32, #tpu.memory_space<vmem>>, vector<1x64xf32>
    %get3A_182 = arith.index_cast %get3A_171 : i32 to index
    %get3A_183 = arith.constant 0 : index
    %get3A_184 = vector.load %arg4[%get3A_182, %get3A_183] : memref<8x128xf32, #tpu.memory_space<vmem>>, vector<1x64xf32>
    %add3A_185 = arith.addf %get3A_178, %get3A_181 : vector<1x64xf32>
    %add3A_186 = arith.addf %add3A_185, %get3A_184 : vector<1x64xf32>
    %mul3A_187 = vector.broadcast %get3A_175 : f32 to vector<1x64xf32>
    %mul3A_188 = arith.mulf %mul3A_187, %get3A_3 : vector<1x64xf32>
    %add3A_189 = arith.addf %add3A_186, %mul3A_188 : vector<1x64xf32>
    %max3A_190 = arith.constant 0.000000e+00 : f32
    %max3A_191 = vector.broadcast %max3A_190 : f32 to vector<1x64xf32>
    %max3A_192 = arith.maximumf %add3A_189, %max3A_191 : vector<1x64xf32>
    %get3A_193 = arith.index_cast %get3A_167 : i32 to index
    %get3A_194 = arith.constant 0 : index
    %get3A_195 = vector.load %arg5[%get3A_193, %get3A_194] : memref<10240x64xf32, #tpu.memory_space<vmem>>, vector<1x64xf32>
    %add3A_196 = arith.addf %get3A_195, %max3A_192 : vector<1x64xf32>
    %swap3A_197 = arith.index_cast %get3A_167 : i32 to index
    %swap3A_198 = arith.constant 0 : index
    %swap3A_199 = vector.load %arg5[%swap3A_197, %swap3A_198] : memref<10240x64xf32, #tpu.memory_space<vmem>>, vector<1x64xf32>
    tpu.vector_store %arg5[%swap3A_197, %swap3A_198], %add3A_196 {strides = array<i32>} : memref<10240x64xf32, #tpu.memory_space<vmem>>, vector<1x64xf32>,
    %get3A_200 = arith.constant 0 : index
    %get3A_201 = arith.constant 0 : index
    %get3A_202 = arith.constant 5 : index
    %get3A_203 = memref.load %arg1[%get3A_200, %get3A_201, %get3A_202] : memref<1x3x128xi32, #tpu.memory_space<smem>>
    %get3A_204 = arith.constant 0 : index
    %get3A_205 = arith.constant 1 : index
    %get3A_206 = arith.constant 5 : index
    %get3A_207 = memref.load %arg1[%get3A_204, %get3A_205, %get3A_206] : memref<1x3x128xi32, #tpu.memory_space<smem>>
    %get3A_208 = arith.constant 0 : index
    %get3A_209 = arith.constant 2 : index
    %get3A_210 = arith.constant 5 : index
    %get3A_211 = memref.load %arg1[%get3A_208, %get3A_209, %get3A_210] : memref<1x3x128xi32, #tpu.memory_space<smem>>
    %get3A_212 = arith.constant 0 : index
    %get3A_213 = arith.constant 0 : index
    %get3A_214 = arith.constant 5 : index
    %get3A_215 = memref.load %arg2[%get3A_212, %get3A_213, %get3A_214] : memref<1x1x128xf32, #tpu.memory_space<smem>>
    %get3A_216 = arith.index_cast %get3A_203 : i32 to index
    %get3A_217 = arith.constant 0 : index
    %get3A_218 = vector.load %arg3[%get3A_216, %get3A_217] : memref<10240x128xf32, #tpu.memory_space<vmem>>, vector<1x64xf32>
    %get3A_219 = arith.index_cast %get3A_207 : i32 to index
    %get3A_220 = arith.constant 64 : index
    %get3A_221 = vector.load %arg3[%get3A_219, %get3A_220] : memref<10240x128xf32, #tpu.memory_space<vmem>>, vector<1x64xf32>
    %get3A_222 = arith.index_cast %get3A_211 : i32 to index
    %get3A_223 = arith.constant 0 : index
    %get3A_224 = vector.load %arg4[%get3A_222, %get3A_223] : memref<8x128xf32, #tpu.memory_space<vmem>>, vector<1x64xf32>
    %add3A_225 = arith.addf %get3A_218, %get3A_221 : vector<1x64xf32>
    %add3A_226 = arith.addf %add3A_225, %get3A_224 : vector<1x64xf32>
    %mul3A_227 = vector.broadcast %get3A_215 : f32 to vector<1x64xf32>
    %mul3A_228 = arith.mulf %mul3A_227, %get3A_3 : vector<1x64xf32>
    %add3A_229 = arith.addf %add3A_226, %mul3A_228 : vector<1x64xf32>
    %max3A_230 = arith.constant 0.000000e+00 : f32
    %max3A_231 = vector.broadcast %max3A_230 : f32 to vector<1x64xf32>
    %max3A_232 = arith.maximumf %add3A_229, %max3A_231 : vector<1x64xf32>
    %get3A_233 = arith.index_cast %get3A_207 : i32 to index
    %get3A_234 = arith.constant 0 : index
    %get3A_235 = vector.load %arg5[%get3A_233, %get3A_234] : memref<10240x64xf32, #tpu.memory_space<vmem>>, vector<1x64xf32>
    %add3A_236 = arith.addf %get3A_235, %max3A_232 : vector<1x64xf32>
    %swap3A_237 = arith.index_cast %get3A_207 : i32 to index
    %swap3A_238 = arith.constant 0 : index
    %swap3A_239 = vector.load %arg5[%swap3A_237, %swap3A_238] : memref<10240x64xf32, #tpu.memory_space<vmem>>, vector<1x64xf32>
    tpu.vector_store %arg5[%swap3A_237, %swap3A_238], %add3A_236 {strides = array<i32>} : memref<10240x64xf32, #tpu.memory_space<vmem>>, vector<1x64xf32>,
    %get3A_240 = arith.constant 0 : index
    %get3A_241 = arith.constant 0 : index
    %get3A_242 = arith.constant 6 : index
    %get3A_243 = memref.load %arg1[%get3A_240, %get3A_241, %get3A_242] : memref<1x3x128xi32, #tpu.memory_space<smem>>
    %get3A_244 = arith.constant 0 : index
    %get3A_245 = arith.constant 1 : index
    %get3A_246 = arith.constant 6 : index
    %get3A_247 = memref.load %arg1[%get3A_244, %get3A_245, %get3A_246] : memref<1x3x128xi32, #tpu.memory_space<smem>>
    %get3A_248 = arith.constant 0 : index
    %get3A_249 = arith.constant 2 : index
    %get3A_250 = arith.constant 6 : index
    %get3A_251 = memref.load %arg1[%get3A_248, %get3A_249, %get3A_250] : memref<1x3x128xi32, #tpu.memory_space<smem>>
    %get3A_252 = arith.constant 0 : index
    %get3A_253 = arith.constant 0 : index
    %get3A_254 = arith.constant 6 : index
    %get3A_255 = memref.load %arg2[%get3A_252, %get3A_253, %get3A_254] : memref<1x1x128xf32, #tpu.memory_space<smem>>
    %get3A_256 = arith.index_cast %get3A_243 : i32 to index
    %get3A_257 = arith.constant 0 : index
    %get3A_258 = vector.load %arg3[%get3A_256, %get3A_257] : memref<10240x128xf32, #tpu.memory_space<vmem>>, vector<1x64xf32>
    %get3A_259 = arith.index_cast %get3A_247 : i32 to index
    %get3A_260 = arith.constant 64 : index
    %get3A_261 = vector.load %arg3[%get3A_259, %get3A_260] : memref<10240x128xf32, #tpu.memory_space<vmem>>, vector<1x64xf32>
    %get3A_262 = arith.index_cast %get3A_251 : i32 to index
    %get3A_263 = arith.constant 0 : index
    %get3A_264 = vector.load %arg4[%get3A_262, %get3A_263] : memref<8x128xf32, #tpu.memory_space<vmem>>, vector<1x64xf32>
    %add3A_265 = arith.addf %get3A_258, %get3A_261 : vector<1x64xf32>
    %add3A_266 = arith.addf %add3A_265, %get3A_264 : vector<1x64xf32>
    %mul3A_267 = vector.broadcast %get3A_255 : f32 to vector<1x64xf32>
    %mul3A_268 = arith.mulf %mul3A_267, %get3A_3 : vector<1x64xf32>
    %add3A_269 = arith.addf %add3A_266, %mul3A_268 : vector<1x64xf32>
    %max3A_270 = arith.constant 0.000000e+00 : f32
    %max3A_271 = vector.broadcast %max3A_270 : f32 to vector<1x64xf32>
    %max3A_272 = arith.maximumf %add3A_269, %max3A_271 : vector<1x64xf32>
    %get3A_273 = arith.index_cast %get3A_247 : i32 to index
    %get3A_274 = arith.constant 0 : index
    %get3A_275 = vector.load %arg5[%get3A_273, %get3A_274] : memref<10240x64xf32, #tpu.memory_space<vmem>>, vector<1x64xf32>
    %add3A_276 = arith.addf %get3A_275, %max3A_272 : vector<1x64xf32>
    %swap3A_277 = arith.index_cast %get3A_247 : i32 to index
    %swap3A_278 = arith.constant 0 : index
    %swap3A_279 = vector.load %arg5[%swap3A_277, %swap3A_278] : memref<10240x64xf32, #tpu.memory_space<vmem>>, vector<1x64xf32>
    tpu.vector_store %arg5[%swap3A_277, %swap3A_278], %add3A_276 {strides = array<i32>} : memref<10240x64xf32, #tpu.memory_space<vmem>>, vector<1x64xf32>,
    %get3A_280 = arith.constant 0 : index
    %get3A_281 = arith.constant 0 : index
    %get3A_282 = arith.constant 7 : index
    %get3A_283 = memref.load %arg1[%get3A_280, %get3A_281, %get3A_282] : memref<1x3x128xi32, #tpu.memory_space<smem>>
    %get3A_284 = arith.constant 0 : index
    %get3A_285 = arith.constant 1 : index
    %get3A_286 = arith.constant 7 : index
    %get3A_287 = memref.load %arg1[%get3A_284, %get3A_285, %get3A_286] : memref<1x3x128xi32, #tpu.memory_space<smem>>
    %get3A_288 = arith.constant 0 : index
    %get3A_289 = arith.constant 2 : index
    %get3A_290 = arith.constant 7 : index
    %get3A_291 = memref.load %arg1[%get3A_288, %get3A_289, %get3A_290] : memref<1x3x128xi32, #tpu.memory_space<smem>>
    %get3A_292 = arith.constant 0 : index
    %get3A_293 = arith.constant 0 : index
    %get3A_294 = arith.constant 7 : index
    %get3A_295 = memref.load %arg2[%get3A_292, %get3A_293, %get3A_294] : memref<1x1x128xf32, #tpu.memory_space<smem>>
    %get3A_296 = arith.index_cast %get3A_283 : i32 to index
    %get3A_297 = arith.constant 0 : index
    %get3A_298 = vector.load %arg3[%get3A_296, %get3A_297] : memref<10240x128xf32, #tpu.memory_space<vmem>>, vector<1x64xf32>
    %get3A_299 = arith.index_cast %get3A_287 : i32 to index
    %get3A_300 = arith.constant 64 : index
    %get3A_301 = vector.load %arg3[%get3A_299, %get3A_300] : memref<10240x128xf32, #tpu.memory_space<vmem>>, vector<1x64xf32>
    %get3A_302 = arith.index_cast %get3A_291 : i32 to index
    %get3A_303 = arith.constant 0 : index
    %get3A_304 = vector.load %arg4[%get3A_302, %get3A_303] : memref<8x128xf32, #tpu.memory_space<vmem>>, vector<1x64xf32>
    %add3A_305 = arith.addf %get3A_298, %get3A_301 : vector<1x64xf32>
    %add3A_306 = arith.addf %add3A_305, %get3A_304 : vector<1x64xf32>
    %mul3A_307 = vector.broadcast %get3A_295 : f32 to vector<1x64xf32>
    %mul3A_308 = arith.mulf %mul3A_307, %get3A_3 : vector<1x64xf32>
    %add3A_309 = arith.addf %add3A_306, %mul3A_308 : vector<1x64xf32>
    %max3A_310 = arith.constant 0.000000e+00 : f32
    %max3A_311 = vector.broadcast %max3A_310 : f32 to vector<1x64xf32>
    %max3A_312 = arith.maximumf %add3A_309, %max3A_311 : vector<1x64xf32>
    %get3A_313 = arith.index_cast %get3A_287 : i32 to index
    %get3A_314 = arith.constant 0 : index
    %get3A_315 = vector.load %arg5[%get3A_313, %get3A_314] : memref<10240x64xf32, #tpu.memory_space<vmem>>, vector<1x64xf32>
    %add3A_316 = arith.addf %get3A_315, %max3A_312 : vector<1x64xf32>
    %swap3A_317 = arith.index_cast %get3A_287 : i32 to index
    %swap3A_318 = arith.constant 0 : index
    %swap3A_319 = vector.load %arg5[%swap3A_317, %swap3A_318] : memref<10240x64xf32, #tpu.memory_space<vmem>>, vector<1x64xf32>
    tpu.vector_store %arg5[%swap3A_317, %swap3A_318], %add3A_316 {strides = array<i32>} : memref<10240x64xf32, #tpu.memory_space<vmem>>, vector<1x64xf32>,
    %get3A_320 = arith.constant 0 : index
    %get3A_321 = arith.constant 0 : index
    %get3A_322 = arith.constant 8 : index
    %get3A_323 = memref.load %arg1[%get3A_320, %get3A_321, %get3A_322] : memref<1x3x128xi32, #tpu.memory_space<smem>>
    %get3A_324 = arith.constant 0 : index
    %get3A_325 = arith.constant 1 : index
    %get3A_326 = arith.constant 8 : index
    %get3A_327 = memref.load %arg1[%get3A_324, %get3A_325, %get3A_326] : memref<1x3x128xi32, #tpu.memory_space<smem>>
    %get3A_328 = arith.constant 0 : index
    %get3A_329 = arith.constant 2 : index
    %get3A_330 = arith.constant 8 : index
    %get3A_331 = memref.load %arg1[%get3A_328, %get3A_329, %get3A_330] : memref<1x3x128xi32, #tpu.memory_space<smem>>
    %get3A_332 = arith.constant 0 : index
    %get3A_333 = arith.constant 0 : index
    %get3A_334 = arith.constant 8 : index
    %get3A_335 = memref.load %arg2[%get3A_332, %get3A_333, %get3A_334] : memref<1x1x128xf32, #tpu.memory_space<smem>>
    %get3A_336 = arith.index_cast %get3A_323 : i32 to index
    %get3A_337 = arith.constant 0 : index
    %get3A_338 = vector.load %arg3[%get3A_336, %get3A_337] : memref<10240x128xf32, #tpu.memory_space<vmem>>, vector<1x64xf32>
    %get3A_339 = arith.index_cast %get3A_327 : i32 to index
    %get3A_340 = arith.constant 64 : index
    %get3A_341 = vector.load %arg3[%get3A_339, %get3A_340] : memref<10240x128xf32, #tpu.memory_space<vmem>>, vector<1x64xf32>
    %get3A_342 = arith.index_cast %get3A_331 : i32 to index
    %get3A_343 = arith.constant 0 : index
    %get3A_344 = vector.load %arg4[%get3A_342, %get3A_343] : memref<8x128xf32, #tpu.memory_space<vmem>>, vector<1x64xf32>
    %add3A_345 = arith.addf %get3A_338, %get3A_341 : vector<1x64xf32>
    %add3A_346 = arith.addf %add3A_345, %get3A_344 : vector<1x64xf32>
    %mul3A_347 = vector.broadcast %get3A_335 : f32 to vector<1x64xf32>
    %mul3A_348 = arith.mulf %mul3A_347, %get3A_3 : vector<1x64xf32>
    %add3A_349 = arith.addf %add3A_346, %mul3A_348 : vector<1x64xf32>
    %max3A_350 = arith.constant 0.000000e+00 : f32
    %max3A_351 = vector.broadcast %max3A_350 : f32 to vector<1x64xf32>
    %max3A_352 = arith.maximumf %add3A_349, %max3A_351 : vector<1x64xf32>
    %get3A_353 = arith.index_cast %get3A_327 : i32 to index
    %get3A_354 = arith.constant 0 : index
    %get3A_355 = vector.load %arg5[%get3A_353, %get3A_354] : memref<10240x64xf32, #tpu.memory_space<vmem>>, vector<1x64xf32>
    %add3A_356 = arith.addf %get3A_355, %max3A_352 : vector<1x64xf32>
    %swap3A_357 = arith.index_cast %get3A_327 : i32 to index
    %swap3A_358 = arith.constant 0 : index
    %swap3A_359 = vector.load %arg5[%swap3A_357, %swap3A_358] : memref<10240x64xf32, #tpu.memory_space<vmem>>, vector<1x64xf32>
    tpu.vector_store %arg5[%swap3A_357, %swap3A_358], %add3A_356 {strides = array<i32>} : memref<10240x64xf32, #tpu.memory_space<vmem>>, vector<1x64xf32>,
    %get3A_360 = arith.constant 0 : index
    %get3A_361 = arith.constant 0 : index
    %get3A_362 = arith.constant 9 : index
    %get3A_363 = memref.load %arg1[%get3A_360, %get3A_361, %get3A_362] : memref<1x3x128xi32, #tpu.memory_space<smem>>
    %get3A_364 = arith.constant 0 : index
    %get3A_365 = arith.constant 1 : index
    %get3A_366 = arith.constant 9 : index
    %get3A_367 = memref.load %arg1[%get3A_364, %get3A_365, %get3A_366] : memref<1x3x128xi32, #tpu.memory_space<smem>>
    %get3A_368 = arith.constant 0 : index
    %get3A_369 = arith.constant 2 : index
    %get3A_370 = arith.constant 9 : index
    %get3A_371 = memref.load %arg1[%get3A_368, %get3A_369, %get3A_370] : memref<1x3x128xi32, #tpu.memory_space<smem>>
    %get3A_372 = arith.constant 0 : index
    %get3A_373 = arith.constant 0 : index
    %get3A_374 = arith.constant 9 : index
    %get3A_375 = memref.load %arg2[%get3A_372, %get3A_373, %get3A_374] : memref<1x1x128xf32, #tpu.memory_space<smem>>
    %get3A_376 = arith.index_cast %get3A_363 : i32 to index
    %get3A_377 = arith.constant 0 : index
    %get3A_378 = vector.load %arg3[%get3A_376, %get3A_377] : memref<10240x128xf32, #tpu.memory_space<vmem>>, vector<1x64xf32>
    %get3A_379 = arith.index_cast %get3A_367 : i32 to index
    %get3A_380 = arith.constant 64 : index
    %get3A_381 = vector.load %arg3[%get3A_379, %get3A_380] : memref<10240x128xf32, #tpu.memory_space<vmem>>, vector<1x64xf32>
    %get3A_382 = arith.index_cast %get3A_371 : i32 to index
    %get3A_383 = arith.constant 0 : index
    %get3A_384 = vector.load %arg4[%get3A_382, %get3A_383] : memref<8x128xf32, #tpu.memory_space<vmem>>, vector<1x64xf32>
    %add3A_385 = arith.addf %get3A_378, %get3A_381 : vector<1x64xf32>
    %add3A_386 = arith.addf %add3A_385, %get3A_384 : vector<1x64xf32>
    %mul3A_387 = vector.broadcast %get3A_375 : f32 to vector<1x64xf32>
    %mul3A_388 = arith.mulf %mul3A_387, %get3A_3 : vector<1x64xf32>
    %add3A_389 = arith.addf %add3A_386, %mul3A_388 : vector<1x64xf32>
    %max3A_390 = arith.constant 0.000000e+00 : f32
    %max3A_391 = vector.broadcast %max3A_390 : f32 to vector<1x64xf32>
    %max3A_392 = arith.maximumf %add3A_389, %max3A_391 : vector<1x64xf32>
    %get3A_393 = arith.index_cast %get3A_367 : i32 to index
    %get3A_394 = arith.constant 0 : index
    %get3A_395 = vector.load %arg5[%get3A_393, %get3A_394] : memref<10240x64xf32, #tpu.memory_space<vmem>>, vector<1x64xf32>
    %add3A_396 = arith.addf %get3A_395, %max3A_392 : vector<1x64xf32>
    %swap3A_397 = arith.index_cast %get3A_367 : i32 to index
    %swap3A_398 = arith.constant 0 : index
    %swap3A_399 = vector.load %arg5[%swap3A_397, %swap3A_398] : memref<10240x64xf32, #tpu.memory_space<vmem>>, vector<1x64xf32>
    tpu.vector_store %arg5[%swap3A_397, %swap3A_398], %add3A_396 {strides = array<i32>} : memref<10240x64xf32, #tpu.memory_space<vmem>>, vector<1x64xf32>,
    %get3A_400 = arith.constant 0 : index
    %get3A_401 = arith.constant 0 : index
    %get3A_402 = arith.constant 10 : index
    %get3A_403 = memref.load %arg1[%get3A_400, %get3A_401, %get3A_402] : memref<1x3x128xi32, #tpu.memory_space<smem>>
    %get3A_404 = arith.constant 0 : index
    %get3A_405 = arith.constant 1 : index
    %get3A_406 = arith.constant 10 : index
    %get3A_407 = memref.load %arg1[%get3A_404, %get3A_405, %get3A_406] : memref<1x3x128xi32, #tpu.memory_space<smem>>
    %get3A_408 = arith.constant 0 : index
    %get3A_409 = arith.constant 2 : index
    %get3A_410 = arith.constant 10 : index
    %get3A_411 = memref.load %arg1[%get3A_408, %get3A_409, %get3A_410] : memref<1x3x128xi32, #tpu.memory_space<smem>>
    %get3A_412 = arith.constant 0 : index
    %get3A_413 = arith.constant 0 : index
    %get3A_414 = arith.constant 10 : index
    %get3A_415 = memref.load %arg2[%get3A_412, %get3A_413, %get3A_414] : memref<1x1x128xf32, #tpu.memory_space<smem>>
    %get3A_416 = arith.index_cast %get3A_403 : i32 to index
    %get3A_417 = arith.constant 0 : index
    %get3A_418 = vector.load %arg3[%get3A_416, %get3A_417] : memref<10240x128xf32, #tpu.memory_space<vmem>>, vector<1x64xf32>
    %get3A_419 = arith.index_cast %get3A_407 : i32 to index
    %get3A_420 = arith.constant 64 : index
    %get3A_421 = vector.load %arg3[%get3A_419, %get3A_420] : memref<10240x128xf32, #tpu.memory_space<vmem>>, vector<1x64xf32>
    %get3A_422 = arith.index_cast %get3A_411 : i32 to index
    %get3A_423 = arith.constant 0 : index
    %get3A_424 = vector.load %arg4[%get3A_422, %get3A_423] : memref<8x128xf32, #tpu.memory_space<vmem>>, vector<1x64xf32>
    %add3A_425 = arith.addf %get3A_418, %get3A_421 : vector<1x64xf32>
    %add3A_426 = arith.addf %add3A_425, %get3A_424 : vector<1x64xf32>
    %mul3A_427 = vector.broadcast %get3A_415 : f32 to vector<1x64xf32>
    %mul3A_428 = arith.mulf %mul3A_427, %get3A_3 : vector<1x64xf32>
    %add3A_429 = arith.addf %add3A_426, %mul3A_428 : vector<1x64xf32>
    %max3A_430 = arith.constant 0.000000e+00 : f32
    %max3A_431 = vector.broadcast %max3A_430 : f32 to vector<1x64xf32>
    %max3A_432 = arith.maximumf %add3A_429, %max3A_431 : vector<1x64xf32>
    %get3A_433 = arith.index_cast %get3A_407 : i32 to index
    %get3A_434 = arith.constant 0 : index
    %get3A_435 = vector.load %arg5[%get3A_433, %get3A_434] : memref<10240x64xf32, #tpu.memory_space<vmem>>, vector<1x64xf32>
    %add3A_436 = arith.addf %get3A_435, %max3A_432 : vector<1x64xf32>
    %swap3A_437 = arith.index_cast %get3A_407 : i32 to index
    %swap3A_438 = arith.constant 0 : index
    %swap3A_439 = vector.load %arg5[%swap3A_437, %swap3A_438] : memref<10240x64xf32, #tpu.memory_space<vmem>>, vector<1x64xf32>
    tpu.vector_store %arg5[%swap3A_437, %swap3A_438], %add3A_436 {strides = array<i32>} : memref<10240x64xf32, #tpu.memory_space<vmem>>, vector<1x64xf32>,
    %get3A_440 = arith.constant 0 : index
    %get3A_441 = arith.constant 0 : index
    %get3A_442 = arith.constant 11 : index
    %get3A_443 = memref.load %arg1[%get3A_440, %get3A_441, %get3A_442] : memref<1x3x128xi32, #tpu.memory_space<smem>>
    %get3A_444 = arith.constant 0 : index
    %get3A_445 = arith.constant 1 : index
    %get3A_446 = arith.constant 11 : index
    %get3A_447 = memref.load %arg1[%get3A_444, %get3A_445, %get3A_446] : memref<1x3x128xi32, #tpu.memory_space<smem>>
    %get3A_448 = arith.constant 0 : index
    %get3A_449 = arith.constant 2 : index
    %get3A_450 = arith.constant 11 : index
    %get3A_451 = memref.load %arg1[%get3A_448, %get3A_449, %get3A_450] : memref<1x3x128xi32, #tpu.memory_space<smem>>
    %get3A_452 = arith.constant 0 : index
    %get3A_453 = arith.constant 0 : index
    %get3A_454 = arith.constant 11 : index
    %get3A_455 = memref.load %arg2[%get3A_452, %get3A_453, %get3A_454] : memref<1x1x128xf32, #tpu.memory_space<smem>>
    %get3A_456 = arith.index_cast %get3A_443 : i32 to index
    %get3A_457 = arith.constant 0 : index
    %get3A_458 = vector.load %arg3[%get3A_456, %get3A_457] : memref<10240x128xf32, #tpu.memory_space<vmem>>, vector<1x64xf32>
    %get3A_459 = arith.index_cast %get3A_447 : i32 to index
    %get3A_460 = arith.constant 64 : index
    %get3A_461 = vector.load %arg3[%get3A_459, %get3A_460] : memref<10240x128xf32, #tpu.memory_space<vmem>>, vector<1x64xf32>
    %get3A_462 = arith.index_cast %get3A_451 : i32 to index
    %get3A_463 = arith.constant 0 : index
    %get3A_464 = vector.load %arg4[%get3A_462, %get3A_463] : memref<8x128xf32, #tpu.memory_space<vmem>>, vector<1x64xf32>
    %add3A_465 = arith.addf %get3A_458, %get3A_461 : vector<1x64xf32>
    %add3A_466 = arith.addf %add3A_465, %get3A_464 : vector<1x64xf32>
    %mul3A_467 = vector.broadcast %get3A_455 : f32 to vector<1x64xf32>
    %mul3A_468 = arith.mulf %mul3A_467, %get3A_3 : vector<1x64xf32>
    %add3A_469 = arith.addf %add3A_466, %mul3A_468 : vector<1x64xf32>
    %max3A_470 = arith.constant 0.000000e+00 : f32
    %max3A_471 = vector.broadcast %max3A_470 : f32 to vector<1x64xf32>
    %max3A_472 = arith.maximumf %add3A_469, %max3A_471 : vector<1x64xf32>
    %get3A_473 = arith.index_cast %get3A_447 : i32 to index
    %get3A_474 = arith.constant 0 : index
    %get3A_475 = vector.load %arg5[%get3A_473, %get3A_474] : memref<10240x64xf32, #tpu.memory_space<vmem>>, vector<1x64xf32>
    %add3A_476 = arith.addf %get3A_475, %max3A_472 : vector<1x64xf32>
    %swap3A_477 = arith.index_cast %get3A_447 : i32 to index
    %swap3A_478 = arith.constant 0 : index
    %swap3A_479 = vector.load %arg5[%swap3A_477, %swap3A_478] : memref<10240x64xf32, #tpu.memory_space<vmem>>, vector<1x64xf32>
    tpu.vector_store %arg5[%swap3A_477, %swap3A_478], %add3A_476 {strides = array<i32>} : memref<10240x64xf32, #tpu.memory_space<vmem>>, vector<1x64xf32>,
    %get3A_480 = arith.constant 0 : index
    %get3A_481 = arith.constant 0 : index
    %get3A_482 = arith.constant 12 : index
    %get3A_483 = memref.load %arg1[%get3A_480, %get3A_481, %get3A_482] : memref<1x3x128xi32, #tpu.memory_space<smem>>
    %get3A_484 = arith.constant 0 : index
    %get3A_485 = arith.constant 1 : index
    %get3A_486 = arith.constant 12 : index
    %get3A_487 = memref.load %arg1[%get3A_484, %get3A_485, %get3A_486] : memref<1x3x128xi32, #tpu.memory_space<smem>>
    %get3A_488 = arith.constant 0 : index
    %get3A_489 = arith.constant 2 : index
    %get3A_490 = arith.constant 12 : index
    %get3A_491 = memref.load %arg1[%get3A_488, %get3A_489, %get3A_490] : memref<1x3x128xi32, #tpu.memory_space<smem>>
    %get3A_492 = arith.constant 0 : index
    %get3A_493 = arith.constant 0 : index
    %get3A_494 = arith.constant 12 : index
    %get3A_495 = memref.load %arg2[%get3A_492, %get3A_493, %get3A_494] : memref<1x1x128xf32, #tpu.memory_space<smem>>
    %get3A_496 = arith.index_cast %get3A_483 : i32 to index
    %get3A_497 = arith.constant 0 : index
    %get3A_498 = vector.load %arg3[%get3A_496, %get3A_497] : memref<10240x128xf32, #tpu.memory_space<vmem>>, vector<1x64xf32>
    %get3A_499 = arith.index_cast %get3A_487 : i32 to index
    %get3A_500 = arith.constant 64 : index
    %get3A_501 = vector.load %arg3[%get3A_499, %get3A_500] : memref<10240x128xf32, #tpu.memory_space<vmem>>, vector<1x64xf32>
    %get3A_502 = arith.index_cast %get3A_491 : i32 to index
    %get3A_503 = arith.constant 0 : index
    %get3A_504 = vector.load %arg4[%get3A_502, %get3A_503] : memref<8x128xf32, #tpu.memory_space<vmem>>, vector<1x64xf32>
    %add3A_505 = arith.addf %get3A_498, %get3A_501 : vector<1x64xf32>
    %add3A_506 = arith.addf %add3A_505, %get3A_504 : vector<1x64xf32>
    %mul3A_507 = vector.broadcast %get3A_495 : f32 to vector<1x64xf32>
    %mul3A_508 = arith.mulf %mul3A_507, %get3A_3 : vector<1x64xf32>
    %add3A_509 = arith.addf %add3A_506, %mul3A_508 : vector<1x64xf32>
    %max3A_510 = arith.constant 0.000000e+00 : f32
    %max3A_511 = vector.broadcast %max3A_510 : f32 to vector<1x64xf32>
    %max3A_512 = arith.maximumf %add3A_509, %max3A_511 : vector<1x64xf32>
    %get3A_513 = arith.index_cast %get3A_487 : i32 to index
    %get3A_514 = arith.constant 0 : index
    %get3A_515 = vector.load %arg5[%get3A_513, %get3A_514] : memref<10240x64xf32, #tpu.memory_space<vmem>>, vector<1x64xf32>
    %add3A_516 = arith.addf %get3A_515, %max3A_512 : vector<1x64xf32>
    %swap3A_517 = arith.index_cast %get3A_487 : i32 to index
    %swap3A_518 = arith.constant 0 : index
    %swap3A_519 = vector.load %arg5[%swap3A_517, %swap3A_518] : memref<10240x64xf32, #tpu.memory_space<vmem>>, vector<1x64xf32>
    tpu.vector_store %arg5[%swap3A_517, %swap3A_518], %add3A_516 {strides = array<i32>} : memref<10240x64xf32, #tpu.memory_space<vmem>>, vector<1x64xf32>,
    %get3A_520 = arith.constant 0 : index
    %get3A_521 = arith.constant 0 : index
    %get3A_522 = arith.constant 13 : index
    %get3A_523 = memref.load %arg1[%get3A_520, %get3A_521, %get3A_522] : memref<1x3x128xi32, #tpu.memory_space<smem>>
    %get3A_524 = arith.constant 0 : index
    %get3A_525 = arith.constant 1 : index
    %get3A_526 = arith.constant 13 : index
    %get3A_527 = memref.load %arg1[%get3A_524, %get3A_525, %get3A_526] : memref<1x3x128xi32, #tpu.memory_space<smem>>
    %get3A_528 = arith.constant 0 : index
    %get3A_529 = arith.constant 2 : index
    %get3A_530 = arith.constant 13 : index
    %get3A_531 = memref.load %arg1[%get3A_528, %get3A_529, %get3A_530] : memref<1x3x128xi32, #tpu.memory_space<smem>>
    %get3A_532 = arith.constant 0 : index
    %get3A_533 = arith.constant 0 : index
    %get3A_534 = arith.constant 13 : index
    %get3A_535 = memref.load %arg2[%get3A_532, %get3A_533, %get3A_534] : memref<1x1x128xf32, #tpu.memory_space<smem>>
    %get3A_536 = arith.index_cast %get3A_523 : i32 to index
    %get3A_537 = arith.constant 0 : index
    %get3A_538 = vector.load %arg3[%get3A_536, %get3A_537] : memref<10240x128xf32, #tpu.memory_space<vmem>>, vector<1x64xf32>
    %get3A_539 = arith.index_cast %get3A_527 : i32 to index
    %get3A_540 = arith.constant 64 : index
    %get3A_541 = vector.load %arg3[%get3A_539, %get3A_540] : memref<10240x128xf32, #tpu.memory_space<vmem>>, vector<1x64xf32>
    %get3A_542 = arith.index_cast %get3A_531 : i32 to index
    %get3A_543 = arith.constant 0 : index
    %get3A_544 = vector.load %arg4[%get3A_542, %get3A_543] : memref<8x128xf32, #tpu.memory_space<vmem>>, vector<1x64xf32>
    %add3A_545 = arith.addf %get3A_538, %get3A_541 : vector<1x64xf32>
    %add3A_546 = arith.addf %add3A_545, %get3A_544 : vector<1x64xf32>
    %mul3A_547 = vector.broadcast %get3A_535 : f32 to vector<1x64xf32>
    %mul3A_548 = arith.mulf %mul3A_547, %get3A_3 : vector<1x64xf32>
    %add3A_549 = arith.addf %add3A_546, %mul3A_548 : vector<1x64xf32>
    %max3A_550 = arith.constant 0.000000e+00 : f32
    %max3A_551 = vector.broadcast %max3A_550 : f32 to vector<1x64xf32>
    %max3A_552 = arith.maximumf %add3A_549, %max3A_551 : vector<1x64xf32>
    %get3A_553 = arith.index_cast %get3A_527 : i32 to index
    %get3A_554 = arith.constant 0 : index
    %get3A_555 = vector.load %arg5[%get3A_553, %get3A_554] : memref<10240x64xf32, #tpu.memory_space<vmem>>, vector<1x64xf32>
    %add3A_556 = arith.addf %get3A_555, %max3A_552 : vector<1x64xf32>
    %swap3A_557 = arith.index_cast %get3A_527 : i32 to index
    %swap3A_558 = arith.constant 0 : index
    %swap3A_559 = vector.load %arg5[%swap3A_557, %swap3A_558] : memref<10240x64xf32, #tpu.memory_space<vmem>>, vector<1x64xf32>
    tpu.vector_store %arg5[%swap3A_557, %swap3A_558], %add3A_556 {strides = array<i32>} : memref<10240x64xf32, #tpu.memory_space<vmem>>, vector<1x64xf32>,
    %get3A_560 = arith.constant 0 : index
    %get3A_561 = arith.constant 0 : index
    %get3A_562 = arith.constant 14 : index
    %get3A_563 = memref.load %arg1[%get3A_560, %get3A_561, %get3A_562] : memref<1x3x128xi32, #tpu.memory_space<smem>>
    %get3A_564 = arith.constant 0 : index
    %get3A_565 = arith.constant 1 : index
    %get3A_566 = arith.constant 14 : index
    %get3A_567 = memref.load %arg1[%get3A_564, %get3A_565, %get3A_566] : memref<1x3x128xi32, #tpu.memory_space<smem>>
    %get3A_568 = arith.constant 0 : index
    %get3A_569 = arith.constant 2 : index
    %get3A_570 = arith.constant 14 : index
    %get3A_571 = memref.load %arg1[%get3A_568, %get3A_569, %get3A_570] : memref<1x3x128xi32, #tpu.memory_space<smem>>
    %get3A_572 = arith.constant 0 : index
    %get3A_573 = arith.constant 0 : index
    %get3A_574 = arith.constant 14 : index
    %get3A_575 = memref.load %arg2[%get3A_572, %get3A_573, %get3A_574] : memref<1x1x128xf32, #tpu.memory_space<smem>>
    %get3A_576 = arith.index_cast %get3A_563 : i32 to index
    %get3A_577 = arith.constant 0 : index
    %get3A_578 = vector.load %arg3[%get3A_576, %get3A_577] : memref<10240x128xf32, #tpu.memory_space<vmem>>, vector<1x64xf32>
    %get3A_579 = arith.index_cast %get3A_567 : i32 to index
    %get3A_580 = arith.constant 64 : index
    %get3A_581 = vector.load %arg3[%get3A_579, %get3A_580] : memref<10240x128xf32, #tpu.memory_space<vmem>>, vector<1x64xf32>
    %get3A_582 = arith.index_cast %get3A_571 : i32 to index
    %get3A_583 = arith.constant 0 : index
    %get3A_584 = vector.load %arg4[%get3A_582, %get3A_583] : memref<8x128xf32, #tpu.memory_space<vmem>>, vector<1x64xf32>
    %add3A_585 = arith.addf %get3A_578, %get3A_581 : vector<1x64xf32>
    %add3A_586 = arith.addf %add3A_585, %get3A_584 : vector<1x64xf32>
    %mul3A_587 = vector.broadcast %get3A_575 : f32 to vector<1x64xf32>
    %mul3A_588 = arith.mulf %mul3A_587, %get3A_3 : vector<1x64xf32>
    %add3A_589 = arith.addf %add3A_586, %mul3A_588 : vector<1x64xf32>
    %max3A_590 = arith.constant 0.000000e+00 : f32
    %max3A_591 = vector.broadcast %max3A_590 : f32 to vector<1x64xf32>
    %max3A_592 = arith.maximumf %add3A_589, %max3A_591 : vector<1x64xf32>
    %get3A_593 = arith.index_cast %get3A_567 : i32 to index
    %get3A_594 = arith.constant 0 : index
    %get3A_595 = vector.load %arg5[%get3A_593, %get3A_594] : memref<10240x64xf32, #tpu.memory_space<vmem>>, vector<1x64xf32>
    %add3A_596 = arith.addf %get3A_595, %max3A_592 : vector<1x64xf32>
    %swap3A_597 = arith.index_cast %get3A_567 : i32 to index
    %swap3A_598 = arith.constant 0 : index
    %swap3A_599 = vector.load %arg5[%swap3A_597, %swap3A_598] : memref<10240x64xf32, #tpu.memory_space<vmem>>, vector<1x64xf32>
    tpu.vector_store %arg5[%swap3A_597, %swap3A_598], %add3A_596 {strides = array<i32>} : memref<10240x64xf32, #tpu.memory_space<vmem>>, vector<1x64xf32>,
    %get3A_600 = arith.constant 0 : index
    %get3A_601 = arith.constant 0 : index
    %get3A_602 = arith.constant 15 : index
    %get3A_603 = memref.load %arg1[%get3A_600, %get3A_601, %get3A_602] : memref<1x3x128xi32, #tpu.memory_space<smem>>
    %get3A_604 = arith.constant 0 : index
    %get3A_605 = arith.constant 1 : index
    %get3A_606 = arith.constant 15 : index
    %get3A_607 = memref.load %arg1[%get3A_604, %get3A_605, %get3A_606] : memref<1x3x128xi32, #tpu.memory_space<smem>>
    %get3A_608 = arith.constant 0 : index
    %get3A_609 = arith.constant 2 : index
    %get3A_610 = arith.constant 15 : index
    %get3A_611 = memref.load %arg1[%get3A_608, %get3A_609, %get3A_610] : memref<1x3x128xi32, #tpu.memory_space<smem>>
    %get3A_612 = arith.constant 0 : index
    %get3A_613 = arith.constant 0 : index
    %get3A_614 = arith.constant 15 : index
    %get3A_615 = memref.load %arg2[%get3A_612, %get3A_613, %get3A_614] : memref<1x1x128xf32, #tpu.memory_space<smem>>
    %get3A_616 = arith.index_cast %get3A_603 : i32 to index
    %get3A_617 = arith.constant 0 : index
    %get3A_618 = vector.load %arg3[%get3A_616, %get3A_617] : memref<10240x128xf32, #tpu.memory_space<vmem>>, vector<1x64xf32>
    %get3A_619 = arith.index_cast %get3A_607 : i32 to index
    %get3A_620 = arith.constant 64 : index
    %get3A_621 = vector.load %arg3[%get3A_619, %get3A_620] : memref<10240x128xf32, #tpu.memory_space<vmem>>, vector<1x64xf32>
    %get3A_622 = arith.index_cast %get3A_611 : i32 to index
    %get3A_623 = arith.constant 0 : index
    %get3A_624 = vector.load %arg4[%get3A_622, %get3A_623] : memref<8x128xf32, #tpu.memory_space<vmem>>, vector<1x64xf32>
    %add3A_625 = arith.addf %get3A_618, %get3A_621 : vector<1x64xf32>
    %add3A_626 = arith.addf %add3A_625, %get3A_624 : vector<1x64xf32>
    %mul3A_627 = vector.broadcast %get3A_615 : f32 to vector<1x64xf32>
    %mul3A_628 = arith.mulf %mul3A_627, %get3A_3 : vector<1x64xf32>
    %add3A_629 = arith.addf %add3A_626, %mul3A_628 : vector<1x64xf32>
    %max3A_630 = arith.constant 0.000000e+00 : f32
    %max3A_631 = vector.broadcast %max3A_630 : f32 to vector<1x64xf32>
    %max3A_632 = arith.maximumf %add3A_629, %max3A_631 : vector<1x64xf32>
    %get3A_633 = arith.index_cast %get3A_607 : i32 to index
    %get3A_634 = arith.constant 0 : index
    %get3A_635 = vector.load %arg5[%get3A_633, %get3A_634] : memref<10240x64xf32, #tpu.memory_space<vmem>>, vector<1x64xf32>
    %add3A_636 = arith.addf %get3A_635, %max3A_632 : vector<1x64xf32>
    %swap3A_637 = arith.index_cast %get3A_607 : i32 to index
    %swap3A_638 = arith.constant 0 : index
    %swap3A_639 = vector.load %arg5[%swap3A_637, %swap3A_638] : memref<10240x64xf32, #tpu.memory_space<vmem>>, vector<1x64xf32>
    tpu.vector_store %arg5[%swap3A_637, %swap3A_638], %add3A_636 {strides = array<i32>} : memref<10240x64xf32, #tpu.memory_space<vmem>>, vector<1x64xf32>,
    %get3A_640 = arith.constant 0 : index
    %get3A_641 = arith.constant 0 : index
    %get3A_642 = arith.constant 16 : index
    %get3A_643 = memref.load %arg1[%get3A_640, %get3A_641, %get3A_642] : memref<1x3x128xi32, #tpu.memory_space<smem>>
    %get3A_644 = arith.constant 0 : index
    %get3A_645 = arith.constant 1 : index
    %get3A_646 = arith.constant 16 : index
    %get3A_647 = memref.load %arg1[%get3A_644, %get3A_645, %get3A_646] : memref<1x3x128xi32, #tpu.memory_space<smem>>
    %get3A_648 = arith.constant 0 : index
    %get3A_649 = arith.constant 2 : index
    %get3A_650 = arith.constant 16 : index
    %get3A_651 = memref.load %arg1[%get3A_648, %get3A_649, %get3A_650] : memref<1x3x128xi32, #tpu.memory_space<smem>>
    %get3A_652 = arith.constant 0 : index
    %get3A_653 = arith.constant 0 : index
    %get3A_654 = arith.constant 16 : index
    %get3A_655 = memref.load %arg2[%get3A_652, %get3A_653, %get3A_654] : memref<1x1x128xf32, #tpu.memory_space<smem>>
    %get3A_656 = arith.index_cast %get3A_643 : i32 to index
    %get3A_657 = arith.constant 0 : index
    %get3A_658 = vector.load %arg3[%get3A_656, %get3A_657] : memref<10240x128xf32, #tpu.memory_space<vmem>>, vector<1x64xf32>
    %get3A_659 = arith.index_cast %get3A_647 : i32 to index
    %get3A_660 = arith.constant 64 : index
    %get3A_661 = vector.load %arg3[%get3A_659, %get3A_660] : memref<10240x128xf32, #tpu.memory_space<vmem>>, vector<1x64xf32>
    %get3A_662 = arith.index_cast %get3A_651 : i32 to index
    %get3A_663 = arith.constant 0 : index
    %get3A_664 = vector.load %arg4[%get3A_662, %get3A_663] : memref<8x128xf32, #tpu.memory_space<vmem>>, vector<1x64xf32>
    %add3A_665 = arith.addf %get3A_658, %get3A_661 : vector<1x64xf32>
    %add3A_666 = arith.addf %add3A_665, %get3A_664 : vector<1x64xf32>
    %mul3A_667 = vector.broadcast %get3A_655 : f32 to vector<1x64xf32>
    %mul3A_668 = arith.mulf %mul3A_667, %get3A_3 : vector<1x64xf32>
    %add3A_669 = arith.addf %add3A_666, %mul3A_668 : vector<1x64xf32>
    %max3A_670 = arith.constant 0.000000e+00 : f32
    %max3A_671 = vector.broadcast %max3A_670 : f32 to vector<1x64xf32>
    %max3A_672 = arith.maximumf %add3A_669, %max3A_671 : vector<1x64xf32>
    %get3A_673 = arith.index_cast %get3A_647 : i32 to index
    %get3A_674 = arith.constant 0 : index
    %get3A_675 = vector.load %arg5[%get3A_673, %get3A_674] : memref<10240x64xf32, #tpu.memory_space<vmem>>, vector<1x64xf32>
    %add3A_676 = arith.addf %get3A_675, %max3A_672 : vector<1x64xf32>
    %swap3A_677 = arith.index_cast %get3A_647 : i32 to index
    %swap3A_678 = arith.constant 0 : index
    %swap3A_679 = vector.load %arg5[%swap3A_677, %swap3A_678] : memref<10240x64xf32, #tpu.memory_space<vmem>>, vector<1x64xf32>
    tpu.vector_store %arg5[%swap3A_677, %swap3A_678], %add3A_676 {strides = array<i32>} : memref<10240x64xf32, #tpu.memory_space<vmem>>, vector<1x64xf32>,
    %get3A_680 = arith.constant 0 : index
    %get3A_681 = arith.constant 0 : index
    %get3A_682 = arith.constant 17 : index
    %get3A_683 = memref.load %arg1[%get3A_680, %get3A_681, %get3A_682] : memref<1x3x128xi32, #tpu.memory_space<smem>>
    %get3A_684 = arith.constant 0 : index
    %get3A_685 = arith.constant 1 : index
    %get3A_686 = arith.constant 17 : index
    %get3A_687 = memref.load %arg1[%get3A_684, %get3A_685, %get3A_686] : memref<1x3x128xi32, #tpu.memory_space<smem>>
    %get3A_688 = arith.constant 0 : index
    %get3A_689 = arith.constant 2 : index
    %get3A_690 = arith.constant 17 : index
    %get3A_691 = memref.load %arg1[%get3A_688, %get3A_689, %get3A_690] : memref<1x3x128xi32, #tpu.memory_space<smem>>
    %get3A_692 = arith.constant 0 : index
    %get3A_693 = arith.constant 0 : index
    %get3A_694 = arith.constant 17 : index
    %get3A_695 = memref.load %arg2[%get3A_692, %get3A_693, %get3A_694] : memref<1x1x128xf32, #tpu.memory_space<smem>>
    %get3A_696 = arith.index_cast %get3A_683 : i32 to index
    %get3A_697 = arith.constant 0 : index
    %get3A_698 = vector.load %arg3[%get3A_696, %get3A_697] : memref<10240x128xf32, #tpu.memory_space<vmem>>, vector<1x64xf32>
    %get3A_699 = arith.index_cast %get3A_687 : i32 to index
    %get3A_700 = arith.constant 64 : index
    %get3A_701 = vector.load %arg3[%get3A_699, %get3A_700] : memref<10240x128xf32, #tpu.memory_space<vmem>>, vector<1x64xf32>
    %get3A_702 = arith.index_cast %get3A_691 : i32 to index
    %get3A_703 = arith.constant 0 : index
    %get3A_704 = vector.load %arg4[%get3A_702, %get3A_703] : memref<8x128xf32, #tpu.memory_space<vmem>>, vector<1x64xf32>
    %add3A_705 = arith.addf %get3A_698, %get3A_701 : vector<1x64xf32>
    %add3A_706 = arith.addf %add3A_705, %get3A_704 : vector<1x64xf32>
    %mul3A_707 = vector.broadcast %get3A_695 : f32 to vector<1x64xf32>
    %mul3A_708 = arith.mulf %mul3A_707, %get3A_3 : vector<1x64xf32>
    %add3A_709 = arith.addf %add3A_706, %mul3A_708 : vector<1x64xf32>
    %max3A_710 = arith.constant 0.000000e+00 : f32
    %max3A_711 = vector.broadcast %max3A_710 : f32 to vector<1x64xf32>
    %max3A_712 = arith.maximumf %add3A_709, %max3A_711 : vector<1x64xf32>
    %get3A_713 = arith.index_cast %get3A_687 : i32 to index
    %get3A_714 = arith.constant 0 : index
    %get3A_715 = vector.load %arg5[%get3A_713, %get3A_714] : memref<10240x64xf32, #tpu.memory_space<vmem>>, vector<1x64xf32>
    %add3A_716 = arith.addf %get3A_715, %max3A_712 : vector<1x64xf32>
    %swap3A_717 = arith.index_cast %get3A_687 : i32 to index
    %swap3A_718 = arith.constant 0 : index
    %swap3A_719 = vector.load %arg5[%swap3A_717, %swap3A_718] : memref<10240x64xf32, #tpu.memory_space<vmem>>, vector<1x64xf32>
    tpu.vector_store %arg5[%swap3A_717, %swap3A_718], %add3A_716 {strides = array<i32>} : memref<10240x64xf32, #tpu.memory_space<vmem>>, vector<1x64xf32>,
    %get3A_720 = arith.constant 0 : index
    %get3A_721 = arith.constant 0 : index
    %get3A_722 = arith.constant 18 : index
    %get3A_723 = memref.load %arg1[%get3A_720, %get3A_721, %get3A_722] : memref<1x3x128xi32, #tpu.memory_space<smem>>
    %get3A_724 = arith.constant 0 : index
    %get3A_725 = arith.constant 1 : index
    %get3A_726 = arith.constant 18 : index
    %get3A_727 = memref.load %arg1[%get3A_724, %get3A_725, %get3A_726] : memref<1x3x128xi32, #tpu.memory_space<smem>>
    %get3A_728 = arith.constant 0 : index
    %get3A_729 = arith.constant 2 : index
    %get3A_730 = arith.constant 18 : index
    %get3A_731 = memref.load %arg1[%get3A_728, %get3A_729, %get3A_730] : memref<1x3x128xi32, #tpu.memory_space<smem>>
    %get3A_732 = arith.constant 0 : index
    %get3A_733 = arith.constant 0 : index
    %get3A_734 = arith.constant 18 : index
    %get3A_735 = memref.load %arg2[%get3A_732, %get3A_733, %get3A_734] : memref<1x1x128xf32, #tpu.memory_space<smem>>
    %get3A_736 = arith.index_cast %get3A_723 : i32 to index
    %get3A_737 = arith.constant 0 : index
    %get3A_738 = vector.load %arg3[%get3A_736, %get3A_737] : memref<10240x128xf32, #tpu.memory_space<vmem>>, vector<1x64xf32>
    %get3A_739 = arith.index_cast %get3A_727 : i32 to index
    %get3A_740 = arith.constant 64 : index
    %get3A_741 = vector.load %arg3[%get3A_739, %get3A_740] : memref<10240x128xf32, #tpu.memory_space<vmem>>, vector<1x64xf32>
    %get3A_742 = arith.index_cast %get3A_731 : i32 to index
    %get3A_743 = arith.constant 0 : index
    %get3A_744 = vector.load %arg4[%get3A_742, %get3A_743] : memref<8x128xf32, #tpu.memory_space<vmem>>, vector<1x64xf32>
    %add3A_745 = arith.addf %get3A_738, %get3A_741 : vector<1x64xf32>
    %add3A_746 = arith.addf %add3A_745, %get3A_744 : vector<1x64xf32>
    %mul3A_747 = vector.broadcast %get3A_735 : f32 to vector<1x64xf32>
    %mul3A_748 = arith.mulf %mul3A_747, %get3A_3 : vector<1x64xf32>
    %add3A_749 = arith.addf %add3A_746, %mul3A_748 : vector<1x64xf32>
    %max3A_750 = arith.constant 0.000000e+00 : f32
    %max3A_751 = vector.broadcast %max3A_750 : f32 to vector<1x64xf32>
    %max3A_752 = arith.maximumf %add3A_749, %max3A_751 : vector<1x64xf32>
    %get3A_753 = arith.index_cast %get3A_727 : i32 to index
    %get3A_754 = arith.constant 0 : index
    %get3A_755 = vector.load %arg5[%get3A_753, %get3A_754] : memref<10240x64xf32, #tpu.memory_space<vmem>>, vector<1x64xf32>
    %add3A_756 = arith.addf %get3A_755, %max3A_752 : vector<1x64xf32>
    %swap3A_757 = arith.index_cast %get3A_727 : i32 to index
    %swap3A_758 = arith.constant 0 : index
    %swap3A_759 = vector.load %arg5[%swap3A_757, %swap3A_758] : memref<10240x64xf32, #tpu.memory_space<vmem>>, vector<1x64xf32>
    tpu.vector_store %arg5[%swap3A_757, %swap3A_758], %add3A_756 {strides = array<i32>} : memref<10240x64xf32, #tpu.memory_space<vmem>>, vector<1x64xf32>,
    %get3A_760 = arith.constant 0 : index
    %get3A_761 = arith.constant 0 : index
    %get3A_762 = arith.constant 19 : index
    %get3A_763 = memref.load %arg1[%get3A_760, %get3A_761, %get3A_762] : memref<1x3x128xi32, #tpu.memory_space<smem>>
    %get3A_764 = arith.constant 0 : index
    %get3A_765 = arith.constant 1 : index
    %get3A_766 = arith.constant 19 : index
    %get3A_767 = memref.load %arg1[%get3A_764, %get3A_765, %get3A_766] : memref<1x3x128xi32, #tpu.memory_space<smem>>
    %get3A_768 = arith.constant 0 : index
    %get3A_769 = arith.constant 2 : index
    %get3A_770 = arith.constant 19 : index
    %get3A_771 = memref.load %arg1[%get3A_768, %get3A_769, %get3A_770] : memref<1x3x128xi32, #tpu.memory_space<smem>>
    %get3A_772 = arith.constant 0 : index
    %get3A_773 = arith.constant 0 : index
    %get3A_774 = arith.constant 19 : index
    %get3A_775 = memref.load %arg2[%get3A_772, %get3A_773, %get3A_774] : memref<1x1x128xf32, #tpu.memory_space<smem>>
    %get3A_776 = arith.index_cast %get3A_763 : i32 to index
    %get3A_777 = arith.constant 0 : index
    %get3A_778 = vector.load %arg3[%get3A_776, %get3A_777] : memref<10240x128xf32, #tpu.memory_space<vmem>>, vector<1x64xf32>
    %get3A_779 = arith.index_cast %get3A_767 : i32 to index
    %get3A_780 = arith.constant 64 : index
    %get3A_781 = vector.load %arg3[%get3A_779, %get3A_780] : memref<10240x128xf32, #tpu.memory_space<vmem>>, vector<1x64xf32>
    %get3A_782 = arith.index_cast %get3A_771 : i32 to index
    %get3A_783 = arith.constant 0 : index
    %get3A_784 = vector.load %arg4[%get3A_782, %get3A_783] : memref<8x128xf32, #tpu.memory_space<vmem>>, vector<1x64xf32>
    %add3A_785 = arith.addf %get3A_778, %get3A_781 : vector<1x64xf32>
    %add3A_786 = arith.addf %add3A_785, %get3A_784 : vector<1x64xf32>
    %mul3A_787 = vector.broadcast %get3A_775 : f32 to vector<1x64xf32>
    %mul3A_788 = arith.mulf %mul3A_787, %get3A_3 : vector<1x64xf32>
    %add3A_789 = arith.addf %add3A_786, %mul3A_788 : vector<1x64xf32>
    %max3A_790 = arith.constant 0.000000e+00 : f32
    %max3A_791 = vector.broadcast %max3A_790 : f32 to vector<1x64xf32>
    %max3A_792 = arith.maximumf %add3A_789, %max3A_791 : vector<1x64xf32>
    %get3A_793 = arith.index_cast %get3A_767 : i32 to index
    %get3A_794 = arith.constant 0 : index
    %get3A_795 = vector.load %arg5[%get3A_793, %get3A_794] : memref<10240x64xf32, #tpu.memory_space<vmem>>, vector<1x64xf32>
    %add3A_796 = arith.addf %get3A_795, %max3A_792 : vector<1x64xf32>
    %swap3A_797 = arith.index_cast %get3A_767 : i32 to index
    %swap3A_798 = arith.constant 0 : index
    %swap3A_799 = vector.load %arg5[%swap3A_797, %swap3A_798] : memref<10240x64xf32, #tpu.memory_space<vmem>>, vector<1x64xf32>
    tpu.vector_store %arg5[%swap3A_797, %swap3A_798], %add3A_796 {strides = array<i32>} : memref<10240x64xf32, #tpu.memory_space<vmem>>, vector<1x64xf32>,
    %get3A_800 = arith.constant 0 : index
    %get3A_801 = arith.constant 0 : index
    %get3A_802 = arith.constant 20 : index
    %get3A_803 = memref.load %arg1[%get3A_800, %get3A_801, %get3A_802] : memref<1x3x128xi32, #tpu.memory_space<smem>>
    %get3A_804 = arith.constant 0 : index
    %get3A_805 = arith.constant 1 : index
    %get3A_806 = arith.constant 20 : index
    %get3A_807 = memref.load %arg1[%get3A_804, %get3A_805, %get3A_806] : memref<1x3x128xi32, #tpu.memory_space<smem>>
    %get3A_808 = arith.constant 0 : index
    %get3A_809 = arith.constant 2 : index
    %get3A_810 = arith.constant 20 : index
    %get3A_811 = memref.load %arg1[%get3A_808, %get3A_809, %get3A_810] : memref<1x3x128xi32, #tpu.memory_space<smem>>
    %get3A_812 = arith.constant 0 : index
    %get3A_813 = arith.constant 0 : index
    %get3A_814 = arith.constant 20 : index
    %get3A_815 = memref.load %arg2[%get3A_812, %get3A_813, %get3A_814] : memref<1x1x128xf32, #tpu.memory_space<smem>>
    %get3A_816 = arith.index_cast %get3A_803 : i32 to index
    %get3A_817 = arith.constant 0 : index
    %get3A_818 = vector.load %arg3[%get3A_816, %get3A_817] : memref<10240x128xf32, #tpu.memory_space<vmem>>, vector<1x64xf32>
    %get3A_819 = arith.index_cast %get3A_807 : i32 to index
    %get3A_820 = arith.constant 64 : index
    %get3A_821 = vector.load %arg3[%get3A_819, %get3A_820] : memref<10240x128xf32, #tpu.memory_space<vmem>>, vector<1x64xf32>
    %get3A_822 = arith.index_cast %get3A_811 : i32 to index
    %get3A_823 = arith.constant 0 : index
    %get3A_824 = vector.load %arg4[%get3A_822, %get3A_823] : memref<8x128xf32, #tpu.memory_space<vmem>>, vector<1x64xf32>
    %add3A_825 = arith.addf %get3A_818, %get3A_821 : vector<1x64xf32>
    %add3A_826 = arith.addf %add3A_825, %get3A_824 : vector<1x64xf32>
    %mul3A_827 = vector.broadcast %get3A_815 : f32 to vector<1x64xf32>
    %mul3A_828 = arith.mulf %mul3A_827, %get3A_3 : vector<1x64xf32>
    %add3A_829 = arith.addf %add3A_826, %mul3A_828 : vector<1x64xf32>
    %max3A_830 = arith.constant 0.000000e+00 : f32
    %max3A_831 = vector.broadcast %max3A_830 : f32 to vector<1x64xf32>
    %max3A_832 = arith.maximumf %add3A_829, %max3A_831 : vector<1x64xf32>
    %get3A_833 = arith.index_cast %get3A_807 : i32 to index
    %get3A_834 = arith.constant 0 : index
    %get3A_835 = vector.load %arg5[%get3A_833, %get3A_834] : memref<10240x64xf32, #tpu.memory_space<vmem>>, vector<1x64xf32>
    %add3A_836 = arith.addf %get3A_835, %max3A_832 : vector<1x64xf32>
    %swap3A_837 = arith.index_cast %get3A_807 : i32 to index
    %swap3A_838 = arith.constant 0 : index
    %swap3A_839 = vector.load %arg5[%swap3A_837, %swap3A_838] : memref<10240x64xf32, #tpu.memory_space<vmem>>, vector<1x64xf32>
    tpu.vector_store %arg5[%swap3A_837, %swap3A_838], %add3A_836 {strides = array<i32>} : memref<10240x64xf32, #tpu.memory_space<vmem>>, vector<1x64xf32>,
    %get3A_840 = arith.constant 0 : index
    %get3A_841 = arith.constant 0 : index
    %get3A_842 = arith.constant 21 : index
    %get3A_843 = memref.load %arg1[%get3A_840, %get3A_841, %get3A_842] : memref<1x3x128xi32, #tpu.memory_space<smem>>
    %get3A_844 = arith.constant 0 : index
    %get3A_845 = arith.constant 1 : index
    %get3A_846 = arith.constant 21 : index
    %get3A_847 = memref.load %arg1[%get3A_844, %get3A_845, %get3A_846] : memref<1x3x128xi32, #tpu.memory_space<smem>>
    %get3A_848 = arith.constant 0 : index
    %get3A_849 = arith.constant 2 : index
    %get3A_850 = arith.constant 21 : index
    %get3A_851 = memref.load %arg1[%get3A_848, %get3A_849, %get3A_850] : memref<1x3x128xi32, #tpu.memory_space<smem>>
    %get3A_852 = arith.constant 0 : index
    %get3A_853 = arith.constant 0 : index
    %get3A_854 = arith.constant 21 : index
    %get3A_855 = memref.load %arg2[%get3A_852, %get3A_853, %get3A_854] : memref<1x1x128xf32, #tpu.memory_space<smem>>
    %get3A_856 = arith.index_cast %get3A_843 : i32 to index
    %get3A_857 = arith.constant 0 : index
    %get3A_858 = vector.load %arg3[%get3A_856, %get3A_857] : memref<10240x128xf32, #tpu.memory_space<vmem>>, vector<1x64xf32>
    %get3A_859 = arith.index_cast %get3A_847 : i32 to index
    %get3A_860 = arith.constant 64 : index
    %get3A_861 = vector.load %arg3[%get3A_859, %get3A_860] : memref<10240x128xf32, #tpu.memory_space<vmem>>, vector<1x64xf32>
    %get3A_862 = arith.index_cast %get3A_851 : i32 to index
    %get3A_863 = arith.constant 0 : index
    %get3A_864 = vector.load %arg4[%get3A_862, %get3A_863] : memref<8x128xf32, #tpu.memory_space<vmem>>, vector<1x64xf32>
    %add3A_865 = arith.addf %get3A_858, %get3A_861 : vector<1x64xf32>
    %add3A_866 = arith.addf %add3A_865, %get3A_864 : vector<1x64xf32>
    %mul3A_867 = vector.broadcast %get3A_855 : f32 to vector<1x64xf32>
    %mul3A_868 = arith.mulf %mul3A_867, %get3A_3 : vector<1x64xf32>
    %add3A_869 = arith.addf %add3A_866, %mul3A_868 : vector<1x64xf32>
    %max3A_870 = arith.constant 0.000000e+00 : f32
    %max3A_871 = vector.broadcast %max3A_870 : f32 to vector<1x64xf32>
    %max3A_872 = arith.maximumf %add3A_869, %max3A_871 : vector<1x64xf32>
    %get3A_873 = arith.index_cast %get3A_847 : i32 to index
    %get3A_874 = arith.constant 0 : index
    %get3A_875 = vector.load %arg5[%get3A_873, %get3A_874] : memref<10240x64xf32, #tpu.memory_space<vmem>>, vector<1x64xf32>
    %add3A_876 = arith.addf %get3A_875, %max3A_872 : vector<1x64xf32>
    %swap3A_877 = arith.index_cast %get3A_847 : i32 to index
    %swap3A_878 = arith.constant 0 : index
    %swap3A_879 = vector.load %arg5[%swap3A_877, %swap3A_878] : memref<10240x64xf32, #tpu.memory_space<vmem>>, vector<1x64xf32>
    tpu.vector_store %arg5[%swap3A_877, %swap3A_878], %add3A_876 {strides = array<i32>} : memref<10240x64xf32, #tpu.memory_space<vmem>>, vector<1x64xf32>,
    %get3A_880 = arith.constant 0 : index
    %get3A_881 = arith.constant 0 : index
    %get3A_882 = arith.constant 22 : index
    %get3A_883 = memref.load %arg1[%get3A_880, %get3A_881, %get3A_882] : memref<1x3x128xi32, #tpu.memory_space<smem>>
    %get3A_884 = arith.constant 0 : index
    %get3A_885 = arith.constant 1 : index
    %get3A_886 = arith.constant 22 : index
    %get3A_887 = memref.load %arg1[%get3A_884, %get3A_885, %get3A_886] : memref<1x3x128xi32, #tpu.memory_space<smem>>
    %get3A_888 = arith.constant 0 : index
    %get3A_889 = arith.constant 2 : index
    %get3A_890 = arith.constant 22 : index
    %get3A_891 = memref.load %arg1[%get3A_888, %get3A_889, %get3A_890] : memref<1x3x128xi32, #tpu.memory_space<smem>>
    %get3A_892 = arith.constant 0 : index
    %get3A_893 = arith.constant 0 : index
    %get3A_894 = arith.constant 22 : index
    %get3A_895 = memref.load %arg2[%get3A_892, %get3A_893, %get3A_894] : memref<1x1x128xf32, #tpu.memory_space<smem>>
    %get3A_896 = arith.index_cast %get3A_883 : i32 to index
    %get3A_897 = arith.constant 0 : index
    %get3A_898 = vector.load %arg3[%get3A_896, %get3A_897] : memref<10240x128xf32, #tpu.memory_space<vmem>>, vector<1x64xf32>
    %get3A_899 = arith.index_cast %get3A_887 : i32 to index
    %get3A_900 = arith.constant 64 : index
    %get3A_901 = vector.load %arg3[%get3A_899, %get3A_900] : memref<10240x128xf32, #tpu.memory_space<vmem>>, vector<1x64xf32>
    %get3A_902 = arith.index_cast %get3A_891 : i32 to index
    %get3A_903 = arith.constant 0 : index
    %get3A_904 = vector.load %arg4[%get3A_902, %get3A_903] : memref<8x128xf32, #tpu.memory_space<vmem>>, vector<1x64xf32>
    %add3A_905 = arith.addf %get3A_898, %get3A_901 : vector<1x64xf32>
    %add3A_906 = arith.addf %add3A_905, %get3A_904 : vector<1x64xf32>
    %mul3A_907 = vector.broadcast %get3A_895 : f32 to vector<1x64xf32>
    %mul3A_908 = arith.mulf %mul3A_907, %get3A_3 : vector<1x64xf32>
    %add3A_909 = arith.addf %add3A_906, %mul3A_908 : vector<1x64xf32>
    %max3A_910 = arith.constant 0.000000e+00 : f32
    %max3A_911 = vector.broadcast %max3A_910 : f32 to vector<1x64xf32>
    %max3A_912 = arith.maximumf %add3A_909, %max3A_911 : vector<1x64xf32>
    %get3A_913 = arith.index_cast %get3A_887 : i32 to index
    %get3A_914 = arith.constant 0 : index
    %get3A_915 = vector.load %arg5[%get3A_913, %get3A_914] : memref<10240x64xf32, #tpu.memory_space<vmem>>, vector<1x64xf32>
    %add3A_916 = arith.addf %get3A_915, %max3A_912 : vector<1x64xf32>
    %swap3A_917 = arith.index_cast %get3A_887 : i32 to index
    %swap3A_918 = arith.constant 0 : index
    %swap3A_919 = vector.load %arg5[%swap3A_917, %swap3A_918] : memref<10240x64xf32, #tpu.memory_space<vmem>>, vector<1x64xf32>
    tpu.vector_store %arg5[%swap3A_917, %swap3A_918], %add3A_916 {strides = array<i32>} : memref<10240x64xf32, #tpu.memory_space<vmem>>, vector<1x64xf32>,
    %get3A_920 = arith.constant 0 : index
    %get3A_921 = arith.constant 0 : index
    %get3A_922 = arith.constant 23 : index
    %get3A_923 = memref.load %arg1[%get3A_920, %get3A_921, %get3A_922] : memref<1x3x128xi32, #tpu.memory_space<smem>>
    %get3A_924 = arith.constant 0 : index
    %get3A_925 = arith.constant 1 : index
    %get3A_926 = arith.constant 23 : index
    %get3A_927 = memref.load %arg1[%get3A_924, %get3A_925, %get3A_926] : memref<1x3x128xi32, #tpu.memory_space<smem>>
    %get3A_928 = arith.constant 0 : index
    %get3A_929 = arith.constant 2 : index
    %get3A_930 = arith.constant 23 : index
    %get3A_931 = memref.load %arg1[%get3A_928, %get3A_929, %get3A_930] : memref<1x3x128xi32, #tpu.memory_space<smem>>
    %get3A_932 = arith.constant 0 : index
    %get3A_933 = arith.constant 0 : index
    %get3A_934 = arith.constant 23 : index
    %get3A_935 = memref.load %arg2[%get3A_932, %get3A_933, %get3A_934] : memref<1x1x128xf32, #tpu.memory_space<smem>>
    %get3A_936 = arith.index_cast %get3A_923 : i32 to index
    %get3A_937 = arith.constant 0 : index
    %get3A_938 = vector.load %arg3[%get3A_936, %get3A_937] : memref<10240x128xf32, #tpu.memory_space<vmem>>, vector<1x64xf32>
    %get3A_939 = arith.index_cast %get3A_927 : i32 to index
    %get3A_940 = arith.constant 64 : index
    %get3A_941 = vector.load %arg3[%get3A_939, %get3A_940] : memref<10240x128xf32, #tpu.memory_space<vmem>>, vector<1x64xf32>
    %get3A_942 = arith.index_cast %get3A_931 : i32 to index
    %get3A_943 = arith.constant 0 : index
    %get3A_944 = vector.load %arg4[%get3A_942, %get3A_943] : memref<8x128xf32, #tpu.memory_space<vmem>>, vector<1x64xf32>
    %add3A_945 = arith.addf %get3A_938, %get3A_941 : vector<1x64xf32>
    %add3A_946 = arith.addf %add3A_945, %get3A_944 : vector<1x64xf32>
    %mul3A_947 = vector.broadcast %get3A_935 : f32 to vector<1x64xf32>
    %mul3A_948 = arith.mulf %mul3A_947, %get3A_3 : vector<1x64xf32>
    %add3A_949 = arith.addf %add3A_946, %mul3A_948 : vector<1x64xf32>
    %max3A_950 = arith.constant 0.000000e+00 : f32
    %max3A_951 = vector.broadcast %max3A_950 : f32 to vector<1x64xf32>
    %max3A_952 = arith.maximumf %add3A_949, %max3A_951 : vector<1x64xf32>
    %get3A_953 = arith.index_cast %get3A_927 : i32 to index
    %get3A_954 = arith.constant 0 : index
    %get3A_955 = vector.load %arg5[%get3A_953, %get3A_954] : memref<10240x64xf32, #tpu.memory_space<vmem>>, vector<1x64xf32>
    %add3A_956 = arith.addf %get3A_955, %max3A_952 : vector<1x64xf32>
    %swap3A_957 = arith.index_cast %get3A_927 : i32 to index
    %swap3A_958 = arith.constant 0 : index
    %swap3A_959 = vector.load %arg5[%swap3A_957, %swap3A_958] : memref<10240x64xf32, #tpu.memory_space<vmem>>, vector<1x64xf32>
    tpu.vector_store %arg5[%swap3A_957, %swap3A_958], %add3A_956 {strides = array<i32>} : memref<10240x64xf32, #tpu.memory_space<vmem>>, vector<1x64xf32>,
    %get3A_960 = arith.constant 0 : index
    %get3A_961 = arith.constant 0 : index
    %get3A_962 = arith.constant 24 : index
    %get3A_963 = memref.load %arg1[%get3A_960, %get3A_961, %get3A_962] : memref<1x3x128xi32, #tpu.memory_space<smem>>
    %get3A_964 = arith.constant 0 : index
    %get3A_965 = arith.constant 1 : index
    %get3A_966 = arith.constant 24 : index
    %get3A_967 = memref.load %arg1[%get3A_964, %get3A_965, %get3A_966] : memref<1x3x128xi32, #tpu.memory_space<smem>>
    %get3A_968 = arith.constant 0 : index
    %get3A_969 = arith.constant 2 : index
    %get3A_970 = arith.constant 24 : index
    %get3A_971 = memref.load %arg1[%get3A_968, %get3A_969, %get3A_970] : memref<1x3x128xi32, #tpu.memory_space<smem>>
    %get3A_972 = arith.constant 0 : index
    %get3A_973 = arith.constant 0 : index
    %get3A_974 = arith.constant 24 : index
    %get3A_975 = memref.load %arg2[%get3A_972, %get3A_973, %get3A_974] : memref<1x1x128xf32, #tpu.memory_space<smem>>
    %get3A_976 = arith.index_cast %get3A_963 : i32 to index
    %get3A_977 = arith.constant 0 : index
    %get3A_978 = vector.load %arg3[%get3A_976, %get3A_977] : memref<10240x128xf32, #tpu.memory_space<vmem>>, vector<1x64xf32>
    %get3A_979 = arith.index_cast %get3A_967 : i32 to index
    %get3A_980 = arith.constant 64 : index
    %get3A_981 = vector.load %arg3[%get3A_979, %get3A_980] : memref<10240x128xf32, #tpu.memory_space<vmem>>, vector<1x64xf32>
    %get3A_982 = arith.index_cast %get3A_971 : i32 to index
    %get3A_983 = arith.constant 0 : index
    %get3A_984 = vector.load %arg4[%get3A_982, %get3A_983] : memref<8x128xf32, #tpu.memory_space<vmem>>, vector<1x64xf32>
    %add3A_985 = arith.addf %get3A_978, %get3A_981 : vector<1x64xf32>
    %add3A_986 = arith.addf %add3A_985, %get3A_984 : vector<1x64xf32>
    %mul3A_987 = vector.broadcast %get3A_975 : f32 to vector<1x64xf32>
    %mul3A_988 = arith.mulf %mul3A_987, %get3A_3 : vector<1x64xf32>
    %add3A_989 = arith.addf %add3A_986, %mul3A_988 : vector<1x64xf32>
    %max3A_990 = arith.constant 0.000000e+00 : f32
    %max3A_991 = vector.broadcast %max3A_990 : f32 to vector<1x64xf32>
    %max3A_992 = arith.maximumf %add3A_989, %max3A_991 : vector<1x64xf32>
    %get3A_993 = arith.index_cast %get3A_967 : i32 to index
    %get3A_994 = arith.constant 0 : index
    %get3A_995 = vector.load %arg5[%get3A_993, %get3A_994] : memref<10240x64xf32, #tpu.memory_space<vmem>>, vector<1x64xf32>
    %add3A_996 = arith.addf %get3A_995, %max3A_992 : vector<1x64xf32>
    %swap3A_997 = arith.index_cast %get3A_967 : i32 to index
    %swap3A_998 = arith.constant 0 : index
    %swap3A_999 = vector.load %arg5[%swap3A_997, %swap3A_998] : memref<10240x64xf32, #tpu.memory_space<vmem>>, vector<1x64xf32>
    tpu.vector_store %arg5[%swap3A_997, %swap3A_998], %add3A_996 {strides = array<i32>} : memref<10240x64xf32, #tpu.memory_space<vmem>>, vector<1x64xf32>,
    %get3A_1000 = arith.constant 0 : index
    %get3A_1001 = arith.constant 0 : index
    %get3A_1002 = arith.constant 25 : index
    %get3A_1003 = memref.load %arg1[%get3A_1000, %get3A_1001, %get3A_1002] : memref<1x3x128xi32, #tpu.memory_space<smem>>
    %get3A_1004 = arith.constant 0 : index
    %get3A_1005 = arith.constant 1 : index
    %get3A_1006 = arith.constant 25 : index
    %get3A_1007 = memref.load %arg1[%get3A_1004, %get3A_1005, %get3A_1006] : memref<1x3x128xi32, #tpu.memory_space<smem>>
    %get3A_1008 = arith.constant 0 : index
    %get3A_1009 = arith.constant 2 : index
    %get3A_1010 = arith.constant 25 : index
    %get3A_1011 = memref.load %arg1[%get3A_1008, %get3A_1009, %get3A_1010] : memref<1x3x128xi32, #tpu.memory_space<smem>>
    %get3A_1012 = arith.constant 0 : index
    %get3A_1013 = arith.constant 0 : index
    %get3A_1014 = arith.constant 25 : index
    %get3A_1015 = memref.load %arg2[%get3A_1012, %get3A_1013, %get3A_1014] : memref<1x1x128xf32, #tpu.memory_space<smem>>
    %get3A_1016 = arith.index_cast %get3A_1003 : i32 to index
    %get3A_1017 = arith.constant 0 : index
    %get3A_1018 = vector.load %arg3[%get3A_1016, %get3A_1017] : memref<10240x128xf32, #tpu.memory_space<vmem>>, vector<1x64xf32>
    %get3A_1019 = arith.index_cast %get3A_1007 : i32 to index
    %get3A_1020 = arith.constant 64 : index
    %get3A_1021 = vector.load %arg3[%get3A_1019, %get3A_1020] : memref<10240x128xf32, #tpu.memory_space<vmem>>, vector<1x64xf32>
    %get3A_1022 = arith.index_cast %get3A_1011 : i32 to index
    %get3A_1023 = arith.constant 0 : index
    %get3A_1024 = vector.load %arg4[%get3A_1022, %get3A_1023] : memref<8x128xf32, #tpu.memory_space<vmem>>, vector<1x64xf32>
    %add3A_1025 = arith.addf %get3A_1018, %get3A_1021 : vector<1x64xf32>
    %add3A_1026 = arith.addf %add3A_1025, %get3A_1024 : vector<1x64xf32>
    %mul3A_1027 = vector.broadcast %get3A_1015 : f32 to vector<1x64xf32>
    %mul3A_1028 = arith.mulf %mul3A_1027, %get3A_3 : vector<1x64xf32>
    %add3A_1029 = arith.addf %add3A_1026, %mul3A_1028 : vector<1x64xf32>
    %max3A_1030 = arith.constant 0.000000e+00 : f32
    %max3A_1031 = vector.broadcast %max3A_1030 : f32 to vector<1x64xf32>
    %max3A_1032 = arith.maximumf %add3A_1029, %max3A_1031 : vector<1x64xf32>
    %get3A_1033 = arith.index_cast %get3A_1007 : i32 to index
    %get3A_1034 = arith.constant 0 : index
    %get3A_1035 = vector.load %arg5[%get3A_1033, %get3A_1034] : memref<10240x64xf32, #tpu.memory_space<vmem>>, vector<1x64xf32>
    %add3A_1036 = arith.addf %get3A_1035, %max3A_1032 : vector<1x64xf32>
    %swap3A_1037 = arith.index_cast %get3A_1007 : i32 to index
    %swap3A_1038 = arith.constant 0 : index
    %swap3A_1039 = vector.load %arg5[%swap3A_1037, %swap3A_1038] : memref<10240x64xf32, #tpu.memory_space<vmem>>, vector<1x64xf32>
    tpu.vector_store %arg5[%swap3A_1037, %swap3A_1038], %add3A_1036 {strides = array<i32>} : memref<10240x64xf32, #tpu.memory_space<vmem>>, vector<1x64xf32>,
    %get3A_1040 = arith.constant 0 : index
    %get3A_1041 = arith.constant 0 : index
    %get3A_1042 = arith.constant 26 : index
    %get3A_1043 = memref.load %arg1[%get3A_1040, %get3A_1041, %get3A_1042] : memref<1x3x128xi32, #tpu.memory_space<smem>>
    %get3A_1044 = arith.constant 0 : index
    %get3A_1045 = arith.constant 1 : index
    %get3A_1046 = arith.constant 26 : index
    %get3A_1047 = memref.load %arg1[%get3A_1044, %get3A_1045, %get3A_1046] : memref<1x3x128xi32, #tpu.memory_space<smem>>
    %get3A_1048 = arith.constant 0 : index
    %get3A_1049 = arith.constant 2 : index
    %get3A_1050 = arith.constant 26 : index
    %get3A_1051 = memref.load %arg1[%get3A_1048, %get3A_1049, %get3A_1050] : memref<1x3x128xi32, #tpu.memory_space<smem>>
    %get3A_1052 = arith.constant 0 : index
    %get3A_1053 = arith.constant 0 : index
    %get3A_1054 = arith.constant 26 : index
    %get3A_1055 = memref.load %arg2[%get3A_1052, %get3A_1053, %get3A_1054] : memref<1x1x128xf32, #tpu.memory_space<smem>>
    %get3A_1056 = arith.index_cast %get3A_1043 : i32 to index
    %get3A_1057 = arith.constant 0 : index
    %get3A_1058 = vector.load %arg3[%get3A_1056, %get3A_1057] : memref<10240x128xf32, #tpu.memory_space<vmem>>, vector<1x64xf32>
    %get3A_1059 = arith.index_cast %get3A_1047 : i32 to index
    %get3A_1060 = arith.constant 64 : index
    %get3A_1061 = vector.load %arg3[%get3A_1059, %get3A_1060] : memref<10240x128xf32, #tpu.memory_space<vmem>>, vector<1x64xf32>
    %get3A_1062 = arith.index_cast %get3A_1051 : i32 to index
    %get3A_1063 = arith.constant 0 : index
    %get3A_1064 = vector.load %arg4[%get3A_1062, %get3A_1063] : memref<8x128xf32, #tpu.memory_space<vmem>>, vector<1x64xf32>
    %add3A_1065 = arith.addf %get3A_1058, %get3A_1061 : vector<1x64xf32>
    %add3A_1066 = arith.addf %add3A_1065, %get3A_1064 : vector<1x64xf32>
    %mul3A_1067 = vector.broadcast %get3A_1055 : f32 to vector<1x64xf32>
    %mul3A_1068 = arith.mulf %mul3A_1067, %get3A_3 : vector<1x64xf32>
    %add3A_1069 = arith.addf %add3A_1066, %mul3A_1068 : vector<1x64xf32>
    %max3A_1070 = arith.constant 0.000000e+00 : f32
    %max3A_1071 = vector.broadcast %max3A_1070 : f32 to vector<1x64xf32>
    %max3A_1072 = arith.maximumf %add3A_1069, %max3A_1071 : vector<1x64xf32>
    %get3A_1073 = arith.index_cast %get3A_1047 : i32 to index
    %get3A_1074 = arith.constant 0 : index
    %get3A_1075 = vector.load %arg5[%get3A_1073, %get3A_1074] : memref<10240x64xf32, #tpu.memory_space<vmem>>, vector<1x64xf32>
    %add3A_1076 = arith.addf %get3A_1075, %max3A_1072 : vector<1x64xf32>
    %swap3A_1077 = arith.index_cast %get3A_1047 : i32 to index
    %swap3A_1078 = arith.constant 0 : index
    %swap3A_1079 = vector.load %arg5[%swap3A_1077, %swap3A_1078] : memref<10240x64xf32, #tpu.memory_space<vmem>>, vector<1x64xf32>
    tpu.vector_store %arg5[%swap3A_1077, %swap3A_1078], %add3A_1076 {strides = array<i32>} : memref<10240x64xf32, #tpu.memory_space<vmem>>, vector<1x64xf32>,
    %get3A_1080 = arith.constant 0 : index
    %get3A_1081 = arith.constant 0 : index
    %get3A_1082 = arith.constant 27 : index
    %get3A_1083 = memref.load %arg1[%get3A_1080, %get3A_1081, %get3A_1082] : memref<1x3x128xi32, #tpu.memory_space<smem>>
    %get3A_1084 = arith.constant 0 : index
    %get3A_1085 = arith.constant 1 : index
    %get3A_1086 = arith.constant 27 : index
    %get3A_1087 = memref.load %arg1[%get3A_1084, %get3A_1085, %get3A_1086] : memref<1x3x128xi32, #tpu.memory_space<smem>>
    %get3A_1088 = arith.constant 0 : index
    %get3A_1089 = arith.constant 2 : index
    %get3A_1090 = arith.constant 27 : index
    %get3A_1091 = memref.load %arg1[%get3A_1088, %get3A_1089, %get3A_1090] : memref<1x3x128xi32, #tpu.memory_space<smem>>
    %get3A_1092 = arith.constant 0 : index
    %get3A_1093 = arith.constant 0 : index
    %get3A_1094 = arith.constant 27 : index
    %get3A_1095 = memref.load %arg2[%get3A_1092, %get3A_1093, %get3A_1094] : memref<1x1x128xf32, #tpu.memory_space<smem>>
    %get3A_1096 = arith.index_cast %get3A_1083 : i32 to index
    %get3A_1097 = arith.constant 0 : index
    %get3A_1098 = vector.load %arg3[%get3A_1096, %get3A_1097] : memref<10240x128xf32, #tpu.memory_space<vmem>>, vector<1x64xf32>
    %get3A_1099 = arith.index_cast %get3A_1087 : i32 to index
    %get3A_1100 = arith.constant 64 : index
    %get3A_1101 = vector.load %arg3[%get3A_1099, %get3A_1100] : memref<10240x128xf32, #tpu.memory_space<vmem>>, vector<1x64xf32>
    %get3A_1102 = arith.index_cast %get3A_1091 : i32 to index
    %get3A_1103 = arith.constant 0 : index
    %get3A_1104 = vector.load %arg4[%get3A_1102, %get3A_1103] : memref<8x128xf32, #tpu.memory_space<vmem>>, vector<1x64xf32>
    %add3A_1105 = arith.addf %get3A_1098, %get3A_1101 : vector<1x64xf32>
    %add3A_1106 = arith.addf %add3A_1105, %get3A_1104 : vector<1x64xf32>
    %mul3A_1107 = vector.broadcast %get3A_1095 : f32 to vector<1x64xf32>
    %mul3A_1108 = arith.mulf %mul3A_1107, %get3A_3 : vector<1x64xf32>
    %add3A_1109 = arith.addf %add3A_1106, %mul3A_1108 : vector<1x64xf32>
    %max3A_1110 = arith.constant 0.000000e+00 : f32
    %max3A_1111 = vector.broadcast %max3A_1110 : f32 to vector<1x64xf32>
    %max3A_1112 = arith.maximumf %add3A_1109, %max3A_1111 : vector<1x64xf32>
    %get3A_1113 = arith.index_cast %get3A_1087 : i32 to index
    %get3A_1114 = arith.constant 0 : index
    %get3A_1115 = vector.load %arg5[%get3A_1113, %get3A_1114] : memref<10240x64xf32, #tpu.memory_space<vmem>>, vector<1x64xf32>
    %add3A_1116 = arith.addf %get3A_1115, %max3A_1112 : vector<1x64xf32>
    %swap3A_1117 = arith.index_cast %get3A_1087 : i32 to index
    %swap3A_1118 = arith.constant 0 : index
    %swap3A_1119 = vector.load %arg5[%swap3A_1117, %swap3A_1118] : memref<10240x64xf32, #tpu.memory_space<vmem>>, vector<1x64xf32>
    tpu.vector_store %arg5[%swap3A_1117, %swap3A_1118], %add3A_1116 {strides = array<i32>} : memref<10240x64xf32, #tpu.memory_space<vmem>>, vector<1x64xf32>,
    %get3A_1120 = arith.constant 0 : index
    %get3A_1121 = arith.constant 0 : index
    %get3A_1122 = arith.constant 28 : index
    %get3A_1123 = memref.load %arg1[%get3A_1120, %get3A_1121, %get3A_1122] : memref<1x3x128xi32, #tpu.memory_space<smem>>
    %get3A_1124 = arith.constant 0 : index
    %get3A_1125 = arith.constant 1 : index
    %get3A_1126 = arith.constant 28 : index
    %get3A_1127 = memref.load %arg1[%get3A_1124, %get3A_1125, %get3A_1126] : memref<1x3x128xi32, #tpu.memory_space<smem>>
    %get3A_1128 = arith.constant 0 : index
    %get3A_1129 = arith.constant 2 : index
    %get3A_1130 = arith.constant 28 : index
    %get3A_1131 = memref.load %arg1[%get3A_1128, %get3A_1129, %get3A_1130] : memref<1x3x128xi32, #tpu.memory_space<smem>>
    %get3A_1132 = arith.constant 0 : index
    %get3A_1133 = arith.constant 0 : index
    %get3A_1134 = arith.constant 28 : index
    %get3A_1135 = memref.load %arg2[%get3A_1132, %get3A_1133, %get3A_1134] : memref<1x1x128xf32, #tpu.memory_space<smem>>
    %get3A_1136 = arith.index_cast %get3A_1123 : i32 to index
    %get3A_1137 = arith.constant 0 : index
    %get3A_1138 = vector.load %arg3[%get3A_1136, %get3A_1137] : memref<10240x128xf32, #tpu.memory_space<vmem>>, vector<1x64xf32>
    %get3A_1139 = arith.index_cast %get3A_1127 : i32 to index
    %get3A_1140 = arith.constant 64 : index
    %get3A_1141 = vector.load %arg3[%get3A_1139, %get3A_1140] : memref<10240x128xf32, #tpu.memory_space<vmem>>, vector<1x64xf32>
    %get3A_1142 = arith.index_cast %get3A_1131 : i32 to index
    %get3A_1143 = arith.constant 0 : index
    %get3A_1144 = vector.load %arg4[%get3A_1142, %get3A_1143] : memref<8x128xf32, #tpu.memory_space<vmem>>, vector<1x64xf32>
    %add3A_1145 = arith.addf %get3A_1138, %get3A_1141 : vector<1x64xf32>
    %add3A_1146 = arith.addf %add3A_1145, %get3A_1144 : vector<1x64xf32>
    %mul3A_1147 = vector.broadcast %get3A_1135 : f32 to vector<1x64xf32>
    %mul3A_1148 = arith.mulf %mul3A_1147, %get3A_3 : vector<1x64xf32>
    %add3A_1149 = arith.addf %add3A_1146, %mul3A_1148 : vector<1x64xf32>
    %max3A_1150 = arith.constant 0.000000e+00 : f32
    %max3A_1151 = vector.broadcast %max3A_1150 : f32 to vector<1x64xf32>
    %max3A_1152 = arith.maximumf %add3A_1149, %max3A_1151 : vector<1x64xf32>
    %get3A_1153 = arith.index_cast %get3A_1127 : i32 to index
    %get3A_1154 = arith.constant 0 : index
    %get3A_1155 = vector.load %arg5[%get3A_1153, %get3A_1154] : memref<10240x64xf32, #tpu.memory_space<vmem>>, vector<1x64xf32>
    %add3A_1156 = arith.addf %get3A_1155, %max3A_1152 : vector<1x64xf32>
    %swap3A_1157 = arith.index_cast %get3A_1127 : i32 to index
    %swap3A_1158 = arith.constant 0 : index
    %swap3A_1159 = vector.load %arg5[%swap3A_1157, %swap3A_1158] : memref<10240x64xf32, #tpu.memory_space<vmem>>, vector<1x64xf32>
    tpu.vector_store %arg5[%swap3A_1157, %swap3A_1158], %add3A_1156 {strides = array<i32>} : memref<10240x64xf32, #tpu.memory_space<vmem>>, vector<1x64xf32>,
    %get3A_1160 = arith.constant 0 : index
    %get3A_1161 = arith.constant 0 : index
    %get3A_1162 = arith.constant 29 : index
    %get3A_1163 = memref.load %arg1[%get3A_1160, %get3A_1161, %get3A_1162] : memref<1x3x128xi32, #tpu.memory_space<smem>>
    %get3A_1164 = arith.constant 0 : index
    %get3A_1165 = arith.constant 1 : index
    %get3A_1166 = arith.constant 29 : index
    %get3A_1167 = memref.load %arg1[%get3A_1164, %get3A_1165, %get3A_1166] : memref<1x3x128xi32, #tpu.memory_space<smem>>
    %get3A_1168 = arith.constant 0 : index
    %get3A_1169 = arith.constant 2 : index
    %get3A_1170 = arith.constant 29 : index
    %get3A_1171 = memref.load %arg1[%get3A_1168, %get3A_1169, %get3A_1170] : memref<1x3x128xi32, #tpu.memory_space<smem>>
    %get3A_1172 = arith.constant 0 : index
    %get3A_1173 = arith.constant 0 : index
    %get3A_1174 = arith.constant 29 : index
    %get3A_1175 = memref.load %arg2[%get3A_1172, %get3A_1173, %get3A_1174] : memref<1x1x128xf32, #tpu.memory_space<smem>>
    %get3A_1176 = arith.index_cast %get3A_1163 : i32 to index
    %get3A_1177 = arith.constant 0 : index
    %get3A_1178 = vector.load %arg3[%get3A_1176, %get3A_1177] : memref<10240x128xf32, #tpu.memory_space<vmem>>, vector<1x64xf32>
    %get3A_1179 = arith.index_cast %get3A_1167 : i32 to index
    %get3A_1180 = arith.constant 64 : index
    %get3A_1181 = vector.load %arg3[%get3A_1179, %get3A_1180] : memref<10240x128xf32, #tpu.memory_space<vmem>>, vector<1x64xf32>
    %get3A_1182 = arith.index_cast %get3A_1171 : i32 to index
    %get3A_1183 = arith.constant 0 : index
    %get3A_1184 = vector.load %arg4[%get3A_1182, %get3A_1183] : memref<8x128xf32, #tpu.memory_space<vmem>>, vector<1x64xf32>
    %add3A_1185 = arith.addf %get3A_1178, %get3A_1181 : vector<1x64xf32>
    %add3A_1186 = arith.addf %add3A_1185, %get3A_1184 : vector<1x64xf32>
    %mul3A_1187 = vector.broadcast %get3A_1175 : f32 to vector<1x64xf32>
    %mul3A_1188 = arith.mulf %mul3A_1187, %get3A_3 : vector<1x64xf32>
    %add3A_1189 = arith.addf %add3A_1186, %mul3A_1188 : vector<1x64xf32>
    %max3A_1190 = arith.constant 0.000000e+00 : f32
    %max3A_1191 = vector.broadcast %max3A_1190 : f32 to vector<1x64xf32>
    %max3A_1192 = arith.maximumf %add3A_1189, %max3A_1191 : vector<1x64xf32>
    %get3A_1193 = arith.index_cast %get3A_1167 : i32 to index
    %get3A_1194 = arith.constant 0 : index
    %get3A_1195 = vector.load %arg5[%get3A_1193, %get3A_1194] : memref<10240x64xf32, #tpu.memory_space<vmem>>, vector<1x64xf32>
    %add3A_1196 = arith.addf %get3A_1195, %max3A_1192 : vector<1x64xf32>
    %swap3A_1197 = arith.index_cast %get3A_1167 : i32 to index
    %swap3A_1198 = arith.constant 0 : index
    %swap3A_1199 = vector.load %arg5[%swap3A_1197, %swap3A_1198] : memref<10240x64xf32, #tpu.memory_space<vmem>>, vector<1x64xf32>
    tpu.vector_store %arg5[%swap3A_1197, %swap3A_1198], %add3A_1196 {strides = array<i32>} : memref<10240x64xf32, #tpu.memory_space<vmem>>, vector<1x64xf32>,
    %get3A_1200 = arith.constant 0 : index
    %get3A_1201 = arith.constant 0 : index
    %get3A_1202 = arith.constant 30 : index
    %get3A_1203 = memref.load %arg1[%get3A_1200, %get3A_1201, %get3A_1202] : memref<1x3x128xi32, #tpu.memory_space<smem>>
    %get3A_1204 = arith.constant 0 : index
    %get3A_1205 = arith.constant 1 : index
    %get3A_1206 = arith.constant 30 : index
    %get3A_1207 = memref.load %arg1[%get3A_1204, %get3A_1205, %get3A_1206] : memref<1x3x128xi32, #tpu.memory_space<smem>>
    %get3A_1208 = arith.constant 0 : index
    %get3A_1209 = arith.constant 2 : index
    %get3A_1210 = arith.constant 30 : index
    %get3A_1211 = memref.load %arg1[%get3A_1208, %get3A_1209, %get3A_1210] : memref<1x3x128xi32, #tpu.memory_space<smem>>
    %get3A_1212 = arith.constant 0 : index
    %get3A_1213 = arith.constant 0 : index
    %get3A_1214 = arith.constant 30 : index
    %get3A_1215 = memref.load %arg2[%get3A_1212, %get3A_1213, %get3A_1214] : memref<1x1x128xf32, #tpu.memory_space<smem>>
    %get3A_1216 = arith.index_cast %get3A_1203 : i32 to index
    %get3A_1217 = arith.constant 0 : index
    %get3A_1218 = vector.load %arg3[%get3A_1216, %get3A_1217] : memref<10240x128xf32, #tpu.memory_space<vmem>>, vector<1x64xf32>
    %get3A_1219 = arith.index_cast %get3A_1207 : i32 to index
    %get3A_1220 = arith.constant 64 : index
    %get3A_1221 = vector.load %arg3[%get3A_1219, %get3A_1220] : memref<10240x128xf32, #tpu.memory_space<vmem>>, vector<1x64xf32>
    %get3A_1222 = arith.index_cast %get3A_1211 : i32 to index
    %get3A_1223 = arith.constant 0 : index
    %get3A_1224 = vector.load %arg4[%get3A_1222, %get3A_1223] : memref<8x128xf32, #tpu.memory_space<vmem>>, vector<1x64xf32>
    %add3A_1225 = arith.addf %get3A_1218, %get3A_1221 : vector<1x64xf32>
    %add3A_1226 = arith.addf %add3A_1225, %get3A_1224 : vector<1x64xf32>
    %mul3A_1227 = vector.broadcast %get3A_1215 : f32 to vector<1x64xf32>
    %mul3A_1228 = arith.mulf %mul3A_1227, %get3A_3 : vector<1x64xf32>
    %add3A_1229 = arith.addf %add3A_1226, %mul3A_1228 : vector<1x64xf32>
    %max3A_1230 = arith.constant 0.000000e+00 : f32
    %max3A_1231 = vector.broadcast %max3A_1230 : f32 to vector<1x64xf32>
    %max3A_1232 = arith.maximumf %add3A_1229, %max3A_1231 : vector<1x64xf32>
    %get3A_1233 = arith.index_cast %get3A_1207 : i32 to index
    %get3A_1234 = arith.constant 0 : index
    %get3A_1235 = vector.load %arg5[%get3A_1233, %get3A_1234] : memref<10240x64xf32, #tpu.memory_space<vmem>>, vector<1x64xf32>
    %add3A_1236 = arith.addf %get3A_1235, %max3A_1232 : vector<1x64xf32>
    %swap3A_1237 = arith.index_cast %get3A_1207 : i32 to index
    %swap3A_1238 = arith.constant 0 : index
    %swap3A_1239 = vector.load %arg5[%swap3A_1237, %swap3A_1238] : memref<10240x64xf32, #tpu.memory_space<vmem>>, vector<1x64xf32>
    tpu.vector_store %arg5[%swap3A_1237, %swap3A_1238], %add3A_1236 {strides = array<i32>} : memref<10240x64xf32, #tpu.memory_space<vmem>>, vector<1x64xf32>,
    %get3A_1240 = arith.constant 0 : index
    %get3A_1241 = arith.constant 0 : index
    %get3A_1242 = arith.constant 31 : index
    %get3A_1243 = memref.load %arg1[%get3A_1240, %get3A_1241, %get3A_1242] : memref<1x3x128xi32, #tpu.memory_space<smem>>
    %get3A_1244 = arith.constant 0 : index
    %get3A_1245 = arith.constant 1 : index
    %get3A_1246 = arith.constant 31 : index
    %get3A_1247 = memref.load %arg1[%get3A_1244, %get3A_1245, %get3A_1246] : memref<1x3x128xi32, #tpu.memory_space<smem>>
    %get3A_1248 = arith.constant 0 : index
    %get3A_1249 = arith.constant 2 : index
    %get3A_1250 = arith.constant 31 : index
    %get3A_1251 = memref.load %arg1[%get3A_1248, %get3A_1249, %get3A_1250] : memref<1x3x128xi32, #tpu.memory_space<smem>>
    %get3A_1252 = arith.constant 0 : index
    %get3A_1253 = arith.constant 0 : index
    %get3A_1254 = arith.constant 31 : index
    %get3A_1255 = memref.load %arg2[%get3A_1252, %get3A_1253, %get3A_1254] : memref<1x1x128xf32, #tpu.memory_space<smem>>
    %get3A_1256 = arith.index_cast %get3A_1243 : i32 to index
    %get3A_1257 = arith.constant 0 : index
    %get3A_1258 = vector.load %arg3[%get3A_1256, %get3A_1257] : memref<10240x128xf32, #tpu.memory_space<vmem>>, vector<1x64xf32>
    %get3A_1259 = arith.index_cast %get3A_1247 : i32 to index
    %get3A_1260 = arith.constant 64 : index
    %get3A_1261 = vector.load %arg3[%get3A_1259, %get3A_1260] : memref<10240x128xf32, #tpu.memory_space<vmem>>, vector<1x64xf32>
    %get3A_1262 = arith.index_cast %get3A_1251 : i32 to index
    %get3A_1263 = arith.constant 0 : index
    %get3A_1264 = vector.load %arg4[%get3A_1262, %get3A_1263] : memref<8x128xf32, #tpu.memory_space<vmem>>, vector<1x64xf32>
    %add3A_1265 = arith.addf %get3A_1258, %get3A_1261 : vector<1x64xf32>
    %add3A_1266 = arith.addf %add3A_1265, %get3A_1264 : vector<1x64xf32>
    %mul3A_1267 = vector.broadcast %get3A_1255 : f32 to vector<1x64xf32>
    %mul3A_1268 = arith.mulf %mul3A_1267, %get3A_3 : vector<1x64xf32>
    %add3A_1269 = arith.addf %add3A_1266, %mul3A_1268 : vector<1x64xf32>
    %max3A_1270 = arith.constant 0.000000e+00 : f32
    %max3A_1271 = vector.broadcast %max3A_1270 : f32 to vector<1x64xf32>
    %max3A_1272 = arith.maximumf %add3A_1269, %max3A_1271 : vector<1x64xf32>
    %get3A_1273 = arith.index_cast %get3A_1247 : i32 to index
    %get3A_1274 = arith.constant 0 : index
    %get3A_1275 = vector.load %arg5[%get3A_1273, %get3A_1274] : memref<10240x64xf32, #tpu.memory_space<vmem>>, vector<1x64xf32>
    %add3A_1276 = arith.addf %get3A_1275, %max3A_1272 : vector<1x64xf32>
    %swap3A_1277 = arith.index_cast %get3A_1247 : i32 to index
    %swap3A_1278 = arith.constant 0 : index
    %swap3A_1279 = vector.load %arg5[%swap3A_1277, %swap3A_1278] : memref<10240x64xf32, #tpu.memory_space<vmem>>, vector<1x64xf32>
    tpu.vector_store %arg5[%swap3A_1277, %swap3A_1278], %add3A_1276 {strides = array<i32>} : memref<10240x64xf32, #tpu.memory_space<vmem>>, vector<1x64xf32>,
    %get3A_1280 = arith.constant 0 : index
    %get3A_1281 = arith.constant 0 : index
    %get3A_1282 = arith.constant 32 : index
    %get3A_1283 = memref.load %arg1[%get3A_1280, %get3A_1281, %get3A_1282] : memref<1x3x128xi32, #tpu.memory_space<smem>>
    %get3A_1284 = arith.constant 0 : index
    %get3A_1285 = arith.constant 1 : index
    %get3A_1286 = arith.constant 32 : index
    %get3A_1287 = memref.load %arg1[%get3A_1284, %get3A_1285, %get3A_1286] : memref<1x3x128xi32, #tpu.memory_space<smem>>
    %get3A_1288 = arith.constant 0 : index
    %get3A_1289 = arith.constant 2 : index
    %get3A_1290 = arith.constant 32 : index
    %get3A_1291 = memref.load %arg1[%get3A_1288, %get3A_1289, %get3A_1290] : memref<1x3x128xi32, #tpu.memory_space<smem>>
    %get3A_1292 = arith.constant 0 : index
    %get3A_1293 = arith.constant 0 : index
    %get3A_1294 = arith.constant 32 : index
    %get3A_1295 = memref.load %arg2[%get3A_1292, %get3A_1293, %get3A_1294] : memref<1x1x128xf32, #tpu.memory_space<smem>>
    %get3A_1296 = arith.index_cast %get3A_1283 : i32 to index
    %get3A_1297 = arith.constant 0 : index
    %get3A_1298 = vector.load %arg3[%get3A_1296, %get3A_1297] : memref<10240x128xf32, #tpu.memory_space<vmem>>, vector<1x64xf32>
    %get3A_1299 = arith.index_cast %get3A_1287 : i32 to index
    %get3A_1300 = arith.constant 64 : index
    %get3A_1301 = vector.load %arg3[%get3A_1299, %get3A_1300] : memref<10240x128xf32, #tpu.memory_space<vmem>>, vector<1x64xf32>
    %get3A_1302 = arith.index_cast %get3A_1291 : i32 to index
    %get3A_1303 = arith.constant 0 : index
    %get3A_1304 = vector.load %arg4[%get3A_1302, %get3A_1303] : memref<8x128xf32, #tpu.memory_space<vmem>>, vector<1x64xf32>
    %add3A_1305 = arith.addf %get3A_1298, %get3A_1301 : vector<1x64xf32>
    %add3A_1306 = arith.addf %add3A_1305, %get3A_1304 : vector<1x64xf32>
    %mul3A_1307 = vector.broadcast %get3A_1295 : f32 to vector<1x64xf32>
    %mul3A_1308 = arith.mulf %mul3A_1307, %get3A_3 : vector<1x64xf32>
    %add3A_1309 = arith.addf %add3A_1306, %mul3A_1308 : vector<1x64xf32>
    %max3A_1310 = arith.constant 0.000000e+00 : f32
    %max3A_1311 = vector.broadcast %max3A_1310 : f32 to vector<1x64xf32>
    %max3A_1312 = arith.maximumf %add3A_1309, %max3A_1311 : vector<1x64xf32>
    %get3A_1313 = arith.index_cast %get3A_1287 : i32 to index
    %get3A_1314 = arith.constant 0 : index
    %get3A_1315 = vector.load %arg5[%get3A_1313, %get3A_1314] : memref<10240x64xf32, #tpu.memory_space<vmem>>, vector<1x64xf32>
    %add3A_1316 = arith.addf %get3A_1315, %max3A_1312 : vector<1x64xf32>
    %swap3A_1317 = arith.index_cast %get3A_1287 : i32 to index
    %swap3A_1318 = arith.constant 0 : index
    %swap3A_1319 = vector.load %arg5[%swap3A_1317, %swap3A_1318] : memref<10240x64xf32, #tpu.memory_space<vmem>>, vector<1x64xf32>
    tpu.vector_store %arg5[%swap3A_1317, %swap3A_1318], %add3A_1316 {strides = array<i32>} : memref<10240x64xf32, #tpu.memory_space<vmem>>, vector<1x64xf32>,
    %get3A_1320 = arith.constant 0 : index
    %get3A_1321 = arith.constant 0 : index
    %get3A_1322 = arith.constant 33 : index
    %get3A_1323 = memref.load %arg1[%get3A_1320, %get3A_1321, %get3A_1322] : memref<1x3x128xi32, #tpu.memory_space<smem>>
    %get3A_1324 = arith.constant 0 : index
    %get3A_1325 = arith.constant 1 : index
    %get3A_1326 = arith.constant 33 : index
    %get3A_1327 = memref.load %arg1[%get3A_1324, %get3A_1325, %get3A_1326] : memref<1x3x128xi32, #tpu.memory_space<smem>>
    %get3A_1328 = arith.constant 0 : index
    %get3A_1329 = arith.constant 2 : index
    %get3A_1330 = arith.constant 33 : index
    %get3A_1331 = memref.load %arg1[%get3A_1328, %get3A_1329, %get3A_1330] : memref<1x3x128xi32, #tpu.memory_space<smem>>
    %get3A_1332 = arith.constant 0 : index
    %get3A_1333 = arith.constant 0 : index
    %get3A_1334 = arith.constant 33 : index
    %get3A_1335 = memref.load %arg2[%get3A_1332, %get3A_1333, %get3A_1334] : memref<1x1x128xf32, #tpu.memory_space<smem>>
    %get3A_1336 = arith.index_cast %get3A_1323 : i32 to index
    %get3A_1337 = arith.constant 0 : index
    %get3A_1338 = vector.load %arg3[%get3A_1336, %get3A_1337] : memref<10240x128xf32, #tpu.memory_space<vmem>>, vector<1x64xf32>
    %get3A_1339 = arith.index_cast %get3A_1327 : i32 to index
    %get3A_1340 = arith.constant 64 : index
    %get3A_1341 = vector.load %arg3[%get3A_1339, %get3A_1340] : memref<10240x128xf32, #tpu.memory_space<vmem>>, vector<1x64xf32>
    %get3A_1342 = arith.index_cast %get3A_1331 : i32 to index
    %get3A_1343 = arith.constant 0 : index
    %get3A_1344 = vector.load %arg4[%get3A_1342, %get3A_1343] : memref<8x128xf32, #tpu.memory_space<vmem>>, vector<1x64xf32>
    %add3A_1345 = arith.addf %get3A_1338, %get3A_1341 : vector<1x64xf32>
    %add3A_1346 = arith.addf %add3A_1345, %get3A_1344 : vector<1x64xf32>
    %mul3A_1347 = vector.broadcast %get3A_1335 : f32 to vector<1x64xf32>
    %mul3A_1348 = arith.mulf %mul3A_1347, %get3A_3 : vector<1x64xf32>
    %add3A_1349 = arith.addf %add3A_1346, %mul3A_1348 : vector<1x64xf32>
    %max3A_1350 = arith.constant 0.000000e+00 : f32
    %max3A_1351 = vector.broadcast %max3A_1350 : f32 to vector<1x64xf32>
    %max3A_1352 = arith.maximumf %add3A_1349, %max3A_1351 : vector<1x64xf32>
    %get3A_1353 = arith.index_cast %get3A_1327 : i32 to index
    %get3A_1354 = arith.constant 0 : index
    %get3A_1355 = vector.load %arg5[%get3A_1353, %get3A_1354] : memref<10240x64xf32, #tpu.memory_space<vmem>>, vector<1x64xf32>
    %add3A_1356 = arith.addf %get3A_1355, %max3A_1352 : vector<1x64xf32>
    %swap3A_1357 = arith.index_cast %get3A_1327 : i32 to index
    %swap3A_1358 = arith.constant 0 : index
    %swap3A_1359 = vector.load %arg5[%swap3A_1357, %swap3A_1358] : memref<10240x64xf32, #tpu.memory_space<vmem>>, vector<1x64xf32>
    tpu.vector_store %arg5[%swap3A_1357, %swap3A_1358], %add3A_1356 {strides = array<i32>} : memref<10240x64xf32, #tpu.memory_space<vmem>>, vector<1x64xf32>,
    %get3A_1360 = arith.constant 0 : index
    %get3A_1361 = arith.constant 0 : index
    %get3A_1362 = arith.constant 34 : index
    %get3A_1363 = memref.load %arg1[%get3A_1360, %get3A_1361, %get3A_1362] : memref<1x3x128xi32, #tpu.memory_space<smem>>
    %get3A_1364 = arith.constant 0 : index
    %get3A_1365 = arith.constant 1 : index
    %get3A_1366 = arith.constant 34 : index
    %get3A_1367 = memref.load %arg1[%get3A_1364, %get3A_1365, %get3A_1366] : memref<1x3x128xi32, #tpu.memory_space<smem>>
    %get3A_1368 = arith.constant 0 : index
    %get3A_1369 = arith.constant 2 : index
    %get3A_1370 = arith.constant 34 : index
    %get3A_1371 = memref.load %arg1[%get3A_1368, %get3A_1369, %get3A_1370] : memref<1x3x128xi32, #tpu.memory_space<smem>>
    %get3A_1372 = arith.constant 0 : index
    %get3A_1373 = arith.constant 0 : index
    %get3A_1374 = arith.constant 34 : index
    %get3A_1375 = memref.load %arg2[%get3A_1372, %get3A_1373, %get3A_1374] : memref<1x1x128xf32, #tpu.memory_space<smem>>
    %get3A_1376 = arith.index_cast %get3A_1363 : i32 to index
    %get3A_1377 = arith.constant 0 : index
    %get3A_1378 = vector.load %arg3[%get3A_1376, %get3A_1377] : memref<10240x128xf32, #tpu.memory_space<vmem>>, vector<1x64xf32>
    %get3A_1379 = arith.index_cast %get3A_1367 : i32 to index
    %get3A_1380 = arith.constant 64 : index
    %get3A_1381 = vector.load %arg3[%get3A_1379, %get3A_1380] : memref<10240x128xf32, #tpu.memory_space<vmem>>, vector<1x64xf32>
    %get3A_1382 = arith.index_cast %get3A_1371 : i32 to index
    %get3A_1383 = arith.constant 0 : index
    %get3A_1384 = vector.load %arg4[%get3A_1382, %get3A_1383] : memref<8x128xf32, #tpu.memory_space<vmem>>, vector<1x64xf32>
    %add3A_1385 = arith.addf %get3A_1378, %get3A_1381 : vector<1x64xf32>
    %add3A_1386 = arith.addf %add3A_1385, %get3A_1384 : vector<1x64xf32>
    %mul3A_1387 = vector.broadcast %get3A_1375 : f32 to vector<1x64xf32>
    %mul3A_1388 = arith.mulf %mul3A_1387, %get3A_3 : vector<1x64xf32>
    %add3A_1389 = arith.addf %add3A_1386, %mul3A_1388 : vector<1x64xf32>
    %max3A_1390 = arith.constant 0.000000e+00 : f32
    %max3A_1391 = vector.broadcast %max3A_1390 : f32 to vector<1x64xf32>
    %max3A_1392 = arith.maximumf %add3A_1389, %max3A_1391 : vector<1x64xf32>
    %get3A_1393 = arith.index_cast %get3A_1367 : i32 to index
    %get3A_1394 = arith.constant 0 : index
    %get3A_1395 = vector.load %arg5[%get3A_1393, %get3A_1394] : memref<10240x64xf32, #tpu.memory_space<vmem>>, vector<1x64xf32>
    %add3A_1396 = arith.addf %get3A_1395, %max3A_1392 : vector<1x64xf32>
    %swap3A_1397 = arith.index_cast %get3A_1367 : i32 to index
    %swap3A_1398 = arith.constant 0 : index
    %swap3A_1399 = vector.load %arg5[%swap3A_1397, %swap3A_1398] : memref<10240x64xf32, #tpu.memory_space<vmem>>, vector<1x64xf32>
    tpu.vector_store %arg5[%swap3A_1397, %swap3A_1398], %add3A_1396 {strides = array<i32>} : memref<10240x64xf32, #tpu.memory_space<vmem>>, vector<1x64xf32>,
    %get3A_1400 = arith.constant 0 : index
    %get3A_1401 = arith.constant 0 : index
    %get3A_1402 = arith.constant 35 : index
    %get3A_1403 = memref.load %arg1[%get3A_1400, %get3A_1401, %get3A_1402] : memref<1x3x128xi32, #tpu.memory_space<smem>>
    %get3A_1404 = arith.constant 0 : index
    %get3A_1405 = arith.constant 1 : index
    %get3A_1406 = arith.constant 35 : index
    %get3A_1407 = memref.load %arg1[%get3A_1404, %get3A_1405, %get3A_1406] : memref<1x3x128xi32, #tpu.memory_space<smem>>
    %get3A_1408 = arith.constant 0 : index
    %get3A_1409 = arith.constant 2 : index
    %get3A_1410 = arith.constant 35 : index
    %get3A_1411 = memref.load %arg1[%get3A_1408, %get3A_1409, %get3A_1410] : memref<1x3x128xi32, #tpu.memory_space<smem>>
    %get3A_1412 = arith.constant 0 : index
    %get3A_1413 = arith.constant 0 : index
    %get3A_1414 = arith.constant 35 : index
    %get3A_1415 = memref.load %arg2[%get3A_1412, %get3A_1413, %get3A_1414] : memref<1x1x128xf32, #tpu.memory_space<smem>>
    %get3A_1416 = arith.index_cast %get3A_1403 : i32 to index
    %get3A_1417 = arith.constant 0 : index
    %get3A_1418 = vector.load %arg3[%get3A_1416, %get3A_1417] : memref<10240x128xf32, #tpu.memory_space<vmem>>, vector<1x64xf32>
    %get3A_1419 = arith.index_cast %get3A_1407 : i32 to index
    %get3A_1420 = arith.constant 64 : index
    %get3A_1421 = vector.load %arg3[%get3A_1419, %get3A_1420] : memref<10240x128xf32, #tpu.memory_space<vmem>>, vector<1x64xf32>
    %get3A_1422 = arith.index_cast %get3A_1411 : i32 to index
    %get3A_1423 = arith.constant 0 : index
    %get3A_1424 = vector.load %arg4[%get3A_1422, %get3A_1423] : memref<8x128xf32, #tpu.memory_space<vmem>>, vector<1x64xf32>
    %add3A_1425 = arith.addf %get3A_1418, %get3A_1421 : vector<1x64xf32>
    %add3A_1426 = arith.addf %add3A_1425, %get3A_1424 : vector<1x64xf32>
    %mul3A_1427 = vector.broadcast %get3A_1415 : f32 to vector<1x64xf32>
    %mul3A_1428 = arith.mulf %mul3A_1427, %get3A_3 : vector<1x64xf32>
    %add3A_1429 = arith.addf %add3A_1426, %mul3A_1428 : vector<1x64xf32>
    %max3A_1430 = arith.constant 0.000000e+00 : f32
    %max3A_1431 = vector.broadcast %max3A_1430 : f32 to vector<1x64xf32>
    %max3A_1432 = arith.maximumf %add3A_1429, %max3A_1431 : vector<1x64xf32>
    %get3A_1433 = arith.index_cast %get3A_1407 : i32 to index
    %get3A_1434 = arith.constant 0 : index
    %get3A_1435 = vector.load %arg5[%get3A_1433, %get3A_1434] : memref<10240x64xf32, #tpu.memory_space<vmem>>, vector<1x64xf32>
    %add3A_1436 = arith.addf %get3A_1435, %max3A_1432 : vector<1x64xf32>
    %swap3A_1437 = arith.index_cast %get3A_1407 : i32 to index
    %swap3A_1438 = arith.constant 0 : index
    %swap3A_1439 = vector.load %arg5[%swap3A_1437, %swap3A_1438] : memref<10240x64xf32, #tpu.memory_space<vmem>>, vector<1x64xf32>
    tpu.vector_store %arg5[%swap3A_1437, %swap3A_1438], %add3A_1436 {strides = array<i32>} : memref<10240x64xf32, #tpu.memory_space<vmem>>, vector<1x64xf32>,
    %get3A_1440 = arith.constant 0 : index
    %get3A_1441 = arith.constant 0 : index
    %get3A_1442 = arith.constant 36 : index
    %get3A_1443 = memref.load %arg1[%get3A_1440, %get3A_1441, %get3A_1442] : memref<1x3x128xi32, #tpu.memory_space<smem>>
    %get3A_1444 = arith.constant 0 : index
    %get3A_1445 = arith.constant 1 : index
    %get3A_1446 = arith.constant 36 : index
    %get3A_1447 = memref.load %arg1[%get3A_1444, %get3A_1445, %get3A_1446] : memref<1x3x128xi32, #tpu.memory_space<smem>>
    %get3A_1448 = arith.constant 0 : index
    %get3A_1449 = arith.constant 2 : index
    %get3A_1450 = arith.constant 36 : index
    %get3A_1451 = memref.load %arg1[%get3A_1448, %get3A_1449, %get3A_1450] : memref<1x3x128xi32, #tpu.memory_space<smem>>
    %get3A_1452 = arith.constant 0 : index
    %get3A_1453 = arith.constant 0 : index
    %get3A_1454 = arith.constant 36 : index
    %get3A_1455 = memref.load %arg2[%get3A_1452, %get3A_1453, %get3A_1454] : memref<1x1x128xf32, #tpu.memory_space<smem>>
    %get3A_1456 = arith.index_cast %get3A_1443 : i32 to index
    %get3A_1457 = arith.constant 0 : index
    %get3A_1458 = vector.load %arg3[%get3A_1456, %get3A_1457] : memref<10240x128xf32, #tpu.memory_space<vmem>>, vector<1x64xf32>
    %get3A_1459 = arith.index_cast %get3A_1447 : i32 to index
    %get3A_1460 = arith.constant 64 : index
    %get3A_1461 = vector.load %arg3[%get3A_1459, %get3A_1460] : memref<10240x128xf32, #tpu.memory_space<vmem>>, vector<1x64xf32>
    %get3A_1462 = arith.index_cast %get3A_1451 : i32 to index
    %get3A_1463 = arith.constant 0 : index
    %get3A_1464 = vector.load %arg4[%get3A_1462, %get3A_1463] : memref<8x128xf32, #tpu.memory_space<vmem>>, vector<1x64xf32>
    %add3A_1465 = arith.addf %get3A_1458, %get3A_1461 : vector<1x64xf32>
    %add3A_1466 = arith.addf %add3A_1465, %get3A_1464 : vector<1x64xf32>
    %mul3A_1467 = vector.broadcast %get3A_1455 : f32 to vector<1x64xf32>
    %mul3A_1468 = arith.mulf %mul3A_1467, %get3A_3 : vector<1x64xf32>
    %add3A_1469 = arith.addf %add3A_1466, %mul3A_1468 : vector<1x64xf32>
    %max3A_1470 = arith.constant 0.000000e+00 : f32
    %max3A_1471 = vector.broadcast %max3A_1470 : f32 to vector<1x64xf32>
    %max3A_1472 = arith.maximumf %add3A_1469, %max3A_1471 : vector<1x64xf32>
    %get3A_1473 = arith.index_cast %get3A_1447 : i32 to index
    %get3A_1474 = arith.constant 0 : index
    %get3A_1475 = vector.load %arg5[%get3A_1473, %get3A_1474] : memref<10240x64xf32, #tpu.memory_space<vmem>>, vector<1x64xf32>
    %add3A_1476 = arith.addf %get3A_1475, %max3A_1472 : vector<1x64xf32>
    %swap3A_1477 = arith.index_cast %get3A_1447 : i32 to index
    %swap3A_1478 = arith.constant 0 : index
    %swap3A_1479 = vector.load %arg5[%swap3A_1477, %swap3A_1478] : memref<10240x64xf32, #tpu.memory_space<vmem>>, vector<1x64xf32>
    tpu.vector_store %arg5[%swap3A_1477, %swap3A_1478], %add3A_1476 {strides = array<i32>} : memref<10240x64xf32, #tpu.memory_space<vmem>>, vector<1x64xf32>,
    %get3A_1480 = arith.constant 0 : index
    %get3A_1481 = arith.constant 0 : index
    %get3A_1482 = arith.constant 37 : index
    %get3A_1483 = memref.load %arg1[%get3A_1480, %get3A_1481, %get3A_1482] : memref<1x3x128xi32, #tpu.memory_space<smem>>
    %get3A_1484 = arith.constant 0 : index
    %get3A_1485 = arith.constant 1 : index
    %get3A_1486 = arith.constant 37 : index
    %get3A_1487 = memref.load %arg1[%get3A_1484, %get3A_1485, %get3A_1486] : memref<1x3x128xi32, #tpu.memory_space<smem>>
    %get3A_1488 = arith.constant 0 : index
    %get3A_1489 = arith.constant 2 : index
    %get3A_1490 = arith.constant 37 : index
    %get3A_1491 = memref.load %arg1[%get3A_1488, %get3A_1489, %get3A_1490] : memref<1x3x128xi32, #tpu.memory_space<smem>>
    %get3A_1492 = arith.constant 0 : index
    %get3A_1493 = arith.constant 0 : index
    %get3A_1494 = arith.constant 37 : index
    %get3A_1495 = memref.load %arg2[%get3A_1492, %get3A_1493, %get3A_1494] : memref<1x1x128xf32, #tpu.memory_space<smem>>
    %get3A_1496 = arith.index_cast %get3A_1483 : i32 to index
    %get3A_1497 = arith.constant 0 : index
    %get3A_1498 = vector.load %arg3[%get3A_1496, %get3A_1497] : memref<10240x128xf32, #tpu.memory_space<vmem>>, vector<1x64xf32>
    %get3A_1499 = arith.index_cast %get3A_1487 : i32 to index
    %get3A_1500 = arith.constant 64 : index
    %get3A_1501 = vector.load %arg3[%get3A_1499, %get3A_1500] : memref<10240x128xf32, #tpu.memory_space<vmem>>, vector<1x64xf32>
    %get3A_1502 = arith.index_cast %get3A_1491 : i32 to index
    %get3A_1503 = arith.constant 0 : index
    %get3A_1504 = vector.load %arg4[%get3A_1502, %get3A_1503] : memref<8x128xf32, #tpu.memory_space<vmem>>, vector<1x64xf32>
    %add3A_1505 = arith.addf %get3A_1498, %get3A_1501 : vector<1x64xf32>
    %add3A_1506 = arith.addf %add3A_1505, %get3A_1504 : vector<1x64xf32>
    %mul3A_1507 = vector.broadcast %get3A_1495 : f32 to vector<1x64xf32>
    %mul3A_1508 = arith.mulf %mul3A_1507, %get3A_3 : vector<1x64xf32>
    %add3A_1509 = arith.addf %add3A_1506, %mul3A_1508 : vector<1x64xf32>
    %max3A_1510 = arith.constant 0.000000e+00 : f32
    %max3A_1511 = vector.broadcast %max3A_1510 : f32 to vector<1x64xf32>
    %max3A_1512 = arith.maximumf %add3A_1509, %max3A_1511 : vector<1x64xf32>
    %get3A_1513 = arith.index_cast %get3A_1487 : i32 to index
    %get3A_1514 = arith.constant 0 : index
    %get3A_1515 = vector.load %arg5[%get3A_1513, %get3A_1514] : memref<10240x64xf32, #tpu.memory_space<vmem>>, vector<1x64xf32>
    %add3A_1516 = arith.addf %get3A_1515, %max3A_1512 : vector<1x64xf32>
    %swap3A_1517 = arith.index_cast %get3A_1487 : i32 to index
    %swap3A_1518 = arith.constant 0 : index
    %swap3A_1519 = vector.load %arg5[%swap3A_1517, %swap3A_1518] : memref<10240x64xf32, #tpu.memory_space<vmem>>, vector<1x64xf32>
    tpu.vector_store %arg5[%swap3A_1517, %swap3A_1518], %add3A_1516 {strides = array<i32>} : memref<10240x64xf32, #tpu.memory_space<vmem>>, vector<1x64xf32>,
    %get3A_1520 = arith.constant 0 : index
    %get3A_1521 = arith.constant 0 : index
    %get3A_1522 = arith.constant 38 : index
    %get3A_1523 = memref.load %arg1[%get3A_1520, %get3A_1521, %get3A_1522] : memref<1x3x128xi32, #tpu.memory_space<smem>>
    %get3A_1524 = arith.constant 0 : index
    %get3A_1525 = arith.constant 1 : index
    %get3A_1526 = arith.constant 38 : index
    %get3A_1527 = memref.load %arg1[%get3A_1524, %get3A_1525, %get3A_1526] : memref<1x3x128xi32, #tpu.memory_space<smem>>
    %get3A_1528 = arith.constant 0 : index
    %get3A_1529 = arith.constant 2 : index
    %get3A_1530 = arith.constant 38 : index
    %get3A_1531 = memref.load %arg1[%get3A_1528, %get3A_1529, %get3A_1530] : memref<1x3x128xi32, #tpu.memory_space<smem>>
    %get3A_1532 = arith.constant 0 : index
    %get3A_1533 = arith.constant 0 : index
    %get3A_1534 = arith.constant 38 : index
    %get3A_1535 = memref.load %arg2[%get3A_1532, %get3A_1533, %get3A_1534] : memref<1x1x128xf32, #tpu.memory_space<smem>>
    %get3A_1536 = arith.index_cast %get3A_1523 : i32 to index
    %get3A_1537 = arith.constant 0 : index
    %get3A_1538 = vector.load %arg3[%get3A_1536, %get3A_1537] : memref<10240x128xf32, #tpu.memory_space<vmem>>, vector<1x64xf32>
    %get3A_1539 = arith.index_cast %get3A_1527 : i32 to index
    %get3A_1540 = arith.constant 64 : index
    %get3A_1541 = vector.load %arg3[%get3A_1539, %get3A_1540] : memref<10240x128xf32, #tpu.memory_space<vmem>>, vector<1x64xf32>
    %get3A_1542 = arith.index_cast %get3A_1531 : i32 to index
    %get3A_1543 = arith.constant 0 : index
    %get3A_1544 = vector.load %arg4[%get3A_1542, %get3A_1543] : memref<8x128xf32, #tpu.memory_space<vmem>>, vector<1x64xf32>
    %add3A_1545 = arith.addf %get3A_1538, %get3A_1541 : vector<1x64xf32>
    %add3A_1546 = arith.addf %add3A_1545, %get3A_1544 : vector<1x64xf32>
    %mul3A_1547 = vector.broadcast %get3A_1535 : f32 to vector<1x64xf32>
    %mul3A_1548 = arith.mulf %mul3A_1547, %get3A_3 : vector<1x64xf32>
    %add3A_1549 = arith.addf %add3A_1546, %mul3A_1548 : vector<1x64xf32>
    %max3A_1550 = arith.constant 0.000000e+00 : f32
    %max3A_1551 = vector.broadcast %max3A_1550 : f32 to vector<1x64xf32>
    %max3A_1552 = arith.maximumf %add3A_1549, %max3A_1551 : vector<1x64xf32>
    %get3A_1553 = arith.index_cast %get3A_1527 : i32 to index
    %get3A_1554 = arith.constant 0 : index
    %get3A_1555 = vector.load %arg5[%get3A_1553, %get3A_1554] : memref<10240x64xf32, #tpu.memory_space<vmem>>, vector<1x64xf32>
    %add3A_1556 = arith.addf %get3A_1555, %max3A_1552 : vector<1x64xf32>
    %swap3A_1557 = arith.index_cast %get3A_1527 : i32 to index
    %swap3A_1558 = arith.constant 0 : index
    %swap3A_1559 = vector.load %arg5[%swap3A_1557, %swap3A_1558] : memref<10240x64xf32, #tpu.memory_space<vmem>>, vector<1x64xf32>
    tpu.vector_store %arg5[%swap3A_1557, %swap3A_1558], %add3A_1556 {strides = array<i32>} : memref<10240x64xf32, #tpu.memory_space<vmem>>, vector<1x64xf32>,
    %get3A_1560 = arith.constant 0 : index
    %get3A_1561 = arith.constant 0 : index
    %get3A_1562 = arith.constant 39 : index
    %get3A_1563 = memref.load %arg1[%get3A_1560, %get3A_1561, %get3A_1562] : memref<1x3x128xi32, #tpu.memory_space<smem>>
    %get3A_1564 = arith.constant 0 : index
    %get3A_1565 = arith.constant 1 : index
    %get3A_1566 = arith.constant 39 : index
    %get3A_1567 = memref.load %arg1[%get3A_1564, %get3A_1565, %get3A_1566] : memref<1x3x128xi32, #tpu.memory_space<smem>>
    %get3A_1568 = arith.constant 0 : index
    %get3A_1569 = arith.constant 2 : index
    %get3A_1570 = arith.constant 39 : index
    %get3A_1571 = memref.load %arg1[%get3A_1568, %get3A_1569, %get3A_1570] : memref<1x3x128xi32, #tpu.memory_space<smem>>
    %get3A_1572 = arith.constant 0 : index
    %get3A_1573 = arith.constant 0 : index
    %get3A_1574 = arith.constant 39 : index
    %get3A_1575 = memref.load %arg2[%get3A_1572, %get3A_1573, %get3A_1574] : memref<1x1x128xf32, #tpu.memory_space<smem>>
    %get3A_1576 = arith.index_cast %get3A_1563 : i32 to index
    %get3A_1577 = arith.constant 0 : index
    %get3A_1578 = vector.load %arg3[%get3A_1576, %get3A_1577] : memref<10240x128xf32, #tpu.memory_space<vmem>>, vector<1x64xf32>
    %get3A_1579 = arith.index_cast %get3A_1567 : i32 to index
    %get3A_1580 = arith.constant 64 : index
    %get3A_1581 = vector.load %arg3[%get3A_1579, %get3A_1580] : memref<10240x128xf32, #tpu.memory_space<vmem>>, vector<1x64xf32>
    %get3A_1582 = arith.index_cast %get3A_1571 : i32 to index
    %get3A_1583 = arith.constant 0 : index
    %get3A_1584 = vector.load %arg4[%get3A_1582, %get3A_1583] : memref<8x128xf32, #tpu.memory_space<vmem>>, vector<1x64xf32>
    %add3A_1585 = arith.addf %get3A_1578, %get3A_1581 : vector<1x64xf32>
    %add3A_1586 = arith.addf %add3A_1585, %get3A_1584 : vector<1x64xf32>
    %mul3A_1587 = vector.broadcast %get3A_1575 : f32 to vector<1x64xf32>
    %mul3A_1588 = arith.mulf %mul3A_1587, %get3A_3 : vector<1x64xf32>
    %add3A_1589 = arith.addf %add3A_1586, %mul3A_1588 : vector<1x64xf32>
    %max3A_1590 = arith.constant 0.000000e+00 : f32
    %max3A_1591 = vector.broadcast %max3A_1590 : f32 to vector<1x64xf32>
    %max3A_1592 = arith.maximumf %add3A_1589, %max3A_1591 : vector<1x64xf32>
    %get3A_1593 = arith.index_cast %get3A_1567 : i32 to index
    %get3A_1594 = arith.constant 0 : index
    %get3A_1595 = vector.load %arg5[%get3A_1593, %get3A_1594] : memref<10240x64xf32, #tpu.memory_space<vmem>>, vector<1x64xf32>
    %add3A_1596 = arith.addf %get3A_1595, %max3A_1592 : vector<1x64xf32>
    %swap3A_1597 = arith.index_cast %get3A_1567 : i32 to index
    %swap3A_1598 = arith.constant 0 : index
    %swap3A_1599 = vector.load %arg5[%swap3A_1597, %swap3A_1598] : memref<10240x64xf32, #tpu.memory_space<vmem>>, vector<1x64xf32>
    tpu.vector_store %arg5[%swap3A_1597, %swap3A_1598], %add3A_1596 {strides = array<i32>} : memref<10240x64xf32, #tpu.memory_space<vmem>>, vector<1x64xf32>,
    %get3A_1600 = arith.constant 0 : index
    %get3A_1601 = arith.constant 0 : index
    %get3A_1602 = arith.constant 40 : index
    %get3A_1603 = memref.load %arg1[%get3A_1600, %get3A_1601, %get3A_1602] : memref<1x3x128xi32, #tpu.memory_space<smem>>
    %get3A_1604 = arith.constant 0 : index
    %get3A_1605 = arith.constant 1 : index
    %get3A_1606 = arith.constant 40 : index
    %get3A_1607 = memref.load %arg1[%get3A_1604, %get3A_1605, %get3A_1606] : memref<1x3x128xi32, #tpu.memory_space<smem>>
    %get3A_1608 = arith.constant 0 : index
    %get3A_1609 = arith.constant 2 : index
    %get3A_1610 = arith.constant 40 : index
    %get3A_1611 = memref.load %arg1[%get3A_1608, %get3A_1609, %get3A_1610] : memref<1x3x128xi32, #tpu.memory_space<smem>>
    %get3A_1612 = arith.constant 0 : index
    %get3A_1613 = arith.constant 0 : index
    %get3A_1614 = arith.constant 40 : index
    %get3A_1615 = memref.load %arg2[%get3A_1612, %get3A_1613, %get3A_1614] : memref<1x1x128xf32, #tpu.memory_space<smem>>
    %get3A_1616 = arith.index_cast %get3A_1603 : i32 to index
    %get3A_1617 = arith.constant 0 : index
    %get3A_1618 = vector.load %arg3[%get3A_1616, %get3A_1617] : memref<10240x128xf32, #tpu.memory_space<vmem>>, vector<1x64xf32>
    %get3A_1619 = arith.index_cast %get3A_1607 : i32 to index
    %get3A_1620 = arith.constant 64 : index
    %get3A_1621 = vector.load %arg3[%get3A_1619, %get3A_1620] : memref<10240x128xf32, #tpu.memory_space<vmem>>, vector<1x64xf32>
    %get3A_1622 = arith.index_cast %get3A_1611 : i32 to index
    %get3A_1623 = arith.constant 0 : index
    %get3A_1624 = vector.load %arg4[%get3A_1622, %get3A_1623] : memref<8x128xf32, #tpu.memory_space<vmem>>, vector<1x64xf32>
    %add3A_1625 = arith.addf %get3A_1618, %get3A_1621 : vector<1x64xf32>
    %add3A_1626 = arith.addf %add3A_1625, %get3A_1624 : vector<1x64xf32>
    %mul3A_1627 = vector.broadcast %get3A_1615 : f32 to vector<1x64xf32>
    %mul3A_1628 = arith.mulf %mul3A_1627, %get3A_3 : vector<1x64xf32>
    %add3A_1629 = arith.addf %add3A_1626, %mul3A_1628 : vector<1x64xf32>
    %max3A_1630 = arith.constant 0.000000e+00 : f32
    %max3A_1631 = vector.broadcast %max3A_1630 : f32 to vector<1x64xf32>
    %max3A_1632 = arith.maximumf %add3A_1629, %max3A_1631 : vector<1x64xf32>
    %get3A_1633 = arith.index_cast %get3A_1607 : i32 to index
    %get3A_1634 = arith.constant 0 : index
    %get3A_1635 = vector.load %arg5[%get3A_1633, %get3A_1634] : memref<10240x64xf32, #tpu.memory_space<vmem>>, vector<1x64xf32>
    %add3A_1636 = arith.addf %get3A_1635, %max3A_1632 : vector<1x64xf32>
    %swap3A_1637 = arith.index_cast %get3A_1607 : i32 to index
    %swap3A_1638 = arith.constant 0 : index
    %swap3A_1639 = vector.load %arg5[%swap3A_1637, %swap3A_1638] : memref<10240x64xf32, #tpu.memory_space<vmem>>, vector<1x64xf32>
    tpu.vector_store %arg5[%swap3A_1637, %swap3A_1638], %add3A_1636 {strides = array<i32>} : memref<10240x64xf32, #tpu.memory_space<vmem>>, vector<1x64xf32>,
    %get3A_1640 = arith.constant 0 : index
    %get3A_1641 = arith.constant 0 : index
    %get3A_1642 = arith.constant 41 : index
    %get3A_1643 = memref.load %arg1[%get3A_1640, %get3A_1641, %get3A_1642] : memref<1x3x128xi32, #tpu.memory_space<smem>>
    %get3A_1644 = arith.constant 0 : index
    %get3A_1645 = arith.constant 1 : index
    %get3A_1646 = arith.constant 41 : index
    %get3A_1647 = memref.load %arg1[%get3A_1644, %get3A_1645, %get3A_1646] : memref<1x3x128xi32, #tpu.memory_space<smem>>
    %get3A_1648 = arith.constant 0 : index
    %get3A_1649 = arith.constant 2 : index
    %get3A_1650 = arith.constant 41 : index
    %get3A_1651 = memref.load %arg1[%get3A_1648, %get3A_1649, %get3A_1650] : memref<1x3x128xi32, #tpu.memory_space<smem>>
    %get3A_1652 = arith.constant 0 : index
    %get3A_1653 = arith.constant 0 : index
    %get3A_1654 = arith.constant 41 : index
    %get3A_1655 = memref.load %arg2[%get3A_1652, %get3A_1653, %get3A_1654] : memref<1x1x128xf32, #tpu.memory_space<smem>>
    %get3A_1656 = arith.index_cast %get3A_1643 : i32 to index
    %get3A_1657 = arith.constant 0 : index
    %get3A_1658 = vector.load %arg3[%get3A_1656, %get3A_1657] : memref<10240x128xf32, #tpu.memory_space<vmem>>, vector<1x64xf32>
    %get3A_1659 = arith.index_cast %get3A_1647 : i32 to index
    %get3A_1660 = arith.constant 64 : index
    %get3A_1661 = vector.load %arg3[%get3A_1659, %get3A_1660] : memref<10240x128xf32, #tpu.memory_space<vmem>>, vector<1x64xf32>
    %get3A_1662 = arith.index_cast %get3A_1651 : i32 to index
    %get3A_1663 = arith.constant 0 : index
    %get3A_1664 = vector.load %arg4[%get3A_1662, %get3A_1663] : memref<8x128xf32, #tpu.memory_space<vmem>>, vector<1x64xf32>
    %add3A_1665 = arith.addf %get3A_1658, %get3A_1661 : vector<1x64xf32>
    %add3A_1666 = arith.addf %add3A_1665, %get3A_1664 : vector<1x64xf32>
    %mul3A_1667 = vector.broadcast %get3A_1655 : f32 to vector<1x64xf32>
    %mul3A_1668 = arith.mulf %mul3A_1667, %get3A_3 : vector<1x64xf32>
    %add3A_1669 = arith.addf %add3A_1666, %mul3A_1668 : vector<1x64xf32>
    %max3A_1670 = arith.constant 0.000000e+00 : f32
    %max3A_1671 = vector.broadcast %max3A_1670 : f32 to vector<1x64xf32>
    %max3A_1672 = arith.maximumf %add3A_1669, %max3A_1671 : vector<1x64xf32>
    %get3A_1673 = arith.index_cast %get3A_1647 : i32 to index
    %get3A_1674 = arith.constant 0 : index
    %get3A_1675 = vector.load %arg5[%get3A_1673, %get3A_1674] : memref<10240x64xf32, #tpu.memory_space<vmem>>, vector<1x64xf32>
    %add3A_1676 = arith.addf %get3A_1675, %max3A_1672 : vector<1x64xf32>
    %swap3A_1677 = arith.index_cast %get3A_1647 : i32 to index
    %swap3A_1678 = arith.constant 0 : index
    %swap3A_1679 = vector.load %arg5[%swap3A_1677, %swap3A_1678] : memref<10240x64xf32, #tpu.memory_space<vmem>>, vector<1x64xf32>
    tpu.vector_store %arg5[%swap3A_1677, %swap3A_1678], %add3A_1676 {strides = array<i32>} : memref<10240x64xf32, #tpu.memory_space<vmem>>, vector<1x64xf32>,
    %get3A_1680 = arith.constant 0 : index
    %get3A_1681 = arith.constant 0 : index
    %get3A_1682 = arith.constant 42 : index
    %get3A_1683 = memref.load %arg1[%get3A_1680, %get3A_1681, %get3A_1682] : memref<1x3x128xi32, #tpu.memory_space<smem>>
    %get3A_1684 = arith.constant 0 : index
    %get3A_1685 = arith.constant 1 : index
    %get3A_1686 = arith.constant 42 : index
    %get3A_1687 = memref.load %arg1[%get3A_1684, %get3A_1685, %get3A_1686] : memref<1x3x128xi32, #tpu.memory_space<smem>>
    %get3A_1688 = arith.constant 0 : index
    %get3A_1689 = arith.constant 2 : index
    %get3A_1690 = arith.constant 42 : index
    %get3A_1691 = memref.load %arg1[%get3A_1688, %get3A_1689, %get3A_1690] : memref<1x3x128xi32, #tpu.memory_space<smem>>
    %get3A_1692 = arith.constant 0 : index
    %get3A_1693 = arith.constant 0 : index
    %get3A_1694 = arith.constant 42 : index
    %get3A_1695 = memref.load %arg2[%get3A_1692, %get3A_1693, %get3A_1694] : memref<1x1x128xf32, #tpu.memory_space<smem>>
    %get3A_1696 = arith.index_cast %get3A_1683 : i32 to index
    %get3A_1697 = arith.constant 0 : index
    %get3A_1698 = vector.load %arg3[%get3A_1696, %get3A_1697] : memref<10240x128xf32, #tpu.memory_space<vmem>>, vector<1x64xf32>
    %get3A_1699 = arith.index_cast %get3A_1687 : i32 to index
    %get3A_1700 = arith.constant 64 : index
    %get3A_1701 = vector.load %arg3[%get3A_1699, %get3A_1700] : memref<10240x128xf32, #tpu.memory_space<vmem>>, vector<1x64xf32>
    %get3A_1702 = arith.index_cast %get3A_1691 : i32 to index
    %get3A_1703 = arith.constant 0 : index
    %get3A_1704 = vector.load %arg4[%get3A_1702, %get3A_1703] : memref<8x128xf32, #tpu.memory_space<vmem>>, vector<1x64xf32>
    %add3A_1705 = arith.addf %get3A_1698, %get3A_1701 : vector<1x64xf32>
    %add3A_1706 = arith.addf %add3A_1705, %get3A_1704 : vector<1x64xf32>
    %mul3A_1707 = vector.broadcast %get3A_1695 : f32 to vector<1x64xf32>
    %mul3A_1708 = arith.mulf %mul3A_1707, %get3A_3 : vector<1x64xf32>
    %add3A_1709 = arith.addf %add3A_1706, %mul3A_1708 : vector<1x64xf32>
    %max3A_1710 = arith.constant 0.000000e+00 : f32
    %max3A_1711 = vector.broadcast %max3A_1710 : f32 to vector<1x64xf32>
    %max3A_1712 = arith.maximumf %add3A_1709, %max3A_1711 : vector<1x64xf32>
    %get3A_1713 = arith.index_cast %get3A_1687 : i32 to index
    %get3A_1714 = arith.constant 0 : index
    %get3A_1715 = vector.load %arg5[%get3A_1713, %get3A_1714] : memref<10240x64xf32, #tpu.memory_space<vmem>>, vector<1x64xf32>
    %add3A_1716 = arith.addf %get3A_1715, %max3A_1712 : vector<1x64xf32>
    %swap3A_1717 = arith.index_cast %get3A_1687 : i32 to index
    %swap3A_1718 = arith.constant 0 : index
    %swap3A_1719 = vector.load %arg5[%swap3A_1717, %swap3A_1718] : memref<10240x64xf32, #tpu.memory_space<vmem>>, vector<1x64xf32>
    tpu.vector_store %arg5[%swap3A_1717, %swap3A_1718], %add3A_1716 {strides = array<i32>} : memref<10240x64xf32, #tpu.memory_space<vmem>>, vector<1x64xf32>,
    %get3A_1720 = arith.constant 0 : index
    %get3A_1721 = arith.constant 0 : index
    %get3A_1722 = arith.constant 43 : index
    %get3A_1723 = memref.load %arg1[%get3A_1720, %get3A_1721, %get3A_1722] : memref<1x3x128xi32, #tpu.memory_space<smem>>
    %get3A_1724 = arith.constant 0 : index
    %get3A_1725 = arith.constant 1 : index
    %get3A_1726 = arith.constant 43 : index
    %get3A_1727 = memref.load %arg1[%get3A_1724, %get3A_1725, %get3A_1726] : memref<1x3x128xi32, #tpu.memory_space<smem>>
    %get3A_1728 = arith.constant 0 : index
    %get3A_1729 = arith.constant 2 : index
    %get3A_1730 = arith.constant 43 : index
    %get3A_1731 = memref.load %arg1[%get3A_1728, %get3A_1729, %get3A_1730] : memref<1x3x128xi32, #tpu.memory_space<smem>>
    %get3A_1732 = arith.constant 0 : index
    %get3A_1733 = arith.constant 0 : index
    %get3A_1734 = arith.constant 43 : index
    %get3A_1735 = memref.load %arg2[%get3A_1732, %get3A_1733, %get3A_1734] : memref<1x1x128xf32, #tpu.memory_space<smem>>
    %get3A_1736 = arith.index_cast %get3A_1723 : i32 to index
    %get3A_1737 = arith.constant 0 : index
    %get3A_1738 = vector.load %arg3[%get3A_1736, %get3A_1737] : memref<10240x128xf32, #tpu.memory_space<vmem>>, vector<1x64xf32>
    %get3A_1739 = arith.index_cast %get3A_1727 : i32 to index
    %get3A_1740 = arith.constant 64 : index
    %get3A_1741 = vector.load %arg3[%get3A_1739, %get3A_1740] : memref<10240x128xf32, #tpu.memory_space<vmem>>, vector<1x64xf32>
    %get3A_1742 = arith.index_cast %get3A_1731 : i32 to index
    %get3A_1743 = arith.constant 0 : index
    %get3A_1744 = vector.load %arg4[%get3A_1742, %get3A_1743] : memref<8x128xf32, #tpu.memory_space<vmem>>, vector<1x64xf32>
    %add3A_1745 = arith.addf %get3A_1738, %get3A_1741 : vector<1x64xf32>
    %add3A_1746 = arith.addf %add3A_1745, %get3A_1744 : vector<1x64xf32>
    %mul3A_1747 = vector.broadcast %get3A_1735 : f32 to vector<1x64xf32>
    %mul3A_1748 = arith.mulf %mul3A_1747, %get3A_3 : vector<1x64xf32>
    %add3A_1749 = arith.addf %add3A_1746, %mul3A_1748 : vector<1x64xf32>
    %max3A_1750 = arith.constant 0.000000e+00 : f32
    %max3A_1751 = vector.broadcast %max3A_1750 : f32 to vector<1x64xf32>
    %max3A_1752 = arith.maximumf %add3A_1749, %max3A_1751 : vector<1x64xf32>
    %get3A_1753 = arith.index_cast %get3A_1727 : i32 to index
    %get3A_1754 = arith.constant 0 : index
    %get3A_1755 = vector.load %arg5[%get3A_1753, %get3A_1754] : memref<10240x64xf32, #tpu.memory_space<vmem>>, vector<1x64xf32>
    %add3A_1756 = arith.addf %get3A_1755, %max3A_1752 : vector<1x64xf32>
    %swap3A_1757 = arith.index_cast %get3A_1727 : i32 to index
    %swap3A_1758 = arith.constant 0 : index
    %swap3A_1759 = vector.load %arg5[%swap3A_1757, %swap3A_1758] : memref<10240x64xf32, #tpu.memory_space<vmem>>, vector<1x64xf32>
    tpu.vector_store %arg5[%swap3A_1757, %swap3A_1758], %add3A_1756 {strides = array<i32>} : memref<10240x64xf32, #tpu.memory_space<vmem>>, vector<1x64xf32>,
    %get3A_1760 = arith.constant 0 : index
    %get3A_1761 = arith.constant 0 : index
    %get3A_1762 = arith.constant 44 : index
    %get3A_1763 = memref.load %arg1[%get3A_1760, %get3A_1761, %get3A_1762] : memref<1x3x128xi32, #tpu.memory_space<smem>>
    %get3A_1764 = arith.constant 0 : index
    %get3A_1765 = arith.constant 1 : index
    %get3A_1766 = arith.constant 44 : index
    %get3A_1767 = memref.load %arg1[%get3A_1764, %get3A_1765, %get3A_1766] : memref<1x3x128xi32, #tpu.memory_space<smem>>
    %get3A_1768 = arith.constant 0 : index
    %get3A_1769 = arith.constant 2 : index
    %get3A_1770 = arith.constant 44 : index
    %get3A_1771 = memref.load %arg1[%get3A_1768, %get3A_1769, %get3A_1770] : memref<1x3x128xi32, #tpu.memory_space<smem>>
    %get3A_1772 = arith.constant 0 : index
    %get3A_1773 = arith.constant 0 : index
    %get3A_1774 = arith.constant 44 : index
    %get3A_1775 = memref.load %arg2[%get3A_1772, %get3A_1773, %get3A_1774] : memref<1x1x128xf32, #tpu.memory_space<smem>>
    %get3A_1776 = arith.index_cast %get3A_1763 : i32 to index
    %get3A_1777 = arith.constant 0 : index
    %get3A_1778 = vector.load %arg3[%get3A_1776, %get3A_1777] : memref<10240x128xf32, #tpu.memory_space<vmem>>, vector<1x64xf32>
    %get3A_1779 = arith.index_cast %get3A_1767 : i32 to index
    %get3A_1780 = arith.constant 64 : index
    %get3A_1781 = vector.load %arg3[%get3A_1779, %get3A_1780] : memref<10240x128xf32, #tpu.memory_space<vmem>>, vector<1x64xf32>
    %get3A_1782 = arith.index_cast %get3A_1771 : i32 to index
    %get3A_1783 = arith.constant 0 : index
    %get3A_1784 = vector.load %arg4[%get3A_1782, %get3A_1783] : memref<8x128xf32, #tpu.memory_space<vmem>>, vector<1x64xf32>
    %add3A_1785 = arith.addf %get3A_1778, %get3A_1781 : vector<1x64xf32>
    %add3A_1786 = arith.addf %add3A_1785, %get3A_1784 : vector<1x64xf32>
    %mul3A_1787 = vector.broadcast %get3A_1775 : f32 to vector<1x64xf32>
    %mul3A_1788 = arith.mulf %mul3A_1787, %get3A_3 : vector<1x64xf32>
    %add3A_1789 = arith.addf %add3A_1786, %mul3A_1788 : vector<1x64xf32>
    %max3A_1790 = arith.constant 0.000000e+00 : f32
    %max3A_1791 = vector.broadcast %max3A_1790 : f32 to vector<1x64xf32>
    %max3A_1792 = arith.maximumf %add3A_1789, %max3A_1791 : vector<1x64xf32>
    %get3A_1793 = arith.index_cast %get3A_1767 : i32 to index
    %get3A_1794 = arith.constant 0 : index
    %get3A_1795 = vector.load %arg5[%get3A_1793, %get3A_1794] : memref<10240x64xf32, #tpu.memory_space<vmem>>, vector<1x64xf32>
    %add3A_1796 = arith.addf %get3A_1795, %max3A_1792 : vector<1x64xf32>
    %swap3A_1797 = arith.index_cast %get3A_1767 : i32 to index
    %swap3A_1798 = arith.constant 0 : index
    %swap3A_1799 = vector.load %arg5[%swap3A_1797, %swap3A_1798] : memref<10240x64xf32, #tpu.memory_space<vmem>>, vector<1x64xf32>
    tpu.vector_store %arg5[%swap3A_1797, %swap3A_1798], %add3A_1796 {strides = array<i32>} : memref<10240x64xf32, #tpu.memory_space<vmem>>, vector<1x64xf32>,
    %get3A_1800 = arith.constant 0 : index
    %get3A_1801 = arith.constant 0 : index
    %get3A_1802 = arith.constant 45 : index
    %get3A_1803 = memref.load %arg1[%get3A_1800, %get3A_1801, %get3A_1802] : memref<1x3x128xi32, #tpu.memory_space<smem>>
    %get3A_1804 = arith.constant 0 : index
    %get3A_1805 = arith.constant 1 : index
    %get3A_1806 = arith.constant 45 : index
    %get3A_1807 = memref.load %arg1[%get3A_1804, %get3A_1805, %get3A_1806] : memref<1x3x128xi32, #tpu.memory_space<smem>>
    %get3A_1808 = arith.constant 0 : index
    %get3A_1809 = arith.constant 2 : index
    %get3A_1810 = arith.constant 45 : index
    %get3A_1811 = memref.load %arg1[%get3A_1808, %get3A_1809, %get3A_1810] : memref<1x3x128xi32, #tpu.memory_space<smem>>
    %get3A_1812 = arith.constant 0 : index
    %get3A_1813 = arith.constant 0 : index
    %get3A_1814 = arith.constant 45 : index
    %get3A_1815 = memref.load %arg2[%get3A_1812, %get3A_1813, %get3A_1814] : memref<1x1x128xf32, #tpu.memory_space<smem>>
    %get3A_1816 = arith.index_cast %get3A_1803 : i32 to index
    %get3A_1817 = arith.constant 0 : index
    %get3A_1818 = vector.load %arg3[%get3A_1816, %get3A_1817] : memref<10240x128xf32, #tpu.memory_space<vmem>>, vector<1x64xf32>
    %get3A_1819 = arith.index_cast %get3A_1807 : i32 to index
    %get3A_1820 = arith.constant 64 : index
    %get3A_1821 = vector.load %arg3[%get3A_1819, %get3A_1820] : memref<10240x128xf32, #tpu.memory_space<vmem>>, vector<1x64xf32>
    %get3A_1822 = arith.index_cast %get3A_1811 : i32 to index
    %get3A_1823 = arith.constant 0 : index
    %get3A_1824 = vector.load %arg4[%get3A_1822, %get3A_1823] : memref<8x128xf32, #tpu.memory_space<vmem>>, vector<1x64xf32>
    %add3A_1825 = arith.addf %get3A_1818, %get3A_1821 : vector<1x64xf32>
    %add3A_1826 = arith.addf %add3A_1825, %get3A_1824 : vector<1x64xf32>
    %mul3A_1827 = vector.broadcast %get3A_1815 : f32 to vector<1x64xf32>
    %mul3A_1828 = arith.mulf %mul3A_1827, %get3A_3 : vector<1x64xf32>
    %add3A_1829 = arith.addf %add3A_1826, %mul3A_1828 : vector<1x64xf32>
    %max3A_1830 = arith.constant 0.000000e+00 : f32
    %max3A_1831 = vector.broadcast %max3A_1830 : f32 to vector<1x64xf32>
    %max3A_1832 = arith.maximumf %add3A_1829, %max3A_1831 : vector<1x64xf32>
    %get3A_1833 = arith.index_cast %get3A_1807 : i32 to index
    %get3A_1834 = arith.constant 0 : index
    %get3A_1835 = vector.load %arg5[%get3A_1833, %get3A_1834] : memref<10240x64xf32, #tpu.memory_space<vmem>>, vector<1x64xf32>
    %add3A_1836 = arith.addf %get3A_1835, %max3A_1832 : vector<1x64xf32>
    %swap3A_1837 = arith.index_cast %get3A_1807 : i32 to index
    %swap3A_1838 = arith.constant 0 : index
    %swap3A_1839 = vector.load %arg5[%swap3A_1837, %swap3A_1838] : memref<10240x64xf32, #tpu.memory_space<vmem>>, vector<1x64xf32>
    tpu.vector_store %arg5[%swap3A_1837, %swap3A_1838], %add3A_1836 {strides = array<i32>} : memref<10240x64xf32, #tpu.memory_space<vmem>>, vector<1x64xf32>,
    %get3A_1840 = arith.constant 0 : index
    %get3A_1841 = arith.constant 0 : index
    %get3A_1842 = arith.constant 46 : index
    %get3A_1843 = memref.load %arg1[%get3A_1840, %get3A_1841, %get3A_1842] : memref<1x3x128xi32, #tpu.memory_space<smem>>
    %get3A_1844 = arith.constant 0 : index
    %get3A_1845 = arith.constant 1 : index
    %get3A_1846 = arith.constant 46 : index
    %get3A_1847 = memref.load %arg1[%get3A_1844, %get3A_1845, %get3A_1846] : memref<1x3x128xi32, #tpu.memory_space<smem>>
    %get3A_1848 = arith.constant 0 : index
    %get3A_1849 = arith.constant 2 : index
    %get3A_1850 = arith.constant 46 : index
    %get3A_1851 = memref.load %arg1[%get3A_1848, %get3A_1849, %get3A_1850] : memref<1x3x128xi32, #tpu.memory_space<smem>>
    %get3A_1852 = arith.constant 0 : index
    %get3A_1853 = arith.constant 0 : index
    %get3A_1854 = arith.constant 46 : index
    %get3A_1855 = memref.load %arg2[%get3A_1852, %get3A_1853, %get3A_1854] : memref<1x1x128xf32, #tpu.memory_space<smem>>
    %get3A_1856 = arith.index_cast %get3A_1843 : i32 to index
    %get3A_1857 = arith.constant 0 : index
    %get3A_1858 = vector.load %arg3[%get3A_1856, %get3A_1857] : memref<10240x128xf32, #tpu.memory_space<vmem>>, vector<1x64xf32>
    %get3A_1859 = arith.index_cast %get3A_1847 : i32 to index
    %get3A_1860 = arith.constant 64 : index
    %get3A_1861 = vector.load %arg3[%get3A_1859, %get3A_1860] : memref<10240x128xf32, #tpu.memory_space<vmem>>, vector<1x64xf32>
    %get3A_1862 = arith.index_cast %get3A_1851 : i32 to index
    %get3A_1863 = arith.constant 0 : index
    %get3A_1864 = vector.load %arg4[%get3A_1862, %get3A_1863] : memref<8x128xf32, #tpu.memory_space<vmem>>, vector<1x64xf32>
    %add3A_1865 = arith.addf %get3A_1858, %get3A_1861 : vector<1x64xf32>
    %add3A_1866 = arith.addf %add3A_1865, %get3A_1864 : vector<1x64xf32>
    %mul3A_1867 = vector.broadcast %get3A_1855 : f32 to vector<1x64xf32>
    %mul3A_1868 = arith.mulf %mul3A_1867, %get3A_3 : vector<1x64xf32>
    %add3A_1869 = arith.addf %add3A_1866, %mul3A_1868 : vector<1x64xf32>
    %max3A_1870 = arith.constant 0.000000e+00 : f32
    %max3A_1871 = vector.broadcast %max3A_1870 : f32 to vector<1x64xf32>
    %max3A_1872 = arith.maximumf %add3A_1869, %max3A_1871 : vector<1x64xf32>
    %get3A_1873 = arith.index_cast %get3A_1847 : i32 to index
    %get3A_1874 = arith.constant 0 : index
    %get3A_1875 = vector.load %arg5[%get3A_1873, %get3A_1874] : memref<10240x64xf32, #tpu.memory_space<vmem>>, vector<1x64xf32>
    %add3A_1876 = arith.addf %get3A_1875, %max3A_1872 : vector<1x64xf32>
    %swap3A_1877 = arith.index_cast %get3A_1847 : i32 to index
    %swap3A_1878 = arith.constant 0 : index
    %swap3A_1879 = vector.load %arg5[%swap3A_1877, %swap3A_1878] : memref<10240x64xf32, #tpu.memory_space<vmem>>, vector<1x64xf32>
    tpu.vector_store %arg5[%swap3A_1877, %swap3A_1878], %add3A_1876 {strides = array<i32>} : memref<10240x64xf32, #tpu.memory_space<vmem>>, vector<1x64xf32>,
    %get3A_1880 = arith.constant 0 : index
    %get3A_1881 = arith.constant 0 : index
    %get3A_1882 = arith.constant 47 : index
    %get3A_1883 = memref.load %arg1[%get3A_1880, %get3A_1881, %get3A_1882] : memref<1x3x128xi32, #tpu.memory_space<smem>>
    %get3A_1884 = arith.constant 0 : index
    %get3A_1885 = arith.constant 1 : index
    %get3A_1886 = arith.constant 47 : index
    %get3A_1887 = memref.load %arg1[%get3A_1884, %get3A_1885, %get3A_1886] : memref<1x3x128xi32, #tpu.memory_space<smem>>
    %get3A_1888 = arith.constant 0 : index
    %get3A_1889 = arith.constant 2 : index
    %get3A_1890 = arith.constant 47 : index
    %get3A_1891 = memref.load %arg1[%get3A_1888, %get3A_1889, %get3A_1890] : memref<1x3x128xi32, #tpu.memory_space<smem>>
    %get3A_1892 = arith.constant 0 : index
    %get3A_1893 = arith.constant 0 : index
    %get3A_1894 = arith.constant 47 : index
    %get3A_1895 = memref.load %arg2[%get3A_1892, %get3A_1893, %get3A_1894] : memref<1x1x128xf32, #tpu.memory_space<smem>>
    %get3A_1896 = arith.index_cast %get3A_1883 : i32 to index
    %get3A_1897 = arith.constant 0 : index
    %get3A_1898 = vector.load %arg3[%get3A_1896, %get3A_1897] : memref<10240x128xf32, #tpu.memory_space<vmem>>, vector<1x64xf32>
    %get3A_1899 = arith.index_cast %get3A_1887 : i32 to index
    %get3A_1900 = arith.constant 64 : index
    %get3A_1901 = vector.load %arg3[%get3A_1899, %get3A_1900] : memref<10240x128xf32, #tpu.memory_space<vmem>>, vector<1x64xf32>
    %get3A_1902 = arith.index_cast %get3A_1891 : i32 to index
    %get3A_1903 = arith.constant 0 : index
    %get3A_1904 = vector.load %arg4[%get3A_1902, %get3A_1903] : memref<8x128xf32, #tpu.memory_space<vmem>>, vector<1x64xf32>
    %add3A_1905 = arith.addf %get3A_1898, %get3A_1901 : vector<1x64xf32>
    %add3A_1906 = arith.addf %add3A_1905, %get3A_1904 : vector<1x64xf32>
    %mul3A_1907 = vector.broadcast %get3A_1895 : f32 to vector<1x64xf32>
    %mul3A_1908 = arith.mulf %mul3A_1907, %get3A_3 : vector<1x64xf32>
    %add3A_1909 = arith.addf %add3A_1906, %mul3A_1908 : vector<1x64xf32>
    %max3A_1910 = arith.constant 0.000000e+00 : f32
    %max3A_1911 = vector.broadcast %max3A_1910 : f32 to vector<1x64xf32>
    %max3A_1912 = arith.maximumf %add3A_1909, %max3A_1911 : vector<1x64xf32>
    %get3A_1913 = arith.index_cast %get3A_1887 : i32 to index
    %get3A_1914 = arith.constant 0 : index
    %get3A_1915 = vector.load %arg5[%get3A_1913, %get3A_1914] : memref<10240x64xf32, #tpu.memory_space<vmem>>, vector<1x64xf32>
    %add3A_1916 = arith.addf %get3A_1915, %max3A_1912 : vector<1x64xf32>
    %swap3A_1917 = arith.index_cast %get3A_1887 : i32 to index
    %swap3A_1918 = arith.constant 0 : index
    %swap3A_1919 = vector.load %arg5[%swap3A_1917, %swap3A_1918] : memref<10240x64xf32, #tpu.memory_space<vmem>>, vector<1x64xf32>
    tpu.vector_store %arg5[%swap3A_1917, %swap3A_1918], %add3A_1916 {strides = array<i32>} : memref<10240x64xf32, #tpu.memory_space<vmem>>, vector<1x64xf32>,
    %get3A_1920 = arith.constant 0 : index
    %get3A_1921 = arith.constant 0 : index
    %get3A_1922 = arith.constant 48 : index
    %get3A_1923 = memref.load %arg1[%get3A_1920, %get3A_1921, %get3A_1922] : memref<1x3x128xi32, #tpu.memory_space<smem>>
    %get3A_1924 = arith.constant 0 : index
    %get3A_1925 = arith.constant 1 : index
    %get3A_1926 = arith.constant 48 : index
    %get3A_1927 = memref.load %arg1[%get3A_1924, %get3A_1925, %get3A_1926] : memref<1x3x128xi32, #tpu.memory_space<smem>>
    %get3A_1928 = arith.constant 0 : index
    %get3A_1929 = arith.constant 2 : index
    %get3A_1930 = arith.constant 48 : index
    %get3A_1931 = memref.load %arg1[%get3A_1928, %get3A_1929, %get3A_1930] : memref<1x3x128xi32, #tpu.memory_space<smem>>
    %get3A_1932 = arith.constant 0 : index
    %get3A_1933 = arith.constant 0 : index
    %get3A_1934 = arith.constant 48 : index
    %get3A_1935 = memref.load %arg2[%get3A_1932, %get3A_1933, %get3A_1934] : memref<1x1x128xf32, #tpu.memory_space<smem>>
    %get3A_1936 = arith.index_cast %get3A_1923 : i32 to index
    %get3A_1937 = arith.constant 0 : index
    %get3A_1938 = vector.load %arg3[%get3A_1936, %get3A_1937] : memref<10240x128xf32, #tpu.memory_space<vmem>>, vector<1x64xf32>
    %get3A_1939 = arith.index_cast %get3A_1927 : i32 to index
    %get3A_1940 = arith.constant 64 : index
    %get3A_1941 = vector.load %arg3[%get3A_1939, %get3A_1940] : memref<10240x128xf32, #tpu.memory_space<vmem>>, vector<1x64xf32>
    %get3A_1942 = arith.index_cast %get3A_1931 : i32 to index
    %get3A_1943 = arith.constant 0 : index
    %get3A_1944 = vector.load %arg4[%get3A_1942, %get3A_1943] : memref<8x128xf32, #tpu.memory_space<vmem>>, vector<1x64xf32>
    %add3A_1945 = arith.addf %get3A_1938, %get3A_1941 : vector<1x64xf32>
    %add3A_1946 = arith.addf %add3A_1945, %get3A_1944 : vector<1x64xf32>
    %mul3A_1947 = vector.broadcast %get3A_1935 : f32 to vector<1x64xf32>
    %mul3A_1948 = arith.mulf %mul3A_1947, %get3A_3 : vector<1x64xf32>
    %add3A_1949 = arith.addf %add3A_1946, %mul3A_1948 : vector<1x64xf32>
    %max3A_1950 = arith.constant 0.000000e+00 : f32
    %max3A_1951 = vector.broadcast %max3A_1950 : f32 to vector<1x64xf32>
    %max3A_1952 = arith.maximumf %add3A_1949, %max3A_1951 : vector<1x64xf32>
    %get3A_1953 = arith.index_cast %get3A_1927 : i32 to index
    %get3A_1954 = arith.constant 0 : index
    %get3A_1955 = vector.load %arg5[%get3A_1953, %get3A_1954] : memref<10240x64xf32, #tpu.memory_space<vmem>>, vector<1x64xf32>
    %add3A_1956 = arith.addf %get3A_1955, %max3A_1952 : vector<1x64xf32>
    %swap3A_1957 = arith.index_cast %get3A_1927 : i32 to index
    %swap3A_1958 = arith.constant 0 : index
    %swap3A_1959 = vector.load %arg5[%swap3A_1957, %swap3A_1958] : memref<10240x64xf32, #tpu.memory_space<vmem>>, vector<1x64xf32>
    tpu.vector_store %arg5[%swap3A_1957, %swap3A_1958], %add3A_1956 {strides = array<i32>} : memref<10240x64xf32, #tpu.memory_space<vmem>>, vector<1x64xf32>,
    %get3A_1960 = arith.constant 0 : index
    %get3A_1961 = arith.constant 0 : index
    %get3A_1962 = arith.constant 49 : index
    %get3A_1963 = memref.load %arg1[%get3A_1960, %get3A_1961, %get3A_1962] : memref<1x3x128xi32, #tpu.memory_space<smem>>
    %get3A_1964 = arith.constant 0 : index
    %get3A_1965 = arith.constant 1 : index
    %get3A_1966 = arith.constant 49 : index
    %get3A_1967 = memref.load %arg1[%get3A_1964, %get3A_1965, %get3A_1966] : memref<1x3x128xi32, #tpu.memory_space<smem>>
    %get3A_1968 = arith.constant 0 : index
    %get3A_1969 = arith.constant 2 : index
    %get3A_1970 = arith.constant 49 : index
    %get3A_1971 = memref.load %arg1[%get3A_1968, %get3A_1969, %get3A_1970] : memref<1x3x128xi32, #tpu.memory_space<smem>>
    %get3A_1972 = arith.constant 0 : index
    %get3A_1973 = arith.constant 0 : index
    %get3A_1974 = arith.constant 49 : index
    %get3A_1975 = memref.load %arg2[%get3A_1972, %get3A_1973, %get3A_1974] : memref<1x1x128xf32, #tpu.memory_space<smem>>
    %get3A_1976 = arith.index_cast %get3A_1963 : i32 to index
    %get3A_1977 = arith.constant 0 : index
    %get3A_1978 = vector.load %arg3[%get3A_1976, %get3A_1977] : memref<10240x128xf32, #tpu.memory_space<vmem>>, vector<1x64xf32>
    %get3A_1979 = arith.index_cast %get3A_1967 : i32 to index
    %get3A_1980 = arith.constant 64 : index
    %get3A_1981 = vector.load %arg3[%get3A_1979, %get3A_1980] : memref<10240x128xf32, #tpu.memory_space<vmem>>, vector<1x64xf32>
    %get3A_1982 = arith.index_cast %get3A_1971 : i32 to index
    %get3A_1983 = arith.constant 0 : index
    %get3A_1984 = vector.load %arg4[%get3A_1982, %get3A_1983] : memref<8x128xf32, #tpu.memory_space<vmem>>, vector<1x64xf32>
    %add3A_1985 = arith.addf %get3A_1978, %get3A_1981 : vector<1x64xf32>
    %add3A_1986 = arith.addf %add3A_1985, %get3A_1984 : vector<1x64xf32>
    %mul3A_1987 = vector.broadcast %get3A_1975 : f32 to vector<1x64xf32>
    %mul3A_1988 = arith.mulf %mul3A_1987, %get3A_3 : vector<1x64xf32>
    %add3A_1989 = arith.addf %add3A_1986, %mul3A_1988 : vector<1x64xf32>
    %max3A_1990 = arith.constant 0.000000e+00 : f32
    %max3A_1991 = vector.broadcast %max3A_1990 : f32 to vector<1x64xf32>
    %max3A_1992 = arith.maximumf %add3A_1989, %max3A_1991 : vector<1x64xf32>
    %get3A_1993 = arith.index_cast %get3A_1967 : i32 to index
    %get3A_1994 = arith.constant 0 : index
    %get3A_1995 = vector.load %arg5[%get3A_1993, %get3A_1994] : memref<10240x64xf32, #tpu.memory_space<vmem>>, vector<1x64xf32>
    %add3A_1996 = arith.addf %get3A_1995, %max3A_1992 : vector<1x64xf32>
    %swap3A_1997 = arith.index_cast %get3A_1967 : i32 to index
    %swap3A_1998 = arith.constant 0 : index
    %swap3A_1999 = vector.load %arg5[%swap3A_1997, %swap3A_1998] : memref<10240x64xf32, #tpu.memory_space<vmem>>, vector<1x64xf32>
    tpu.vector_store %arg5[%swap3A_1997, %swap3A_1998], %add3A_1996 {strides = array<i32>} : memref<10240x64xf32, #tpu.memory_space<vmem>>, vector<1x64xf32>,
    %get3A_2000 = arith.constant 0 : index
    %get3A_2001 = arith.constant 0 : index
    %get3A_2002 = arith.constant 50 : index
    %get3A_2003 = memref.load %arg1[%get3A_2000, %get3A_2001, %get3A_2002] : memref<1x3x128xi32, #tpu.memory_space<smem>>
    %get3A_2004 = arith.constant 0 : index
    %get3A_2005 = arith.constant 1 : index
    %get3A_2006 = arith.constant 50 : index
    %get3A_2007 = memref.load %arg1[%get3A_2004, %get3A_2005, %get3A_2006] : memref<1x3x128xi32, #tpu.memory_space<smem>>
    %get3A_2008 = arith.constant 0 : index
    %get3A_2009 = arith.constant 2 : index
    %get3A_2010 = arith.constant 50 : index
    %get3A_2011 = memref.load %arg1[%get3A_2008, %get3A_2009, %get3A_2010] : memref<1x3x128xi32, #tpu.memory_space<smem>>
    %get3A_2012 = arith.constant 0 : index
    %get3A_2013 = arith.constant 0 : index
    %get3A_2014 = arith.constant 50 : index
    %get3A_2015 = memref.load %arg2[%get3A_2012, %get3A_2013, %get3A_2014] : memref<1x1x128xf32, #tpu.memory_space<smem>>
    %get3A_2016 = arith.index_cast %get3A_2003 : i32 to index
    %get3A_2017 = arith.constant 0 : index
    %get3A_2018 = vector.load %arg3[%get3A_2016, %get3A_2017] : memref<10240x128xf32, #tpu.memory_space<vmem>>, vector<1x64xf32>
    %get3A_2019 = arith.index_cast %get3A_2007 : i32 to index
    %get3A_2020 = arith.constant 64 : index
    %get3A_2021 = vector.load %arg3[%get3A_2019, %get3A_2020] : memref<10240x128xf32, #tpu.memory_space<vmem>>, vector<1x64xf32>
    %get3A_2022 = arith.index_cast %get3A_2011 : i32 to index
    %get3A_2023 = arith.constant 0 : index
    %get3A_2024 = vector.load %arg4[%get3A_2022, %get3A_2023] : memref<8x128xf32, #tpu.memory_space<vmem>>, vector<1x64xf32>
    %add3A_2025 = arith.addf %get3A_2018, %get3A_2021 : vector<1x64xf32>
    %add3A_2026 = arith.addf %add3A_2025, %get3A_2024 : vector<1x64xf32>
    %mul3A_2027 = vector.broadcast %get3A_2015 : f32 to vector<1x64xf32>
    %mul3A_2028 = arith.mulf %mul3A_2027, %get3A_3 : vector<1x64xf32>
    %add3A_2029 = arith.addf %add3A_2026, %mul3A_2028 : vector<1x64xf32>
    %max3A_2030 = arith.constant 0.000000e+00 : f32
    %max3A_2031 = vector.broadcast %max3A_2030 : f32 to vector<1x64xf32>
    %max3A_2032 = arith.maximumf %add3A_2029, %max3A_2031 : vector<1x64xf32>
    %get3A_2033 = arith.index_cast %get3A_2007 : i32 to index
    %get3A_2034 = arith.constant 0 : index
    %get3A_2035 = vector.load %arg5[%get3A_2033, %get3A_2034] : memref<10240x64xf32, #tpu.memory_space<vmem>>, vector<1x64xf32>
    %add3A_2036 = arith.addf %get3A_2035, %max3A_2032 : vector<1x64xf32>
    %swap3A_2037 = arith.index_cast %get3A_2007 : i32 to index
    %swap3A_2038 = arith.constant 0 : index
    %swap3A_2039 = vector.load %arg5[%swap3A_2037, %swap3A_2038] : memref<10240x64xf32, #tpu.memory_space<vmem>>, vector<1x64xf32>
    tpu.vector_store %arg5[%swap3A_2037, %swap3A_2038], %add3A_2036 {strides = array<i32>} : memref<10240x64xf32, #tpu.memory_space<vmem>>, vector<1x64xf32>,
    %get3A_2040 = arith.constant 0 : index
    %get3A_2041 = arith.constant 0 : index
    %get3A_2042 = arith.constant 51 : index
    %get3A_2043 = memref.load %arg1[%get3A_2040, %get3A_2041, %get3A_2042] : memref<1x3x128xi32, #tpu.memory_space<smem>>
    %get3A_2044 = arith.constant 0 : index
    %get3A_2045 = arith.constant 1 : index
    %get3A_2046 = arith.constant 51 : index
    %get3A_2047 = memref.load %arg1[%get3A_2044, %get3A_2045, %get3A_2046] : memref<1x3x128xi32, #tpu.memory_space<smem>>
    %get3A_2048 = arith.constant 0 : index
    %get3A_2049 = arith.constant 2 : index
    %get3A_2050 = arith.constant 51 : index
    %get3A_2051 = memref.load %arg1[%get3A_2048, %get3A_2049, %get3A_2050] : memref<1x3x128xi32, #tpu.memory_space<smem>>
    %get3A_2052 = arith.constant 0 : index
    %get3A_2053 = arith.constant 0 : index
    %get3A_2054 = arith.constant 51 : index
    %get3A_2055 = memref.load %arg2[%get3A_2052, %get3A_2053, %get3A_2054] : memref<1x1x128xf32, #tpu.memory_space<smem>>
    %get3A_2056 = arith.index_cast %get3A_2043 : i32 to index
    %get3A_2057 = arith.constant 0 : index
    %get3A_2058 = vector.load %arg3[%get3A_2056, %get3A_2057] : memref<10240x128xf32, #tpu.memory_space<vmem>>, vector<1x64xf32>
    %get3A_2059 = arith.index_cast %get3A_2047 : i32 to index
    %get3A_2060 = arith.constant 64 : index
    %get3A_2061 = vector.load %arg3[%get3A_2059, %get3A_2060] : memref<10240x128xf32, #tpu.memory_space<vmem>>, vector<1x64xf32>
    %get3A_2062 = arith.index_cast %get3A_2051 : i32 to index
    %get3A_2063 = arith.constant 0 : index
    %get3A_2064 = vector.load %arg4[%get3A_2062, %get3A_2063] : memref<8x128xf32, #tpu.memory_space<vmem>>, vector<1x64xf32>
    %add3A_2065 = arith.addf %get3A_2058, %get3A_2061 : vector<1x64xf32>
    %add3A_2066 = arith.addf %add3A_2065, %get3A_2064 : vector<1x64xf32>
    %mul3A_2067 = vector.broadcast %get3A_2055 : f32 to vector<1x64xf32>
    %mul3A_2068 = arith.mulf %mul3A_2067, %get3A_3 : vector<1x64xf32>
    %add3A_2069 = arith.addf %add3A_2066, %mul3A_2068 : vector<1x64xf32>
    %max3A_2070 = arith.constant 0.000000e+00 : f32
    %max3A_2071 = vector.broadcast %max3A_2070 : f32 to vector<1x64xf32>
    %max3A_2072 = arith.maximumf %add3A_2069, %max3A_2071 : vector<1x64xf32>
    %get3A_2073 = arith.index_cast %get3A_2047 : i32 to index
    %get3A_2074 = arith.constant 0 : index
    %get3A_2075 = vector.load %arg5[%get3A_2073, %get3A_2074] : memref<10240x64xf32, #tpu.memory_space<vmem>>, vector<1x64xf32>
    %add3A_2076 = arith.addf %get3A_2075, %max3A_2072 : vector<1x64xf32>
    %swap3A_2077 = arith.index_cast %get3A_2047 : i32 to index
    %swap3A_2078 = arith.constant 0 : index
    %swap3A_2079 = vector.load %arg5[%swap3A_2077, %swap3A_2078] : memref<10240x64xf32, #tpu.memory_space<vmem>>, vector<1x64xf32>
    tpu.vector_store %arg5[%swap3A_2077, %swap3A_2078], %add3A_2076 {strides = array<i32>} : memref<10240x64xf32, #tpu.memory_space<vmem>>, vector<1x64xf32>,
    %get3A_2080 = arith.constant 0 : index
    %get3A_2081 = arith.constant 0 : index
    %get3A_2082 = arith.constant 52 : index
    %get3A_2083 = memref.load %arg1[%get3A_2080, %get3A_2081, %get3A_2082] : memref<1x3x128xi32, #tpu.memory_space<smem>>
    %get3A_2084 = arith.constant 0 : index
    %get3A_2085 = arith.constant 1 : index
    %get3A_2086 = arith.constant 52 : index
    %get3A_2087 = memref.load %arg1[%get3A_2084, %get3A_2085, %get3A_2086] : memref<1x3x128xi32, #tpu.memory_space<smem>>
    %get3A_2088 = arith.constant 0 : index
    %get3A_2089 = arith.constant 2 : index
    %get3A_2090 = arith.constant 52 : index
    %get3A_2091 = memref.load %arg1[%get3A_2088, %get3A_2089, %get3A_2090] : memref<1x3x128xi32, #tpu.memory_space<smem>>
    %get3A_2092 = arith.constant 0 : index
    %get3A_2093 = arith.constant 0 : index
    %get3A_2094 = arith.constant 52 : index
    %get3A_2095 = memref.load %arg2[%get3A_2092, %get3A_2093, %get3A_2094] : memref<1x1x128xf32, #tpu.memory_space<smem>>
    %get3A_2096 = arith.index_cast %get3A_2083 : i32 to index
    %get3A_2097 = arith.constant 0 : index
    %get3A_2098 = vector.load %arg3[%get3A_2096, %get3A_2097] : memref<10240x128xf32, #tpu.memory_space<vmem>>, vector<1x64xf32>
    %get3A_2099 = arith.index_cast %get3A_2087 : i32 to index
    %get3A_2100 = arith.constant 64 : index
    %get3A_2101 = vector.load %arg3[%get3A_2099, %get3A_2100] : memref<10240x128xf32, #tpu.memory_space<vmem>>, vector<1x64xf32>
    %get3A_2102 = arith.index_cast %get3A_2091 : i32 to index
    %get3A_2103 = arith.constant 0 : index
    %get3A_2104 = vector.load %arg4[%get3A_2102, %get3A_2103] : memref<8x128xf32, #tpu.memory_space<vmem>>, vector<1x64xf32>
    %add3A_2105 = arith.addf %get3A_2098, %get3A_2101 : vector<1x64xf32>
    %add3A_2106 = arith.addf %add3A_2105, %get3A_2104 : vector<1x64xf32>
    %mul3A_2107 = vector.broadcast %get3A_2095 : f32 to vector<1x64xf32>
    %mul3A_2108 = arith.mulf %mul3A_2107, %get3A_3 : vector<1x64xf32>
    %add3A_2109 = arith.addf %add3A_2106, %mul3A_2108 : vector<1x64xf32>
    %max3A_2110 = arith.constant 0.000000e+00 : f32
    %max3A_2111 = vector.broadcast %max3A_2110 : f32 to vector<1x64xf32>
    %max3A_2112 = arith.maximumf %add3A_2109, %max3A_2111 : vector<1x64xf32>
    %get3A_2113 = arith.index_cast %get3A_2087 : i32 to index
    %get3A_2114 = arith.constant 0 : index
    %get3A_2115 = vector.load %arg5[%get3A_2113, %get3A_2114] : memref<10240x64xf32, #tpu.memory_space<vmem>>, vector<1x64xf32>
    %add3A_2116 = arith.addf %get3A_2115, %max3A_2112 : vector<1x64xf32>
    %swap3A_2117 = arith.index_cast %get3A_2087 : i32 to index
    %swap3A_2118 = arith.constant 0 : index
    %swap3A_2119 = vector.load %arg5[%swap3A_2117, %swap3A_2118] : memref<10240x64xf32, #tpu.memory_space<vmem>>, vector<1x64xf32>
    tpu.vector_store %arg5[%swap3A_2117, %swap3A_2118], %add3A_2116 {strides = array<i32>} : memref<10240x64xf32, #tpu.memory_space<vmem>>, vector<1x64xf32>,
    %get3A_2120 = arith.constant 0 : index
    %get3A_2121 = arith.constant 0 : index
    %get3A_2122 = arith.constant 53 : index
    %get3A_2123 = memref.load %arg1[%get3A_2120, %get3A_2121, %get3A_2122] : memref<1x3x128xi32, #tpu.memory_space<smem>>
    %get3A_2124 = arith.constant 0 : index
    %get3A_2125 = arith.constant 1 : index
    %get3A_2126 = arith.constant 53 : index
    %get3A_2127 = memref.load %arg1[%get3A_2124, %get3A_2125, %get3A_2126] : memref<1x3x128xi32, #tpu.memory_space<smem>>
    %get3A_2128 = arith.constant 0 : index
    %get3A_2129 = arith.constant 2 : index
    %get3A_2130 = arith.constant 53 : index
    %get3A_2131 = memref.load %arg1[%get3A_2128, %get3A_2129, %get3A_2130] : memref<1x3x128xi32, #tpu.memory_space<smem>>
    %get3A_2132 = arith.constant 0 : index
    %get3A_2133 = arith.constant 0 : index
    %get3A_2134 = arith.constant 53 : index
    %get3A_2135 = memref.load %arg2[%get3A_2132, %get3A_2133, %get3A_2134] : memref<1x1x128xf32, #tpu.memory_space<smem>>
    %get3A_2136 = arith.index_cast %get3A_2123 : i32 to index
    %get3A_2137 = arith.constant 0 : index
    %get3A_2138 = vector.load %arg3[%get3A_2136, %get3A_2137] : memref<10240x128xf32, #tpu.memory_space<vmem>>, vector<1x64xf32>
    %get3A_2139 = arith.index_cast %get3A_2127 : i32 to index
    %get3A_2140 = arith.constant 64 : index
    %get3A_2141 = vector.load %arg3[%get3A_2139, %get3A_2140] : memref<10240x128xf32, #tpu.memory_space<vmem>>, vector<1x64xf32>
    %get3A_2142 = arith.index_cast %get3A_2131 : i32 to index
    %get3A_2143 = arith.constant 0 : index
    %get3A_2144 = vector.load %arg4[%get3A_2142, %get3A_2143] : memref<8x128xf32, #tpu.memory_space<vmem>>, vector<1x64xf32>
    %add3A_2145 = arith.addf %get3A_2138, %get3A_2141 : vector<1x64xf32>
    %add3A_2146 = arith.addf %add3A_2145, %get3A_2144 : vector<1x64xf32>
    %mul3A_2147 = vector.broadcast %get3A_2135 : f32 to vector<1x64xf32>
    %mul3A_2148 = arith.mulf %mul3A_2147, %get3A_3 : vector<1x64xf32>
    %add3A_2149 = arith.addf %add3A_2146, %mul3A_2148 : vector<1x64xf32>
    %max3A_2150 = arith.constant 0.000000e+00 : f32
    %max3A_2151 = vector.broadcast %max3A_2150 : f32 to vector<1x64xf32>
    %max3A_2152 = arith.maximumf %add3A_2149, %max3A_2151 : vector<1x64xf32>
    %get3A_2153 = arith.index_cast %get3A_2127 : i32 to index
    %get3A_2154 = arith.constant 0 : index
    %get3A_2155 = vector.load %arg5[%get3A_2153, %get3A_2154] : memref<10240x64xf32, #tpu.memory_space<vmem>>, vector<1x64xf32>
    %add3A_2156 = arith.addf %get3A_2155, %max3A_2152 : vector<1x64xf32>
    %swap3A_2157 = arith.index_cast %get3A_2127 : i32 to index
    %swap3A_2158 = arith.constant 0 : index
    %swap3A_2159 = vector.load %arg5[%swap3A_2157, %swap3A_2158] : memref<10240x64xf32, #tpu.memory_space<vmem>>, vector<1x64xf32>
    tpu.vector_store %arg5[%swap3A_2157, %swap3A_2158], %add3A_2156 {strides = array<i32>} : memref<10240x64xf32, #tpu.memory_space<vmem>>, vector<1x64xf32>,
    %get3A_2160 = arith.constant 0 : index
    %get3A_2161 = arith.constant 0 : index
    %get3A_2162 = arith.constant 54 : index
    %get3A_2163 = memref.load %arg1[%get3A_2160, %get3A_2161, %get3A_2162] : memref<1x3x128xi32, #tpu.memory_space<smem>>
    %get3A_2164 = arith.constant 0 : index
    %get3A_2165 = arith.constant 1 : index
    %get3A_2166 = arith.constant 54 : index
    %get3A_2167 = memref.load %arg1[%get3A_2164, %get3A_2165, %get3A_2166] : memref<1x3x128xi32, #tpu.memory_space<smem>>
    %get3A_2168 = arith.constant 0 : index
    %get3A_2169 = arith.constant 2 : index
    %get3A_2170 = arith.constant 54 : index
    %get3A_2171 = memref.load %arg1[%get3A_2168, %get3A_2169, %get3A_2170] : memref<1x3x128xi32, #tpu.memory_space<smem>>
    %get3A_2172 = arith.constant 0 : index
    %get3A_2173 = arith.constant 0 : index
    %get3A_2174 = arith.constant 54 : index
    %get3A_2175 = memref.load %arg2[%get3A_2172, %get3A_2173, %get3A_2174] : memref<1x1x128xf32, #tpu.memory_space<smem>>
    %get3A_2176 = arith.index_cast %get3A_2163 : i32 to index
    %get3A_2177 = arith.constant 0 : index
    %get3A_2178 = vector.load %arg3[%get3A_2176, %get3A_2177] : memref<10240x128xf32, #tpu.memory_space<vmem>>, vector<1x64xf32>
    %get3A_2179 = arith.index_cast %get3A_2167 : i32 to index
    %get3A_2180 = arith.constant 64 : index
    %get3A_2181 = vector.load %arg3[%get3A_2179, %get3A_2180] : memref<10240x128xf32, #tpu.memory_space<vmem>>, vector<1x64xf32>
    %get3A_2182 = arith.index_cast %get3A_2171 : i32 to index
    %get3A_2183 = arith.constant 0 : index
    %get3A_2184 = vector.load %arg4[%get3A_2182, %get3A_2183] : memref<8x128xf32, #tpu.memory_space<vmem>>, vector<1x64xf32>
    %add3A_2185 = arith.addf %get3A_2178, %get3A_2181 : vector<1x64xf32>
    %add3A_2186 = arith.addf %add3A_2185, %get3A_2184 : vector<1x64xf32>
    %mul3A_2187 = vector.broadcast %get3A_2175 : f32 to vector<1x64xf32>
    %mul3A_2188 = arith.mulf %mul3A_2187, %get3A_3 : vector<1x64xf32>
    %add3A_2189 = arith.addf %add3A_2186, %mul3A_2188 : vector<1x64xf32>
    %max3A_2190 = arith.constant 0.000000e+00 : f32
    %max3A_2191 = vector.broadcast %max3A_2190 : f32 to vector<1x64xf32>
    %max3A_2192 = arith.maximumf %add3A_2189, %max3A_2191 : vector<1x64xf32>
    %get3A_2193 = arith.index_cast %get3A_2167 : i32 to index
    %get3A_2194 = arith.constant 0 : index
    %get3A_2195 = vector.load %arg5[%get3A_2193, %get3A_2194] : memref<10240x64xf32, #tpu.memory_space<vmem>>, vector<1x64xf32>
    %add3A_2196 = arith.addf %get3A_2195, %max3A_2192 : vector<1x64xf32>
    %swap3A_2197 = arith.index_cast %get3A_2167 : i32 to index
    %swap3A_2198 = arith.constant 0 : index
    %swap3A_2199 = vector.load %arg5[%swap3A_2197, %swap3A_2198] : memref<10240x64xf32, #tpu.memory_space<vmem>>, vector<1x64xf32>
    tpu.vector_store %arg5[%swap3A_2197, %swap3A_2198], %add3A_2196 {strides = array<i32>} : memref<10240x64xf32, #tpu.memory_space<vmem>>, vector<1x64xf32>,
    %get3A_2200 = arith.constant 0 : index
    %get3A_2201 = arith.constant 0 : index
    %get3A_2202 = arith.constant 55 : index
    %get3A_2203 = memref.load %arg1[%get3A_2200, %get3A_2201, %get3A_2202] : memref<1x3x128xi32, #tpu.memory_space<smem>>
    %get3A_2204 = arith.constant 0 : index
    %get3A_2205 = arith.constant 1 : index
    %get3A_2206 = arith.constant 55 : index
    %get3A_2207 = memref.load %arg1[%get3A_2204, %get3A_2205, %get3A_2206] : memref<1x3x128xi32, #tpu.memory_space<smem>>
    %get3A_2208 = arith.constant 0 : index
    %get3A_2209 = arith.constant 2 : index
    %get3A_2210 = arith.constant 55 : index
    %get3A_2211 = memref.load %arg1[%get3A_2208, %get3A_2209, %get3A_2210] : memref<1x3x128xi32, #tpu.memory_space<smem>>
    %get3A_2212 = arith.constant 0 : index
    %get3A_2213 = arith.constant 0 : index
    %get3A_2214 = arith.constant 55 : index
    %get3A_2215 = memref.load %arg2[%get3A_2212, %get3A_2213, %get3A_2214] : memref<1x1x128xf32, #tpu.memory_space<smem>>
    %get3A_2216 = arith.index_cast %get3A_2203 : i32 to index
    %get3A_2217 = arith.constant 0 : index
    %get3A_2218 = vector.load %arg3[%get3A_2216, %get3A_2217] : memref<10240x128xf32, #tpu.memory_space<vmem>>, vector<1x64xf32>
    %get3A_2219 = arith.index_cast %get3A_2207 : i32 to index
    %get3A_2220 = arith.constant 64 : index
    %get3A_2221 = vector.load %arg3[%get3A_2219, %get3A_2220] : memref<10240x128xf32, #tpu.memory_space<vmem>>, vector<1x64xf32>
    %get3A_2222 = arith.index_cast %get3A_2211 : i32 to index
    %get3A_2223 = arith.constant 0 : index
    %get3A_2224 = vector.load %arg4[%get3A_2222, %get3A_2223] : memref<8x128xf32, #tpu.memory_space<vmem>>, vector<1x64xf32>
    %add3A_2225 = arith.addf %get3A_2218, %get3A_2221 : vector<1x64xf32>
    %add3A_2226 = arith.addf %add3A_2225, %get3A_2224 : vector<1x64xf32>
    %mul3A_2227 = vector.broadcast %get3A_2215 : f32 to vector<1x64xf32>
    %mul3A_2228 = arith.mulf %mul3A_2227, %get3A_3 : vector<1x64xf32>
    %add3A_2229 = arith.addf %add3A_2226, %mul3A_2228 : vector<1x64xf32>
    %max3A_2230 = arith.constant 0.000000e+00 : f32
    %max3A_2231 = vector.broadcast %max3A_2230 : f32 to vector<1x64xf32>
    %max3A_2232 = arith.maximumf %add3A_2229, %max3A_2231 : vector<1x64xf32>
    %get3A_2233 = arith.index_cast %get3A_2207 : i32 to index
    %get3A_2234 = arith.constant 0 : index
    %get3A_2235 = vector.load %arg5[%get3A_2233, %get3A_2234] : memref<10240x64xf32, #tpu.memory_space<vmem>>, vector<1x64xf32>
    %add3A_2236 = arith.addf %get3A_2235, %max3A_2232 : vector<1x64xf32>
    %swap3A_2237 = arith.index_cast %get3A_2207 : i32 to index
    %swap3A_2238 = arith.constant 0 : index
    %swap3A_2239 = vector.load %arg5[%swap3A_2237, %swap3A_2238] : memref<10240x64xf32, #tpu.memory_space<vmem>>, vector<1x64xf32>
    tpu.vector_store %arg5[%swap3A_2237, %swap3A_2238], %add3A_2236 {strides = array<i32>} : memref<10240x64xf32, #tpu.memory_space<vmem>>, vector<1x64xf32>,
    %get3A_2240 = arith.constant 0 : index
    %get3A_2241 = arith.constant 0 : index
    %get3A_2242 = arith.constant 56 : index
    %get3A_2243 = memref.load %arg1[%get3A_2240, %get3A_2241, %get3A_2242] : memref<1x3x128xi32, #tpu.memory_space<smem>>
    %get3A_2244 = arith.constant 0 : index
    %get3A_2245 = arith.constant 1 : index
    %get3A_2246 = arith.constant 56 : index
    %get3A_2247 = memref.load %arg1[%get3A_2244, %get3A_2245, %get3A_2246] : memref<1x3x128xi32, #tpu.memory_space<smem>>
    %get3A_2248 = arith.constant 0 : index
    %get3A_2249 = arith.constant 2 : index
    %get3A_2250 = arith.constant 56 : index
    %get3A_2251 = memref.load %arg1[%get3A_2248, %get3A_2249, %get3A_2250] : memref<1x3x128xi32, #tpu.memory_space<smem>>
    %get3A_2252 = arith.constant 0 : index
    %get3A_2253 = arith.constant 0 : index
    %get3A_2254 = arith.constant 56 : index
    %get3A_2255 = memref.load %arg2[%get3A_2252, %get3A_2253, %get3A_2254] : memref<1x1x128xf32, #tpu.memory_space<smem>>
    %get3A_2256 = arith.index_cast %get3A_2243 : i32 to index
    %get3A_2257 = arith.constant 0 : index
    %get3A_2258 = vector.load %arg3[%get3A_2256, %get3A_2257] : memref<10240x128xf32, #tpu.memory_space<vmem>>, vector<1x64xf32>
    %get3A_2259 = arith.index_cast %get3A_2247 : i32 to index
    %get3A_2260 = arith.constant 64 : index
    %get3A_2261 = vector.load %arg3[%get3A_2259, %get3A_2260] : memref<10240x128xf32, #tpu.memory_space<vmem>>, vector<1x64xf32>
    %get3A_2262 = arith.index_cast %get3A_2251 : i32 to index
    %get3A_2263 = arith.constant 0 : index
    %get3A_2264 = vector.load %arg4[%get3A_2262, %get3A_2263] : memref<8x128xf32, #tpu.memory_space<vmem>>, vector<1x64xf32>
    %add3A_2265 = arith.addf %get3A_2258, %get3A_2261 : vector<1x64xf32>
    %add3A_2266 = arith.addf %add3A_2265, %get3A_2264 : vector<1x64xf32>
    %mul3A_2267 = vector.broadcast %get3A_2255 : f32 to vector<1x64xf32>
    %mul3A_2268 = arith.mulf %mul3A_2267, %get3A_3 : vector<1x64xf32>
    %add3A_2269 = arith.addf %add3A_2266, %mul3A_2268 : vector<1x64xf32>
    %max3A_2270 = arith.constant 0.000000e+00 : f32
    %max3A_2271 = vector.broadcast %max3A_2270 : f32 to vector<1x64xf32>
    %max3A_2272 = arith.maximumf %add3A_2269, %max3A_2271 : vector<1x64xf32>
    %get3A_2273 = arith.index_cast %get3A_2247 : i32 to index
    %get3A_2274 = arith.constant 0 : index
    %get3A_2275 = vector.load %arg5[%get3A_2273, %get3A_2274] : memref<10240x64xf32, #tpu.memory_space<vmem>>, vector<1x64xf32>
    %add3A_2276 = arith.addf %get3A_2275, %max3A_2272 : vector<1x64xf32>
    %swap3A_2277 = arith.index_cast %get3A_2247 : i32 to index
    %swap3A_2278 = arith.constant 0 : index
    %swap3A_2279 = vector.load %arg5[%swap3A_2277, %swap3A_2278] : memref<10240x64xf32, #tpu.memory_space<vmem>>, vector<1x64xf32>
    tpu.vector_store %arg5[%swap3A_2277, %swap3A_2278], %add3A_2276 {strides = array<i32>} : memref<10240x64xf32, #tpu.memory_space<vmem>>, vector<1x64xf32>,
    %get3A_2280 = arith.constant 0 : index
    %get3A_2281 = arith.constant 0 : index
    %get3A_2282 = arith.constant 57 : index
    %get3A_2283 = memref.load %arg1[%get3A_2280, %get3A_2281, %get3A_2282] : memref<1x3x128xi32, #tpu.memory_space<smem>>
    %get3A_2284 = arith.constant 0 : index
    %get3A_2285 = arith.constant 1 : index
    %get3A_2286 = arith.constant 57 : index
    %get3A_2287 = memref.load %arg1[%get3A_2284, %get3A_2285, %get3A_2286] : memref<1x3x128xi32, #tpu.memory_space<smem>>
    %get3A_2288 = arith.constant 0 : index
    %get3A_2289 = arith.constant 2 : index
    %get3A_2290 = arith.constant 57 : index
    %get3A_2291 = memref.load %arg1[%get3A_2288, %get3A_2289, %get3A_2290] : memref<1x3x128xi32, #tpu.memory_space<smem>>
    %get3A_2292 = arith.constant 0 : index
    %get3A_2293 = arith.constant 0 : index
    %get3A_2294 = arith.constant 57 : index
    %get3A_2295 = memref.load %arg2[%get3A_2292, %get3A_2293, %get3A_2294] : memref<1x1x128xf32, #tpu.memory_space<smem>>
    %get3A_2296 = arith.index_cast %get3A_2283 : i32 to index
    %get3A_2297 = arith.constant 0 : index
    %get3A_2298 = vector.load %arg3[%get3A_2296, %get3A_2297] : memref<10240x128xf32, #tpu.memory_space<vmem>>, vector<1x64xf32>
    %get3A_2299 = arith.index_cast %get3A_2287 : i32 to index
    %get3A_2300 = arith.constant 64 : index
    %get3A_2301 = vector.load %arg3[%get3A_2299, %get3A_2300] : memref<10240x128xf32, #tpu.memory_space<vmem>>, vector<1x64xf32>
    %get3A_2302 = arith.index_cast %get3A_2291 : i32 to index
    %get3A_2303 = arith.constant 0 : index
    %get3A_2304 = vector.load %arg4[%get3A_2302, %get3A_2303] : memref<8x128xf32, #tpu.memory_space<vmem>>, vector<1x64xf32>
    %add3A_2305 = arith.addf %get3A_2298, %get3A_2301 : vector<1x64xf32>
    %add3A_2306 = arith.addf %add3A_2305, %get3A_2304 : vector<1x64xf32>
    %mul3A_2307 = vector.broadcast %get3A_2295 : f32 to vector<1x64xf32>
    %mul3A_2308 = arith.mulf %mul3A_2307, %get3A_3 : vector<1x64xf32>
    %add3A_2309 = arith.addf %add3A_2306, %mul3A_2308 : vector<1x64xf32>
    %max3A_2310 = arith.constant 0.000000e+00 : f32
    %max3A_2311 = vector.broadcast %max3A_2310 : f32 to vector<1x64xf32>
    %max3A_2312 = arith.maximumf %add3A_2309, %max3A_2311 : vector<1x64xf32>
    %get3A_2313 = arith.index_cast %get3A_2287 : i32 to index
    %get3A_2314 = arith.constant 0 : index
    %get3A_2315 = vector.load %arg5[%get3A_2313, %get3A_2314] : memref<10240x64xf32, #tpu.memory_space<vmem>>, vector<1x64xf32>
    %add3A_2316 = arith.addf %get3A_2315, %max3A_2312 : vector<1x64xf32>
    %swap3A_2317 = arith.index_cast %get3A_2287 : i32 to index
    %swap3A_2318 = arith.constant 0 : index
    %swap3A_2319 = vector.load %arg5[%swap3A_2317, %swap3A_2318] : memref<10240x64xf32, #tpu.memory_space<vmem>>, vector<1x64xf32>
    tpu.vector_store %arg5[%swap3A_2317, %swap3A_2318], %add3A_2316 {strides = array<i32>} : memref<10240x64xf32, #tpu.memory_space<vmem>>, vector<1x64xf32>,
    %get3A_2320 = arith.constant 0 : index
    %get3A_2321 = arith.constant 0 : index
    %get3A_2322 = arith.constant 58 : index
    %get3A_2323 = memref.load %arg1[%get3A_2320, %get3A_2321, %get3A_2322] : memref<1x3x128xi32, #tpu.memory_space<smem>>
    %get3A_2324 = arith.constant 0 : index
    %get3A_2325 = arith.constant 1 : index
    %get3A_2326 = arith.constant 58 : index
    %get3A_2327 = memref.load %arg1[%get3A_2324, %get3A_2325, %get3A_2326] : memref<1x3x128xi32, #tpu.memory_space<smem>>
    %get3A_2328 = arith.constant 0 : index
    %get3A_2329 = arith.constant 2 : index
    %get3A_2330 = arith.constant 58 : index
    %get3A_2331 = memref.load %arg1[%get3A_2328, %get3A_2329, %get3A_2330] : memref<1x3x128xi32, #tpu.memory_space<smem>>
    %get3A_2332 = arith.constant 0 : index
    %get3A_2333 = arith.constant 0 : index
    %get3A_2334 = arith.constant 58 : index
    %get3A_2335 = memref.load %arg2[%get3A_2332, %get3A_2333, %get3A_2334] : memref<1x1x128xf32, #tpu.memory_space<smem>>
    %get3A_2336 = arith.index_cast %get3A_2323 : i32 to index
    %get3A_2337 = arith.constant 0 : index
    %get3A_2338 = vector.load %arg3[%get3A_2336, %get3A_2337] : memref<10240x128xf32, #tpu.memory_space<vmem>>, vector<1x64xf32>
    %get3A_2339 = arith.index_cast %get3A_2327 : i32 to index
    %get3A_2340 = arith.constant 64 : index
    %get3A_2341 = vector.load %arg3[%get3A_2339, %get3A_2340] : memref<10240x128xf32, #tpu.memory_space<vmem>>, vector<1x64xf32>
    %get3A_2342 = arith.index_cast %get3A_2331 : i32 to index
    %get3A_2343 = arith.constant 0 : index
    %get3A_2344 = vector.load %arg4[%get3A_2342, %get3A_2343] : memref<8x128xf32, #tpu.memory_space<vmem>>, vector<1x64xf32>
    %add3A_2345 = arith.addf %get3A_2338, %get3A_2341 : vector<1x64xf32>
    %add3A_2346 = arith.addf %add3A_2345, %get3A_2344 : vector<1x64xf32>
    %mul3A_2347 = vector.broadcast %get3A_2335 : f32 to vector<1x64xf32>
    %mul3A_2348 = arith.mulf %mul3A_2347, %get3A_3 : vector<1x64xf32>
    %add3A_2349 = arith.addf %add3A_2346, %mul3A_2348 : vector<1x64xf32>
    %max3A_2350 = arith.constant 0.000000e+00 : f32
    %max3A_2351 = vector.broadcast %max3A_2350 : f32 to vector<1x64xf32>
    %max3A_2352 = arith.maximumf %add3A_2349, %max3A_2351 : vector<1x64xf32>
    %get3A_2353 = arith.index_cast %get3A_2327 : i32 to index
    %get3A_2354 = arith.constant 0 : index
    %get3A_2355 = vector.load %arg5[%get3A_2353, %get3A_2354] : memref<10240x64xf32, #tpu.memory_space<vmem>>, vector<1x64xf32>
    %add3A_2356 = arith.addf %get3A_2355, %max3A_2352 : vector<1x64xf32>
    %swap3A_2357 = arith.index_cast %get3A_2327 : i32 to index
    %swap3A_2358 = arith.constant 0 : index
    %swap3A_2359 = vector.load %arg5[%swap3A_2357, %swap3A_2358] : memref<10240x64xf32, #tpu.memory_space<vmem>>, vector<1x64xf32>
    tpu.vector_store %arg5[%swap3A_2357, %swap3A_2358], %add3A_2356 {strides = array<i32>} : memref<10240x64xf32, #tpu.memory_space<vmem>>, vector<1x64xf32>,
    %get3A_2360 = arith.constant 0 : index
    %get3A_2361 = arith.constant 0 : index
    %get3A_2362 = arith.constant 59 : index
    %get3A_2363 = memref.load %arg1[%get3A_2360, %get3A_2361, %get3A_2362] : memref<1x3x128xi32, #tpu.memory_space<smem>>
    %get3A_2364 = arith.constant 0 : index
    %get3A_2365 = arith.constant 1 : index
    %get3A_2366 = arith.constant 59 : index
    %get3A_2367 = memref.load %arg1[%get3A_2364, %get3A_2365, %get3A_2366] : memref<1x3x128xi32, #tpu.memory_space<smem>>
    %get3A_2368 = arith.constant 0 : index
    %get3A_2369 = arith.constant 2 : index
    %get3A_2370 = arith.constant 59 : index
    %get3A_2371 = memref.load %arg1[%get3A_2368, %get3A_2369, %get3A_2370] : memref<1x3x128xi32, #tpu.memory_space<smem>>
    %get3A_2372 = arith.constant 0 : index
    %get3A_2373 = arith.constant 0 : index
    %get3A_2374 = arith.constant 59 : index
    %get3A_2375 = memref.load %arg2[%get3A_2372, %get3A_2373, %get3A_2374] : memref<1x1x128xf32, #tpu.memory_space<smem>>
    %get3A_2376 = arith.index_cast %get3A_2363 : i32 to index
    %get3A_2377 = arith.constant 0 : index
    %get3A_2378 = vector.load %arg3[%get3A_2376, %get3A_2377] : memref<10240x128xf32, #tpu.memory_space<vmem>>, vector<1x64xf32>
    %get3A_2379 = arith.index_cast %get3A_2367 : i32 to index
    %get3A_2380 = arith.constant 64 : index
    %get3A_2381 = vector.load %arg3[%get3A_2379, %get3A_2380] : memref<10240x128xf32, #tpu.memory_space<vmem>>, vector<1x64xf32>
    %get3A_2382 = arith.index_cast %get3A_2371 : i32 to index
    %get3A_2383 = arith.constant 0 : index
    %get3A_2384 = vector.load %arg4[%get3A_2382, %get3A_2383] : memref<8x128xf32, #tpu.memory_space<vmem>>, vector<1x64xf32>
    %add3A_2385 = arith.addf %get3A_2378, %get3A_2381 : vector<1x64xf32>
    %add3A_2386 = arith.addf %add3A_2385, %get3A_2384 : vector<1x64xf32>
    %mul3A_2387 = vector.broadcast %get3A_2375 : f32 to vector<1x64xf32>
    %mul3A_2388 = arith.mulf %mul3A_2387, %get3A_3 : vector<1x64xf32>
    %add3A_2389 = arith.addf %add3A_2386, %mul3A_2388 : vector<1x64xf32>
    %max3A_2390 = arith.constant 0.000000e+00 : f32
    %max3A_2391 = vector.broadcast %max3A_2390 : f32 to vector<1x64xf32>
    %max3A_2392 = arith.maximumf %add3A_2389, %max3A_2391 : vector<1x64xf32>
    %get3A_2393 = arith.index_cast %get3A_2367 : i32 to index
    %get3A_2394 = arith.constant 0 : index
    %get3A_2395 = vector.load %arg5[%get3A_2393, %get3A_2394] : memref<10240x64xf32, #tpu.memory_space<vmem>>, vector<1x64xf32>
    %add3A_2396 = arith.addf %get3A_2395, %max3A_2392 : vector<1x64xf32>
    %swap3A_2397 = arith.index_cast %get3A_2367 : i32 to index
    %swap3A_2398 = arith.constant 0 : index
    %swap3A_2399 = vector.load %arg5[%swap3A_2397, %swap3A_2398] : memref<10240x64xf32, #tpu.memory_space<vmem>>, vector<1x64xf32>
    tpu.vector_store %arg5[%swap3A_2397, %swap3A_2398], %add3A_2396 {strides = array<i32>} : memref<10240x64xf32, #tpu.memory_space<vmem>>, vector<1x64xf32>,
    %get3A_2400 = arith.constant 0 : index
    %get3A_2401 = arith.constant 0 : index
    %get3A_2402 = arith.constant 60 : index
    %get3A_2403 = memref.load %arg1[%get3A_2400, %get3A_2401, %get3A_2402] : memref<1x3x128xi32, #tpu.memory_space<smem>>
    %get3A_2404 = arith.constant 0 : index
    %get3A_2405 = arith.constant 1 : index
    %get3A_2406 = arith.constant 60 : index
    %get3A_2407 = memref.load %arg1[%get3A_2404, %get3A_2405, %get3A_2406] : memref<1x3x128xi32, #tpu.memory_space<smem>>
    %get3A_2408 = arith.constant 0 : index
    %get3A_2409 = arith.constant 2 : index
    %get3A_2410 = arith.constant 60 : index
    %get3A_2411 = memref.load %arg1[%get3A_2408, %get3A_2409, %get3A_2410] : memref<1x3x128xi32, #tpu.memory_space<smem>>
    %get3A_2412 = arith.constant 0 : index
    %get3A_2413 = arith.constant 0 : index
    %get3A_2414 = arith.constant 60 : index
    %get3A_2415 = memref.load %arg2[%get3A_2412, %get3A_2413, %get3A_2414] : memref<1x1x128xf32, #tpu.memory_space<smem>>
    %get3A_2416 = arith.index_cast %get3A_2403 : i32 to index
    %get3A_2417 = arith.constant 0 : index
    %get3A_2418 = vector.load %arg3[%get3A_2416, %get3A_2417] : memref<10240x128xf32, #tpu.memory_space<vmem>>, vector<1x64xf32>
    %get3A_2419 = arith.index_cast %get3A_2407 : i32 to index
    %get3A_2420 = arith.constant 64 : index
    %get3A_2421 = vector.load %arg3[%get3A_2419, %get3A_2420] : memref<10240x128xf32, #tpu.memory_space<vmem>>, vector<1x64xf32>
    %get3A_2422 = arith.index_cast %get3A_2411 : i32 to index
    %get3A_2423 = arith.constant 0 : index
    %get3A_2424 = vector.load %arg4[%get3A_2422, %get3A_2423] : memref<8x128xf32, #tpu.memory_space<vmem>>, vector<1x64xf32>
    %add3A_2425 = arith.addf %get3A_2418, %get3A_2421 : vector<1x64xf32>
    %add3A_2426 = arith.addf %add3A_2425, %get3A_2424 : vector<1x64xf32>
    %mul3A_2427 = vector.broadcast %get3A_2415 : f32 to vector<1x64xf32>
    %mul3A_2428 = arith.mulf %mul3A_2427, %get3A_3 : vector<1x64xf32>
    %add3A_2429 = arith.addf %add3A_2426, %mul3A_2428 : vector<1x64xf32>
    %max3A_2430 = arith.constant 0.000000e+00 : f32
    %max3A_2431 = vector.broadcast %max3A_2430 : f32 to vector<1x64xf32>
    %max3A_2432 = arith.maximumf %add3A_2429, %max3A_2431 : vector<1x64xf32>
    %get3A_2433 = arith.index_cast %get3A_2407 : i32 to index
    %get3A_2434 = arith.constant 0 : index
    %get3A_2435 = vector.load %arg5[%get3A_2433, %get3A_2434] : memref<10240x64xf32, #tpu.memory_space<vmem>>, vector<1x64xf32>
    %add3A_2436 = arith.addf %get3A_2435, %max3A_2432 : vector<1x64xf32>
    %swap3A_2437 = arith.index_cast %get3A_2407 : i32 to index
    %swap3A_2438 = arith.constant 0 : index
    %swap3A_2439 = vector.load %arg5[%swap3A_2437, %swap3A_2438] : memref<10240x64xf32, #tpu.memory_space<vmem>>, vector<1x64xf32>
    tpu.vector_store %arg5[%swap3A_2437, %swap3A_2438], %add3A_2436 {strides = array<i32>} : memref<10240x64xf32, #tpu.memory_space<vmem>>, vector<1x64xf32>,
    %get3A_2440 = arith.constant 0 : index
    %get3A_2441 = arith.constant 0 : index
    %get3A_2442 = arith.constant 61 : index
    %get3A_2443 = memref.load %arg1[%get3A_2440, %get3A_2441, %get3A_2442] : memref<1x3x128xi32, #tpu.memory_space<smem>>
    %get3A_2444 = arith.constant 0 : index
    %get3A_2445 = arith.constant 1 : index
    %get3A_2446 = arith.constant 61 : index
    %get3A_2447 = memref.load %arg1[%get3A_2444, %get3A_2445, %get3A_2446] : memref<1x3x128xi32, #tpu.memory_space<smem>>
    %get3A_2448 = arith.constant 0 : index
    %get3A_2449 = arith.constant 2 : index
    %get3A_2450 = arith.constant 61 : index
    %get3A_2451 = memref.load %arg1[%get3A_2448, %get3A_2449, %get3A_2450] : memref<1x3x128xi32, #tpu.memory_space<smem>>
    %get3A_2452 = arith.constant 0 : index
    %get3A_2453 = arith.constant 0 : index
    %get3A_2454 = arith.constant 61 : index
    %get3A_2455 = memref.load %arg2[%get3A_2452, %get3A_2453, %get3A_2454] : memref<1x1x128xf32, #tpu.memory_space<smem>>
    %get3A_2456 = arith.index_cast %get3A_2443 : i32 to index
    %get3A_2457 = arith.constant 0 : index
    %get3A_2458 = vector.load %arg3[%get3A_2456, %get3A_2457] : memref<10240x128xf32, #tpu.memory_space<vmem>>, vector<1x64xf32>
    %get3A_2459 = arith.index_cast %get3A_2447 : i32 to index
    %get3A_2460 = arith.constant 64 : index
    %get3A_2461 = vector.load %arg3[%get3A_2459, %get3A_2460] : memref<10240x128xf32, #tpu.memory_space<vmem>>, vector<1x64xf32>
    %get3A_2462 = arith.index_cast %get3A_2451 : i32 to index
    %get3A_2463 = arith.constant 0 : index
    %get3A_2464 = vector.load %arg4[%get3A_2462, %get3A_2463] : memref<8x128xf32, #tpu.memory_space<vmem>>, vector<1x64xf32>
    %add3A_2465 = arith.addf %get3A_2458, %get3A_2461 : vector<1x64xf32>
    %add3A_2466 = arith.addf %add3A_2465, %get3A_2464 : vector<1x64xf32>
    %mul3A_2467 = vector.broadcast %get3A_2455 : f32 to vector<1x64xf32>
    %mul3A_2468 = arith.mulf %mul3A_2467, %get3A_3 : vector<1x64xf32>
    %add3A_2469 = arith.addf %add3A_2466, %mul3A_2468 : vector<1x64xf32>
    %max3A_2470 = arith.constant 0.000000e+00 : f32
    %max3A_2471 = vector.broadcast %max3A_2470 : f32 to vector<1x64xf32>
    %max3A_2472 = arith.maximumf %add3A_2469, %max3A_2471 : vector<1x64xf32>
    %get3A_2473 = arith.index_cast %get3A_2447 : i32 to index
    %get3A_2474 = arith.constant 0 : index
    %get3A_2475 = vector.load %arg5[%get3A_2473, %get3A_2474] : memref<10240x64xf32, #tpu.memory_space<vmem>>, vector<1x64xf32>
    %add3A_2476 = arith.addf %get3A_2475, %max3A_2472 : vector<1x64xf32>
    %swap3A_2477 = arith.index_cast %get3A_2447 : i32 to index
    %swap3A_2478 = arith.constant 0 : index
    %swap3A_2479 = vector.load %arg5[%swap3A_2477, %swap3A_2478] : memref<10240x64xf32, #tpu.memory_space<vmem>>, vector<1x64xf32>
    tpu.vector_store %arg5[%swap3A_2477, %swap3A_2478], %add3A_2476 {strides = array<i32>} : memref<10240x64xf32, #tpu.memory_space<vmem>>, vector<1x64xf32>,
    %get3A_2480 = arith.constant 0 : index
    %get3A_2481 = arith.constant 0 : index
    %get3A_2482 = arith.constant 62 : index
    %get3A_2483 = memref.load %arg1[%get3A_2480, %get3A_2481, %get3A_2482] : memref<1x3x128xi32, #tpu.memory_space<smem>>
    %get3A_2484 = arith.constant 0 : index
    %get3A_2485 = arith.constant 1 : index
    %get3A_2486 = arith.constant 62 : index
    %get3A_2487 = memref.load %arg1[%get3A_2484, %get3A_2485, %get3A_2486] : memref<1x3x128xi32, #tpu.memory_space<smem>>
    %get3A_2488 = arith.constant 0 : index
    %get3A_2489 = arith.constant 2 : index
    %get3A_2490 = arith.constant 62 : index
    %get3A_2491 = memref.load %arg1[%get3A_2488, %get3A_2489, %get3A_2490] : memref<1x3x128xi32, #tpu.memory_space<smem>>
    %get3A_2492 = arith.constant 0 : index
    %get3A_2493 = arith.constant 0 : index
    %get3A_2494 = arith.constant 62 : index
    %get3A_2495 = memref.load %arg2[%get3A_2492, %get3A_2493, %get3A_2494] : memref<1x1x128xf32, #tpu.memory_space<smem>>
    %get3A_2496 = arith.index_cast %get3A_2483 : i32 to index
    %get3A_2497 = arith.constant 0 : index
    %get3A_2498 = vector.load %arg3[%get3A_2496, %get3A_2497] : memref<10240x128xf32, #tpu.memory_space<vmem>>, vector<1x64xf32>
    %get3A_2499 = arith.index_cast %get3A_2487 : i32 to index
    %get3A_2500 = arith.constant 64 : index
    %get3A_2501 = vector.load %arg3[%get3A_2499, %get3A_2500] : memref<10240x128xf32, #tpu.memory_space<vmem>>, vector<1x64xf32>
    %get3A_2502 = arith.index_cast %get3A_2491 : i32 to index
    %get3A_2503 = arith.constant 0 : index
    %get3A_2504 = vector.load %arg4[%get3A_2502, %get3A_2503] : memref<8x128xf32, #tpu.memory_space<vmem>>, vector<1x64xf32>
    %add3A_2505 = arith.addf %get3A_2498, %get3A_2501 : vector<1x64xf32>
    %add3A_2506 = arith.addf %add3A_2505, %get3A_2504 : vector<1x64xf32>
    %mul3A_2507 = vector.broadcast %get3A_2495 : f32 to vector<1x64xf32>
    %mul3A_2508 = arith.mulf %mul3A_2507, %get3A_3 : vector<1x64xf32>
    %add3A_2509 = arith.addf %add3A_2506, %mul3A_2508 : vector<1x64xf32>
    %max3A_2510 = arith.constant 0.000000e+00 : f32
    %max3A_2511 = vector.broadcast %max3A_2510 : f32 to vector<1x64xf32>
    %max3A_2512 = arith.maximumf %add3A_2509, %max3A_2511 : vector<1x64xf32>
    %get3A_2513 = arith.index_cast %get3A_2487 : i32 to index
    %get3A_2514 = arith.constant 0 : index
    %get3A_2515 = vector.load %arg5[%get3A_2513, %get3A_2514] : memref<10240x64xf32, #tpu.memory_space<vmem>>, vector<1x64xf32>
    %add3A_2516 = arith.addf %get3A_2515, %max3A_2512 : vector<1x64xf32>
    %swap3A_2517 = arith.index_cast %get3A_2487 : i32 to index
    %swap3A_2518 = arith.constant 0 : index
    %swap3A_2519 = vector.load %arg5[%swap3A_2517, %swap3A_2518] : memref<10240x64xf32, #tpu.memory_space<vmem>>, vector<1x64xf32>
    tpu.vector_store %arg5[%swap3A_2517, %swap3A_2518], %add3A_2516 {strides = array<i32>} : memref<10240x64xf32, #tpu.memory_space<vmem>>, vector<1x64xf32>,
    %get3A_2520 = arith.constant 0 : index
    %get3A_2521 = arith.constant 0 : index
    %get3A_2522 = arith.constant 63 : index
    %get3A_2523 = memref.load %arg1[%get3A_2520, %get3A_2521, %get3A_2522] : memref<1x3x128xi32, #tpu.memory_space<smem>>
    %get3A_2524 = arith.constant 0 : index
    %get3A_2525 = arith.constant 1 : index
    %get3A_2526 = arith.constant 63 : index
    %get3A_2527 = memref.load %arg1[%get3A_2524, %get3A_2525, %get3A_2526] : memref<1x3x128xi32, #tpu.memory_space<smem>>
    %get3A_2528 = arith.constant 0 : index
    %get3A_2529 = arith.constant 2 : index
    %get3A_2530 = arith.constant 63 : index
    %get3A_2531 = memref.load %arg1[%get3A_2528, %get3A_2529, %get3A_2530] : memref<1x3x128xi32, #tpu.memory_space<smem>>
    %get3A_2532 = arith.constant 0 : index
    %get3A_2533 = arith.constant 0 : index
    %get3A_2534 = arith.constant 63 : index
    %get3A_2535 = memref.load %arg2[%get3A_2532, %get3A_2533, %get3A_2534] : memref<1x1x128xf32, #tpu.memory_space<smem>>
    %get3A_2536 = arith.index_cast %get3A_2523 : i32 to index
    %get3A_2537 = arith.constant 0 : index
    %get3A_2538 = vector.load %arg3[%get3A_2536, %get3A_2537] : memref<10240x128xf32, #tpu.memory_space<vmem>>, vector<1x64xf32>
    %get3A_2539 = arith.index_cast %get3A_2527 : i32 to index
    %get3A_2540 = arith.constant 64 : index
    %get3A_2541 = vector.load %arg3[%get3A_2539, %get3A_2540] : memref<10240x128xf32, #tpu.memory_space<vmem>>, vector<1x64xf32>
    %get3A_2542 = arith.index_cast %get3A_2531 : i32 to index
    %get3A_2543 = arith.constant 0 : index
    %get3A_2544 = vector.load %arg4[%get3A_2542, %get3A_2543] : memref<8x128xf32, #tpu.memory_space<vmem>>, vector<1x64xf32>
    %add3A_2545 = arith.addf %get3A_2538, %get3A_2541 : vector<1x64xf32>
    %add3A_2546 = arith.addf %add3A_2545, %get3A_2544 : vector<1x64xf32>
    %mul3A_2547 = vector.broadcast %get3A_2535 : f32 to vector<1x64xf32>
    %mul3A_2548 = arith.mulf %mul3A_2547, %get3A_3 : vector<1x64xf32>
    %add3A_2549 = arith.addf %add3A_2546, %mul3A_2548 : vector<1x64xf32>
    %max3A_2550 = arith.constant 0.000000e+00 : f32
    %max3A_2551 = vector.broadcast %max3A_2550 : f32 to vector<1x64xf32>
    %max3A_2552 = arith.maximumf %add3A_2549, %max3A_2551 : vector<1x64xf32>
    %get3A_2553 = arith.index_cast %get3A_2527 : i32 to index
    %get3A_2554 = arith.constant 0 : index
    %get3A_2555 = vector.load %arg5[%get3A_2553, %get3A_2554] : memref<10240x64xf32, #tpu.memory_space<vmem>>, vector<1x64xf32>
    %add3A_2556 = arith.addf %get3A_2555, %max3A_2552 : vector<1x64xf32>
    %swap3A_2557 = arith.index_cast %get3A_2527 : i32 to index
    %swap3A_2558 = arith.constant 0 : index
    %swap3A_2559 = vector.load %arg5[%swap3A_2557, %swap3A_2558] : memref<10240x64xf32, #tpu.memory_space<vmem>>, vector<1x64xf32>
    tpu.vector_store %arg5[%swap3A_2557, %swap3A_2558], %add3A_2556 {strides = array<i32>} : memref<10240x64xf32, #tpu.memory_space<vmem>>, vector<1x64xf32>,
    %get3A_2560 = arith.constant 0 : index
    %get3A_2561 = arith.constant 0 : index
    %get3A_2562 = arith.constant 64 : index
    %get3A_2563 = memref.load %arg1[%get3A_2560, %get3A_2561, %get3A_2562] : memref<1x3x128xi32, #tpu.memory_space<smem>>
    %get3A_2564 = arith.constant 0 : index
    %get3A_2565 = arith.constant 1 : index
    %get3A_2566 = arith.constant 64 : index
    %get3A_2567 = memref.load %arg1[%get3A_2564, %get3A_2565, %get3A_2566] : memref<1x3x128xi32, #tpu.memory_space<smem>>
    %get3A_2568 = arith.constant 0 : index
    %get3A_2569 = arith.constant 2 : index
    %get3A_2570 = arith.constant 64 : index
    %get3A_2571 = memref.load %arg1[%get3A_2568, %get3A_2569, %get3A_2570] : memref<1x3x128xi32, #tpu.memory_space<smem>>
    %get3A_2572 = arith.constant 0 : index
    %get3A_2573 = arith.constant 0 : index
    %get3A_2574 = arith.constant 64 : index
    %get3A_2575 = memref.load %arg2[%get3A_2572, %get3A_2573, %get3A_2574] : memref<1x1x128xf32, #tpu.memory_space<smem>>
    %get3A_2576 = arith.index_cast %get3A_2563 : i32 to index
    %get3A_2577 = arith.constant 0 : index
    %get3A_2578 = vector.load %arg3[%get3A_2576, %get3A_2577] : memref<10240x128xf32, #tpu.memory_space<vmem>>, vector<1x64xf32>
    %get3A_2579 = arith.index_cast %get3A_2567 : i32 to index
    %get3A_2580 = arith.constant 64 : index
    %get3A_2581 = vector.load %arg3[%get3A_2579, %get3A_2580] : memref<10240x128xf32, #tpu.memory_space<vmem>>, vector<1x64xf32>
    %get3A_2582 = arith.index_cast %get3A_2571 : i32 to index
    %get3A_2583 = arith.constant 0 : index
    %get3A_2584 = vector.load %arg4[%get3A_2582, %get3A_2583] : memref<8x128xf32, #tpu.memory_space<vmem>>, vector<1x64xf32>
    %add3A_2585 = arith.addf %get3A_2578, %get3A_2581 : vector<1x64xf32>
    %add3A_2586 = arith.addf %add3A_2585, %get3A_2584 : vector<1x64xf32>
    %mul3A_2587 = vector.broadcast %get3A_2575 : f32 to vector<1x64xf32>
    %mul3A_2588 = arith.mulf %mul3A_2587, %get3A_3 : vector<1x64xf32>
    %add3A_2589 = arith.addf %add3A_2586, %mul3A_2588 : vector<1x64xf32>
    %max3A_2590 = arith.constant 0.000000e+00 : f32
    %max3A_2591 = vector.broadcast %max3A_2590 : f32 to vector<1x64xf32>
    %max3A_2592 = arith.maximumf %add3A_2589, %max3A_2591 : vector<1x64xf32>
    %get3A_2593 = arith.index_cast %get3A_2567 : i32 to index
    %get3A_2594 = arith.constant 0 : index
    %get3A_2595 = vector.load %arg5[%get3A_2593, %get3A_2594] : memref<10240x64xf32, #tpu.memory_space<vmem>>, vector<1x64xf32>
    %add3A_2596 = arith.addf %get3A_2595, %max3A_2592 : vector<1x64xf32>
    %swap3A_2597 = arith.index_cast %get3A_2567 : i32 to index
    %swap3A_2598 = arith.constant 0 : index
    %swap3A_2599 = vector.load %arg5[%swap3A_2597, %swap3A_2598] : memref<10240x64xf32, #tpu.memory_space<vmem>>, vector<1x64xf32>
    tpu.vector_store %arg5[%swap3A_2597, %swap3A_2598], %add3A_2596 {strides = array<i32>} : memref<10240x64xf32, #tpu.memory_space<vmem>>, vector<1x64xf32>,
    %get3A_2600 = arith.constant 0 : index
    %get3A_2601 = arith.constant 0 : index
    %get3A_2602 = arith.constant 65 : index
    %get3A_2603 = memref.load %arg1[%get3A_2600, %get3A_2601, %get3A_2602] : memref<1x3x128xi32, #tpu.memory_space<smem>>
    %get3A_2604 = arith.constant 0 : index
    %get3A_2605 = arith.constant 1 : index
    %get3A_2606 = arith.constant 65 : index
    %get3A_2607 = memref.load %arg1[%get3A_2604, %get3A_2605, %get3A_2606] : memref<1x3x128xi32, #tpu.memory_space<smem>>
    %get3A_2608 = arith.constant 0 : index
    %get3A_2609 = arith.constant 2 : index
    %get3A_2610 = arith.constant 65 : index
    %get3A_2611 = memref.load %arg1[%get3A_2608, %get3A_2609, %get3A_2610] : memref<1x3x128xi32, #tpu.memory_space<smem>>
    %get3A_2612 = arith.constant 0 : index
    %get3A_2613 = arith.constant 0 : index
    %get3A_2614 = arith.constant 65 : index
    %get3A_2615 = memref.load %arg2[%get3A_2612, %get3A_2613, %get3A_2614] : memref<1x1x128xf32, #tpu.memory_space<smem>>
    %get3A_2616 = arith.index_cast %get3A_2603 : i32 to index
    %get3A_2617 = arith.constant 0 : index
    %get3A_2618 = vector.load %arg3[%get3A_2616, %get3A_2617] : memref<10240x128xf32, #tpu.memory_space<vmem>>, vector<1x64xf32>
    %get3A_2619 = arith.index_cast %get3A_2607 : i32 to index
    %get3A_2620 = arith.constant 64 : index
    %get3A_2621 = vector.load %arg3[%get3A_2619, %get3A_2620] : memref<10240x128xf32, #tpu.memory_space<vmem>>, vector<1x64xf32>
    %get3A_2622 = arith.index_cast %get3A_2611 : i32 to index
    %get3A_2623 = arith.constant 0 : index
    %get3A_2624 = vector.load %arg4[%get3A_2622, %get3A_2623] : memref<8x128xf32, #tpu.memory_space<vmem>>, vector<1x64xf32>
    %add3A_2625 = arith.addf %get3A_2618, %get3A_2621 : vector<1x64xf32>
    %add3A_2626 = arith.addf %add3A_2625, %get3A_2624 : vector<1x64xf32>
    %mul3A_2627 = vector.broadcast %get3A_2615 : f32 to vector<1x64xf32>
    %mul3A_2628 = arith.mulf %mul3A_2627, %get3A_3 : vector<1x64xf32>
    %add3A_2629 = arith.addf %add3A_2626, %mul3A_2628 : vector<1x64xf32>
    %max3A_2630 = arith.constant 0.000000e+00 : f32
    %max3A_2631 = vector.broadcast %max3A_2630 : f32 to vector<1x64xf32>
    %max3A_2632 = arith.maximumf %add3A_2629, %max3A_2631 : vector<1x64xf32>
    %get3A_2633 = arith.index_cast %get3A_2607 : i32 to index
    %get3A_2634 = arith.constant 0 : index
    %get3A_2635 = vector.load %arg5[%get3A_2633, %get3A_2634] : memref<10240x64xf32, #tpu.memory_space<vmem>>, vector<1x64xf32>
    %add3A_2636 = arith.addf %get3A_2635, %max3A_2632 : vector<1x64xf32>
    %swap3A_2637 = arith.index_cast %get3A_2607 : i32 to index
    %swap3A_2638 = arith.constant 0 : index
    %swap3A_2639 = vector.load %arg5[%swap3A_2637, %swap3A_2638] : memref<10240x64xf32, #tpu.memory_space<vmem>>, vector<1x64xf32>
    tpu.vector_store %arg5[%swap3A_2637, %swap3A_2638], %add3A_2636 {strides = array<i32>} : memref<10240x64xf32, #tpu.memory_space<vmem>>, vector<1x64xf32>,
    %get3A_2640 = arith.constant 0 : index
    %get3A_2641 = arith.constant 0 : index
    %get3A_2642 = arith.constant 66 : index
    %get3A_2643 = memref.load %arg1[%get3A_2640, %get3A_2641, %get3A_2642] : memref<1x3x128xi32, #tpu.memory_space<smem>>
    %get3A_2644 = arith.constant 0 : index
    %get3A_2645 = arith.constant 1 : index
    %get3A_2646 = arith.constant 66 : index
    %get3A_2647 = memref.load %arg1[%get3A_2644, %get3A_2645, %get3A_2646] : memref<1x3x128xi32, #tpu.memory_space<smem>>
    %get3A_2648 = arith.constant 0 : index
    %get3A_2649 = arith.constant 2 : index
    %get3A_2650 = arith.constant 66 : index
    %get3A_2651 = memref.load %arg1[%get3A_2648, %get3A_2649, %get3A_2650] : memref<1x3x128xi32, #tpu.memory_space<smem>>
    %get3A_2652 = arith.constant 0 : index
    %get3A_2653 = arith.constant 0 : index
    %get3A_2654 = arith.constant 66 : index
    %get3A_2655 = memref.load %arg2[%get3A_2652, %get3A_2653, %get3A_2654] : memref<1x1x128xf32, #tpu.memory_space<smem>>
    %get3A_2656 = arith.index_cast %get3A_2643 : i32 to index
    %get3A_2657 = arith.constant 0 : index
    %get3A_2658 = vector.load %arg3[%get3A_2656, %get3A_2657] : memref<10240x128xf32, #tpu.memory_space<vmem>>, vector<1x64xf32>
    %get3A_2659 = arith.index_cast %get3A_2647 : i32 to index
    %get3A_2660 = arith.constant 64 : index
    %get3A_2661 = vector.load %arg3[%get3A_2659, %get3A_2660] : memref<10240x128xf32, #tpu.memory_space<vmem>>, vector<1x64xf32>
    %get3A_2662 = arith.index_cast %get3A_2651 : i32 to index
    %get3A_2663 = arith.constant 0 : index
    %get3A_2664 = vector.load %arg4[%get3A_2662, %get3A_2663] : memref<8x128xf32, #tpu.memory_space<vmem>>, vector<1x64xf32>
    %add3A_2665 = arith.addf %get3A_2658, %get3A_2661 : vector<1x64xf32>
    %add3A_2666 = arith.addf %add3A_2665, %get3A_2664 : vector<1x64xf32>
    %mul3A_2667 = vector.broadcast %get3A_2655 : f32 to vector<1x64xf32>
    %mul3A_2668 = arith.mulf %mul3A_2667, %get3A_3 : vector<1x64xf32>
    %add3A_2669 = arith.addf %add3A_2666, %mul3A_2668 : vector<1x64xf32>
    %max3A_2670 = arith.constant 0.000000e+00 : f32
    %max3A_2671 = vector.broadcast %max3A_2670 : f32 to vector<1x64xf32>
    %max3A_2672 = arith.maximumf %add3A_2669, %max3A_2671 : vector<1x64xf32>
    %get3A_2673 = arith.index_cast %get3A_2647 : i32 to index
    %get3A_2674 = arith.constant 0 : index
    %get3A_2675 = vector.load %arg5[%get3A_2673, %get3A_2674] : memref<10240x64xf32, #tpu.memory_space<vmem>>, vector<1x64xf32>
    %add3A_2676 = arith.addf %get3A_2675, %max3A_2672 : vector<1x64xf32>
    %swap3A_2677 = arith.index_cast %get3A_2647 : i32 to index
    %swap3A_2678 = arith.constant 0 : index
    %swap3A_2679 = vector.load %arg5[%swap3A_2677, %swap3A_2678] : memref<10240x64xf32, #tpu.memory_space<vmem>>, vector<1x64xf32>
    tpu.vector_store %arg5[%swap3A_2677, %swap3A_2678], %add3A_2676 {strides = array<i32>} : memref<10240x64xf32, #tpu.memory_space<vmem>>, vector<1x64xf32>,
    %get3A_2680 = arith.constant 0 : index
    %get3A_2681 = arith.constant 0 : index
    %get3A_2682 = arith.constant 67 : index
    %get3A_2683 = memref.load %arg1[%get3A_2680, %get3A_2681, %get3A_2682] : memref<1x3x128xi32, #tpu.memory_space<smem>>
    %get3A_2684 = arith.constant 0 : index
    %get3A_2685 = arith.constant 1 : index
    %get3A_2686 = arith.constant 67 : index
    %get3A_2687 = memref.load %arg1[%get3A_2684, %get3A_2685, %get3A_2686] : memref<1x3x128xi32, #tpu.memory_space<smem>>
    %get3A_2688 = arith.constant 0 : index
    %get3A_2689 = arith.constant 2 : index
    %get3A_2690 = arith.constant 67 : index
    %get3A_2691 = memref.load %arg1[%get3A_2688, %get3A_2689, %get3A_2690] : memref<1x3x128xi32, #tpu.memory_space<smem>>
    %get3A_2692 = arith.constant 0 : index
    %get3A_2693 = arith.constant 0 : index
    %get3A_2694 = arith.constant 67 : index
    %get3A_2695 = memref.load %arg2[%get3A_2692, %get3A_2693, %get3A_2694] : memref<1x1x128xf32, #tpu.memory_space<smem>>
    %get3A_2696 = arith.index_cast %get3A_2683 : i32 to index
    %get3A_2697 = arith.constant 0 : index
    %get3A_2698 = vector.load %arg3[%get3A_2696, %get3A_2697] : memref<10240x128xf32, #tpu.memory_space<vmem>>, vector<1x64xf32>
    %get3A_2699 = arith.index_cast %get3A_2687 : i32 to index
    %get3A_2700 = arith.constant 64 : index
    %get3A_2701 = vector.load %arg3[%get3A_2699, %get3A_2700] : memref<10240x128xf32, #tpu.memory_space<vmem>>, vector<1x64xf32>
    %get3A_2702 = arith.index_cast %get3A_2691 : i32 to index
    %get3A_2703 = arith.constant 0 : index
    %get3A_2704 = vector.load %arg4[%get3A_2702, %get3A_2703] : memref<8x128xf32, #tpu.memory_space<vmem>>, vector<1x64xf32>
    %add3A_2705 = arith.addf %get3A_2698, %get3A_2701 : vector<1x64xf32>
    %add3A_2706 = arith.addf %add3A_2705, %get3A_2704 : vector<1x64xf32>
    %mul3A_2707 = vector.broadcast %get3A_2695 : f32 to vector<1x64xf32>
    %mul3A_2708 = arith.mulf %mul3A_2707, %get3A_3 : vector<1x64xf32>
    %add3A_2709 = arith.addf %add3A_2706, %mul3A_2708 : vector<1x64xf32>
    %max3A_2710 = arith.constant 0.000000e+00 : f32
    %max3A_2711 = vector.broadcast %max3A_2710 : f32 to vector<1x64xf32>
    %max3A_2712 = arith.maximumf %add3A_2709, %max3A_2711 : vector<1x64xf32>
    %get3A_2713 = arith.index_cast %get3A_2687 : i32 to index
    %get3A_2714 = arith.constant 0 : index
    %get3A_2715 = vector.load %arg5[%get3A_2713, %get3A_2714] : memref<10240x64xf32, #tpu.memory_space<vmem>>, vector<1x64xf32>
    %add3A_2716 = arith.addf %get3A_2715, %max3A_2712 : vector<1x64xf32>
    %swap3A_2717 = arith.index_cast %get3A_2687 : i32 to index
    %swap3A_2718 = arith.constant 0 : index
    %swap3A_2719 = vector.load %arg5[%swap3A_2717, %swap3A_2718] : memref<10240x64xf32, #tpu.memory_space<vmem>>, vector<1x64xf32>
    tpu.vector_store %arg5[%swap3A_2717, %swap3A_2718], %add3A_2716 {strides = array<i32>} : memref<10240x64xf32, #tpu.memory_space<vmem>>, vector<1x64xf32>,
    %get3A_2720 = arith.constant 0 : index
    %get3A_2721 = arith.constant 0 : index
    %get3A_2722 = arith.constant 68 : index
    %get3A_2723 = memref.load %arg1[%get3A_2720, %get3A_2721, %get3A_2722] : memref<1x3x128xi32, #tpu.memory_space<smem>>
    %get3A_2724 = arith.constant 0 : index
    %get3A_2725 = arith.constant 1 : index
    %get3A_2726 = arith.constant 68 : index
    %get3A_2727 = memref.load %arg1[%get3A_2724, %get3A_2725, %get3A_2726] : memref<1x3x128xi32, #tpu.memory_space<smem>>
    %get3A_2728 = arith.constant 0 : index
    %get3A_2729 = arith.constant 2 : index
    %get3A_2730 = arith.constant 68 : index
    %get3A_2731 = memref.load %arg1[%get3A_2728, %get3A_2729, %get3A_2730] : memref<1x3x128xi32, #tpu.memory_space<smem>>
    %get3A_2732 = arith.constant 0 : index
    %get3A_2733 = arith.constant 0 : index
    %get3A_2734 = arith.constant 68 : index
    %get3A_2735 = memref.load %arg2[%get3A_2732, %get3A_2733, %get3A_2734] : memref<1x1x128xf32, #tpu.memory_space<smem>>
    %get3A_2736 = arith.index_cast %get3A_2723 : i32 to index
    %get3A_2737 = arith.constant 0 : index
    %get3A_2738 = vector.load %arg3[%get3A_2736, %get3A_2737] : memref<10240x128xf32, #tpu.memory_space<vmem>>, vector<1x64xf32>
    %get3A_2739 = arith.index_cast %get3A_2727 : i32 to index
    %get3A_2740 = arith.constant 64 : index
    %get3A_2741 = vector.load %arg3[%get3A_2739, %get3A_2740] : memref<10240x128xf32, #tpu.memory_space<vmem>>, vector<1x64xf32>
    %get3A_2742 = arith.index_cast %get3A_2731 : i32 to index
    %get3A_2743 = arith.constant 0 : index
    %get3A_2744 = vector.load %arg4[%get3A_2742, %get3A_2743] : memref<8x128xf32, #tpu.memory_space<vmem>>, vector<1x64xf32>
    %add3A_2745 = arith.addf %get3A_2738, %get3A_2741 : vector<1x64xf32>
    %add3A_2746 = arith.addf %add3A_2745, %get3A_2744 : vector<1x64xf32>
    %mul3A_2747 = vector.broadcast %get3A_2735 : f32 to vector<1x64xf32>
    %mul3A_2748 = arith.mulf %mul3A_2747, %get3A_3 : vector<1x64xf32>
    %add3A_2749 = arith.addf %add3A_2746, %mul3A_2748 : vector<1x64xf32>
    %max3A_2750 = arith.constant 0.000000e+00 : f32
    %max3A_2751 = vector.broadcast %max3A_2750 : f32 to vector<1x64xf32>
    %max3A_2752 = arith.maximumf %add3A_2749, %max3A_2751 : vector<1x64xf32>
    %get3A_2753 = arith.index_cast %get3A_2727 : i32 to index
    %get3A_2754 = arith.constant 0 : index
    %get3A_2755 = vector.load %arg5[%get3A_2753, %get3A_2754] : memref<10240x64xf32, #tpu.memory_space<vmem>>, vector<1x64xf32>
    %add3A_2756 = arith.addf %get3A_2755, %max3A_2752 : vector<1x64xf32>
    %swap3A_2757 = arith.index_cast %get3A_2727 : i32 to index
    %swap3A_2758 = arith.constant 0 : index
    %swap3A_2759 = vector.load %arg5[%swap3A_2757, %swap3A_2758] : memref<10240x64xf32, #tpu.memory_space<vmem>>, vector<1x64xf32>
    tpu.vector_store %arg5[%swap3A_2757, %swap3A_2758], %add3A_2756 {strides = array<i32>} : memref<10240x64xf32, #tpu.memory_space<vmem>>, vector<1x64xf32>,
    %get3A_2760 = arith.constant 0 : index
    %get3A_2761 = arith.constant 0 : index
    %get3A_2762 = arith.constant 69 : index
    %get3A_2763 = memref.load %arg1[%get3A_2760, %get3A_2761, %get3A_2762] : memref<1x3x128xi32, #tpu.memory_space<smem>>
    %get3A_2764 = arith.constant 0 : index
    %get3A_2765 = arith.constant 1 : index
    %get3A_2766 = arith.constant 69 : index
    %get3A_2767 = memref.load %arg1[%get3A_2764, %get3A_2765, %get3A_2766] : memref<1x3x128xi32, #tpu.memory_space<smem>>
    %get3A_2768 = arith.constant 0 : index
    %get3A_2769 = arith.constant 2 : index
    %get3A_2770 = arith.constant 69 : index
    %get3A_2771 = memref.load %arg1[%get3A_2768, %get3A_2769, %get3A_2770] : memref<1x3x128xi32, #tpu.memory_space<smem>>
    %get3A_2772 = arith.constant 0 : index
    %get3A_2773 = arith.constant 0 : index
    %get3A_2774 = arith.constant 69 : index
    %get3A_2775 = memref.load %arg2[%get3A_2772, %get3A_2773, %get3A_2774] : memref<1x1x128xf32, #tpu.memory_space<smem>>
    %get3A_2776 = arith.index_cast %get3A_2763 : i32 to index
    %get3A_2777 = arith.constant 0 : index
    %get3A_2778 = vector.load %arg3[%get3A_2776, %get3A_2777] : memref<10240x128xf32, #tpu.memory_space<vmem>>, vector<1x64xf32>
    %get3A_2779 = arith.index_cast %get3A_2767 : i32 to index
    %get3A_2780 = arith.constant 64 : index
    %get3A_2781 = vector.load %arg3[%get3A_2779, %get3A_2780] : memref<10240x128xf32, #tpu.memory_space<vmem>>, vector<1x64xf32>
    %get3A_2782 = arith.index_cast %get3A_2771 : i32 to index
    %get3A_2783 = arith.constant 0 : index
    %get3A_2784 = vector.load %arg4[%get3A_2782, %get3A_2783] : memref<8x128xf32, #tpu.memory_space<vmem>>, vector<1x64xf32>
    %add3A_2785 = arith.addf %get3A_2778, %get3A_2781 : vector<1x64xf32>
    %add3A_2786 = arith.addf %add3A_2785, %get3A_2784 : vector<1x64xf32>
    %mul3A_2787 = vector.broadcast %get3A_2775 : f32 to vector<1x64xf32>
    %mul3A_2788 = arith.mulf %mul3A_2787, %get3A_3 : vector<1x64xf32>
    %add3A_2789 = arith.addf %add3A_2786, %mul3A_2788 : vector<1x64xf32>
    %max3A_2790 = arith.constant 0.000000e+00 : f32
    %max3A_2791 = vector.broadcast %max3A_2790 : f32 to vector<1x64xf32>
    %max3A_2792 = arith.maximumf %add3A_2789, %max3A_2791 : vector<1x64xf32>
    %get3A_2793 = arith.index_cast %get3A_2767 : i32 to index
    %get3A_2794 = arith.constant 0 : index
    %get3A_2795 = vector.load %arg5[%get3A_2793, %get3A_2794] : memref<10240x64xf32, #tpu.memory_space<vmem>>, vector<1x64xf32>
    %add3A_2796 = arith.addf %get3A_2795, %max3A_2792 : vector<1x64xf32>
    %swap3A_2797 = arith.index_cast %get3A_2767 : i32 to index
    %swap3A_2798 = arith.constant 0 : index
    %swap3A_2799 = vector.load %arg5[%swap3A_2797, %swap3A_2798] : memref<10240x64xf32, #tpu.memory_space<vmem>>, vector<1x64xf32>
    tpu.vector_store %arg5[%swap3A_2797, %swap3A_2798], %add3A_2796 {strides = array<i32>} : memref<10240x64xf32, #tpu.memory_space<vmem>>, vector<1x64xf32>,
    %get3A_2800 = arith.constant 0 : index
    %get3A_2801 = arith.constant 0 : index
    %get3A_2802 = arith.constant 70 : index
    %get3A_2803 = memref.load %arg1[%get3A_2800, %get3A_2801, %get3A_2802] : memref<1x3x128xi32, #tpu.memory_space<smem>>
    %get3A_2804 = arith.constant 0 : index
    %get3A_2805 = arith.constant 1 : index
    %get3A_2806 = arith.constant 70 : index
    %get3A_2807 = memref.load %arg1[%get3A_2804, %get3A_2805, %get3A_2806] : memref<1x3x128xi32, #tpu.memory_space<smem>>
    %get3A_2808 = arith.constant 0 : index
    %get3A_2809 = arith.constant 2 : index
    %get3A_2810 = arith.constant 70 : index
    %get3A_2811 = memref.load %arg1[%get3A_2808, %get3A_2809, %get3A_2810] : memref<1x3x128xi32, #tpu.memory_space<smem>>
    %get3A_2812 = arith.constant 0 : index
    %get3A_2813 = arith.constant 0 : index
    %get3A_2814 = arith.constant 70 : index
    %get3A_2815 = memref.load %arg2[%get3A_2812, %get3A_2813, %get3A_2814] : memref<1x1x128xf32, #tpu.memory_space<smem>>
    %get3A_2816 = arith.index_cast %get3A_2803 : i32 to index
    %get3A_2817 = arith.constant 0 : index
    %get3A_2818 = vector.load %arg3[%get3A_2816, %get3A_2817] : memref<10240x128xf32, #tpu.memory_space<vmem>>, vector<1x64xf32>
    %get3A_2819 = arith.index_cast %get3A_2807 : i32 to index
    %get3A_2820 = arith.constant 64 : index
    %get3A_2821 = vector.load %arg3[%get3A_2819, %get3A_2820] : memref<10240x128xf32, #tpu.memory_space<vmem>>, vector<1x64xf32>
    %get3A_2822 = arith.index_cast %get3A_2811 : i32 to index
    %get3A_2823 = arith.constant 0 : index
    %get3A_2824 = vector.load %arg4[%get3A_2822, %get3A_2823] : memref<8x128xf32, #tpu.memory_space<vmem>>, vector<1x64xf32>
    %add3A_2825 = arith.addf %get3A_2818, %get3A_2821 : vector<1x64xf32>
    %add3A_2826 = arith.addf %add3A_2825, %get3A_2824 : vector<1x64xf32>
    %mul3A_2827 = vector.broadcast %get3A_2815 : f32 to vector<1x64xf32>
    %mul3A_2828 = arith.mulf %mul3A_2827, %get3A_3 : vector<1x64xf32>
    %add3A_2829 = arith.addf %add3A_2826, %mul3A_2828 : vector<1x64xf32>
    %max3A_2830 = arith.constant 0.000000e+00 : f32
    %max3A_2831 = vector.broadcast %max3A_2830 : f32 to vector<1x64xf32>
    %max3A_2832 = arith.maximumf %add3A_2829, %max3A_2831 : vector<1x64xf32>
    %get3A_2833 = arith.index_cast %get3A_2807 : i32 to index
    %get3A_2834 = arith.constant 0 : index
    %get3A_2835 = vector.load %arg5[%get3A_2833, %get3A_2834] : memref<10240x64xf32, #tpu.memory_space<vmem>>, vector<1x64xf32>
    %add3A_2836 = arith.addf %get3A_2835, %max3A_2832 : vector<1x64xf32>
    %swap3A_2837 = arith.index_cast %get3A_2807 : i32 to index
    %swap3A_2838 = arith.constant 0 : index
    %swap3A_2839 = vector.load %arg5[%swap3A_2837, %swap3A_2838] : memref<10240x64xf32, #tpu.memory_space<vmem>>, vector<1x64xf32>
    tpu.vector_store %arg5[%swap3A_2837, %swap3A_2838], %add3A_2836 {strides = array<i32>} : memref<10240x64xf32, #tpu.memory_space<vmem>>, vector<1x64xf32>,
    %get3A_2840 = arith.constant 0 : index
    %get3A_2841 = arith.constant 0 : index
    %get3A_2842 = arith.constant 71 : index
    %get3A_2843 = memref.load %arg1[%get3A_2840, %get3A_2841, %get3A_2842] : memref<1x3x128xi32, #tpu.memory_space<smem>>
    %get3A_2844 = arith.constant 0 : index
    %get3A_2845 = arith.constant 1 : index
    %get3A_2846 = arith.constant 71 : index
    %get3A_2847 = memref.load %arg1[%get3A_2844, %get3A_2845, %get3A_2846] : memref<1x3x128xi32, #tpu.memory_space<smem>>
    %get3A_2848 = arith.constant 0 : index
    %get3A_2849 = arith.constant 2 : index
    %get3A_2850 = arith.constant 71 : index
    %get3A_2851 = memref.load %arg1[%get3A_2848, %get3A_2849, %get3A_2850] : memref<1x3x128xi32, #tpu.memory_space<smem>>
    %get3A_2852 = arith.constant 0 : index
    %get3A_2853 = arith.constant 0 : index
    %get3A_2854 = arith.constant 71 : index
    %get3A_2855 = memref.load %arg2[%get3A_2852, %get3A_2853, %get3A_2854] : memref<1x1x128xf32, #tpu.memory_space<smem>>
    %get3A_2856 = arith.index_cast %get3A_2843 : i32 to index
    %get3A_2857 = arith.constant 0 : index
    %get3A_2858 = vector.load %arg3[%get3A_2856, %get3A_2857] : memref<10240x128xf32, #tpu.memory_space<vmem>>, vector<1x64xf32>
    %get3A_2859 = arith.index_cast %get3A_2847 : i32 to index
    %get3A_2860 = arith.constant 64 : index
    %get3A_2861 = vector.load %arg3[%get3A_2859, %get3A_2860] : memref<10240x128xf32, #tpu.memory_space<vmem>>, vector<1x64xf32>
    %get3A_2862 = arith.index_cast %get3A_2851 : i32 to index
    %get3A_2863 = arith.constant 0 : index
    %get3A_2864 = vector.load %arg4[%get3A_2862, %get3A_2863] : memref<8x128xf32, #tpu.memory_space<vmem>>, vector<1x64xf32>
    %add3A_2865 = arith.addf %get3A_2858, %get3A_2861 : vector<1x64xf32>
    %add3A_2866 = arith.addf %add3A_2865, %get3A_2864 : vector<1x64xf32>
    %mul3A_2867 = vector.broadcast %get3A_2855 : f32 to vector<1x64xf32>
    %mul3A_2868 = arith.mulf %mul3A_2867, %get3A_3 : vector<1x64xf32>
    %add3A_2869 = arith.addf %add3A_2866, %mul3A_2868 : vector<1x64xf32>
    %max3A_2870 = arith.constant 0.000000e+00 : f32
    %max3A_2871 = vector.broadcast %max3A_2870 : f32 to vector<1x64xf32>
    %max3A_2872 = arith.maximumf %add3A_2869, %max3A_2871 : vector<1x64xf32>
    %get3A_2873 = arith.index_cast %get3A_2847 : i32 to index
    %get3A_2874 = arith.constant 0 : index
    %get3A_2875 = vector.load %arg5[%get3A_2873, %get3A_2874] : memref<10240x64xf32, #tpu.memory_space<vmem>>, vector<1x64xf32>
    %add3A_2876 = arith.addf %get3A_2875, %max3A_2872 : vector<1x64xf32>
    %swap3A_2877 = arith.index_cast %get3A_2847 : i32 to index
    %swap3A_2878 = arith.constant 0 : index
    %swap3A_2879 = vector.load %arg5[%swap3A_2877, %swap3A_2878] : memref<10240x64xf32, #tpu.memory_space<vmem>>, vector<1x64xf32>
    tpu.vector_store %arg5[%swap3A_2877, %swap3A_2878], %add3A_2876 {strides = array<i32>} : memref<10240x64xf32, #tpu.memory_space<vmem>>, vector<1x64xf32>,
    %get3A_2880 = arith.constant 0 : index
    %get3A_2881 = arith.constant 0 : index
    %get3A_2882 = arith.constant 72 : index
    %get3A_2883 = memref.load %arg1[%get3A_2880, %get3A_2881, %get3A_2882] : memref<1x3x128xi32, #tpu.memory_space<smem>>
    %get3A_2884 = arith.constant 0 : index
    %get3A_2885 = arith.constant 1 : index
    %get3A_2886 = arith.constant 72 : index
    %get3A_2887 = memref.load %arg1[%get3A_2884, %get3A_2885, %get3A_2886] : memref<1x3x128xi32, #tpu.memory_space<smem>>
    %get3A_2888 = arith.constant 0 : index
    %get3A_2889 = arith.constant 2 : index
    %get3A_2890 = arith.constant 72 : index
    %get3A_2891 = memref.load %arg1[%get3A_2888, %get3A_2889, %get3A_2890] : memref<1x3x128xi32, #tpu.memory_space<smem>>
    %get3A_2892 = arith.constant 0 : index
    %get3A_2893 = arith.constant 0 : index
    %get3A_2894 = arith.constant 72 : index
    %get3A_2895 = memref.load %arg2[%get3A_2892, %get3A_2893, %get3A_2894] : memref<1x1x128xf32, #tpu.memory_space<smem>>
    %get3A_2896 = arith.index_cast %get3A_2883 : i32 to index
    %get3A_2897 = arith.constant 0 : index
    %get3A_2898 = vector.load %arg3[%get3A_2896, %get3A_2897] : memref<10240x128xf32, #tpu.memory_space<vmem>>, vector<1x64xf32>
    %get3A_2899 = arith.index_cast %get3A_2887 : i32 to index
    %get3A_2900 = arith.constant 64 : index
    %get3A_2901 = vector.load %arg3[%get3A_2899, %get3A_2900] : memref<10240x128xf32, #tpu.memory_space<vmem>>, vector<1x64xf32>
    %get3A_2902 = arith.index_cast %get3A_2891 : i32 to index
    %get3A_2903 = arith.constant 0 : index
    %get3A_2904 = vector.load %arg4[%get3A_2902, %get3A_2903] : memref<8x128xf32, #tpu.memory_space<vmem>>, vector<1x64xf32>
    %add3A_2905 = arith.addf %get3A_2898, %get3A_2901 : vector<1x64xf32>
    %add3A_2906 = arith.addf %add3A_2905, %get3A_2904 : vector<1x64xf32>
    %mul3A_2907 = vector.broadcast %get3A_2895 : f32 to vector<1x64xf32>
    %mul3A_2908 = arith.mulf %mul3A_2907, %get3A_3 : vector<1x64xf32>
    %add3A_2909 = arith.addf %add3A_2906, %mul3A_2908 : vector<1x64xf32>
    %max3A_2910 = arith.constant 0.000000e+00 : f32
    %max3A_2911 = vector.broadcast %max3A_2910 : f32 to vector<1x64xf32>
    %max3A_2912 = arith.maximumf %add3A_2909, %max3A_2911 : vector<1x64xf32>
    %get3A_2913 = arith.index_cast %get3A_2887 : i32 to index
    %get3A_2914 = arith.constant 0 : index
    %get3A_2915 = vector.load %arg5[%get3A_2913, %get3A_2914] : memref<10240x64xf32, #tpu.memory_space<vmem>>, vector<1x64xf32>
    %add3A_2916 = arith.addf %get3A_2915, %max3A_2912 : vector<1x64xf32>
    %swap3A_2917 = arith.index_cast %get3A_2887 : i32 to index
    %swap3A_2918 = arith.constant 0 : index
    %swap3A_2919 = vector.load %arg5[%swap3A_2917, %swap3A_2918] : memref<10240x64xf32, #tpu.memory_space<vmem>>, vector<1x64xf32>
    tpu.vector_store %arg5[%swap3A_2917, %swap3A_2918], %add3A_2916 {strides = array<i32>} : memref<10240x64xf32, #tpu.memory_space<vmem>>, vector<1x64xf32>,
    %get3A_2920 = arith.constant 0 : index
    %get3A_2921 = arith.constant 0 : index
    %get3A_2922 = arith.constant 73 : index
    %get3A_2923 = memref.load %arg1[%get3A_2920, %get3A_2921, %get3A_2922] : memref<1x3x128xi32, #tpu.memory_space<smem>>
    %get3A_2924 = arith.constant 0 : index
    %get3A_2925 = arith.constant 1 : index
    %get3A_2926 = arith.constant 73 : index
    %get3A_2927 = memref.load %arg1[%get3A_2924, %get3A_2925, %get3A_2926] : memref<1x3x128xi32, #tpu.memory_space<smem>>
    %get3A_2928 = arith.constant 0 : index
    %get3A_2929 = arith.constant 2 : index
    %get3A_2930 = arith.constant 73 : index
    %get3A_2931 = memref.load %arg1[%get3A_2928, %get3A_2929, %get3A_2930] : memref<1x3x128xi32, #tpu.memory_space<smem>>
    %get3A_2932 = arith.constant 0 : index
    %get3A_2933 = arith.constant 0 : index
    %get3A_2934 = arith.constant 73 : index
    %get3A_2935 = memref.load %arg2[%get3A_2932, %get3A_2933, %get3A_2934] : memref<1x1x128xf32, #tpu.memory_space<smem>>
    %get3A_2936 = arith.index_cast %get3A_2923 : i32 to index
    %get3A_2937 = arith.constant 0 : index
    %get3A_2938 = vector.load %arg3[%get3A_2936, %get3A_2937] : memref<10240x128xf32, #tpu.memory_space<vmem>>, vector<1x64xf32>
    %get3A_2939 = arith.index_cast %get3A_2927 : i32 to index
    %get3A_2940 = arith.constant 64 : index
    %get3A_2941 = vector.load %arg3[%get3A_2939, %get3A_2940] : memref<10240x128xf32, #tpu.memory_space<vmem>>, vector<1x64xf32>
    %get3A_2942 = arith.index_cast %get3A_2931 : i32 to index
    %get3A_2943 = arith.constant 0 : index
    %get3A_2944 = vector.load %arg4[%get3A_2942, %get3A_2943] : memref<8x128xf32, #tpu.memory_space<vmem>>, vector<1x64xf32>
    %add3A_2945 = arith.addf %get3A_2938, %get3A_2941 : vector<1x64xf32>
    %add3A_2946 = arith.addf %add3A_2945, %get3A_2944 : vector<1x64xf32>
    %mul3A_2947 = vector.broadcast %get3A_2935 : f32 to vector<1x64xf32>
    %mul3A_2948 = arith.mulf %mul3A_2947, %get3A_3 : vector<1x64xf32>
    %add3A_2949 = arith.addf %add3A_2946, %mul3A_2948 : vector<1x64xf32>
    %max3A_2950 = arith.constant 0.000000e+00 : f32
    %max3A_2951 = vector.broadcast %max3A_2950 : f32 to vector<1x64xf32>
    %max3A_2952 = arith.maximumf %add3A_2949, %max3A_2951 : vector<1x64xf32>
    %get3A_2953 = arith.index_cast %get3A_2927 : i32 to index
    %get3A_2954 = arith.constant 0 : index
    %get3A_2955 = vector.load %arg5[%get3A_2953, %get3A_2954] : memref<10240x64xf32, #tpu.memory_space<vmem>>, vector<1x64xf32>
    %add3A_2956 = arith.addf %get3A_2955, %max3A_2952 : vector<1x64xf32>
    %swap3A_2957 = arith.index_cast %get3A_2927 : i32 to index
    %swap3A_2958 = arith.constant 0 : index
    %swap3A_2959 = vector.load %arg5[%swap3A_2957, %swap3A_2958] : memref<10240x64xf32, #tpu.memory_space<vmem>>, vector<1x64xf32>
    tpu.vector_store %arg5[%swap3A_2957, %swap3A_2958], %add3A_2956 {strides = array<i32>} : memref<10240x64xf32, #tpu.memory_space<vmem>>, vector<1x64xf32>,
    %get3A_2960 = arith.constant 0 : index
    %get3A_2961 = arith.constant 0 : index
    %get3A_2962 = arith.constant 74 : index
    %get3A_2963 = memref.load %arg1[%get3A_2960, %get3A_2961, %get3A_2962] : memref<1x3x128xi32, #tpu.memory_space<smem>>
    %get3A_2964 = arith.constant 0 : index
    %get3A_2965 = arith.constant 1 : index
    %get3A_2966 = arith.constant 74 : index
    %get3A_2967 = memref.load %arg1[%get3A_2964, %get3A_2965, %get3A_2966] : memref<1x3x128xi32, #tpu.memory_space<smem>>
    %get3A_2968 = arith.constant 0 : index
    %get3A_2969 = arith.constant 2 : index
    %get3A_2970 = arith.constant 74 : index
    %get3A_2971 = memref.load %arg1[%get3A_2968, %get3A_2969, %get3A_2970] : memref<1x3x128xi32, #tpu.memory_space<smem>>
    %get3A_2972 = arith.constant 0 : index
    %get3A_2973 = arith.constant 0 : index
    %get3A_2974 = arith.constant 74 : index
    %get3A_2975 = memref.load %arg2[%get3A_2972, %get3A_2973, %get3A_2974] : memref<1x1x128xf32, #tpu.memory_space<smem>>
    %get3A_2976 = arith.index_cast %get3A_2963 : i32 to index
    %get3A_2977 = arith.constant 0 : index
    %get3A_2978 = vector.load %arg3[%get3A_2976, %get3A_2977] : memref<10240x128xf32, #tpu.memory_space<vmem>>, vector<1x64xf32>
    %get3A_2979 = arith.index_cast %get3A_2967 : i32 to index
    %get3A_2980 = arith.constant 64 : index
    %get3A_2981 = vector.load %arg3[%get3A_2979, %get3A_2980] : memref<10240x128xf32, #tpu.memory_space<vmem>>, vector<1x64xf32>
    %get3A_2982 = arith.index_cast %get3A_2971 : i32 to index
    %get3A_2983 = arith.constant 0 : index
    %get3A_2984 = vector.load %arg4[%get3A_2982, %get3A_2983] : memref<8x128xf32, #tpu.memory_space<vmem>>, vector<1x64xf32>
    %add3A_2985 = arith.addf %get3A_2978, %get3A_2981 : vector<1x64xf32>
    %add3A_2986 = arith.addf %add3A_2985, %get3A_2984 : vector<1x64xf32>
    %mul3A_2987 = vector.broadcast %get3A_2975 : f32 to vector<1x64xf32>
    %mul3A_2988 = arith.mulf %mul3A_2987, %get3A_3 : vector<1x64xf32>
    %add3A_2989 = arith.addf %add3A_2986, %mul3A_2988 : vector<1x64xf32>
    %max3A_2990 = arith.constant 0.000000e+00 : f32
    %max3A_2991 = vector.broadcast %max3A_2990 : f32 to vector<1x64xf32>
    %max3A_2992 = arith.maximumf %add3A_2989, %max3A_2991 : vector<1x64xf32>
    %get3A_2993 = arith.index_cast %get3A_2967 : i32 to index
    %get3A_2994 = arith.constant 0 : index
    %get3A_2995 = vector.load %arg5[%get3A_2993, %get3A_2994] : memref<10240x64xf32, #tpu.memory_space<vmem>>, vector<1x64xf32>
    %add3A_2996 = arith.addf %get3A_2995, %max3A_2992 : vector<1x64xf32>
    %swap3A_2997 = arith.index_cast %get3A_2967 : i32 to index
    %swap3A_2998 = arith.constant 0 : index
    %swap3A_2999 = vector.load %arg5[%swap3A_2997, %swap3A_2998] : memref<10240x64xf32, #tpu.memory_space<vmem>>, vector<1x64xf32>
    tpu.vector_store %arg5[%swap3A_2997, %swap3A_2998], %add3A_2996 {strides = array<i32>} : memref<10240x64xf32, #tpu.memory_space<vmem>>, vector<1x64xf32>,
    %get3A_3000 = arith.constant 0 : index
    %get3A_3001 = arith.constant 0 : index
    %get3A_3002 = arith.constant 75 : index
    %get3A_3003 = memref.load %arg1[%get3A_3000, %get3A_3001, %get3A_3002] : memref<1x3x128xi32, #tpu.memory_space<smem>>
    %get3A_3004 = arith.constant 0 : index
    %get3A_3005 = arith.constant 1 : index
    %get3A_3006 = arith.constant 75 : index
    %get3A_3007 = memref.load %arg1[%get3A_3004, %get3A_3005, %get3A_3006] : memref<1x3x128xi32, #tpu.memory_space<smem>>
    %get3A_3008 = arith.constant 0 : index
    %get3A_3009 = arith.constant 2 : index
    %get3A_3010 = arith.constant 75 : index
    %get3A_3011 = memref.load %arg1[%get3A_3008, %get3A_3009, %get3A_3010] : memref<1x3x128xi32, #tpu.memory_space<smem>>
    %get3A_3012 = arith.constant 0 : index
    %get3A_3013 = arith.constant 0 : index
    %get3A_3014 = arith.constant 75 : index
    %get3A_3015 = memref.load %arg2[%get3A_3012, %get3A_3013, %get3A_3014] : memref<1x1x128xf32, #tpu.memory_space<smem>>
    %get3A_3016 = arith.index_cast %get3A_3003 : i32 to index
    %get3A_3017 = arith.constant 0 : index
    %get3A_3018 = vector.load %arg3[%get3A_3016, %get3A_3017] : memref<10240x128xf32, #tpu.memory_space<vmem>>, vector<1x64xf32>
    %get3A_3019 = arith.index_cast %get3A_3007 : i32 to index
    %get3A_3020 = arith.constant 64 : index
    %get3A_3021 = vector.load %arg3[%get3A_3019, %get3A_3020] : memref<10240x128xf32, #tpu.memory_space<vmem>>, vector<1x64xf32>
    %get3A_3022 = arith.index_cast %get3A_3011 : i32 to index
    %get3A_3023 = arith.constant 0 : index
    %get3A_3024 = vector.load %arg4[%get3A_3022, %get3A_3023] : memref<8x128xf32, #tpu.memory_space<vmem>>, vector<1x64xf32>
    %add3A_3025 = arith.addf %get3A_3018, %get3A_3021 : vector<1x64xf32>
    %add3A_3026 = arith.addf %add3A_3025, %get3A_3024 : vector<1x64xf32>
    %mul3A_3027 = vector.broadcast %get3A_3015 : f32 to vector<1x64xf32>
    %mul3A_3028 = arith.mulf %mul3A_3027, %get3A_3 : vector<1x64xf32>
    %add3A_3029 = arith.addf %add3A_3026, %mul3A_3028 : vector<1x64xf32>
    %max3A_3030 = arith.constant 0.000000e+00 : f32
    %max3A_3031 = vector.broadcast %max3A_3030 : f32 to vector<1x64xf32>
    %max3A_3032 = arith.maximumf %add3A_3029, %max3A_3031 : vector<1x64xf32>
    %get3A_3033 = arith.index_cast %get3A_3007 : i32 to index
    %get3A_3034 = arith.constant 0 : index
    %get3A_3035 = vector.load %arg5[%get3A_3033, %get3A_3034] : memref<10240x64xf32, #tpu.memory_space<vmem>>, vector<1x64xf32>
    %add3A_3036 = arith.addf %get3A_3035, %max3A_3032 : vector<1x64xf32>
    %swap3A_3037 = arith.index_cast %get3A_3007 : i32 to index
    %swap3A_3038 = arith.constant 0 : index
    %swap3A_3039 = vector.load %arg5[%swap3A_3037, %swap3A_3038] : memref<10240x64xf32, #tpu.memory_space<vmem>>, vector<1x64xf32>
    tpu.vector_store %arg5[%swap3A_3037, %swap3A_3038], %add3A_3036 {strides = array<i32>} : memref<10240x64xf32, #tpu.memory_space<vmem>>, vector<1x64xf32>,
    %get3A_3040 = arith.constant 0 : index
    %get3A_3041 = arith.constant 0 : index
    %get3A_3042 = arith.constant 76 : index
    %get3A_3043 = memref.load %arg1[%get3A_3040, %get3A_3041, %get3A_3042] : memref<1x3x128xi32, #tpu.memory_space<smem>>
    %get3A_3044 = arith.constant 0 : index
    %get3A_3045 = arith.constant 1 : index
    %get3A_3046 = arith.constant 76 : index
    %get3A_3047 = memref.load %arg1[%get3A_3044, %get3A_3045, %get3A_3046] : memref<1x3x128xi32, #tpu.memory_space<smem>>
    %get3A_3048 = arith.constant 0 : index
    %get3A_3049 = arith.constant 2 : index
    %get3A_3050 = arith.constant 76 : index
    %get3A_3051 = memref.load %arg1[%get3A_3048, %get3A_3049, %get3A_3050] : memref<1x3x128xi32, #tpu.memory_space<smem>>
    %get3A_3052 = arith.constant 0 : index
    %get3A_3053 = arith.constant 0 : index
    %get3A_3054 = arith.constant 76 : index
    %get3A_3055 = memref.load %arg2[%get3A_3052, %get3A_3053, %get3A_3054] : memref<1x1x128xf32, #tpu.memory_space<smem>>
    %get3A_3056 = arith.index_cast %get3A_3043 : i32 to index
    %get3A_3057 = arith.constant 0 : index
    %get3A_3058 = vector.load %arg3[%get3A_3056, %get3A_3057] : memref<10240x128xf32, #tpu.memory_space<vmem>>, vector<1x64xf32>
    %get3A_3059 = arith.index_cast %get3A_3047 : i32 to index
    %get3A_3060 = arith.constant 64 : index
    %get3A_3061 = vector.load %arg3[%get3A_3059, %get3A_3060] : memref<10240x128xf32, #tpu.memory_space<vmem>>, vector<1x64xf32>
    %get3A_3062 = arith.index_cast %get3A_3051 : i32 to index
    %get3A_3063 = arith.constant 0 : index
    %get3A_3064 = vector.load %arg4[%get3A_3062, %get3A_3063] : memref<8x128xf32, #tpu.memory_space<vmem>>, vector<1x64xf32>
    %add3A_3065 = arith.addf %get3A_3058, %get3A_3061 : vector<1x64xf32>
    %add3A_3066 = arith.addf %add3A_3065, %get3A_3064 : vector<1x64xf32>
    %mul3A_3067 = vector.broadcast %get3A_3055 : f32 to vector<1x64xf32>
    %mul3A_3068 = arith.mulf %mul3A_3067, %get3A_3 : vector<1x64xf32>
    %add3A_3069 = arith.addf %add3A_3066, %mul3A_3068 : vector<1x64xf32>
    %max3A_3070 = arith.constant 0.000000e+00 : f32
    %max3A_3071 = vector.broadcast %max3A_3070 : f32 to vector<1x64xf32>
    %max3A_3072 = arith.maximumf %add3A_3069, %max3A_3071 : vector<1x64xf32>
    %get3A_3073 = arith.index_cast %get3A_3047 : i32 to index
    %get3A_3074 = arith.constant 0 : index
    %get3A_3075 = vector.load %arg5[%get3A_3073, %get3A_3074] : memref<10240x64xf32, #tpu.memory_space<vmem>>, vector<1x64xf32>
    %add3A_3076 = arith.addf %get3A_3075, %max3A_3072 : vector<1x64xf32>
    %swap3A_3077 = arith.index_cast %get3A_3047 : i32 to index
    %swap3A_3078 = arith.constant 0 : index
    %swap3A_3079 = vector.load %arg5[%swap3A_3077, %swap3A_3078] : memref<10240x64xf32, #tpu.memory_space<vmem>>, vector<1x64xf32>
    tpu.vector_store %arg5[%swap3A_3077, %swap3A_3078], %add3A_3076 {strides = array<i32>} : memref<10240x64xf32, #tpu.memory_space<vmem>>, vector<1x64xf32>,
    %get3A_3080 = arith.constant 0 : index
    %get3A_3081 = arith.constant 0 : index
    %get3A_3082 = arith.constant 77 : index
    %get3A_3083 = memref.load %arg1[%get3A_3080, %get3A_3081, %get3A_3082] : memref<1x3x128xi32, #tpu.memory_space<smem>>
    %get3A_3084 = arith.constant 0 : index
    %get3A_3085 = arith.constant 1 : index
    %get3A_3086 = arith.constant 77 : index
    %get3A_3087 = memref.load %arg1[%get3A_3084, %get3A_3085, %get3A_3086] : memref<1x3x128xi32, #tpu.memory_space<smem>>
    %get3A_3088 = arith.constant 0 : index
    %get3A_3089 = arith.constant 2 : index
    %get3A_3090 = arith.constant 77 : index
    %get3A_3091 = memref.load %arg1[%get3A_3088, %get3A_3089, %get3A_3090] : memref<1x3x128xi32, #tpu.memory_space<smem>>
    %get3A_3092 = arith.constant 0 : index
    %get3A_3093 = arith.constant 0 : index
    %get3A_3094 = arith.constant 77 : index
    %get3A_3095 = memref.load %arg2[%get3A_3092, %get3A_3093, %get3A_3094] : memref<1x1x128xf32, #tpu.memory_space<smem>>
    %get3A_3096 = arith.index_cast %get3A_3083 : i32 to index
    %get3A_3097 = arith.constant 0 : index
    %get3A_3098 = vector.load %arg3[%get3A_3096, %get3A_3097] : memref<10240x128xf32, #tpu.memory_space<vmem>>, vector<1x64xf32>
    %get3A_3099 = arith.index_cast %get3A_3087 : i32 to index
    %get3A_3100 = arith.constant 64 : index
    %get3A_3101 = vector.load %arg3[%get3A_3099, %get3A_3100] : memref<10240x128xf32, #tpu.memory_space<vmem>>, vector<1x64xf32>
    %get3A_3102 = arith.index_cast %get3A_3091 : i32 to index
    %get3A_3103 = arith.constant 0 : index
    %get3A_3104 = vector.load %arg4[%get3A_3102, %get3A_3103] : memref<8x128xf32, #tpu.memory_space<vmem>>, vector<1x64xf32>
    %add3A_3105 = arith.addf %get3A_3098, %get3A_3101 : vector<1x64xf32>
    %add3A_3106 = arith.addf %add3A_3105, %get3A_3104 : vector<1x64xf32>
    %mul3A_3107 = vector.broadcast %get3A_3095 : f32 to vector<1x64xf32>
    %mul3A_3108 = arith.mulf %mul3A_3107, %get3A_3 : vector<1x64xf32>
    %add3A_3109 = arith.addf %add3A_3106, %mul3A_3108 : vector<1x64xf32>
    %max3A_3110 = arith.constant 0.000000e+00 : f32
    %max3A_3111 = vector.broadcast %max3A_3110 : f32 to vector<1x64xf32>
    %max3A_3112 = arith.maximumf %add3A_3109, %max3A_3111 : vector<1x64xf32>
    %get3A_3113 = arith.index_cast %get3A_3087 : i32 to index
    %get3A_3114 = arith.constant 0 : index
    %get3A_3115 = vector.load %arg5[%get3A_3113, %get3A_3114] : memref<10240x64xf32, #tpu.memory_space<vmem>>, vector<1x64xf32>
    %add3A_3116 = arith.addf %get3A_3115, %max3A_3112 : vector<1x64xf32>
    %swap3A_3117 = arith.index_cast %get3A_3087 : i32 to index
    %swap3A_3118 = arith.constant 0 : index
    %swap3A_3119 = vector.load %arg5[%swap3A_3117, %swap3A_3118] : memref<10240x64xf32, #tpu.memory_space<vmem>>, vector<1x64xf32>
    tpu.vector_store %arg5[%swap3A_3117, %swap3A_3118], %add3A_3116 {strides = array<i32>} : memref<10240x64xf32, #tpu.memory_space<vmem>>, vector<1x64xf32>,
    %get3A_3120 = arith.constant 0 : index
    %get3A_3121 = arith.constant 0 : index
    %get3A_3122 = arith.constant 78 : index
    %get3A_3123 = memref.load %arg1[%get3A_3120, %get3A_3121, %get3A_3122] : memref<1x3x128xi32, #tpu.memory_space<smem>>
    %get3A_3124 = arith.constant 0 : index
    %get3A_3125 = arith.constant 1 : index
    %get3A_3126 = arith.constant 78 : index
    %get3A_3127 = memref.load %arg1[%get3A_3124, %get3A_3125, %get3A_3126] : memref<1x3x128xi32, #tpu.memory_space<smem>>
    %get3A_3128 = arith.constant 0 : index
    %get3A_3129 = arith.constant 2 : index
    %get3A_3130 = arith.constant 78 : index
    %get3A_3131 = memref.load %arg1[%get3A_3128, %get3A_3129, %get3A_3130] : memref<1x3x128xi32, #tpu.memory_space<smem>>
    %get3A_3132 = arith.constant 0 : index
    %get3A_3133 = arith.constant 0 : index
    %get3A_3134 = arith.constant 78 : index
    %get3A_3135 = memref.load %arg2[%get3A_3132, %get3A_3133, %get3A_3134] : memref<1x1x128xf32, #tpu.memory_space<smem>>
    %get3A_3136 = arith.index_cast %get3A_3123 : i32 to index
    %get3A_3137 = arith.constant 0 : index
    %get3A_3138 = vector.load %arg3[%get3A_3136, %get3A_3137] : memref<10240x128xf32, #tpu.memory_space<vmem>>, vector<1x64xf32>
    %get3A_3139 = arith.index_cast %get3A_3127 : i32 to index
    %get3A_3140 = arith.constant 64 : index
    %get3A_3141 = vector.load %arg3[%get3A_3139, %get3A_3140] : memref<10240x128xf32, #tpu.memory_space<vmem>>, vector<1x64xf32>
    %get3A_3142 = arith.index_cast %get3A_3131 : i32 to index
    %get3A_3143 = arith.constant 0 : index
    %get3A_3144 = vector.load %arg4[%get3A_3142, %get3A_3143] : memref<8x128xf32, #tpu.memory_space<vmem>>, vector<1x64xf32>
    %add3A_3145 = arith.addf %get3A_3138, %get3A_3141 : vector<1x64xf32>
    %add3A_3146 = arith.addf %add3A_3145, %get3A_3144 : vector<1x64xf32>
    %mul3A_3147 = vector.broadcast %get3A_3135 : f32 to vector<1x64xf32>
    %mul3A_3148 = arith.mulf %mul3A_3147, %get3A_3 : vector<1x64xf32>
    %add3A_3149 = arith.addf %add3A_3146, %mul3A_3148 : vector<1x64xf32>
    %max3A_3150 = arith.constant 0.000000e+00 : f32
    %max3A_3151 = vector.broadcast %max3A_3150 : f32 to vector<1x64xf32>
    %max3A_3152 = arith.maximumf %add3A_3149, %max3A_3151 : vector<1x64xf32>
    %get3A_3153 = arith.index_cast %get3A_3127 : i32 to index
    %get3A_3154 = arith.constant 0 : index
    %get3A_3155 = vector.load %arg5[%get3A_3153, %get3A_3154] : memref<10240x64xf32, #tpu.memory_space<vmem>>, vector<1x64xf32>
    %add3A_3156 = arith.addf %get3A_3155, %max3A_3152 : vector<1x64xf32>
    %swap3A_3157 = arith.index_cast %get3A_3127 : i32 to index
    %swap3A_3158 = arith.constant 0 : index
    %swap3A_3159 = vector.load %arg5[%swap3A_3157, %swap3A_3158] : memref<10240x64xf32, #tpu.memory_space<vmem>>, vector<1x64xf32>
    tpu.vector_store %arg5[%swap3A_3157, %swap3A_3158], %add3A_3156 {strides = array<i32>} : memref<10240x64xf32, #tpu.memory_space<vmem>>, vector<1x64xf32>,
    %get3A_3160 = arith.constant 0 : index
    %get3A_3161 = arith.constant 0 : index
    %get3A_3162 = arith.constant 79 : index
    %get3A_3163 = memref.load %arg1[%get3A_3160, %get3A_3161, %get3A_3162] : memref<1x3x128xi32, #tpu.memory_space<smem>>
    %get3A_3164 = arith.constant 0 : index
    %get3A_3165 = arith.constant 1 : index
    %get3A_3166 = arith.constant 79 : index
    %get3A_3167 = memref.load %arg1[%get3A_3164, %get3A_3165, %get3A_3166] : memref<1x3x128xi32, #tpu.memory_space<smem>>
    %get3A_3168 = arith.constant 0 : index
    %get3A_3169 = arith.constant 2 : index
    %get3A_3170 = arith.constant 79 : index
    %get3A_3171 = memref.load %arg1[%get3A_3168, %get3A_3169, %get3A_3170] : memref<1x3x128xi32, #tpu.memory_space<smem>>
    %get3A_3172 = arith.constant 0 : index
    %get3A_3173 = arith.constant 0 : index
    %get3A_3174 = arith.constant 79 : index
    %get3A_3175 = memref.load %arg2[%get3A_3172, %get3A_3173, %get3A_3174] : memref<1x1x128xf32, #tpu.memory_space<smem>>
    %get3A_3176 = arith.index_cast %get3A_3163 : i32 to index
    %get3A_3177 = arith.constant 0 : index
    %get3A_3178 = vector.load %arg3[%get3A_3176, %get3A_3177] : memref<10240x128xf32, #tpu.memory_space<vmem>>, vector<1x64xf32>
    %get3A_3179 = arith.index_cast %get3A_3167 : i32 to index
    %get3A_3180 = arith.constant 64 : index
    %get3A_3181 = vector.load %arg3[%get3A_3179, %get3A_3180] : memref<10240x128xf32, #tpu.memory_space<vmem>>, vector<1x64xf32>
    %get3A_3182 = arith.index_cast %get3A_3171 : i32 to index
    %get3A_3183 = arith.constant 0 : index
    %get3A_3184 = vector.load %arg4[%get3A_3182, %get3A_3183] : memref<8x128xf32, #tpu.memory_space<vmem>>, vector<1x64xf32>
    %add3A_3185 = arith.addf %get3A_3178, %get3A_3181 : vector<1x64xf32>
    %add3A_3186 = arith.addf %add3A_3185, %get3A_3184 : vector<1x64xf32>
    %mul3A_3187 = vector.broadcast %get3A_3175 : f32 to vector<1x64xf32>
    %mul3A_3188 = arith.mulf %mul3A_3187, %get3A_3 : vector<1x64xf32>
    %add3A_3189 = arith.addf %add3A_3186, %mul3A_3188 : vector<1x64xf32>
    %max3A_3190 = arith.constant 0.000000e+00 : f32
    %max3A_3191 = vector.broadcast %max3A_3190 : f32 to vector<1x64xf32>
    %max3A_3192 = arith.maximumf %add3A_3189, %max3A_3191 : vector<1x64xf32>
    %get3A_3193 = arith.index_cast %get3A_3167 : i32 to index
    %get3A_3194 = arith.constant 0 : index
    %get3A_3195 = vector.load %arg5[%get3A_3193, %get3A_3194] : memref<10240x64xf32, #tpu.memory_space<vmem>>, vector<1x64xf32>
    %add3A_3196 = arith.addf %get3A_3195, %max3A_3192 : vector<1x64xf32>
    %swap3A_3197 = arith.index_cast %get3A_3167 : i32 to index
    %swap3A_3198 = arith.constant 0 : index
    %swap3A_3199 = vector.load %arg5[%swap3A_3197, %swap3A_3198] : memref<10240x64xf32, #tpu.memory_space<vmem>>, vector<1x64xf32>
    tpu.vector_store %arg5[%swap3A_3197, %swap3A_3198], %add3A_3196 {strides = array<i32>} : memref<10240x64xf32, #tpu.memory_space<vmem>>, vector<1x64xf32>,
    %get3A_3200 = arith.constant 0 : index
    %get3A_3201 = arith.constant 0 : index
    %get3A_3202 = arith.constant 80 : index
    %get3A_3203 = memref.load %arg1[%get3A_3200, %get3A_3201, %get3A_3202] : memref<1x3x128xi32, #tpu.memory_space<smem>>
    %get3A_3204 = arith.constant 0 : index
    %get3A_3205 = arith.constant 1 : index
    %get3A_3206 = arith.constant 80 : index
    %get3A_3207 = memref.load %arg1[%get3A_3204, %get3A_3205, %get3A_3206] : memref<1x3x128xi32, #tpu.memory_space<smem>>
    %get3A_3208 = arith.constant 0 : index
    %get3A_3209 = arith.constant 2 : index
    %get3A_3210 = arith.constant 80 : index
    %get3A_3211 = memref.load %arg1[%get3A_3208, %get3A_3209, %get3A_3210] : memref<1x3x128xi32, #tpu.memory_space<smem>>
    %get3A_3212 = arith.constant 0 : index
    %get3A_3213 = arith.constant 0 : index
    %get3A_3214 = arith.constant 80 : index
    %get3A_3215 = memref.load %arg2[%get3A_3212, %get3A_3213, %get3A_3214] : memref<1x1x128xf32, #tpu.memory_space<smem>>
    %get3A_3216 = arith.index_cast %get3A_3203 : i32 to index
    %get3A_3217 = arith.constant 0 : index
    %get3A_3218 = vector.load %arg3[%get3A_3216, %get3A_3217] : memref<10240x128xf32, #tpu.memory_space<vmem>>, vector<1x64xf32>
    %get3A_3219 = arith.index_cast %get3A_3207 : i32 to index
    %get3A_3220 = arith.constant 64 : index
    %get3A_3221 = vector.load %arg3[%get3A_3219, %get3A_3220] : memref<10240x128xf32, #tpu.memory_space<vmem>>, vector<1x64xf32>
    %get3A_3222 = arith.index_cast %get3A_3211 : i32 to index
    %get3A_3223 = arith.constant 0 : index
    %get3A_3224 = vector.load %arg4[%get3A_3222, %get3A_3223] : memref<8x128xf32, #tpu.memory_space<vmem>>, vector<1x64xf32>
    %add3A_3225 = arith.addf %get3A_3218, %get3A_3221 : vector<1x64xf32>
    %add3A_3226 = arith.addf %add3A_3225, %get3A_3224 : vector<1x64xf32>
    %mul3A_3227 = vector.broadcast %get3A_3215 : f32 to vector<1x64xf32>
    %mul3A_3228 = arith.mulf %mul3A_3227, %get3A_3 : vector<1x64xf32>
    %add3A_3229 = arith.addf %add3A_3226, %mul3A_3228 : vector<1x64xf32>
    %max3A_3230 = arith.constant 0.000000e+00 : f32
    %max3A_3231 = vector.broadcast %max3A_3230 : f32 to vector<1x64xf32>
    %max3A_3232 = arith.maximumf %add3A_3229, %max3A_3231 : vector<1x64xf32>
    %get3A_3233 = arith.index_cast %get3A_3207 : i32 to index
    %get3A_3234 = arith.constant 0 : index
    %get3A_3235 = vector.load %arg5[%get3A_3233, %get3A_3234] : memref<10240x64xf32, #tpu.memory_space<vmem>>, vector<1x64xf32>
    %add3A_3236 = arith.addf %get3A_3235, %max3A_3232 : vector<1x64xf32>
    %swap3A_3237 = arith.index_cast %get3A_3207 : i32 to index
    %swap3A_3238 = arith.constant 0 : index
    %swap3A_3239 = vector.load %arg5[%swap3A_3237, %swap3A_3238] : memref<10240x64xf32, #tpu.memory_space<vmem>>, vector<1x64xf32>
    tpu.vector_store %arg5[%swap3A_3237, %swap3A_3238], %add3A_3236 {strides = array<i32>} : memref<10240x64xf32, #tpu.memory_space<vmem>>, vector<1x64xf32>,
    %get3A_3240 = arith.constant 0 : index
    %get3A_3241 = arith.constant 0 : index
    %get3A_3242 = arith.constant 81 : index
    %get3A_3243 = memref.load %arg1[%get3A_3240, %get3A_3241, %get3A_3242] : memref<1x3x128xi32, #tpu.memory_space<smem>>
    %get3A_3244 = arith.constant 0 : index
    %get3A_3245 = arith.constant 1 : index
    %get3A_3246 = arith.constant 81 : index
    %get3A_3247 = memref.load %arg1[%get3A_3244, %get3A_3245, %get3A_3246] : memref<1x3x128xi32, #tpu.memory_space<smem>>
    %get3A_3248 = arith.constant 0 : index
    %get3A_3249 = arith.constant 2 : index
    %get3A_3250 = arith.constant 81 : index
    %get3A_3251 = memref.load %arg1[%get3A_3248, %get3A_3249, %get3A_3250] : memref<1x3x128xi32, #tpu.memory_space<smem>>
    %get3A_3252 = arith.constant 0 : index
    %get3A_3253 = arith.constant 0 : index
    %get3A_3254 = arith.constant 81 : index
    %get3A_3255 = memref.load %arg2[%get3A_3252, %get3A_3253, %get3A_3254] : memref<1x1x128xf32, #tpu.memory_space<smem>>
    %get3A_3256 = arith.index_cast %get3A_3243 : i32 to index
    %get3A_3257 = arith.constant 0 : index
    %get3A_3258 = vector.load %arg3[%get3A_3256, %get3A_3257] : memref<10240x128xf32, #tpu.memory_space<vmem>>, vector<1x64xf32>
    %get3A_3259 = arith.index_cast %get3A_3247 : i32 to index
    %get3A_3260 = arith.constant 64 : index
    %get3A_3261 = vector.load %arg3[%get3A_3259, %get3A_3260] : memref<10240x128xf32, #tpu.memory_space<vmem>>, vector<1x64xf32>
    %get3A_3262 = arith.index_cast %get3A_3251 : i32 to index
    %get3A_3263 = arith.constant 0 : index
    %get3A_3264 = vector.load %arg4[%get3A_3262, %get3A_3263] : memref<8x128xf32, #tpu.memory_space<vmem>>, vector<1x64xf32>
    %add3A_3265 = arith.addf %get3A_3258, %get3A_3261 : vector<1x64xf32>
    %add3A_3266 = arith.addf %add3A_3265, %get3A_3264 : vector<1x64xf32>
    %mul3A_3267 = vector.broadcast %get3A_3255 : f32 to vector<1x64xf32>
    %mul3A_3268 = arith.mulf %mul3A_3267, %get3A_3 : vector<1x64xf32>
    %add3A_3269 = arith.addf %add3A_3266, %mul3A_3268 : vector<1x64xf32>
    %max3A_3270 = arith.constant 0.000000e+00 : f32
    %max3A_3271 = vector.broadcast %max3A_3270 : f32 to vector<1x64xf32>
    %max3A_3272 = arith.maximumf %add3A_3269, %max3A_3271 : vector<1x64xf32>
    %get3A_3273 = arith.index_cast %get3A_3247 : i32 to index
    %get3A_3274 = arith.constant 0 : index
    %get3A_3275 = vector.load %arg5[%get3A_3273, %get3A_3274] : memref<10240x64xf32, #tpu.memory_space<vmem>>, vector<1x64xf32>
    %add3A_3276 = arith.addf %get3A_3275, %max3A_3272 : vector<1x64xf32>
    %swap3A_3277 = arith.index_cast %get3A_3247 : i32 to index
    %swap3A_3278 = arith.constant 0 : index
    %swap3A_3279 = vector.load %arg5[%swap3A_3277, %swap3A_3278] : memref<10240x64xf32, #tpu.memory_space<vmem>>, vector<1x64xf32>
    tpu.vector_store %arg5[%swap3A_3277, %swap3A_3278], %add3A_3276 {strides = array<i32>} : memref<10240x64xf32, #tpu.memory_space<vmem>>, vector<1x64xf32>,
    %get3A_3280 = arith.constant 0 : index
    %get3A_3281 = arith.constant 0 : index
    %get3A_3282 = arith.constant 82 : index
    %get3A_3283 = memref.load %arg1[%get3A_3280, %get3A_3281, %get3A_3282] : memref<1x3x128xi32, #tpu.memory_space<smem>>
    %get3A_3284 = arith.constant 0 : index
    %get3A_3285 = arith.constant 1 : index
    %get3A_3286 = arith.constant 82 : index
    %get3A_3287 = memref.load %arg1[%get3A_3284, %get3A_3285, %get3A_3286] : memref<1x3x128xi32, #tpu.memory_space<smem>>
    %get3A_3288 = arith.constant 0 : index
    %get3A_3289 = arith.constant 2 : index
    %get3A_3290 = arith.constant 82 : index
    %get3A_3291 = memref.load %arg1[%get3A_3288, %get3A_3289, %get3A_3290] : memref<1x3x128xi32, #tpu.memory_space<smem>>
    %get3A_3292 = arith.constant 0 : index
    %get3A_3293 = arith.constant 0 : index
    %get3A_3294 = arith.constant 82 : index
    %get3A_3295 = memref.load %arg2[%get3A_3292, %get3A_3293, %get3A_3294] : memref<1x1x128xf32, #tpu.memory_space<smem>>
    %get3A_3296 = arith.index_cast %get3A_3283 : i32 to index
    %get3A_3297 = arith.constant 0 : index
    %get3A_3298 = vector.load %arg3[%get3A_3296, %get3A_3297] : memref<10240x128xf32, #tpu.memory_space<vmem>>, vector<1x64xf32>
    %get3A_3299 = arith.index_cast %get3A_3287 : i32 to index
    %get3A_3300 = arith.constant 64 : index
    %get3A_3301 = vector.load %arg3[%get3A_3299, %get3A_3300] : memref<10240x128xf32, #tpu.memory_space<vmem>>, vector<1x64xf32>
    %get3A_3302 = arith.index_cast %get3A_3291 : i32 to index
    %get3A_3303 = arith.constant 0 : index
    %get3A_3304 = vector.load %arg4[%get3A_3302, %get3A_3303] : memref<8x128xf32, #tpu.memory_space<vmem>>, vector<1x64xf32>
    %add3A_3305 = arith.addf %get3A_3298, %get3A_3301 : vector<1x64xf32>
    %add3A_3306 = arith.addf %add3A_3305, %get3A_3304 : vector<1x64xf32>
    %mul3A_3307 = vector.broadcast %get3A_3295 : f32 to vector<1x64xf32>
    %mul3A_3308 = arith.mulf %mul3A_3307, %get3A_3 : vector<1x64xf32>
    %add3A_3309 = arith.addf %add3A_3306, %mul3A_3308 : vector<1x64xf32>
    %max3A_3310 = arith.constant 0.000000e+00 : f32
    %max3A_3311 = vector.broadcast %max3A_3310 : f32 to vector<1x64xf32>
    %max3A_3312 = arith.maximumf %add3A_3309, %max3A_3311 : vector<1x64xf32>
    %get3A_3313 = arith.index_cast %get3A_3287 : i32 to index
    %get3A_3314 = arith.constant 0 : index
    %get3A_3315 = vector.load %arg5[%get3A_3313, %get3A_3314] : memref<10240x64xf32, #tpu.memory_space<vmem>>, vector<1x64xf32>
    %add3A_3316 = arith.addf %get3A_3315, %max3A_3312 : vector<1x64xf32>
    %swap3A_3317 = arith.index_cast %get3A_3287 : i32 to index
    %swap3A_3318 = arith.constant 0 : index
    %swap3A_3319 = vector.load %arg5[%swap3A_3317, %swap3A_3318] : memref<10240x64xf32, #tpu.memory_space<vmem>>, vector<1x64xf32>
    tpu.vector_store %arg5[%swap3A_3317, %swap3A_3318], %add3A_3316 {strides = array<i32>} : memref<10240x64xf32, #tpu.memory_space<vmem>>, vector<1x64xf32>,
    %get3A_3320 = arith.constant 0 : index
    %get3A_3321 = arith.constant 0 : index
    %get3A_3322 = arith.constant 83 : index
    %get3A_3323 = memref.load %arg1[%get3A_3320, %get3A_3321, %get3A_3322] : memref<1x3x128xi32, #tpu.memory_space<smem>>
    %get3A_3324 = arith.constant 0 : index
    %get3A_3325 = arith.constant 1 : index
    %get3A_3326 = arith.constant 83 : index
    %get3A_3327 = memref.load %arg1[%get3A_3324, %get3A_3325, %get3A_3326] : memref<1x3x128xi32, #tpu.memory_space<smem>>
    %get3A_3328 = arith.constant 0 : index
    %get3A_3329 = arith.constant 2 : index
    %get3A_3330 = arith.constant 83 : index
    %get3A_3331 = memref.load %arg1[%get3A_3328, %get3A_3329, %get3A_3330] : memref<1x3x128xi32, #tpu.memory_space<smem>>
    %get3A_3332 = arith.constant 0 : index
    %get3A_3333 = arith.constant 0 : index
    %get3A_3334 = arith.constant 83 : index
    %get3A_3335 = memref.load %arg2[%get3A_3332, %get3A_3333, %get3A_3334] : memref<1x1x128xf32, #tpu.memory_space<smem>>
    %get3A_3336 = arith.index_cast %get3A_3323 : i32 to index
    %get3A_3337 = arith.constant 0 : index
    %get3A_3338 = vector.load %arg3[%get3A_3336, %get3A_3337] : memref<10240x128xf32, #tpu.memory_space<vmem>>, vector<1x64xf32>
    %get3A_3339 = arith.index_cast %get3A_3327 : i32 to index
    %get3A_3340 = arith.constant 64 : index
    %get3A_3341 = vector.load %arg3[%get3A_3339, %get3A_3340] : memref<10240x128xf32, #tpu.memory_space<vmem>>, vector<1x64xf32>
    %get3A_3342 = arith.index_cast %get3A_3331 : i32 to index
    %get3A_3343 = arith.constant 0 : index
    %get3A_3344 = vector.load %arg4[%get3A_3342, %get3A_3343] : memref<8x128xf32, #tpu.memory_space<vmem>>, vector<1x64xf32>
    %add3A_3345 = arith.addf %get3A_3338, %get3A_3341 : vector<1x64xf32>
    %add3A_3346 = arith.addf %add3A_3345, %get3A_3344 : vector<1x64xf32>
    %mul3A_3347 = vector.broadcast %get3A_3335 : f32 to vector<1x64xf32>
    %mul3A_3348 = arith.mulf %mul3A_3347, %get3A_3 : vector<1x64xf32>
    %add3A_3349 = arith.addf %add3A_3346, %mul3A_3348 : vector<1x64xf32>
    %max3A_3350 = arith.constant 0.000000e+00 : f32
    %max3A_3351 = vector.broadcast %max3A_3350 : f32 to vector<1x64xf32>
    %max3A_3352 = arith.maximumf %add3A_3349, %max3A_3351 : vector<1x64xf32>
    %get3A_3353 = arith.index_cast %get3A_3327 : i32 to index
    %get3A_3354 = arith.constant 0 : index
    %get3A_3355 = vector.load %arg5[%get3A_3353, %get3A_3354] : memref<10240x64xf32, #tpu.memory_space<vmem>>, vector<1x64xf32>
    %add3A_3356 = arith.addf %get3A_3355, %max3A_3352 : vector<1x64xf32>
    %swap3A_3357 = arith.index_cast %get3A_3327 : i32 to index
    %swap3A_3358 = arith.constant 0 : index
    %swap3A_3359 = vector.load %arg5[%swap3A_3357, %swap3A_3358] : memref<10240x64xf32, #tpu.memory_space<vmem>>, vector<1x64xf32>
    tpu.vector_store %arg5[%swap3A_3357, %swap3A_3358], %add3A_3356 {strides = array<i32>} : memref<10240x64xf32, #tpu.memory_space<vmem>>, vector<1x64xf32>,
    %get3A_3360 = arith.constant 0 : index
    %get3A_3361 = arith.constant 0 : index
    %get3A_3362 = arith.constant 84 : index
    %get3A_3363 = memref.load %arg1[%get3A_3360, %get3A_3361, %get3A_3362] : memref<1x3x128xi32, #tpu.memory_space<smem>>
    %get3A_3364 = arith.constant 0 : index
    %get3A_3365 = arith.constant 1 : index
    %get3A_3366 = arith.constant 84 : index
    %get3A_3367 = memref.load %arg1[%get3A_3364, %get3A_3365, %get3A_3366] : memref<1x3x128xi32, #tpu.memory_space<smem>>
    %get3A_3368 = arith.constant 0 : index
    %get3A_3369 = arith.constant 2 : index
    %get3A_3370 = arith.constant 84 : index
    %get3A_3371 = memref.load %arg1[%get3A_3368, %get3A_3369, %get3A_3370] : memref<1x3x128xi32, #tpu.memory_space<smem>>
    %get3A_3372 = arith.constant 0 : index
    %get3A_3373 = arith.constant 0 : index
    %get3A_3374 = arith.constant 84 : index
    %get3A_3375 = memref.load %arg2[%get3A_3372, %get3A_3373, %get3A_3374] : memref<1x1x128xf32, #tpu.memory_space<smem>>
    %get3A_3376 = arith.index_cast %get3A_3363 : i32 to index
    %get3A_3377 = arith.constant 0 : index
    %get3A_3378 = vector.load %arg3[%get3A_3376, %get3A_3377] : memref<10240x128xf32, #tpu.memory_space<vmem>>, vector<1x64xf32>
    %get3A_3379 = arith.index_cast %get3A_3367 : i32 to index
    %get3A_3380 = arith.constant 64 : index
    %get3A_3381 = vector.load %arg3[%get3A_3379, %get3A_3380] : memref<10240x128xf32, #tpu.memory_space<vmem>>, vector<1x64xf32>
    %get3A_3382 = arith.index_cast %get3A_3371 : i32 to index
    %get3A_3383 = arith.constant 0 : index
    %get3A_3384 = vector.load %arg4[%get3A_3382, %get3A_3383] : memref<8x128xf32, #tpu.memory_space<vmem>>, vector<1x64xf32>
    %add3A_3385 = arith.addf %get3A_3378, %get3A_3381 : vector<1x64xf32>
    %add3A_3386 = arith.addf %add3A_3385, %get3A_3384 : vector<1x64xf32>
    %mul3A_3387 = vector.broadcast %get3A_3375 : f32 to vector<1x64xf32>
    %mul3A_3388 = arith.mulf %mul3A_3387, %get3A_3 : vector<1x64xf32>
    %add3A_3389 = arith.addf %add3A_3386, %mul3A_3388 : vector<1x64xf32>
    %max3A_3390 = arith.constant 0.000000e+00 : f32
    %max3A_3391 = vector.broadcast %max3A_3390 : f32 to vector<1x64xf32>
    %max3A_3392 = arith.maximumf %add3A_3389, %max3A_3391 : vector<1x64xf32>
    %get3A_3393 = arith.index_cast %get3A_3367 : i32 to index
    %get3A_3394 = arith.constant 0 : index
    %get3A_3395 = vector.load %arg5[%get3A_3393, %get3A_3394] : memref<10240x64xf32, #tpu.memory_space<vmem>>, vector<1x64xf32>
    %add3A_3396 = arith.addf %get3A_3395, %max3A_3392 : vector<1x64xf32>
    %swap3A_3397 = arith.index_cast %get3A_3367 : i32 to index
    %swap3A_3398 = arith.constant 0 : index
    %swap3A_3399 = vector.load %arg5[%swap3A_3397, %swap3A_3398] : memref<10240x64xf32, #tpu.memory_space<vmem>>, vector<1x64xf32>
    tpu.vector_store %arg5[%swap3A_3397, %swap3A_3398], %add3A_3396 {strides = array<i32>} : memref<10240x64xf32, #tpu.memory_space<vmem>>, vector<1x64xf32>,
    %get3A_3400 = arith.constant 0 : index
    %get3A_3401 = arith.constant 0 : index
    %get3A_3402 = arith.constant 85 : index
    %get3A_3403 = memref.load %arg1[%get3A_3400, %get3A_3401, %get3A_3402] : memref<1x3x128xi32, #tpu.memory_space<smem>>
    %get3A_3404 = arith.constant 0 : index
    %get3A_3405 = arith.constant 1 : index
    %get3A_3406 = arith.constant 85 : index
    %get3A_3407 = memref.load %arg1[%get3A_3404, %get3A_3405, %get3A_3406] : memref<1x3x128xi32, #tpu.memory_space<smem>>
    %get3A_3408 = arith.constant 0 : index
    %get3A_3409 = arith.constant 2 : index
    %get3A_3410 = arith.constant 85 : index
    %get3A_3411 = memref.load %arg1[%get3A_3408, %get3A_3409, %get3A_3410] : memref<1x3x128xi32, #tpu.memory_space<smem>>
    %get3A_3412 = arith.constant 0 : index
    %get3A_3413 = arith.constant 0 : index
    %get3A_3414 = arith.constant 85 : index
    %get3A_3415 = memref.load %arg2[%get3A_3412, %get3A_3413, %get3A_3414] : memref<1x1x128xf32, #tpu.memory_space<smem>>
    %get3A_3416 = arith.index_cast %get3A_3403 : i32 to index
    %get3A_3417 = arith.constant 0 : index
    %get3A_3418 = vector.load %arg3[%get3A_3416, %get3A_3417] : memref<10240x128xf32, #tpu.memory_space<vmem>>, vector<1x64xf32>
    %get3A_3419 = arith.index_cast %get3A_3407 : i32 to index
    %get3A_3420 = arith.constant 64 : index
    %get3A_3421 = vector.load %arg3[%get3A_3419, %get3A_3420] : memref<10240x128xf32, #tpu.memory_space<vmem>>, vector<1x64xf32>
    %get3A_3422 = arith.index_cast %get3A_3411 : i32 to index
    %get3A_3423 = arith.constant 0 : index
    %get3A_3424 = vector.load %arg4[%get3A_3422, %get3A_3423] : memref<8x128xf32, #tpu.memory_space<vmem>>, vector<1x64xf32>
    %add3A_3425 = arith.addf %get3A_3418, %get3A_3421 : vector<1x64xf32>
    %add3A_3426 = arith.addf %add3A_3425, %get3A_3424 : vector<1x64xf32>
    %mul3A_3427 = vector.broadcast %get3A_3415 : f32 to vector<1x64xf32>
    %mul3A_3428 = arith.mulf %mul3A_3427, %get3A_3 : vector<1x64xf32>
    %add3A_3429 = arith.addf %add3A_3426, %mul3A_3428 : vector<1x64xf32>
    %max3A_3430 = arith.constant 0.000000e+00 : f32
    %max3A_3431 = vector.broadcast %max3A_3430 : f32 to vector<1x64xf32>
    %max3A_3432 = arith.maximumf %add3A_3429, %max3A_3431 : vector<1x64xf32>
    %get3A_3433 = arith.index_cast %get3A_3407 : i32 to index
    %get3A_3434 = arith.constant 0 : index
    %get3A_3435 = vector.load %arg5[%get3A_3433, %get3A_3434] : memref<10240x64xf32, #tpu.memory_space<vmem>>, vector<1x64xf32>
    %add3A_3436 = arith.addf %get3A_3435, %max3A_3432 : vector<1x64xf32>
    %swap3A_3437 = arith.index_cast %get3A_3407 : i32 to index
    %swap3A_3438 = arith.constant 0 : index
    %swap3A_3439 = vector.load %arg5[%swap3A_3437, %swap3A_3438] : memref<10240x64xf32, #tpu.memory_space<vmem>>, vector<1x64xf32>
    tpu.vector_store %arg5[%swap3A_3437, %swap3A_3438], %add3A_3436 {strides = array<i32>} : memref<10240x64xf32, #tpu.memory_space<vmem>>, vector<1x64xf32>,
    %get3A_3440 = arith.constant 0 : index
    %get3A_3441 = arith.constant 0 : index
    %get3A_3442 = arith.constant 86 : index
    %get3A_3443 = memref.load %arg1[%get3A_3440, %get3A_3441, %get3A_3442] : memref<1x3x128xi32, #tpu.memory_space<smem>>
    %get3A_3444 = arith.constant 0 : index
    %get3A_3445 = arith.constant 1 : index
    %get3A_3446 = arith.constant 86 : index
    %get3A_3447 = memref.load %arg1[%get3A_3444, %get3A_3445, %get3A_3446] : memref<1x3x128xi32, #tpu.memory_space<smem>>
    %get3A_3448 = arith.constant 0 : index
    %get3A_3449 = arith.constant 2 : index
    %get3A_3450 = arith.constant 86 : index
    %get3A_3451 = memref.load %arg1[%get3A_3448, %get3A_3449, %get3A_3450] : memref<1x3x128xi32, #tpu.memory_space<smem>>
    %get3A_3452 = arith.constant 0 : index
    %get3A_3453 = arith.constant 0 : index
    %get3A_3454 = arith.constant 86 : index
    %get3A_3455 = memref.load %arg2[%get3A_3452, %get3A_3453, %get3A_3454] : memref<1x1x128xf32, #tpu.memory_space<smem>>
    %get3A_3456 = arith.index_cast %get3A_3443 : i32 to index
    %get3A_3457 = arith.constant 0 : index
    %get3A_3458 = vector.load %arg3[%get3A_3456, %get3A_3457] : memref<10240x128xf32, #tpu.memory_space<vmem>>, vector<1x64xf32>
    %get3A_3459 = arith.index_cast %get3A_3447 : i32 to index
    %get3A_3460 = arith.constant 64 : index
    %get3A_3461 = vector.load %arg3[%get3A_3459, %get3A_3460] : memref<10240x128xf32, #tpu.memory_space<vmem>>, vector<1x64xf32>
    %get3A_3462 = arith.index_cast %get3A_3451 : i32 to index
    %get3A_3463 = arith.constant 0 : index
    %get3A_3464 = vector.load %arg4[%get3A_3462, %get3A_3463] : memref<8x128xf32, #tpu.memory_space<vmem>>, vector<1x64xf32>
    %add3A_3465 = arith.addf %get3A_3458, %get3A_3461 : vector<1x64xf32>
    %add3A_3466 = arith.addf %add3A_3465, %get3A_3464 : vector<1x64xf32>
    %mul3A_3467 = vector.broadcast %get3A_3455 : f32 to vector<1x64xf32>
    %mul3A_3468 = arith.mulf %mul3A_3467, %get3A_3 : vector<1x64xf32>
    %add3A_3469 = arith.addf %add3A_3466, %mul3A_3468 : vector<1x64xf32>
    %max3A_3470 = arith.constant 0.000000e+00 : f32
    %max3A_3471 = vector.broadcast %max3A_3470 : f32 to vector<1x64xf32>
    %max3A_3472 = arith.maximumf %add3A_3469, %max3A_3471 : vector<1x64xf32>
    %get3A_3473 = arith.index_cast %get3A_3447 : i32 to index
    %get3A_3474 = arith.constant 0 : index
    %get3A_3475 = vector.load %arg5[%get3A_3473, %get3A_3474] : memref<10240x64xf32, #tpu.memory_space<vmem>>, vector<1x64xf32>
    %add3A_3476 = arith.addf %get3A_3475, %max3A_3472 : vector<1x64xf32>
    %swap3A_3477 = arith.index_cast %get3A_3447 : i32 to index
    %swap3A_3478 = arith.constant 0 : index
    %swap3A_3479 = vector.load %arg5[%swap3A_3477, %swap3A_3478] : memref<10240x64xf32, #tpu.memory_space<vmem>>, vector<1x64xf32>
    tpu.vector_store %arg5[%swap3A_3477, %swap3A_3478], %add3A_3476 {strides = array<i32>} : memref<10240x64xf32, #tpu.memory_space<vmem>>, vector<1x64xf32>,
    %get3A_3480 = arith.constant 0 : index
    %get3A_3481 = arith.constant 0 : index
    %get3A_3482 = arith.constant 87 : index
    %get3A_3483 = memref.load %arg1[%get3A_3480, %get3A_3481, %get3A_3482] : memref<1x3x128xi32, #tpu.memory_space<smem>>
    %get3A_3484 = arith.constant 0 : index
    %get3A_3485 = arith.constant 1 : index
    %get3A_3486 = arith.constant 87 : index
    %get3A_3487 = memref.load %arg1[%get3A_3484, %get3A_3485, %get3A_3486] : memref<1x3x128xi32, #tpu.memory_space<smem>>
    %get3A_3488 = arith.constant 0 : index
    %get3A_3489 = arith.constant 2 : index
    %get3A_3490 = arith.constant 87 : index
    %get3A_3491 = memref.load %arg1[%get3A_3488, %get3A_3489, %get3A_3490] : memref<1x3x128xi32, #tpu.memory_space<smem>>
    %get3A_3492 = arith.constant 0 : index
    %get3A_3493 = arith.constant 0 : index
    %get3A_3494 = arith.constant 87 : index
    %get3A_3495 = memref.load %arg2[%get3A_3492, %get3A_3493, %get3A_3494] : memref<1x1x128xf32, #tpu.memory_space<smem>>
    %get3A_3496 = arith.index_cast %get3A_3483 : i32 to index
    %get3A_3497 = arith.constant 0 : index
    %get3A_3498 = vector.load %arg3[%get3A_3496, %get3A_3497] : memref<10240x128xf32, #tpu.memory_space<vmem>>, vector<1x64xf32>
    %get3A_3499 = arith.index_cast %get3A_3487 : i32 to index
    %get3A_3500 = arith.constant 64 : index
    %get3A_3501 = vector.load %arg3[%get3A_3499, %get3A_3500] : memref<10240x128xf32, #tpu.memory_space<vmem>>, vector<1x64xf32>
    %get3A_3502 = arith.index_cast %get3A_3491 : i32 to index
    %get3A_3503 = arith.constant 0 : index
    %get3A_3504 = vector.load %arg4[%get3A_3502, %get3A_3503] : memref<8x128xf32, #tpu.memory_space<vmem>>, vector<1x64xf32>
    %add3A_3505 = arith.addf %get3A_3498, %get3A_3501 : vector<1x64xf32>
    %add3A_3506 = arith.addf %add3A_3505, %get3A_3504 : vector<1x64xf32>
    %mul3A_3507 = vector.broadcast %get3A_3495 : f32 to vector<1x64xf32>
    %mul3A_3508 = arith.mulf %mul3A_3507, %get3A_3 : vector<1x64xf32>
    %add3A_3509 = arith.addf %add3A_3506, %mul3A_3508 : vector<1x64xf32>
    %max3A_3510 = arith.constant 0.000000e+00 : f32
    %max3A_3511 = vector.broadcast %max3A_3510 : f32 to vector<1x64xf32>
    %max3A_3512 = arith.maximumf %add3A_3509, %max3A_3511 : vector<1x64xf32>
    %get3A_3513 = arith.index_cast %get3A_3487 : i32 to index
    %get3A_3514 = arith.constant 0 : index
    %get3A_3515 = vector.load %arg5[%get3A_3513, %get3A_3514] : memref<10240x64xf32, #tpu.memory_space<vmem>>, vector<1x64xf32>
    %add3A_3516 = arith.addf %get3A_3515, %max3A_3512 : vector<1x64xf32>
    %swap3A_3517 = arith.index_cast %get3A_3487 : i32 to index
    %swap3A_3518 = arith.constant 0 : index
    %swap3A_3519 = vector.load %arg5[%swap3A_3517, %swap3A_3518] : memref<10240x64xf32, #tpu.memory_space<vmem>>, vector<1x64xf32>
    tpu.vector_store %arg5[%swap3A_3517, %swap3A_3518], %add3A_3516 {strides = array<i32>} : memref<10240x64xf32, #tpu.memory_space<vmem>>, vector<1x64xf32>,
    %get3A_3520 = arith.constant 0 : index
    %get3A_3521 = arith.constant 0 : index
    %get3A_3522 = arith.constant 88 : index
    %get3A_3523 = memref.load %arg1[%get3A_3520, %get3A_3521, %get3A_3522] : memref<1x3x128xi32, #tpu.memory_space<smem>>
    %get3A_3524 = arith.constant 0 : index
    %get3A_3525 = arith.constant 1 : index
    %get3A_3526 = arith.constant 88 : index
    %get3A_3527 = memref.load %arg1[%get3A_3524, %get3A_3525, %get3A_3526] : memref<1x3x128xi32, #tpu.memory_space<smem>>
    %get3A_3528 = arith.constant 0 : index
    %get3A_3529 = arith.constant 2 : index
    %get3A_3530 = arith.constant 88 : index
    %get3A_3531 = memref.load %arg1[%get3A_3528, %get3A_3529, %get3A_3530] : memref<1x3x128xi32, #tpu.memory_space<smem>>
    %get3A_3532 = arith.constant 0 : index
    %get3A_3533 = arith.constant 0 : index
    %get3A_3534 = arith.constant 88 : index
    %get3A_3535 = memref.load %arg2[%get3A_3532, %get3A_3533, %get3A_3534] : memref<1x1x128xf32, #tpu.memory_space<smem>>
    %get3A_3536 = arith.index_cast %get3A_3523 : i32 to index
    %get3A_3537 = arith.constant 0 : index
    %get3A_3538 = vector.load %arg3[%get3A_3536, %get3A_3537] : memref<10240x128xf32, #tpu.memory_space<vmem>>, vector<1x64xf32>
    %get3A_3539 = arith.index_cast %get3A_3527 : i32 to index
    %get3A_3540 = arith.constant 64 : index
    %get3A_3541 = vector.load %arg3[%get3A_3539, %get3A_3540] : memref<10240x128xf32, #tpu.memory_space<vmem>>, vector<1x64xf32>
    %get3A_3542 = arith.index_cast %get3A_3531 : i32 to index
    %get3A_3543 = arith.constant 0 : index
    %get3A_3544 = vector.load %arg4[%get3A_3542, %get3A_3543] : memref<8x128xf32, #tpu.memory_space<vmem>>, vector<1x64xf32>
    %add3A_3545 = arith.addf %get3A_3538, %get3A_3541 : vector<1x64xf32>
    %add3A_3546 = arith.addf %add3A_3545, %get3A_3544 : vector<1x64xf32>
    %mul3A_3547 = vector.broadcast %get3A_3535 : f32 to vector<1x64xf32>
    %mul3A_3548 = arith.mulf %mul3A_3547, %get3A_3 : vector<1x64xf32>
    %add3A_3549 = arith.addf %add3A_3546, %mul3A_3548 : vector<1x64xf32>
    %max3A_3550 = arith.constant 0.000000e+00 : f32
    %max3A_3551 = vector.broadcast %max3A_3550 : f32 to vector<1x64xf32>
    %max3A_3552 = arith.maximumf %add3A_3549, %max3A_3551 : vector<1x64xf32>
    %get3A_3553 = arith.index_cast %get3A_3527 : i32 to index
    %get3A_3554 = arith.constant 0 : index
    %get3A_3555 = vector.load %arg5[%get3A_3553, %get3A_3554] : memref<10240x64xf32, #tpu.memory_space<vmem>>, vector<1x64xf32>
    %add3A_3556 = arith.addf %get3A_3555, %max3A_3552 : vector<1x64xf32>
    %swap3A_3557 = arith.index_cast %get3A_3527 : i32 to index
    %swap3A_3558 = arith.constant 0 : index
    %swap3A_3559 = vector.load %arg5[%swap3A_3557, %swap3A_3558] : memref<10240x64xf32, #tpu.memory_space<vmem>>, vector<1x64xf32>
    tpu.vector_store %arg5[%swap3A_3557, %swap3A_3558], %add3A_3556 {strides = array<i32>} : memref<10240x64xf32, #tpu.memory_space<vmem>>, vector<1x64xf32>,
    %get3A_3560 = arith.constant 0 : index
    %get3A_3561 = arith.constant 0 : index
    %get3A_3562 = arith.constant 89 : index
    %get3A_3563 = memref.load %arg1[%get3A_3560, %get3A_3561, %get3A_3562] : memref<1x3x128xi32, #tpu.memory_space<smem>>
    %get3A_3564 = arith.constant 0 : index
    %get3A_3565 = arith.constant 1 : index
    %get3A_3566 = arith.constant 89 : index
    %get3A_3567 = memref.load %arg1[%get3A_3564, %get3A_3565, %get3A_3566] : memref<1x3x128xi32, #tpu.memory_space<smem>>
    %get3A_3568 = arith.constant 0 : index
    %get3A_3569 = arith.constant 2 : index
    %get3A_3570 = arith.constant 89 : index
    %get3A_3571 = memref.load %arg1[%get3A_3568, %get3A_3569, %get3A_3570] : memref<1x3x128xi32, #tpu.memory_space<smem>>
    %get3A_3572 = arith.constant 0 : index
    %get3A_3573 = arith.constant 0 : index
    %get3A_3574 = arith.constant 89 : index
    %get3A_3575 = memref.load %arg2[%get3A_3572, %get3A_3573, %get3A_3574] : memref<1x1x128xf32, #tpu.memory_space<smem>>
    %get3A_3576 = arith.index_cast %get3A_3563 : i32 to index
    %get3A_3577 = arith.constant 0 : index
    %get3A_3578 = vector.load %arg3[%get3A_3576, %get3A_3577] : memref<10240x128xf32, #tpu.memory_space<vmem>>, vector<1x64xf32>
    %get3A_3579 = arith.index_cast %get3A_3567 : i32 to index
    %get3A_3580 = arith.constant 64 : index
    %get3A_3581 = vector.load %arg3[%get3A_3579, %get3A_3580] : memref<10240x128xf32, #tpu.memory_space<vmem>>, vector<1x64xf32>
    %get3A_3582 = arith.index_cast %get3A_3571 : i32 to index
    %get3A_3583 = arith.constant 0 : index
    %get3A_3584 = vector.load %arg4[%get3A_3582, %get3A_3583] : memref<8x128xf32, #tpu.memory_space<vmem>>, vector<1x64xf32>
    %add3A_3585 = arith.addf %get3A_3578, %get3A_3581 : vector<1x64xf32>
    %add3A_3586 = arith.addf %add3A_3585, %get3A_3584 : vector<1x64xf32>
    %mul3A_3587 = vector.broadcast %get3A_3575 : f32 to vector<1x64xf32>
    %mul3A_3588 = arith.mulf %mul3A_3587, %get3A_3 : vector<1x64xf32>
    %add3A_3589 = arith.addf %add3A_3586, %mul3A_3588 : vector<1x64xf32>
    %max3A_3590 = arith.constant 0.000000e+00 : f32
    %max3A_3591 = vector.broadcast %max3A_3590 : f32 to vector<1x64xf32>
    %max3A_3592 = arith.maximumf %add3A_3589, %max3A_3591 : vector<1x64xf32>
    %get3A_3593 = arith.index_cast %get3A_3567 : i32 to index
    %get3A_3594 = arith.constant 0 : index
    %get3A_3595 = vector.load %arg5[%get3A_3593, %get3A_3594] : memref<10240x64xf32, #tpu.memory_space<vmem>>, vector<1x64xf32>
    %add3A_3596 = arith.addf %get3A_3595, %max3A_3592 : vector<1x64xf32>
    %swap3A_3597 = arith.index_cast %get3A_3567 : i32 to index
    %swap3A_3598 = arith.constant 0 : index
    %swap3A_3599 = vector.load %arg5[%swap3A_3597, %swap3A_3598] : memref<10240x64xf32, #tpu.memory_space<vmem>>, vector<1x64xf32>
    tpu.vector_store %arg5[%swap3A_3597, %swap3A_3598], %add3A_3596 {strides = array<i32>} : memref<10240x64xf32, #tpu.memory_space<vmem>>, vector<1x64xf32>,
    %get3A_3600 = arith.constant 0 : index
    %get3A_3601 = arith.constant 0 : index
    %get3A_3602 = arith.constant 90 : index
    %get3A_3603 = memref.load %arg1[%get3A_3600, %get3A_3601, %get3A_3602] : memref<1x3x128xi32, #tpu.memory_space<smem>>
    %get3A_3604 = arith.constant 0 : index
    %get3A_3605 = arith.constant 1 : index
    %get3A_3606 = arith.constant 90 : index
    %get3A_3607 = memref.load %arg1[%get3A_3604, %get3A_3605, %get3A_3606] : memref<1x3x128xi32, #tpu.memory_space<smem>>
    %get3A_3608 = arith.constant 0 : index
    %get3A_3609 = arith.constant 2 : index
    %get3A_3610 = arith.constant 90 : index
    %get3A_3611 = memref.load %arg1[%get3A_3608, %get3A_3609, %get3A_3610] : memref<1x3x128xi32, #tpu.memory_space<smem>>
    %get3A_3612 = arith.constant 0 : index
    %get3A_3613 = arith.constant 0 : index
    %get3A_3614 = arith.constant 90 : index
    %get3A_3615 = memref.load %arg2[%get3A_3612, %get3A_3613, %get3A_3614] : memref<1x1x128xf32, #tpu.memory_space<smem>>
    %get3A_3616 = arith.index_cast %get3A_3603 : i32 to index
    %get3A_3617 = arith.constant 0 : index
    %get3A_3618 = vector.load %arg3[%get3A_3616, %get3A_3617] : memref<10240x128xf32, #tpu.memory_space<vmem>>, vector<1x64xf32>
    %get3A_3619 = arith.index_cast %get3A_3607 : i32 to index
    %get3A_3620 = arith.constant 64 : index
    %get3A_3621 = vector.load %arg3[%get3A_3619, %get3A_3620] : memref<10240x128xf32, #tpu.memory_space<vmem>>, vector<1x64xf32>
    %get3A_3622 = arith.index_cast %get3A_3611 : i32 to index
    %get3A_3623 = arith.constant 0 : index
    %get3A_3624 = vector.load %arg4[%get3A_3622, %get3A_3623] : memref<8x128xf32, #tpu.memory_space<vmem>>, vector<1x64xf32>
    %add3A_3625 = arith.addf %get3A_3618, %get3A_3621 : vector<1x64xf32>
    %add3A_3626 = arith.addf %add3A_3625, %get3A_3624 : vector<1x64xf32>
    %mul3A_3627 = vector.broadcast %get3A_3615 : f32 to vector<1x64xf32>
    %mul3A_3628 = arith.mulf %mul3A_3627, %get3A_3 : vector<1x64xf32>
    %add3A_3629 = arith.addf %add3A_3626, %mul3A_3628 : vector<1x64xf32>
    %max3A_3630 = arith.constant 0.000000e+00 : f32
    %max3A_3631 = vector.broadcast %max3A_3630 : f32 to vector<1x64xf32>
    %max3A_3632 = arith.maximumf %add3A_3629, %max3A_3631 : vector<1x64xf32>
    %get3A_3633 = arith.index_cast %get3A_3607 : i32 to index
    %get3A_3634 = arith.constant 0 : index
    %get3A_3635 = vector.load %arg5[%get3A_3633, %get3A_3634] : memref<10240x64xf32, #tpu.memory_space<vmem>>, vector<1x64xf32>
    %add3A_3636 = arith.addf %get3A_3635, %max3A_3632 : vector<1x64xf32>
    %swap3A_3637 = arith.index_cast %get3A_3607 : i32 to index
    %swap3A_3638 = arith.constant 0 : index
    %swap3A_3639 = vector.load %arg5[%swap3A_3637, %swap3A_3638] : memref<10240x64xf32, #tpu.memory_space<vmem>>, vector<1x64xf32>
    tpu.vector_store %arg5[%swap3A_3637, %swap3A_3638], %add3A_3636 {strides = array<i32>} : memref<10240x64xf32, #tpu.memory_space<vmem>>, vector<1x64xf32>,
    %get3A_3640 = arith.constant 0 : index
    %get3A_3641 = arith.constant 0 : index
    %get3A_3642 = arith.constant 91 : index
    %get3A_3643 = memref.load %arg1[%get3A_3640, %get3A_3641, %get3A_3642] : memref<1x3x128xi32, #tpu.memory_space<smem>>
    %get3A_3644 = arith.constant 0 : index
    %get3A_3645 = arith.constant 1 : index
    %get3A_3646 = arith.constant 91 : index
    %get3A_3647 = memref.load %arg1[%get3A_3644, %get3A_3645, %get3A_3646] : memref<1x3x128xi32, #tpu.memory_space<smem>>
    %get3A_3648 = arith.constant 0 : index
    %get3A_3649 = arith.constant 2 : index
    %get3A_3650 = arith.constant 91 : index
    %get3A_3651 = memref.load %arg1[%get3A_3648, %get3A_3649, %get3A_3650] : memref<1x3x128xi32, #tpu.memory_space<smem>>
    %get3A_3652 = arith.constant 0 : index
    %get3A_3653 = arith.constant 0 : index
    %get3A_3654 = arith.constant 91 : index
    %get3A_3655 = memref.load %arg2[%get3A_3652, %get3A_3653, %get3A_3654] : memref<1x1x128xf32, #tpu.memory_space<smem>>
    %get3A_3656 = arith.index_cast %get3A_3643 : i32 to index
    %get3A_3657 = arith.constant 0 : index
    %get3A_3658 = vector.load %arg3[%get3A_3656, %get3A_3657] : memref<10240x128xf32, #tpu.memory_space<vmem>>, vector<1x64xf32>
    %get3A_3659 = arith.index_cast %get3A_3647 : i32 to index
    %get3A_3660 = arith.constant 64 : index
    %get3A_3661 = vector.load %arg3[%get3A_3659, %get3A_3660] : memref<10240x128xf32, #tpu.memory_space<vmem>>, vector<1x64xf32>
    %get3A_3662 = arith.index_cast %get3A_3651 : i32 to index
    %get3A_3663 = arith.constant 0 : index
    %get3A_3664 = vector.load %arg4[%get3A_3662, %get3A_3663] : memref<8x128xf32, #tpu.memory_space<vmem>>, vector<1x64xf32>
    %add3A_3665 = arith.addf %get3A_3658, %get3A_3661 : vector<1x64xf32>
    %add3A_3666 = arith.addf %add3A_3665, %get3A_3664 : vector<1x64xf32>
    %mul3A_3667 = vector.broadcast %get3A_3655 : f32 to vector<1x64xf32>
    %mul3A_3668 = arith.mulf %mul3A_3667, %get3A_3 : vector<1x64xf32>
    %add3A_3669 = arith.addf %add3A_3666, %mul3A_3668 : vector<1x64xf32>
    %max3A_3670 = arith.constant 0.000000e+00 : f32
    %max3A_3671 = vector.broadcast %max3A_3670 : f32 to vector<1x64xf32>
    %max3A_3672 = arith.maximumf %add3A_3669, %max3A_3671 : vector<1x64xf32>
    %get3A_3673 = arith.index_cast %get3A_3647 : i32 to index
    %get3A_3674 = arith.constant 0 : index
    %get3A_3675 = vector.load %arg5[%get3A_3673, %get3A_3674] : memref<10240x64xf32, #tpu.memory_space<vmem>>, vector<1x64xf32>
    %add3A_3676 = arith.addf %get3A_3675, %max3A_3672 : vector<1x64xf32>
    %swap3A_3677 = arith.index_cast %get3A_3647 : i32 to index
    %swap3A_3678 = arith.constant 0 : index
    %swap3A_3679 = vector.load %arg5[%swap3A_3677, %swap3A_3678] : memref<10240x64xf32, #tpu.memory_space<vmem>>, vector<1x64xf32>
    tpu.vector_store %arg5[%swap3A_3677, %swap3A_3678], %add3A_3676 {strides = array<i32>} : memref<10240x64xf32, #tpu.memory_space<vmem>>, vector<1x64xf32>,
    %get3A_3680 = arith.constant 0 : index
    %get3A_3681 = arith.constant 0 : index
    %get3A_3682 = arith.constant 92 : index
    %get3A_3683 = memref.load %arg1[%get3A_3680, %get3A_3681, %get3A_3682] : memref<1x3x128xi32, #tpu.memory_space<smem>>
    %get3A_3684 = arith.constant 0 : index
    %get3A_3685 = arith.constant 1 : index
    %get3A_3686 = arith.constant 92 : index
    %get3A_3687 = memref.load %arg1[%get3A_3684, %get3A_3685, %get3A_3686] : memref<1x3x128xi32, #tpu.memory_space<smem>>
    %get3A_3688 = arith.constant 0 : index
    %get3A_3689 = arith.constant 2 : index
    %get3A_3690 = arith.constant 92 : index
    %get3A_3691 = memref.load %arg1[%get3A_3688, %get3A_3689, %get3A_3690] : memref<1x3x128xi32, #tpu.memory_space<smem>>
    %get3A_3692 = arith.constant 0 : index
    %get3A_3693 = arith.constant 0 : index
    %get3A_3694 = arith.constant 92 : index
    %get3A_3695 = memref.load %arg2[%get3A_3692, %get3A_3693, %get3A_3694] : memref<1x1x128xf32, #tpu.memory_space<smem>>
    %get3A_3696 = arith.index_cast %get3A_3683 : i32 to index
    %get3A_3697 = arith.constant 0 : index
    %get3A_3698 = vector.load %arg3[%get3A_3696, %get3A_3697] : memref<10240x128xf32, #tpu.memory_space<vmem>>, vector<1x64xf32>
    %get3A_3699 = arith.index_cast %get3A_3687 : i32 to index
    %get3A_3700 = arith.constant 64 : index
    %get3A_3701 = vector.load %arg3[%get3A_3699, %get3A_3700] : memref<10240x128xf32, #tpu.memory_space<vmem>>, vector<1x64xf32>
    %get3A_3702 = arith.index_cast %get3A_3691 : i32 to index
    %get3A_3703 = arith.constant 0 : index
    %get3A_3704 = vector.load %arg4[%get3A_3702, %get3A_3703] : memref<8x128xf32, #tpu.memory_space<vmem>>, vector<1x64xf32>
    %add3A_3705 = arith.addf %get3A_3698, %get3A_3701 : vector<1x64xf32>
    %add3A_3706 = arith.addf %add3A_3705, %get3A_3704 : vector<1x64xf32>
    %mul3A_3707 = vector.broadcast %get3A_3695 : f32 to vector<1x64xf32>
    %mul3A_3708 = arith.mulf %mul3A_3707, %get3A_3 : vector<1x64xf32>
    %add3A_3709 = arith.addf %add3A_3706, %mul3A_3708 : vector<1x64xf32>
    %max3A_3710 = arith.constant 0.000000e+00 : f32
    %max3A_3711 = vector.broadcast %max3A_3710 : f32 to vector<1x64xf32>
    %max3A_3712 = arith.maximumf %add3A_3709, %max3A_3711 : vector<1x64xf32>
    %get3A_3713 = arith.index_cast %get3A_3687 : i32 to index
    %get3A_3714 = arith.constant 0 : index
    %get3A_3715 = vector.load %arg5[%get3A_3713, %get3A_3714] : memref<10240x64xf32, #tpu.memory_space<vmem>>, vector<1x64xf32>
    %add3A_3716 = arith.addf %get3A_3715, %max3A_3712 : vector<1x64xf32>
    %swap3A_3717 = arith.index_cast %get3A_3687 : i32 to index
    %swap3A_3718 = arith.constant 0 : index
    %swap3A_3719 = vector.load %arg5[%swap3A_3717, %swap3A_3718] : memref<10240x64xf32, #tpu.memory_space<vmem>>, vector<1x64xf32>
    tpu.vector_store %arg5[%swap3A_3717, %swap3A_3718], %add3A_3716 {strides = array<i32>} : memref<10240x64xf32, #tpu.memory_space<vmem>>, vector<1x64xf32>,
    %get3A_3720 = arith.constant 0 : index
    %get3A_3721 = arith.constant 0 : index
    %get3A_3722 = arith.constant 93 : index
    %get3A_3723 = memref.load %arg1[%get3A_3720, %get3A_3721, %get3A_3722] : memref<1x3x128xi32, #tpu.memory_space<smem>>
    %get3A_3724 = arith.constant 0 : index
    %get3A_3725 = arith.constant 1 : index
    %get3A_3726 = arith.constant 93 : index
    %get3A_3727 = memref.load %arg1[%get3A_3724, %get3A_3725, %get3A_3726] : memref<1x3x128xi32, #tpu.memory_space<smem>>
    %get3A_3728 = arith.constant 0 : index
    %get3A_3729 = arith.constant 2 : index
    %get3A_3730 = arith.constant 93 : index
    %get3A_3731 = memref.load %arg1[%get3A_3728, %get3A_3729, %get3A_3730] : memref<1x3x128xi32, #tpu.memory_space<smem>>
    %get3A_3732 = arith.constant 0 : index
    %get3A_3733 = arith.constant 0 : index
    %get3A_3734 = arith.constant 93 : index
    %get3A_3735 = memref.load %arg2[%get3A_3732, %get3A_3733, %get3A_3734] : memref<1x1x128xf32, #tpu.memory_space<smem>>
    %get3A_3736 = arith.index_cast %get3A_3723 : i32 to index
    %get3A_3737 = arith.constant 0 : index
    %get3A_3738 = vector.load %arg3[%get3A_3736, %get3A_3737] : memref<10240x128xf32, #tpu.memory_space<vmem>>, vector<1x64xf32>
    %get3A_3739 = arith.index_cast %get3A_3727 : i32 to index
    %get3A_3740 = arith.constant 64 : index
    %get3A_3741 = vector.load %arg3[%get3A_3739, %get3A_3740] : memref<10240x128xf32, #tpu.memory_space<vmem>>, vector<1x64xf32>
    %get3A_3742 = arith.index_cast %get3A_3731 : i32 to index
    %get3A_3743 = arith.constant 0 : index
    %get3A_3744 = vector.load %arg4[%get3A_3742, %get3A_3743] : memref<8x128xf32, #tpu.memory_space<vmem>>, vector<1x64xf32>
    %add3A_3745 = arith.addf %get3A_3738, %get3A_3741 : vector<1x64xf32>
    %add3A_3746 = arith.addf %add3A_3745, %get3A_3744 : vector<1x64xf32>
    %mul3A_3747 = vector.broadcast %get3A_3735 : f32 to vector<1x64xf32>
    %mul3A_3748 = arith.mulf %mul3A_3747, %get3A_3 : vector<1x64xf32>
    %add3A_3749 = arith.addf %add3A_3746, %mul3A_3748 : vector<1x64xf32>
    %max3A_3750 = arith.constant 0.000000e+00 : f32
    %max3A_3751 = vector.broadcast %max3A_3750 : f32 to vector<1x64xf32>
    %max3A_3752 = arith.maximumf %add3A_3749, %max3A_3751 : vector<1x64xf32>
    %get3A_3753 = arith.index_cast %get3A_3727 : i32 to index
    %get3A_3754 = arith.constant 0 : index
    %get3A_3755 = vector.load %arg5[%get3A_3753, %get3A_3754] : memref<10240x64xf32, #tpu.memory_space<vmem>>, vector<1x64xf32>
    %add3A_3756 = arith.addf %get3A_3755, %max3A_3752 : vector<1x64xf32>
    %swap3A_3757 = arith.index_cast %get3A_3727 : i32 to index
    %swap3A_3758 = arith.constant 0 : index
    %swap3A_3759 = vector.load %arg5[%swap3A_3757, %swap3A_3758] : memref<10240x64xf32, #tpu.memory_space<vmem>>, vector<1x64xf32>
    tpu.vector_store %arg5[%swap3A_3757, %swap3A_3758], %add3A_3756 {strides = array<i32>} : memref<10240x64xf32, #tpu.memory_space<vmem>>, vector<1x64xf32>,
    %get3A_3760 = arith.constant 0 : index
    %get3A_3761 = arith.constant 0 : index
    %get3A_3762 = arith.constant 94 : index
    %get3A_3763 = memref.load %arg1[%get3A_3760, %get3A_3761, %get3A_3762] : memref<1x3x128xi32, #tpu.memory_space<smem>>
    %get3A_3764 = arith.constant 0 : index
    %get3A_3765 = arith.constant 1 : index
    %get3A_3766 = arith.constant 94 : index
    %get3A_3767 = memref.load %arg1[%get3A_3764, %get3A_3765, %get3A_3766] : memref<1x3x128xi32, #tpu.memory_space<smem>>
    %get3A_3768 = arith.constant 0 : index
    %get3A_3769 = arith.constant 2 : index
    %get3A_3770 = arith.constant 94 : index
    %get3A_3771 = memref.load %arg1[%get3A_3768, %get3A_3769, %get3A_3770] : memref<1x3x128xi32, #tpu.memory_space<smem>>
    %get3A_3772 = arith.constant 0 : index
    %get3A_3773 = arith.constant 0 : index
    %get3A_3774 = arith.constant 94 : index
    %get3A_3775 = memref.load %arg2[%get3A_3772, %get3A_3773, %get3A_3774] : memref<1x1x128xf32, #tpu.memory_space<smem>>
    %get3A_3776 = arith.index_cast %get3A_3763 : i32 to index
    %get3A_3777 = arith.constant 0 : index
    %get3A_3778 = vector.load %arg3[%get3A_3776, %get3A_3777] : memref<10240x128xf32, #tpu.memory_space<vmem>>, vector<1x64xf32>
    %get3A_3779 = arith.index_cast %get3A_3767 : i32 to index
    %get3A_3780 = arith.constant 64 : index
    %get3A_3781 = vector.load %arg3[%get3A_3779, %get3A_3780] : memref<10240x128xf32, #tpu.memory_space<vmem>>, vector<1x64xf32>
    %get3A_3782 = arith.index_cast %get3A_3771 : i32 to index
    %get3A_3783 = arith.constant 0 : index
    %get3A_3784 = vector.load %arg4[%get3A_3782, %get3A_3783] : memref<8x128xf32, #tpu.memory_space<vmem>>, vector<1x64xf32>
    %add3A_3785 = arith.addf %get3A_3778, %get3A_3781 : vector<1x64xf32>
    %add3A_3786 = arith.addf %add3A_3785, %get3A_3784 : vector<1x64xf32>
    %mul3A_3787 = vector.broadcast %get3A_3775 : f32 to vector<1x64xf32>
    %mul3A_3788 = arith.mulf %mul3A_3787, %get3A_3 : vector<1x64xf32>
    %add3A_3789 = arith.addf %add3A_3786, %mul3A_3788 : vector<1x64xf32>
    %max3A_3790 = arith.constant 0.000000e+00 : f32
    %max3A_3791 = vector.broadcast %max3A_3790 : f32 to vector<1x64xf32>
    %max3A_3792 = arith.maximumf %add3A_3789, %max3A_3791 : vector<1x64xf32>
    %get3A_3793 = arith.index_cast %get3A_3767 : i32 to index
    %get3A_3794 = arith.constant 0 : index
    %get3A_3795 = vector.load %arg5[%get3A_3793, %get3A_3794] : memref<10240x64xf32, #tpu.memory_space<vmem>>, vector<1x64xf32>
    %add3A_3796 = arith.addf %get3A_3795, %max3A_3792 : vector<1x64xf32>
    %swap3A_3797 = arith.index_cast %get3A_3767 : i32 to index
    %swap3A_3798 = arith.constant 0 : index
    %swap3A_3799 = vector.load %arg5[%swap3A_3797, %swap3A_3798] : memref<10240x64xf32, #tpu.memory_space<vmem>>, vector<1x64xf32>
    tpu.vector_store %arg5[%swap3A_3797, %swap3A_3798], %add3A_3796 {strides = array<i32>} : memref<10240x64xf32, #tpu.memory_space<vmem>>, vector<1x64xf32>,
    %get3A_3800 = arith.constant 0 : index
    %get3A_3801 = arith.constant 0 : index
    %get3A_3802 = arith.constant 95 : index
    %get3A_3803 = memref.load %arg1[%get3A_3800, %get3A_3801, %get3A_3802] : memref<1x3x128xi32, #tpu.memory_space<smem>>
    %get3A_3804 = arith.constant 0 : index
    %get3A_3805 = arith.constant 1 : index
    %get3A_3806 = arith.constant 95 : index
    %get3A_3807 = memref.load %arg1[%get3A_3804, %get3A_3805, %get3A_3806] : memref<1x3x128xi32, #tpu.memory_space<smem>>
    %get3A_3808 = arith.constant 0 : index
    %get3A_3809 = arith.constant 2 : index
    %get3A_3810 = arith.constant 95 : index
    %get3A_3811 = memref.load %arg1[%get3A_3808, %get3A_3809, %get3A_3810] : memref<1x3x128xi32, #tpu.memory_space<smem>>
    %get3A_3812 = arith.constant 0 : index
    %get3A_3813 = arith.constant 0 : index
    %get3A_3814 = arith.constant 95 : index
    %get3A_3815 = memref.load %arg2[%get3A_3812, %get3A_3813, %get3A_3814] : memref<1x1x128xf32, #tpu.memory_space<smem>>
    %get3A_3816 = arith.index_cast %get3A_3803 : i32 to index
    %get3A_3817 = arith.constant 0 : index
    %get3A_3818 = vector.load %arg3[%get3A_3816, %get3A_3817] : memref<10240x128xf32, #tpu.memory_space<vmem>>, vector<1x64xf32>
    %get3A_3819 = arith.index_cast %get3A_3807 : i32 to index
    %get3A_3820 = arith.constant 64 : index
    %get3A_3821 = vector.load %arg3[%get3A_3819, %get3A_3820] : memref<10240x128xf32, #tpu.memory_space<vmem>>, vector<1x64xf32>
    %get3A_3822 = arith.index_cast %get3A_3811 : i32 to index
    %get3A_3823 = arith.constant 0 : index
    %get3A_3824 = vector.load %arg4[%get3A_3822, %get3A_3823] : memref<8x128xf32, #tpu.memory_space<vmem>>, vector<1x64xf32>
    %add3A_3825 = arith.addf %get3A_3818, %get3A_3821 : vector<1x64xf32>
    %add3A_3826 = arith.addf %add3A_3825, %get3A_3824 : vector<1x64xf32>
    %mul3A_3827 = vector.broadcast %get3A_3815 : f32 to vector<1x64xf32>
    %mul3A_3828 = arith.mulf %mul3A_3827, %get3A_3 : vector<1x64xf32>
    %add3A_3829 = arith.addf %add3A_3826, %mul3A_3828 : vector<1x64xf32>
    %max3A_3830 = arith.constant 0.000000e+00 : f32
    %max3A_3831 = vector.broadcast %max3A_3830 : f32 to vector<1x64xf32>
    %max3A_3832 = arith.maximumf %add3A_3829, %max3A_3831 : vector<1x64xf32>
    %get3A_3833 = arith.index_cast %get3A_3807 : i32 to index
    %get3A_3834 = arith.constant 0 : index
    %get3A_3835 = vector.load %arg5[%get3A_3833, %get3A_3834] : memref<10240x64xf32, #tpu.memory_space<vmem>>, vector<1x64xf32>
    %add3A_3836 = arith.addf %get3A_3835, %max3A_3832 : vector<1x64xf32>
    %swap3A_3837 = arith.index_cast %get3A_3807 : i32 to index
    %swap3A_3838 = arith.constant 0 : index
    %swap3A_3839 = vector.load %arg5[%swap3A_3837, %swap3A_3838] : memref<10240x64xf32, #tpu.memory_space<vmem>>, vector<1x64xf32>
    tpu.vector_store %arg5[%swap3A_3837, %swap3A_3838], %add3A_3836 {strides = array<i32>} : memref<10240x64xf32, #tpu.memory_space<vmem>>, vector<1x64xf32>,
    %get3A_3840 = arith.constant 0 : index
    %get3A_3841 = arith.constant 0 : index
    %get3A_3842 = arith.constant 96 : index
    %get3A_3843 = memref.load %arg1[%get3A_3840, %get3A_3841, %get3A_3842] : memref<1x3x128xi32, #tpu.memory_space<smem>>
    %get3A_3844 = arith.constant 0 : index
    %get3A_3845 = arith.constant 1 : index
    %get3A_3846 = arith.constant 96 : index
    %get3A_3847 = memref.load %arg1[%get3A_3844, %get3A_3845, %get3A_3846] : memref<1x3x128xi32, #tpu.memory_space<smem>>
    %get3A_3848 = arith.constant 0 : index
    %get3A_3849 = arith.constant 2 : index
    %get3A_3850 = arith.constant 96 : index
    %get3A_3851 = memref.load %arg1[%get3A_3848, %get3A_3849, %get3A_3850] : memref<1x3x128xi32, #tpu.memory_space<smem>>
    %get3A_3852 = arith.constant 0 : index
    %get3A_3853 = arith.constant 0 : index
    %get3A_3854 = arith.constant 96 : index
    %get3A_3855 = memref.load %arg2[%get3A_3852, %get3A_3853, %get3A_3854] : memref<1x1x128xf32, #tpu.memory_space<smem>>
    %get3A_3856 = arith.index_cast %get3A_3843 : i32 to index
    %get3A_3857 = arith.constant 0 : index
    %get3A_3858 = vector.load %arg3[%get3A_3856, %get3A_3857] : memref<10240x128xf32, #tpu.memory_space<vmem>>, vector<1x64xf32>
    %get3A_3859 = arith.index_cast %get3A_3847 : i32 to index
    %get3A_3860 = arith.constant 64 : index
    %get3A_3861 = vector.load %arg3[%get3A_3859, %get3A_3860] : memref<10240x128xf32, #tpu.memory_space<vmem>>, vector<1x64xf32>
    %get3A_3862 = arith.index_cast %get3A_3851 : i32 to index
    %get3A_3863 = arith.constant 0 : index
    %get3A_3864 = vector.load %arg4[%get3A_3862, %get3A_3863] : memref<8x128xf32, #tpu.memory_space<vmem>>, vector<1x64xf32>
    %add3A_3865 = arith.addf %get3A_3858, %get3A_3861 : vector<1x64xf32>
    %add3A_3866 = arith.addf %add3A_3865, %get3A_3864 : vector<1x64xf32>
    %mul3A_3867 = vector.broadcast %get3A_3855 : f32 to vector<1x64xf32>
    %mul3A_3868 = arith.mulf %mul3A_3867, %get3A_3 : vector<1x64xf32>
    %add3A_3869 = arith.addf %add3A_3866, %mul3A_3868 : vector<1x64xf32>
    %max3A_3870 = arith.constant 0.000000e+00 : f32
    %max3A_3871 = vector.broadcast %max3A_3870 : f32 to vector<1x64xf32>
    %max3A_3872 = arith.maximumf %add3A_3869, %max3A_3871 : vector<1x64xf32>
    %get3A_3873 = arith.index_cast %get3A_3847 : i32 to index
    %get3A_3874 = arith.constant 0 : index
    %get3A_3875 = vector.load %arg5[%get3A_3873, %get3A_3874] : memref<10240x64xf32, #tpu.memory_space<vmem>>, vector<1x64xf32>
    %add3A_3876 = arith.addf %get3A_3875, %max3A_3872 : vector<1x64xf32>
    %swap3A_3877 = arith.index_cast %get3A_3847 : i32 to index
    %swap3A_3878 = arith.constant 0 : index
    %swap3A_3879 = vector.load %arg5[%swap3A_3877, %swap3A_3878] : memref<10240x64xf32, #tpu.memory_space<vmem>>, vector<1x64xf32>
    tpu.vector_store %arg5[%swap3A_3877, %swap3A_3878], %add3A_3876 {strides = array<i32>} : memref<10240x64xf32, #tpu.memory_space<vmem>>, vector<1x64xf32>,
    %get3A_3880 = arith.constant 0 : index
    %get3A_3881 = arith.constant 0 : index
    %get3A_3882 = arith.constant 97 : index
    %get3A_3883 = memref.load %arg1[%get3A_3880, %get3A_3881, %get3A_3882] : memref<1x3x128xi32, #tpu.memory_space<smem>>
    %get3A_3884 = arith.constant 0 : index
    %get3A_3885 = arith.constant 1 : index
    %get3A_3886 = arith.constant 97 : index
    %get3A_3887 = memref.load %arg1[%get3A_3884, %get3A_3885, %get3A_3886] : memref<1x3x128xi32, #tpu.memory_space<smem>>
    %get3A_3888 = arith.constant 0 : index
    %get3A_3889 = arith.constant 2 : index
    %get3A_3890 = arith.constant 97 : index
    %get3A_3891 = memref.load %arg1[%get3A_3888, %get3A_3889, %get3A_3890] : memref<1x3x128xi32, #tpu.memory_space<smem>>
    %get3A_3892 = arith.constant 0 : index
    %get3A_3893 = arith.constant 0 : index
    %get3A_3894 = arith.constant 97 : index
    %get3A_3895 = memref.load %arg2[%get3A_3892, %get3A_3893, %get3A_3894] : memref<1x1x128xf32, #tpu.memory_space<smem>>
    %get3A_3896 = arith.index_cast %get3A_3883 : i32 to index
    %get3A_3897 = arith.constant 0 : index
    %get3A_3898 = vector.load %arg3[%get3A_3896, %get3A_3897] : memref<10240x128xf32, #tpu.memory_space<vmem>>, vector<1x64xf32>
    %get3A_3899 = arith.index_cast %get3A_3887 : i32 to index
    %get3A_3900 = arith.constant 64 : index
    %get3A_3901 = vector.load %arg3[%get3A_3899, %get3A_3900] : memref<10240x128xf32, #tpu.memory_space<vmem>>, vector<1x64xf32>
    %get3A_3902 = arith.index_cast %get3A_3891 : i32 to index
    %get3A_3903 = arith.constant 0 : index
    %get3A_3904 = vector.load %arg4[%get3A_3902, %get3A_3903] : memref<8x128xf32, #tpu.memory_space<vmem>>, vector<1x64xf32>
    %add3A_3905 = arith.addf %get3A_3898, %get3A_3901 : vector<1x64xf32>
    %add3A_3906 = arith.addf %add3A_3905, %get3A_3904 : vector<1x64xf32>
    %mul3A_3907 = vector.broadcast %get3A_3895 : f32 to vector<1x64xf32>
    %mul3A_3908 = arith.mulf %mul3A_3907, %get3A_3 : vector<1x64xf32>
    %add3A_3909 = arith.addf %add3A_3906, %mul3A_3908 : vector<1x64xf32>
    %max3A_3910 = arith.constant 0.000000e+00 : f32
    %max3A_3911 = vector.broadcast %max3A_3910 : f32 to vector<1x64xf32>
    %max3A_3912 = arith.maximumf %add3A_3909, %max3A_3911 : vector<1x64xf32>
    %get3A_3913 = arith.index_cast %get3A_3887 : i32 to index
    %get3A_3914 = arith.constant 0 : index
    %get3A_3915 = vector.load %arg5[%get3A_3913, %get3A_3914] : memref<10240x64xf32, #tpu.memory_space<vmem>>, vector<1x64xf32>
    %add3A_3916 = arith.addf %get3A_3915, %max3A_3912 : vector<1x64xf32>
    %swap3A_3917 = arith.index_cast %get3A_3887 : i32 to index
    %swap3A_3918 = arith.constant 0 : index
    %swap3A_3919 = vector.load %arg5[%swap3A_3917, %swap3A_3918] : memref<10240x64xf32, #tpu.memory_space<vmem>>, vector<1x64xf32>
    tpu.vector_store %arg5[%swap3A_3917, %swap3A_3918], %add3A_3916 {strides = array<i32>} : memref<10240x64xf32, #tpu.memory_space<vmem>>, vector<1x64xf32>,
    %get3A_3920 = arith.constant 0 : index
    %get3A_3921 = arith.constant 0 : index
    %get3A_3922 = arith.constant 98 : index
    %get3A_3923 = memref.load %arg1[%get3A_3920, %get3A_3921, %get3A_3922] : memref<1x3x128xi32, #tpu.memory_space<smem>>
    %get3A_3924 = arith.constant 0 : index
    %get3A_3925 = arith.constant 1 : index
    %get3A_3926 = arith.constant 98 : index
    %get3A_3927 = memref.load %arg1[%get3A_3924, %get3A_3925, %get3A_3926] : memref<1x3x128xi32, #tpu.memory_space<smem>>
    %get3A_3928 = arith.constant 0 : index
    %get3A_3929 = arith.constant 2 : index
    %get3A_3930 = arith.constant 98 : index
    %get3A_3931 = memref.load %arg1[%get3A_3928, %get3A_3929, %get3A_3930] : memref<1x3x128xi32, #tpu.memory_space<smem>>
    %get3A_3932 = arith.constant 0 : index
    %get3A_3933 = arith.constant 0 : index
    %get3A_3934 = arith.constant 98 : index
    %get3A_3935 = memref.load %arg2[%get3A_3932, %get3A_3933, %get3A_3934] : memref<1x1x128xf32, #tpu.memory_space<smem>>
    %get3A_3936 = arith.index_cast %get3A_3923 : i32 to index
    %get3A_3937 = arith.constant 0 : index
    %get3A_3938 = vector.load %arg3[%get3A_3936, %get3A_3937] : memref<10240x128xf32, #tpu.memory_space<vmem>>, vector<1x64xf32>
    %get3A_3939 = arith.index_cast %get3A_3927 : i32 to index
    %get3A_3940 = arith.constant 64 : index
    %get3A_3941 = vector.load %arg3[%get3A_3939, %get3A_3940] : memref<10240x128xf32, #tpu.memory_space<vmem>>, vector<1x64xf32>
    %get3A_3942 = arith.index_cast %get3A_3931 : i32 to index
    %get3A_3943 = arith.constant 0 : index
    %get3A_3944 = vector.load %arg4[%get3A_3942, %get3A_3943] : memref<8x128xf32, #tpu.memory_space<vmem>>, vector<1x64xf32>
    %add3A_3945 = arith.addf %get3A_3938, %get3A_3941 : vector<1x64xf32>
    %add3A_3946 = arith.addf %add3A_3945, %get3A_3944 : vector<1x64xf32>
    %mul3A_3947 = vector.broadcast %get3A_3935 : f32 to vector<1x64xf32>
    %mul3A_3948 = arith.mulf %mul3A_3947, %get3A_3 : vector<1x64xf32>
    %add3A_3949 = arith.addf %add3A_3946, %mul3A_3948 : vector<1x64xf32>
    %max3A_3950 = arith.constant 0.000000e+00 : f32
    %max3A_3951 = vector.broadcast %max3A_3950 : f32 to vector<1x64xf32>
    %max3A_3952 = arith.maximumf %add3A_3949, %max3A_3951 : vector<1x64xf32>
    %get3A_3953 = arith.index_cast %get3A_3927 : i32 to index
    %get3A_3954 = arith.constant 0 : index
    %get3A_3955 = vector.load %arg5[%get3A_3953, %get3A_3954] : memref<10240x64xf32, #tpu.memory_space<vmem>>, vector<1x64xf32>
    %add3A_3956 = arith.addf %get3A_3955, %max3A_3952 : vector<1x64xf32>
    %swap3A_3957 = arith.index_cast %get3A_3927 : i32 to index
    %swap3A_3958 = arith.constant 0 : index
    %swap3A_3959 = vector.load %arg5[%swap3A_3957, %swap3A_3958] : memref<10240x64xf32, #tpu.memory_space<vmem>>, vector<1x64xf32>
    tpu.vector_store %arg5[%swap3A_3957, %swap3A_3958], %add3A_3956 {strides = array<i32>} : memref<10240x64xf32, #tpu.memory_space<vmem>>, vector<1x64xf32>,
    %get3A_3960 = arith.constant 0 : index
    %get3A_3961 = arith.constant 0 : index
    %get3A_3962 = arith.constant 99 : index
    %get3A_3963 = memref.load %arg1[%get3A_3960, %get3A_3961, %get3A_3962] : memref<1x3x128xi32, #tpu.memory_space<smem>>
    %get3A_3964 = arith.constant 0 : index
    %get3A_3965 = arith.constant 1 : index
    %get3A_3966 = arith.constant 99 : index
    %get3A_3967 = memref.load %arg1[%get3A_3964, %get3A_3965, %get3A_3966] : memref<1x3x128xi32, #tpu.memory_space<smem>>
    %get3A_3968 = arith.constant 0 : index
    %get3A_3969 = arith.constant 2 : index
    %get3A_3970 = arith.constant 99 : index
    %get3A_3971 = memref.load %arg1[%get3A_3968, %get3A_3969, %get3A_3970] : memref<1x3x128xi32, #tpu.memory_space<smem>>
    %get3A_3972 = arith.constant 0 : index
    %get3A_3973 = arith.constant 0 : index
    %get3A_3974 = arith.constant 99 : index
    %get3A_3975 = memref.load %arg2[%get3A_3972, %get3A_3973, %get3A_3974] : memref<1x1x128xf32, #tpu.memory_space<smem>>
    %get3A_3976 = arith.index_cast %get3A_3963 : i32 to index
    %get3A_3977 = arith.constant 0 : index
    %get3A_3978 = vector.load %arg3[%get3A_3976, %get3A_3977] : memref<10240x128xf32, #tpu.memory_space<vmem>>, vector<1x64xf32>
    %get3A_3979 = arith.index_cast %get3A_3967 : i32 to index
    %get3A_3980 = arith.constant 64 : index
    %get3A_3981 = vector.load %arg3[%get3A_3979, %get3A_3980] : memref<10240x128xf32, #tpu.memory_space<vmem>>, vector<1x64xf32>
    %get3A_3982 = arith.index_cast %get3A_3971 : i32 to index
    %get3A_3983 = arith.constant 0 : index
    %get3A_3984 = vector.load %arg4[%get3A_3982, %get3A_3983] : memref<8x128xf32, #tpu.memory_space<vmem>>, vector<1x64xf32>
    %add3A_3985 = arith.addf %get3A_3978, %get3A_3981 : vector<1x64xf32>
    %add3A_3986 = arith.addf %add3A_3985, %get3A_3984 : vector<1x64xf32>
    %mul3A_3987 = vector.broadcast %get3A_3975 : f32 to vector<1x64xf32>
    %mul3A_3988 = arith.mulf %mul3A_3987, %get3A_3 : vector<1x64xf32>
    %add3A_3989 = arith.addf %add3A_3986, %mul3A_3988 : vector<1x64xf32>
    %max3A_3990 = arith.constant 0.000000e+00 : f32
    %max3A_3991 = vector.broadcast %max3A_3990 : f32 to vector<1x64xf32>
    %max3A_3992 = arith.maximumf %add3A_3989, %max3A_3991 : vector<1x64xf32>
    %get3A_3993 = arith.index_cast %get3A_3967 : i32 to index
    %get3A_3994 = arith.constant 0 : index
    %get3A_3995 = vector.load %arg5[%get3A_3993, %get3A_3994] : memref<10240x64xf32, #tpu.memory_space<vmem>>, vector<1x64xf32>
    %add3A_3996 = arith.addf %get3A_3995, %max3A_3992 : vector<1x64xf32>
    %swap3A_3997 = arith.index_cast %get3A_3967 : i32 to index
    %swap3A_3998 = arith.constant 0 : index
    %swap3A_3999 = vector.load %arg5[%swap3A_3997, %swap3A_3998] : memref<10240x64xf32, #tpu.memory_space<vmem>>, vector<1x64xf32>
    tpu.vector_store %arg5[%swap3A_3997, %swap3A_3998], %add3A_3996 {strides = array<i32>} : memref<10240x64xf32, #tpu.memory_space<vmem>>, vector<1x64xf32>,
    %get3A_4000 = arith.constant 0 : index
    %get3A_4001 = arith.constant 0 : index
    %get3A_4002 = arith.constant 100 : index
    %get3A_4003 = memref.load %arg1[%get3A_4000, %get3A_4001, %get3A_4002] : memref<1x3x128xi32, #tpu.memory_space<smem>>
    %get3A_4004 = arith.constant 0 : index
    %get3A_4005 = arith.constant 1 : index
    %get3A_4006 = arith.constant 100 : index
    %get3A_4007 = memref.load %arg1[%get3A_4004, %get3A_4005, %get3A_4006] : memref<1x3x128xi32, #tpu.memory_space<smem>>
    %get3A_4008 = arith.constant 0 : index
    %get3A_4009 = arith.constant 2 : index
    %get3A_4010 = arith.constant 100 : index
    %get3A_4011 = memref.load %arg1[%get3A_4008, %get3A_4009, %get3A_4010] : memref<1x3x128xi32, #tpu.memory_space<smem>>
    %get3A_4012 = arith.constant 0 : index
    %get3A_4013 = arith.constant 0 : index
    %get3A_4014 = arith.constant 100 : index
    %get3A_4015 = memref.load %arg2[%get3A_4012, %get3A_4013, %get3A_4014] : memref<1x1x128xf32, #tpu.memory_space<smem>>
    %get3A_4016 = arith.index_cast %get3A_4003 : i32 to index
    %get3A_4017 = arith.constant 0 : index
    %get3A_4018 = vector.load %arg3[%get3A_4016, %get3A_4017] : memref<10240x128xf32, #tpu.memory_space<vmem>>, vector<1x64xf32>
    %get3A_4019 = arith.index_cast %get3A_4007 : i32 to index
    %get3A_4020 = arith.constant 64 : index
    %get3A_4021 = vector.load %arg3[%get3A_4019, %get3A_4020] : memref<10240x128xf32, #tpu.memory_space<vmem>>, vector<1x64xf32>
    %get3A_4022 = arith.index_cast %get3A_4011 : i32 to index
    %get3A_4023 = arith.constant 0 : index
    %get3A_4024 = vector.load %arg4[%get3A_4022, %get3A_4023] : memref<8x128xf32, #tpu.memory_space<vmem>>, vector<1x64xf32>
    %add3A_4025 = arith.addf %get3A_4018, %get3A_4021 : vector<1x64xf32>
    %add3A_4026 = arith.addf %add3A_4025, %get3A_4024 : vector<1x64xf32>
    %mul3A_4027 = vector.broadcast %get3A_4015 : f32 to vector<1x64xf32>
    %mul3A_4028 = arith.mulf %mul3A_4027, %get3A_3 : vector<1x64xf32>
    %add3A_4029 = arith.addf %add3A_4026, %mul3A_4028 : vector<1x64xf32>
    %max3A_4030 = arith.constant 0.000000e+00 : f32
    %max3A_4031 = vector.broadcast %max3A_4030 : f32 to vector<1x64xf32>
    %max3A_4032 = arith.maximumf %add3A_4029, %max3A_4031 : vector<1x64xf32>
    %get3A_4033 = arith.index_cast %get3A_4007 : i32 to index
    %get3A_4034 = arith.constant 0 : index
    %get3A_4035 = vector.load %arg5[%get3A_4033, %get3A_4034] : memref<10240x64xf32, #tpu.memory_space<vmem>>, vector<1x64xf32>
    %add3A_4036 = arith.addf %get3A_4035, %max3A_4032 : vector<1x64xf32>
    %swap3A_4037 = arith.index_cast %get3A_4007 : i32 to index
    %swap3A_4038 = arith.constant 0 : index
    %swap3A_4039 = vector.load %arg5[%swap3A_4037, %swap3A_4038] : memref<10240x64xf32, #tpu.memory_space<vmem>>, vector<1x64xf32>
    tpu.vector_store %arg5[%swap3A_4037, %swap3A_4038], %add3A_4036 {strides = array<i32>} : memref<10240x64xf32, #tpu.memory_space<vmem>>, vector<1x64xf32>,
    %get3A_4040 = arith.constant 0 : index
    %get3A_4041 = arith.constant 0 : index
    %get3A_4042 = arith.constant 101 : index
    %get3A_4043 = memref.load %arg1[%get3A_4040, %get3A_4041, %get3A_4042] : memref<1x3x128xi32, #tpu.memory_space<smem>>
    %get3A_4044 = arith.constant 0 : index
    %get3A_4045 = arith.constant 1 : index
    %get3A_4046 = arith.constant 101 : index
    %get3A_4047 = memref.load %arg1[%get3A_4044, %get3A_4045, %get3A_4046] : memref<1x3x128xi32, #tpu.memory_space<smem>>
    %get3A_4048 = arith.constant 0 : index
    %get3A_4049 = arith.constant 2 : index
    %get3A_4050 = arith.constant 101 : index
    %get3A_4051 = memref.load %arg1[%get3A_4048, %get3A_4049, %get3A_4050] : memref<1x3x128xi32, #tpu.memory_space<smem>>
    %get3A_4052 = arith.constant 0 : index
    %get3A_4053 = arith.constant 0 : index
    %get3A_4054 = arith.constant 101 : index
    %get3A_4055 = memref.load %arg2[%get3A_4052, %get3A_4053, %get3A_4054] : memref<1x1x128xf32, #tpu.memory_space<smem>>
    %get3A_4056 = arith.index_cast %get3A_4043 : i32 to index
    %get3A_4057 = arith.constant 0 : index
    %get3A_4058 = vector.load %arg3[%get3A_4056, %get3A_4057] : memref<10240x128xf32, #tpu.memory_space<vmem>>, vector<1x64xf32>
    %get3A_4059 = arith.index_cast %get3A_4047 : i32 to index
    %get3A_4060 = arith.constant 64 : index
    %get3A_4061 = vector.load %arg3[%get3A_4059, %get3A_4060] : memref<10240x128xf32, #tpu.memory_space<vmem>>, vector<1x64xf32>
    %get3A_4062 = arith.index_cast %get3A_4051 : i32 to index
    %get3A_4063 = arith.constant 0 : index
    %get3A_4064 = vector.load %arg4[%get3A_4062, %get3A_4063] : memref<8x128xf32, #tpu.memory_space<vmem>>, vector<1x64xf32>
    %add3A_4065 = arith.addf %get3A_4058, %get3A_4061 : vector<1x64xf32>
    %add3A_4066 = arith.addf %add3A_4065, %get3A_4064 : vector<1x64xf32>
    %mul3A_4067 = vector.broadcast %get3A_4055 : f32 to vector<1x64xf32>
    %mul3A_4068 = arith.mulf %mul3A_4067, %get3A_3 : vector<1x64xf32>
    %add3A_4069 = arith.addf %add3A_4066, %mul3A_4068 : vector<1x64xf32>
    %max3A_4070 = arith.constant 0.000000e+00 : f32
    %max3A_4071 = vector.broadcast %max3A_4070 : f32 to vector<1x64xf32>
    %max3A_4072 = arith.maximumf %add3A_4069, %max3A_4071 : vector<1x64xf32>
    %get3A_4073 = arith.index_cast %get3A_4047 : i32 to index
    %get3A_4074 = arith.constant 0 : index
    %get3A_4075 = vector.load %arg5[%get3A_4073, %get3A_4074] : memref<10240x64xf32, #tpu.memory_space<vmem>>, vector<1x64xf32>
    %add3A_4076 = arith.addf %get3A_4075, %max3A_4072 : vector<1x64xf32>
    %swap3A_4077 = arith.index_cast %get3A_4047 : i32 to index
    %swap3A_4078 = arith.constant 0 : index
    %swap3A_4079 = vector.load %arg5[%swap3A_4077, %swap3A_4078] : memref<10240x64xf32, #tpu.memory_space<vmem>>, vector<1x64xf32>
    tpu.vector_store %arg5[%swap3A_4077, %swap3A_4078], %add3A_4076 {strides = array<i32>} : memref<10240x64xf32, #tpu.memory_space<vmem>>, vector<1x64xf32>,
    %get3A_4080 = arith.constant 0 : index
    %get3A_4081 = arith.constant 0 : index
    %get3A_4082 = arith.constant 102 : index
    %get3A_4083 = memref.load %arg1[%get3A_4080, %get3A_4081, %get3A_4082] : memref<1x3x128xi32, #tpu.memory_space<smem>>
    %get3A_4084 = arith.constant 0 : index
    %get3A_4085 = arith.constant 1 : index
    %get3A_4086 = arith.constant 102 : index
    %get3A_4087 = memref.load %arg1[%get3A_4084, %get3A_4085, %get3A_4086] : memref<1x3x128xi32, #tpu.memory_space<smem>>
    %get3A_4088 = arith.constant 0 : index
    %get3A_4089 = arith.constant 2 : index
    %get3A_4090 = arith.constant 102 : index
    %get3A_4091 = memref.load %arg1[%get3A_4088, %get3A_4089, %get3A_4090] : memref<1x3x128xi32, #tpu.memory_space<smem>>
    %get3A_4092 = arith.constant 0 : index
    %get3A_4093 = arith.constant 0 : index
    %get3A_4094 = arith.constant 102 : index
    %get3A_4095 = memref.load %arg2[%get3A_4092, %get3A_4093, %get3A_4094] : memref<1x1x128xf32, #tpu.memory_space<smem>>
    %get3A_4096 = arith.index_cast %get3A_4083 : i32 to index
    %get3A_4097 = arith.constant 0 : index
    %get3A_4098 = vector.load %arg3[%get3A_4096, %get3A_4097] : memref<10240x128xf32, #tpu.memory_space<vmem>>, vector<1x64xf32>
    %get3A_4099 = arith.index_cast %get3A_4087 : i32 to index
    %get3A_4100 = arith.constant 64 : index
    %get3A_4101 = vector.load %arg3[%get3A_4099, %get3A_4100] : memref<10240x128xf32, #tpu.memory_space<vmem>>, vector<1x64xf32>
    %get3A_4102 = arith.index_cast %get3A_4091 : i32 to index
    %get3A_4103 = arith.constant 0 : index
    %get3A_4104 = vector.load %arg4[%get3A_4102, %get3A_4103] : memref<8x128xf32, #tpu.memory_space<vmem>>, vector<1x64xf32>
    %add3A_4105 = arith.addf %get3A_4098, %get3A_4101 : vector<1x64xf32>
    %add3A_4106 = arith.addf %add3A_4105, %get3A_4104 : vector<1x64xf32>
    %mul3A_4107 = vector.broadcast %get3A_4095 : f32 to vector<1x64xf32>
    %mul3A_4108 = arith.mulf %mul3A_4107, %get3A_3 : vector<1x64xf32>
    %add3A_4109 = arith.addf %add3A_4106, %mul3A_4108 : vector<1x64xf32>
    %max3A_4110 = arith.constant 0.000000e+00 : f32
    %max3A_4111 = vector.broadcast %max3A_4110 : f32 to vector<1x64xf32>
    %max3A_4112 = arith.maximumf %add3A_4109, %max3A_4111 : vector<1x64xf32>
    %get3A_4113 = arith.index_cast %get3A_4087 : i32 to index
    %get3A_4114 = arith.constant 0 : index
    %get3A_4115 = vector.load %arg5[%get3A_4113, %get3A_4114] : memref<10240x64xf32, #tpu.memory_space<vmem>>, vector<1x64xf32>
    %add3A_4116 = arith.addf %get3A_4115, %max3A_4112 : vector<1x64xf32>
    %swap3A_4117 = arith.index_cast %get3A_4087 : i32 to index
    %swap3A_4118 = arith.constant 0 : index
    %swap3A_4119 = vector.load %arg5[%swap3A_4117, %swap3A_4118] : memref<10240x64xf32, #tpu.memory_space<vmem>>, vector<1x64xf32>
    tpu.vector_store %arg5[%swap3A_4117, %swap3A_4118], %add3A_4116 {strides = array<i32>} : memref<10240x64xf32, #tpu.memory_space<vmem>>, vector<1x64xf32>,
    %get3A_4120 = arith.constant 0 : index
    %get3A_4121 = arith.constant 0 : index
    %get3A_4122 = arith.constant 103 : index
    %get3A_4123 = memref.load %arg1[%get3A_4120, %get3A_4121, %get3A_4122] : memref<1x3x128xi32, #tpu.memory_space<smem>>
    %get3A_4124 = arith.constant 0 : index
    %get3A_4125 = arith.constant 1 : index
    %get3A_4126 = arith.constant 103 : index
    %get3A_4127 = memref.load %arg1[%get3A_4124, %get3A_4125, %get3A_4126] : memref<1x3x128xi32, #tpu.memory_space<smem>>
    %get3A_4128 = arith.constant 0 : index
    %get3A_4129 = arith.constant 2 : index
    %get3A_4130 = arith.constant 103 : index
    %get3A_4131 = memref.load %arg1[%get3A_4128, %get3A_4129, %get3A_4130] : memref<1x3x128xi32, #tpu.memory_space<smem>>
    %get3A_4132 = arith.constant 0 : index
    %get3A_4133 = arith.constant 0 : index
    %get3A_4134 = arith.constant 103 : index
    %get3A_4135 = memref.load %arg2[%get3A_4132, %get3A_4133, %get3A_4134] : memref<1x1x128xf32, #tpu.memory_space<smem>>
    %get3A_4136 = arith.index_cast %get3A_4123 : i32 to index
    %get3A_4137 = arith.constant 0 : index
    %get3A_4138 = vector.load %arg3[%get3A_4136, %get3A_4137] : memref<10240x128xf32, #tpu.memory_space<vmem>>, vector<1x64xf32>
    %get3A_4139 = arith.index_cast %get3A_4127 : i32 to index
    %get3A_4140 = arith.constant 64 : index
    %get3A_4141 = vector.load %arg3[%get3A_4139, %get3A_4140] : memref<10240x128xf32, #tpu.memory_space<vmem>>, vector<1x64xf32>
    %get3A_4142 = arith.index_cast %get3A_4131 : i32 to index
    %get3A_4143 = arith.constant 0 : index
    %get3A_4144 = vector.load %arg4[%get3A_4142, %get3A_4143] : memref<8x128xf32, #tpu.memory_space<vmem>>, vector<1x64xf32>
    %add3A_4145 = arith.addf %get3A_4138, %get3A_4141 : vector<1x64xf32>
    %add3A_4146 = arith.addf %add3A_4145, %get3A_4144 : vector<1x64xf32>
    %mul3A_4147 = vector.broadcast %get3A_4135 : f32 to vector<1x64xf32>
    %mul3A_4148 = arith.mulf %mul3A_4147, %get3A_3 : vector<1x64xf32>
    %add3A_4149 = arith.addf %add3A_4146, %mul3A_4148 : vector<1x64xf32>
    %max3A_4150 = arith.constant 0.000000e+00 : f32
    %max3A_4151 = vector.broadcast %max3A_4150 : f32 to vector<1x64xf32>
    %max3A_4152 = arith.maximumf %add3A_4149, %max3A_4151 : vector<1x64xf32>
    %get3A_4153 = arith.index_cast %get3A_4127 : i32 to index
    %get3A_4154 = arith.constant 0 : index
    %get3A_4155 = vector.load %arg5[%get3A_4153, %get3A_4154] : memref<10240x64xf32, #tpu.memory_space<vmem>>, vector<1x64xf32>
    %add3A_4156 = arith.addf %get3A_4155, %max3A_4152 : vector<1x64xf32>
    %swap3A_4157 = arith.index_cast %get3A_4127 : i32 to index
    %swap3A_4158 = arith.constant 0 : index
    %swap3A_4159 = vector.load %arg5[%swap3A_4157, %swap3A_4158] : memref<10240x64xf32, #tpu.memory_space<vmem>>, vector<1x64xf32>
    tpu.vector_store %arg5[%swap3A_4157, %swap3A_4158], %add3A_4156 {strides = array<i32>} : memref<10240x64xf32, #tpu.memory_space<vmem>>, vector<1x64xf32>,
    %get3A_4160 = arith.constant 0 : index
    %get3A_4161 = arith.constant 0 : index
    %get3A_4162 = arith.constant 104 : index
    %get3A_4163 = memref.load %arg1[%get3A_4160, %get3A_4161, %get3A_4162] : memref<1x3x128xi32, #tpu.memory_space<smem>>
    %get3A_4164 = arith.constant 0 : index
    %get3A_4165 = arith.constant 1 : index
    %get3A_4166 = arith.constant 104 : index
    %get3A_4167 = memref.load %arg1[%get3A_4164, %get3A_4165, %get3A_4166] : memref<1x3x128xi32, #tpu.memory_space<smem>>
    %get3A_4168 = arith.constant 0 : index
    %get3A_4169 = arith.constant 2 : index
    %get3A_4170 = arith.constant 104 : index
    %get3A_4171 = memref.load %arg1[%get3A_4168, %get3A_4169, %get3A_4170] : memref<1x3x128xi32, #tpu.memory_space<smem>>
    %get3A_4172 = arith.constant 0 : index
    %get3A_4173 = arith.constant 0 : index
    %get3A_4174 = arith.constant 104 : index
    %get3A_4175 = memref.load %arg2[%get3A_4172, %get3A_4173, %get3A_4174] : memref<1x1x128xf32, #tpu.memory_space<smem>>
    %get3A_4176 = arith.index_cast %get3A_4163 : i32 to index
    %get3A_4177 = arith.constant 0 : index
    %get3A_4178 = vector.load %arg3[%get3A_4176, %get3A_4177] : memref<10240x128xf32, #tpu.memory_space<vmem>>, vector<1x64xf32>
    %get3A_4179 = arith.index_cast %get3A_4167 : i32 to index
    %get3A_4180 = arith.constant 64 : index
    %get3A_4181 = vector.load %arg3[%get3A_4179, %get3A_4180] : memref<10240x128xf32, #tpu.memory_space<vmem>>, vector<1x64xf32>
    %get3A_4182 = arith.index_cast %get3A_4171 : i32 to index
    %get3A_4183 = arith.constant 0 : index
    %get3A_4184 = vector.load %arg4[%get3A_4182, %get3A_4183] : memref<8x128xf32, #tpu.memory_space<vmem>>, vector<1x64xf32>
    %add3A_4185 = arith.addf %get3A_4178, %get3A_4181 : vector<1x64xf32>
    %add3A_4186 = arith.addf %add3A_4185, %get3A_4184 : vector<1x64xf32>
    %mul3A_4187 = vector.broadcast %get3A_4175 : f32 to vector<1x64xf32>
    %mul3A_4188 = arith.mulf %mul3A_4187, %get3A_3 : vector<1x64xf32>
    %add3A_4189 = arith.addf %add3A_4186, %mul3A_4188 : vector<1x64xf32>
    %max3A_4190 = arith.constant 0.000000e+00 : f32
    %max3A_4191 = vector.broadcast %max3A_4190 : f32 to vector<1x64xf32>
    %max3A_4192 = arith.maximumf %add3A_4189, %max3A_4191 : vector<1x64xf32>
    %get3A_4193 = arith.index_cast %get3A_4167 : i32 to index
    %get3A_4194 = arith.constant 0 : index
    %get3A_4195 = vector.load %arg5[%get3A_4193, %get3A_4194] : memref<10240x64xf32, #tpu.memory_space<vmem>>, vector<1x64xf32>
    %add3A_4196 = arith.addf %get3A_4195, %max3A_4192 : vector<1x64xf32>
    %swap3A_4197 = arith.index_cast %get3A_4167 : i32 to index
    %swap3A_4198 = arith.constant 0 : index
    %swap3A_4199 = vector.load %arg5[%swap3A_4197, %swap3A_4198] : memref<10240x64xf32, #tpu.memory_space<vmem>>, vector<1x64xf32>
    tpu.vector_store %arg5[%swap3A_4197, %swap3A_4198], %add3A_4196 {strides = array<i32>} : memref<10240x64xf32, #tpu.memory_space<vmem>>, vector<1x64xf32>,
    %get3A_4200 = arith.constant 0 : index
    %get3A_4201 = arith.constant 0 : index
    %get3A_4202 = arith.constant 105 : index
    %get3A_4203 = memref.load %arg1[%get3A_4200, %get3A_4201, %get3A_4202] : memref<1x3x128xi32, #tpu.memory_space<smem>>
    %get3A_4204 = arith.constant 0 : index
    %get3A_4205 = arith.constant 1 : index
    %get3A_4206 = arith.constant 105 : index
    %get3A_4207 = memref.load %arg1[%get3A_4204, %get3A_4205, %get3A_4206] : memref<1x3x128xi32, #tpu.memory_space<smem>>
    %get3A_4208 = arith.constant 0 : index
    %get3A_4209 = arith.constant 2 : index
    %get3A_4210 = arith.constant 105 : index
    %get3A_4211 = memref.load %arg1[%get3A_4208, %get3A_4209, %get3A_4210] : memref<1x3x128xi32, #tpu.memory_space<smem>>
    %get3A_4212 = arith.constant 0 : index
    %get3A_4213 = arith.constant 0 : index
    %get3A_4214 = arith.constant 105 : index
    %get3A_4215 = memref.load %arg2[%get3A_4212, %get3A_4213, %get3A_4214] : memref<1x1x128xf32, #tpu.memory_space<smem>>
    %get3A_4216 = arith.index_cast %get3A_4203 : i32 to index
    %get3A_4217 = arith.constant 0 : index
    %get3A_4218 = vector.load %arg3[%get3A_4216, %get3A_4217] : memref<10240x128xf32, #tpu.memory_space<vmem>>, vector<1x64xf32>
    %get3A_4219 = arith.index_cast %get3A_4207 : i32 to index
    %get3A_4220 = arith.constant 64 : index
    %get3A_4221 = vector.load %arg3[%get3A_4219, %get3A_4220] : memref<10240x128xf32, #tpu.memory_space<vmem>>, vector<1x64xf32>
    %get3A_4222 = arith.index_cast %get3A_4211 : i32 to index
    %get3A_4223 = arith.constant 0 : index
    %get3A_4224 = vector.load %arg4[%get3A_4222, %get3A_4223] : memref<8x128xf32, #tpu.memory_space<vmem>>, vector<1x64xf32>
    %add3A_4225 = arith.addf %get3A_4218, %get3A_4221 : vector<1x64xf32>
    %add3A_4226 = arith.addf %add3A_4225, %get3A_4224 : vector<1x64xf32>
    %mul3A_4227 = vector.broadcast %get3A_4215 : f32 to vector<1x64xf32>
    %mul3A_4228 = arith.mulf %mul3A_4227, %get3A_3 : vector<1x64xf32>
    %add3A_4229 = arith.addf %add3A_4226, %mul3A_4228 : vector<1x64xf32>
    %max3A_4230 = arith.constant 0.000000e+00 : f32
    %max3A_4231 = vector.broadcast %max3A_4230 : f32 to vector<1x64xf32>
    %max3A_4232 = arith.maximumf %add3A_4229, %max3A_4231 : vector<1x64xf32>
    %get3A_4233 = arith.index_cast %get3A_4207 : i32 to index
    %get3A_4234 = arith.constant 0 : index
    %get3A_4235 = vector.load %arg5[%get3A_4233, %get3A_4234] : memref<10240x64xf32, #tpu.memory_space<vmem>>, vector<1x64xf32>
    %add3A_4236 = arith.addf %get3A_4235, %max3A_4232 : vector<1x64xf32>
    %swap3A_4237 = arith.index_cast %get3A_4207 : i32 to index
    %swap3A_4238 = arith.constant 0 : index
    %swap3A_4239 = vector.load %arg5[%swap3A_4237, %swap3A_4238] : memref<10240x64xf32, #tpu.memory_space<vmem>>, vector<1x64xf32>
    tpu.vector_store %arg5[%swap3A_4237, %swap3A_4238], %add3A_4236 {strides = array<i32>} : memref<10240x64xf32, #tpu.memory_space<vmem>>, vector<1x64xf32>,
    %get3A_4240 = arith.constant 0 : index
    %get3A_4241 = arith.constant 0 : index
    %get3A_4242 = arith.constant 106 : index
    %get3A_4243 = memref.load %arg1[%get3A_4240, %get3A_4241, %get3A_4242] : memref<1x3x128xi32, #tpu.memory_space<smem>>
    %get3A_4244 = arith.constant 0 : index
    %get3A_4245 = arith.constant 1 : index
    %get3A_4246 = arith.constant 106 : index
    %get3A_4247 = memref.load %arg1[%get3A_4244, %get3A_4245, %get3A_4246] : memref<1x3x128xi32, #tpu.memory_space<smem>>
    %get3A_4248 = arith.constant 0 : index
    %get3A_4249 = arith.constant 2 : index
    %get3A_4250 = arith.constant 106 : index
    %get3A_4251 = memref.load %arg1[%get3A_4248, %get3A_4249, %get3A_4250] : memref<1x3x128xi32, #tpu.memory_space<smem>>
    %get3A_4252 = arith.constant 0 : index
    %get3A_4253 = arith.constant 0 : index
    %get3A_4254 = arith.constant 106 : index
    %get3A_4255 = memref.load %arg2[%get3A_4252, %get3A_4253, %get3A_4254] : memref<1x1x128xf32, #tpu.memory_space<smem>>
    %get3A_4256 = arith.index_cast %get3A_4243 : i32 to index
    %get3A_4257 = arith.constant 0 : index
    %get3A_4258 = vector.load %arg3[%get3A_4256, %get3A_4257] : memref<10240x128xf32, #tpu.memory_space<vmem>>, vector<1x64xf32>
    %get3A_4259 = arith.index_cast %get3A_4247 : i32 to index
    %get3A_4260 = arith.constant 64 : index
    %get3A_4261 = vector.load %arg3[%get3A_4259, %get3A_4260] : memref<10240x128xf32, #tpu.memory_space<vmem>>, vector<1x64xf32>
    %get3A_4262 = arith.index_cast %get3A_4251 : i32 to index
    %get3A_4263 = arith.constant 0 : index
    %get3A_4264 = vector.load %arg4[%get3A_4262, %get3A_4263] : memref<8x128xf32, #tpu.memory_space<vmem>>, vector<1x64xf32>
    %add3A_4265 = arith.addf %get3A_4258, %get3A_4261 : vector<1x64xf32>
    %add3A_4266 = arith.addf %add3A_4265, %get3A_4264 : vector<1x64xf32>
    %mul3A_4267 = vector.broadcast %get3A_4255 : f32 to vector<1x64xf32>
    %mul3A_4268 = arith.mulf %mul3A_4267, %get3A_3 : vector<1x64xf32>
    %add3A_4269 = arith.addf %add3A_4266, %mul3A_4268 : vector<1x64xf32>
    %max3A_4270 = arith.constant 0.000000e+00 : f32
    %max3A_4271 = vector.broadcast %max3A_4270 : f32 to vector<1x64xf32>
    %max3A_4272 = arith.maximumf %add3A_4269, %max3A_4271 : vector<1x64xf32>
    %get3A_4273 = arith.index_cast %get3A_4247 : i32 to index
    %get3A_4274 = arith.constant 0 : index
    %get3A_4275 = vector.load %arg5[%get3A_4273, %get3A_4274] : memref<10240x64xf32, #tpu.memory_space<vmem>>, vector<1x64xf32>
    %add3A_4276 = arith.addf %get3A_4275, %max3A_4272 : vector<1x64xf32>
    %swap3A_4277 = arith.index_cast %get3A_4247 : i32 to index
    %swap3A_4278 = arith.constant 0 : index
    %swap3A_4279 = vector.load %arg5[%swap3A_4277, %swap3A_4278] : memref<10240x64xf32, #tpu.memory_space<vmem>>, vector<1x64xf32>
    tpu.vector_store %arg5[%swap3A_4277, %swap3A_4278], %add3A_4276 {strides = array<i32>} : memref<10240x64xf32, #tpu.memory_space<vmem>>, vector<1x64xf32>,
    %get3A_4280 = arith.constant 0 : index
    %get3A_4281 = arith.constant 0 : index
    %get3A_4282 = arith.constant 107 : index
    %get3A_4283 = memref.load %arg1[%get3A_4280, %get3A_4281, %get3A_4282] : memref<1x3x128xi32, #tpu.memory_space<smem>>
    %get3A_4284 = arith.constant 0 : index
    %get3A_4285 = arith.constant 1 : index
    %get3A_4286 = arith.constant 107 : index
    %get3A_4287 = memref.load %arg1[%get3A_4284, %get3A_4285, %get3A_4286] : memref<1x3x128xi32, #tpu.memory_space<smem>>
    %get3A_4288 = arith.constant 0 : index
    %get3A_4289 = arith.constant 2 : index
    %get3A_4290 = arith.constant 107 : index
    %get3A_4291 = memref.load %arg1[%get3A_4288, %get3A_4289, %get3A_4290] : memref<1x3x128xi32, #tpu.memory_space<smem>>
    %get3A_4292 = arith.constant 0 : index
    %get3A_4293 = arith.constant 0 : index
    %get3A_4294 = arith.constant 107 : index
    %get3A_4295 = memref.load %arg2[%get3A_4292, %get3A_4293, %get3A_4294] : memref<1x1x128xf32, #tpu.memory_space<smem>>
    %get3A_4296 = arith.index_cast %get3A_4283 : i32 to index
    %get3A_4297 = arith.constant 0 : index
    %get3A_4298 = vector.load %arg3[%get3A_4296, %get3A_4297] : memref<10240x128xf32, #tpu.memory_space<vmem>>, vector<1x64xf32>
    %get3A_4299 = arith.index_cast %get3A_4287 : i32 to index
    %get3A_4300 = arith.constant 64 : index
    %get3A_4301 = vector.load %arg3[%get3A_4299, %get3A_4300] : memref<10240x128xf32, #tpu.memory_space<vmem>>, vector<1x64xf32>
    %get3A_4302 = arith.index_cast %get3A_4291 : i32 to index
    %get3A_4303 = arith.constant 0 : index
    %get3A_4304 = vector.load %arg4[%get3A_4302, %get3A_4303] : memref<8x128xf32, #tpu.memory_space<vmem>>, vector<1x64xf32>
    %add3A_4305 = arith.addf %get3A_4298, %get3A_4301 : vector<1x64xf32>
    %add3A_4306 = arith.addf %add3A_4305, %get3A_4304 : vector<1x64xf32>
    %mul3A_4307 = vector.broadcast %get3A_4295 : f32 to vector<1x64xf32>
    %mul3A_4308 = arith.mulf %mul3A_4307, %get3A_3 : vector<1x64xf32>
    %add3A_4309 = arith.addf %add3A_4306, %mul3A_4308 : vector<1x64xf32>
    %max3A_4310 = arith.constant 0.000000e+00 : f32
    %max3A_4311 = vector.broadcast %max3A_4310 : f32 to vector<1x64xf32>
    %max3A_4312 = arith.maximumf %add3A_4309, %max3A_4311 : vector<1x64xf32>
    %get3A_4313 = arith.index_cast %get3A_4287 : i32 to index
    %get3A_4314 = arith.constant 0 : index
    %get3A_4315 = vector.load %arg5[%get3A_4313, %get3A_4314] : memref<10240x64xf32, #tpu.memory_space<vmem>>, vector<1x64xf32>
    %add3A_4316 = arith.addf %get3A_4315, %max3A_4312 : vector<1x64xf32>
    %swap3A_4317 = arith.index_cast %get3A_4287 : i32 to index
    %swap3A_4318 = arith.constant 0 : index
    %swap3A_4319 = vector.load %arg5[%swap3A_4317, %swap3A_4318] : memref<10240x64xf32, #tpu.memory_space<vmem>>, vector<1x64xf32>
    tpu.vector_store %arg5[%swap3A_4317, %swap3A_4318], %add3A_4316 {strides = array<i32>} : memref<10240x64xf32, #tpu.memory_space<vmem>>, vector<1x64xf32>,
    %get3A_4320 = arith.constant 0 : index
    %get3A_4321 = arith.constant 0 : index
    %get3A_4322 = arith.constant 108 : index
    %get3A_4323 = memref.load %arg1[%get3A_4320, %get3A_4321, %get3A_4322] : memref<1x3x128xi32, #tpu.memory_space<smem>>
    %get3A_4324 = arith.constant 0 : index
    %get3A_4325 = arith.constant 1 : index
    %get3A_4326 = arith.constant 108 : index
    %get3A_4327 = memref.load %arg1[%get3A_4324, %get3A_4325, %get3A_4326] : memref<1x3x128xi32, #tpu.memory_space<smem>>
    %get3A_4328 = arith.constant 0 : index
    %get3A_4329 = arith.constant 2 : index
    %get3A_4330 = arith.constant 108 : index
    %get3A_4331 = memref.load %arg1[%get3A_4328, %get3A_4329, %get3A_4330] : memref<1x3x128xi32, #tpu.memory_space<smem>>
    %get3A_4332 = arith.constant 0 : index
    %get3A_4333 = arith.constant 0 : index
    %get3A_4334 = arith.constant 108 : index
    %get3A_4335 = memref.load %arg2[%get3A_4332, %get3A_4333, %get3A_4334] : memref<1x1x128xf32, #tpu.memory_space<smem>>
    %get3A_4336 = arith.index_cast %get3A_4323 : i32 to index
    %get3A_4337 = arith.constant 0 : index
    %get3A_4338 = vector.load %arg3[%get3A_4336, %get3A_4337] : memref<10240x128xf32, #tpu.memory_space<vmem>>, vector<1x64xf32>
    %get3A_4339 = arith.index_cast %get3A_4327 : i32 to index
    %get3A_4340 = arith.constant 64 : index
    %get3A_4341 = vector.load %arg3[%get3A_4339, %get3A_4340] : memref<10240x128xf32, #tpu.memory_space<vmem>>, vector<1x64xf32>
    %get3A_4342 = arith.index_cast %get3A_4331 : i32 to index
    %get3A_4343 = arith.constant 0 : index
    %get3A_4344 = vector.load %arg4[%get3A_4342, %get3A_4343] : memref<8x128xf32, #tpu.memory_space<vmem>>, vector<1x64xf32>
    %add3A_4345 = arith.addf %get3A_4338, %get3A_4341 : vector<1x64xf32>
    %add3A_4346 = arith.addf %add3A_4345, %get3A_4344 : vector<1x64xf32>
    %mul3A_4347 = vector.broadcast %get3A_4335 : f32 to vector<1x64xf32>
    %mul3A_4348 = arith.mulf %mul3A_4347, %get3A_3 : vector<1x64xf32>
    %add3A_4349 = arith.addf %add3A_4346, %mul3A_4348 : vector<1x64xf32>
    %max3A_4350 = arith.constant 0.000000e+00 : f32
    %max3A_4351 = vector.broadcast %max3A_4350 : f32 to vector<1x64xf32>
    %max3A_4352 = arith.maximumf %add3A_4349, %max3A_4351 : vector<1x64xf32>
    %get3A_4353 = arith.index_cast %get3A_4327 : i32 to index
    %get3A_4354 = arith.constant 0 : index
    %get3A_4355 = vector.load %arg5[%get3A_4353, %get3A_4354] : memref<10240x64xf32, #tpu.memory_space<vmem>>, vector<1x64xf32>
    %add3A_4356 = arith.addf %get3A_4355, %max3A_4352 : vector<1x64xf32>
    %swap3A_4357 = arith.index_cast %get3A_4327 : i32 to index
    %swap3A_4358 = arith.constant 0 : index
    %swap3A_4359 = vector.load %arg5[%swap3A_4357, %swap3A_4358] : memref<10240x64xf32, #tpu.memory_space<vmem>>, vector<1x64xf32>
    tpu.vector_store %arg5[%swap3A_4357, %swap3A_4358], %add3A_4356 {strides = array<i32>} : memref<10240x64xf32, #tpu.memory_space<vmem>>, vector<1x64xf32>,
    %get3A_4360 = arith.constant 0 : index
    %get3A_4361 = arith.constant 0 : index
    %get3A_4362 = arith.constant 109 : index
    %get3A_4363 = memref.load %arg1[%get3A_4360, %get3A_4361, %get3A_4362] : memref<1x3x128xi32, #tpu.memory_space<smem>>
    %get3A_4364 = arith.constant 0 : index
    %get3A_4365 = arith.constant 1 : index
    %get3A_4366 = arith.constant 109 : index
    %get3A_4367 = memref.load %arg1[%get3A_4364, %get3A_4365, %get3A_4366] : memref<1x3x128xi32, #tpu.memory_space<smem>>
    %get3A_4368 = arith.constant 0 : index
    %get3A_4369 = arith.constant 2 : index
    %get3A_4370 = arith.constant 109 : index
    %get3A_4371 = memref.load %arg1[%get3A_4368, %get3A_4369, %get3A_4370] : memref<1x3x128xi32, #tpu.memory_space<smem>>
    %get3A_4372 = arith.constant 0 : index
    %get3A_4373 = arith.constant 0 : index
    %get3A_4374 = arith.constant 109 : index
    %get3A_4375 = memref.load %arg2[%get3A_4372, %get3A_4373, %get3A_4374] : memref<1x1x128xf32, #tpu.memory_space<smem>>
    %get3A_4376 = arith.index_cast %get3A_4363 : i32 to index
    %get3A_4377 = arith.constant 0 : index
    %get3A_4378 = vector.load %arg3[%get3A_4376, %get3A_4377] : memref<10240x128xf32, #tpu.memory_space<vmem>>, vector<1x64xf32>
    %get3A_4379 = arith.index_cast %get3A_4367 : i32 to index
    %get3A_4380 = arith.constant 64 : index
    %get3A_4381 = vector.load %arg3[%get3A_4379, %get3A_4380] : memref<10240x128xf32, #tpu.memory_space<vmem>>, vector<1x64xf32>
    %get3A_4382 = arith.index_cast %get3A_4371 : i32 to index
    %get3A_4383 = arith.constant 0 : index
    %get3A_4384 = vector.load %arg4[%get3A_4382, %get3A_4383] : memref<8x128xf32, #tpu.memory_space<vmem>>, vector<1x64xf32>
    %add3A_4385 = arith.addf %get3A_4378, %get3A_4381 : vector<1x64xf32>
    %add3A_4386 = arith.addf %add3A_4385, %get3A_4384 : vector<1x64xf32>
    %mul3A_4387 = vector.broadcast %get3A_4375 : f32 to vector<1x64xf32>
    %mul3A_4388 = arith.mulf %mul3A_4387, %get3A_3 : vector<1x64xf32>
    %add3A_4389 = arith.addf %add3A_4386, %mul3A_4388 : vector<1x64xf32>
    %max3A_4390 = arith.constant 0.000000e+00 : f32
    %max3A_4391 = vector.broadcast %max3A_4390 : f32 to vector<1x64xf32>
    %max3A_4392 = arith.maximumf %add3A_4389, %max3A_4391 : vector<1x64xf32>
    %get3A_4393 = arith.index_cast %get3A_4367 : i32 to index
    %get3A_4394 = arith.constant 0 : index
    %get3A_4395 = vector.load %arg5[%get3A_4393, %get3A_4394] : memref<10240x64xf32, #tpu.memory_space<vmem>>, vector<1x64xf32>
    %add3A_4396 = arith.addf %get3A_4395, %max3A_4392 : vector<1x64xf32>
    %swap3A_4397 = arith.index_cast %get3A_4367 : i32 to index
    %swap3A_4398 = arith.constant 0 : index
    %swap3A_4399 = vector.load %arg5[%swap3A_4397, %swap3A_4398] : memref<10240x64xf32, #tpu.memory_space<vmem>>, vector<1x64xf32>
    tpu.vector_store %arg5[%swap3A_4397, %swap3A_4398], %add3A_4396 {strides = array<i32>} : memref<10240x64xf32, #tpu.memory_space<vmem>>, vector<1x64xf32>,
    %get3A_4400 = arith.constant 0 : index
    %get3A_4401 = arith.constant 0 : index
    %get3A_4402 = arith.constant 110 : index
    %get3A_4403 = memref.load %arg1[%get3A_4400, %get3A_4401, %get3A_4402] : memref<1x3x128xi32, #tpu.memory_space<smem>>
    %get3A_4404 = arith.constant 0 : index
    %get3A_4405 = arith.constant 1 : index
    %get3A_4406 = arith.constant 110 : index
    %get3A_4407 = memref.load %arg1[%get3A_4404, %get3A_4405, %get3A_4406] : memref<1x3x128xi32, #tpu.memory_space<smem>>
    %get3A_4408 = arith.constant 0 : index
    %get3A_4409 = arith.constant 2 : index
    %get3A_4410 = arith.constant 110 : index
    %get3A_4411 = memref.load %arg1[%get3A_4408, %get3A_4409, %get3A_4410] : memref<1x3x128xi32, #tpu.memory_space<smem>>
    %get3A_4412 = arith.constant 0 : index
    %get3A_4413 = arith.constant 0 : index
    %get3A_4414 = arith.constant 110 : index
    %get3A_4415 = memref.load %arg2[%get3A_4412, %get3A_4413, %get3A_4414] : memref<1x1x128xf32, #tpu.memory_space<smem>>
    %get3A_4416 = arith.index_cast %get3A_4403 : i32 to index
    %get3A_4417 = arith.constant 0 : index
    %get3A_4418 = vector.load %arg3[%get3A_4416, %get3A_4417] : memref<10240x128xf32, #tpu.memory_space<vmem>>, vector<1x64xf32>
    %get3A_4419 = arith.index_cast %get3A_4407 : i32 to index
    %get3A_4420 = arith.constant 64 : index
    %get3A_4421 = vector.load %arg3[%get3A_4419, %get3A_4420] : memref<10240x128xf32, #tpu.memory_space<vmem>>, vector<1x64xf32>
    %get3A_4422 = arith.index_cast %get3A_4411 : i32 to index
    %get3A_4423 = arith.constant 0 : index
    %get3A_4424 = vector.load %arg4[%get3A_4422, %get3A_4423] : memref<8x128xf32, #tpu.memory_space<vmem>>, vector<1x64xf32>
    %add3A_4425 = arith.addf %get3A_4418, %get3A_4421 : vector<1x64xf32>
    %add3A_4426 = arith.addf %add3A_4425, %get3A_4424 : vector<1x64xf32>
    %mul3A_4427 = vector.broadcast %get3A_4415 : f32 to vector<1x64xf32>
    %mul3A_4428 = arith.mulf %mul3A_4427, %get3A_3 : vector<1x64xf32>
    %add3A_4429 = arith.addf %add3A_4426, %mul3A_4428 : vector<1x64xf32>
    %max3A_4430 = arith.constant 0.000000e+00 : f32
    %max3A_4431 = vector.broadcast %max3A_4430 : f32 to vector<1x64xf32>
    %max3A_4432 = arith.maximumf %add3A_4429, %max3A_4431 : vector<1x64xf32>
    %get3A_4433 = arith.index_cast %get3A_4407 : i32 to index
    %get3A_4434 = arith.constant 0 : index
    %get3A_4435 = vector.load %arg5[%get3A_4433, %get3A_4434] : memref<10240x64xf32, #tpu.memory_space<vmem>>, vector<1x64xf32>
    %add3A_4436 = arith.addf %get3A_4435, %max3A_4432 : vector<1x64xf32>
    %swap3A_4437 = arith.index_cast %get3A_4407 : i32 to index
    %swap3A_4438 = arith.constant 0 : index
    %swap3A_4439 = vector.load %arg5[%swap3A_4437, %swap3A_4438] : memref<10240x64xf32, #tpu.memory_space<vmem>>, vector<1x64xf32>
    tpu.vector_store %arg5[%swap3A_4437, %swap3A_4438], %add3A_4436 {strides = array<i32>} : memref<10240x64xf32, #tpu.memory_space<vmem>>, vector<1x64xf32>,
    %get3A_4440 = arith.constant 0 : index
    %get3A_4441 = arith.constant 0 : index
    %get3A_4442 = arith.constant 111 : index
    %get3A_4443 = memref.load %arg1[%get3A_4440, %get3A_4441, %get3A_4442] : memref<1x3x128xi32, #tpu.memory_space<smem>>
    %get3A_4444 = arith.constant 0 : index
    %get3A_4445 = arith.constant 1 : index
    %get3A_4446 = arith.constant 111 : index
    %get3A_4447 = memref.load %arg1[%get3A_4444, %get3A_4445, %get3A_4446] : memref<1x3x128xi32, #tpu.memory_space<smem>>
    %get3A_4448 = arith.constant 0 : index
    %get3A_4449 = arith.constant 2 : index
    %get3A_4450 = arith.constant 111 : index
    %get3A_4451 = memref.load %arg1[%get3A_4448, %get3A_4449, %get3A_4450] : memref<1x3x128xi32, #tpu.memory_space<smem>>
    %get3A_4452 = arith.constant 0 : index
    %get3A_4453 = arith.constant 0 : index
    %get3A_4454 = arith.constant 111 : index
    %get3A_4455 = memref.load %arg2[%get3A_4452, %get3A_4453, %get3A_4454] : memref<1x1x128xf32, #tpu.memory_space<smem>>
    %get3A_4456 = arith.index_cast %get3A_4443 : i32 to index
    %get3A_4457 = arith.constant 0 : index
    %get3A_4458 = vector.load %arg3[%get3A_4456, %get3A_4457] : memref<10240x128xf32, #tpu.memory_space<vmem>>, vector<1x64xf32>
    %get3A_4459 = arith.index_cast %get3A_4447 : i32 to index
    %get3A_4460 = arith.constant 64 : index
    %get3A_4461 = vector.load %arg3[%get3A_4459, %get3A_4460] : memref<10240x128xf32, #tpu.memory_space<vmem>>, vector<1x64xf32>
    %get3A_4462 = arith.index_cast %get3A_4451 : i32 to index
    %get3A_4463 = arith.constant 0 : index
    %get3A_4464 = vector.load %arg4[%get3A_4462, %get3A_4463] : memref<8x128xf32, #tpu.memory_space<vmem>>, vector<1x64xf32>
    %add3A_4465 = arith.addf %get3A_4458, %get3A_4461 : vector<1x64xf32>
    %add3A_4466 = arith.addf %add3A_4465, %get3A_4464 : vector<1x64xf32>
    %mul3A_4467 = vector.broadcast %get3A_4455 : f32 to vector<1x64xf32>
    %mul3A_4468 = arith.mulf %mul3A_4467, %get3A_3 : vector<1x64xf32>
    %add3A_4469 = arith.addf %add3A_4466, %mul3A_4468 : vector<1x64xf32>
    %max3A_4470 = arith.constant 0.000000e+00 : f32
    %max3A_4471 = vector.broadcast %max3A_4470 : f32 to vector<1x64xf32>
    %max3A_4472 = arith.maximumf %add3A_4469, %max3A_4471 : vector<1x64xf32>
    %get3A_4473 = arith.index_cast %get3A_4447 : i32 to index
    %get3A_4474 = arith.constant 0 : index
    %get3A_4475 = vector.load %arg5[%get3A_4473, %get3A_4474] : memref<10240x64xf32, #tpu.memory_space<vmem>>, vector<1x64xf32>
    %add3A_4476 = arith.addf %get3A_4475, %max3A_4472 : vector<1x64xf32>
    %swap3A_4477 = arith.index_cast %get3A_4447 : i32 to index
    %swap3A_4478 = arith.constant 0 : index
    %swap3A_4479 = vector.load %arg5[%swap3A_4477, %swap3A_4478] : memref<10240x64xf32, #tpu.memory_space<vmem>>, vector<1x64xf32>
    tpu.vector_store %arg5[%swap3A_4477, %swap3A_4478], %add3A_4476 {strides = array<i32>} : memref<10240x64xf32, #tpu.memory_space<vmem>>, vector<1x64xf32>,
    %get3A_4480 = arith.constant 0 : index
    %get3A_4481 = arith.constant 0 : index
    %get3A_4482 = arith.constant 112 : index
    %get3A_4483 = memref.load %arg1[%get3A_4480, %get3A_4481, %get3A_4482] : memref<1x3x128xi32, #tpu.memory_space<smem>>
    %get3A_4484 = arith.constant 0 : index
    %get3A_4485 = arith.constant 1 : index
    %get3A_4486 = arith.constant 112 : index
    %get3A_4487 = memref.load %arg1[%get3A_4484, %get3A_4485, %get3A_4486] : memref<1x3x128xi32, #tpu.memory_space<smem>>
    %get3A_4488 = arith.constant 0 : index
    %get3A_4489 = arith.constant 2 : index
    %get3A_4490 = arith.constant 112 : index
    %get3A_4491 = memref.load %arg1[%get3A_4488, %get3A_4489, %get3A_4490] : memref<1x3x128xi32, #tpu.memory_space<smem>>
    %get3A_4492 = arith.constant 0 : index
    %get3A_4493 = arith.constant 0 : index
    %get3A_4494 = arith.constant 112 : index
    %get3A_4495 = memref.load %arg2[%get3A_4492, %get3A_4493, %get3A_4494] : memref<1x1x128xf32, #tpu.memory_space<smem>>
    %get3A_4496 = arith.index_cast %get3A_4483 : i32 to index
    %get3A_4497 = arith.constant 0 : index
    %get3A_4498 = vector.load %arg3[%get3A_4496, %get3A_4497] : memref<10240x128xf32, #tpu.memory_space<vmem>>, vector<1x64xf32>
    %get3A_4499 = arith.index_cast %get3A_4487 : i32 to index
    %get3A_4500 = arith.constant 64 : index
    %get3A_4501 = vector.load %arg3[%get3A_4499, %get3A_4500] : memref<10240x128xf32, #tpu.memory_space<vmem>>, vector<1x64xf32>
    %get3A_4502 = arith.index_cast %get3A_4491 : i32 to index
    %get3A_4503 = arith.constant 0 : index
    %get3A_4504 = vector.load %arg4[%get3A_4502, %get3A_4503] : memref<8x128xf32, #tpu.memory_space<vmem>>, vector<1x64xf32>
    %add3A_4505 = arith.addf %get3A_4498, %get3A_4501 : vector<1x64xf32>
    %add3A_4506 = arith.addf %add3A_4505, %get3A_4504 : vector<1x64xf32>
    %mul3A_4507 = vector.broadcast %get3A_4495 : f32 to vector<1x64xf32>
    %mul3A_4508 = arith.mulf %mul3A_4507, %get3A_3 : vector<1x64xf32>
    %add3A_4509 = arith.addf %add3A_4506, %mul3A_4508 : vector<1x64xf32>
    %max3A_4510 = arith.constant 0.000000e+00 : f32
    %max3A_4511 = vector.broadcast %max3A_4510 : f32 to vector<1x64xf32>
    %max3A_4512 = arith.maximumf %add3A_4509, %max3A_4511 : vector<1x64xf32>
    %get3A_4513 = arith.index_cast %get3A_4487 : i32 to index
    %get3A_4514 = arith.constant 0 : index
    %get3A_4515 = vector.load %arg5[%get3A_4513, %get3A_4514] : memref<10240x64xf32, #tpu.memory_space<vmem>>, vector<1x64xf32>
    %add3A_4516 = arith.addf %get3A_4515, %max3A_4512 : vector<1x64xf32>
    %swap3A_4517 = arith.index_cast %get3A_4487 : i32 to index
    %swap3A_4518 = arith.constant 0 : index
    %swap3A_4519 = vector.load %arg5[%swap3A_4517, %swap3A_4518] : memref<10240x64xf32, #tpu.memory_space<vmem>>, vector<1x64xf32>
    tpu.vector_store %arg5[%swap3A_4517, %swap3A_4518], %add3A_4516 {strides = array<i32>} : memref<10240x64xf32, #tpu.memory_space<vmem>>, vector<1x64xf32>,
    %get3A_4520 = arith.constant 0 : index
    %get3A_4521 = arith.constant 0 : index
    %get3A_4522 = arith.constant 113 : index
    %get3A_4523 = memref.load %arg1[%get3A_4520, %get3A_4521, %get3A_4522] : memref<1x3x128xi32, #tpu.memory_space<smem>>
    %get3A_4524 = arith.constant 0 : index
    %get3A_4525 = arith.constant 1 : index
    %get3A_4526 = arith.constant 113 : index
    %get3A_4527 = memref.load %arg1[%get3A_4524, %get3A_4525, %get3A_4526] : memref<1x3x128xi32, #tpu.memory_space<smem>>
    %get3A_4528 = arith.constant 0 : index
    %get3A_4529 = arith.constant 2 : index
    %get3A_4530 = arith.constant 113 : index
    %get3A_4531 = memref.load %arg1[%get3A_4528, %get3A_4529, %get3A_4530] : memref<1x3x128xi32, #tpu.memory_space<smem>>
    %get3A_4532 = arith.constant 0 : index
    %get3A_4533 = arith.constant 0 : index
    %get3A_4534 = arith.constant 113 : index
    %get3A_4535 = memref.load %arg2[%get3A_4532, %get3A_4533, %get3A_4534] : memref<1x1x128xf32, #tpu.memory_space<smem>>
    %get3A_4536 = arith.index_cast %get3A_4523 : i32 to index
    %get3A_4537 = arith.constant 0 : index
    %get3A_4538 = vector.load %arg3[%get3A_4536, %get3A_4537] : memref<10240x128xf32, #tpu.memory_space<vmem>>, vector<1x64xf32>
    %get3A_4539 = arith.index_cast %get3A_4527 : i32 to index
    %get3A_4540 = arith.constant 64 : index
    %get3A_4541 = vector.load %arg3[%get3A_4539, %get3A_4540] : memref<10240x128xf32, #tpu.memory_space<vmem>>, vector<1x64xf32>
    %get3A_4542 = arith.index_cast %get3A_4531 : i32 to index
    %get3A_4543 = arith.constant 0 : index
    %get3A_4544 = vector.load %arg4[%get3A_4542, %get3A_4543] : memref<8x128xf32, #tpu.memory_space<vmem>>, vector<1x64xf32>
    %add3A_4545 = arith.addf %get3A_4538, %get3A_4541 : vector<1x64xf32>
    %add3A_4546 = arith.addf %add3A_4545, %get3A_4544 : vector<1x64xf32>
    %mul3A_4547 = vector.broadcast %get3A_4535 : f32 to vector<1x64xf32>
    %mul3A_4548 = arith.mulf %mul3A_4547, %get3A_3 : vector<1x64xf32>
    %add3A_4549 = arith.addf %add3A_4546, %mul3A_4548 : vector<1x64xf32>
    %max3A_4550 = arith.constant 0.000000e+00 : f32
    %max3A_4551 = vector.broadcast %max3A_4550 : f32 to vector<1x64xf32>
    %max3A_4552 = arith.maximumf %add3A_4549, %max3A_4551 : vector<1x64xf32>
    %get3A_4553 = arith.index_cast %get3A_4527 : i32 to index
    %get3A_4554 = arith.constant 0 : index
    %get3A_4555 = vector.load %arg5[%get3A_4553, %get3A_4554] : memref<10240x64xf32, #tpu.memory_space<vmem>>, vector<1x64xf32>
    %add3A_4556 = arith.addf %get3A_4555, %max3A_4552 : vector<1x64xf32>
    %swap3A_4557 = arith.index_cast %get3A_4527 : i32 to index
    %swap3A_4558 = arith.constant 0 : index
    %swap3A_4559 = vector.load %arg5[%swap3A_4557, %swap3A_4558] : memref<10240x64xf32, #tpu.memory_space<vmem>>, vector<1x64xf32>
    tpu.vector_store %arg5[%swap3A_4557, %swap3A_4558], %add3A_4556 {strides = array<i32>} : memref<10240x64xf32, #tpu.memory_space<vmem>>, vector<1x64xf32>,
    %get3A_4560 = arith.constant 0 : index
    %get3A_4561 = arith.constant 0 : index
    %get3A_4562 = arith.constant 114 : index
    %get3A_4563 = memref.load %arg1[%get3A_4560, %get3A_4561, %get3A_4562] : memref<1x3x128xi32, #tpu.memory_space<smem>>
    %get3A_4564 = arith.constant 0 : index
    %get3A_4565 = arith.constant 1 : index
    %get3A_4566 = arith.constant 114 : index
    %get3A_4567 = memref.load %arg1[%get3A_4564, %get3A_4565, %get3A_4566] : memref<1x3x128xi32, #tpu.memory_space<smem>>
    %get3A_4568 = arith.constant 0 : index
    %get3A_4569 = arith.constant 2 : index
    %get3A_4570 = arith.constant 114 : index
    %get3A_4571 = memref.load %arg1[%get3A_4568, %get3A_4569, %get3A_4570] : memref<1x3x128xi32, #tpu.memory_space<smem>>
    %get3A_4572 = arith.constant 0 : index
    %get3A_4573 = arith.constant 0 : index
    %get3A_4574 = arith.constant 114 : index
    %get3A_4575 = memref.load %arg2[%get3A_4572, %get3A_4573, %get3A_4574] : memref<1x1x128xf32, #tpu.memory_space<smem>>
    %get3A_4576 = arith.index_cast %get3A_4563 : i32 to index
    %get3A_4577 = arith.constant 0 : index
    %get3A_4578 = vector.load %arg3[%get3A_4576, %get3A_4577] : memref<10240x128xf32, #tpu.memory_space<vmem>>, vector<1x64xf32>
    %get3A_4579 = arith.index_cast %get3A_4567 : i32 to index
    %get3A_4580 = arith.constant 64 : index
    %get3A_4581 = vector.load %arg3[%get3A_4579, %get3A_4580] : memref<10240x128xf32, #tpu.memory_space<vmem>>, vector<1x64xf32>
    %get3A_4582 = arith.index_cast %get3A_4571 : i32 to index
    %get3A_4583 = arith.constant 0 : index
    %get3A_4584 = vector.load %arg4[%get3A_4582, %get3A_4583] : memref<8x128xf32, #tpu.memory_space<vmem>>, vector<1x64xf32>
    %add3A_4585 = arith.addf %get3A_4578, %get3A_4581 : vector<1x64xf32>
    %add3A_4586 = arith.addf %add3A_4585, %get3A_4584 : vector<1x64xf32>
    %mul3A_4587 = vector.broadcast %get3A_4575 : f32 to vector<1x64xf32>
    %mul3A_4588 = arith.mulf %mul3A_4587, %get3A_3 : vector<1x64xf32>
    %add3A_4589 = arith.addf %add3A_4586, %mul3A_4588 : vector<1x64xf32>
    %max3A_4590 = arith.constant 0.000000e+00 : f32
    %max3A_4591 = vector.broadcast %max3A_4590 : f32 to vector<1x64xf32>
    %max3A_4592 = arith.maximumf %add3A_4589, %max3A_4591 : vector<1x64xf32>
    %get3A_4593 = arith.index_cast %get3A_4567 : i32 to index
    %get3A_4594 = arith.constant 0 : index
    %get3A_4595 = vector.load %arg5[%get3A_4593, %get3A_4594] : memref<10240x64xf32, #tpu.memory_space<vmem>>, vector<1x64xf32>
    %add3A_4596 = arith.addf %get3A_4595, %max3A_4592 : vector<1x64xf32>
    %swap3A_4597 = arith.index_cast %get3A_4567 : i32 to index
    %swap3A_4598 = arith.constant 0 : index
    %swap3A_4599 = vector.load %arg5[%swap3A_4597, %swap3A_4598] : memref<10240x64xf32, #tpu.memory_space<vmem>>, vector<1x64xf32>
    tpu.vector_store %arg5[%swap3A_4597, %swap3A_4598], %add3A_4596 {strides = array<i32>} : memref<10240x64xf32, #tpu.memory_space<vmem>>, vector<1x64xf32>,
    %get3A_4600 = arith.constant 0 : index
    %get3A_4601 = arith.constant 0 : index
    %get3A_4602 = arith.constant 115 : index
    %get3A_4603 = memref.load %arg1[%get3A_4600, %get3A_4601, %get3A_4602] : memref<1x3x128xi32, #tpu.memory_space<smem>>
    %get3A_4604 = arith.constant 0 : index
    %get3A_4605 = arith.constant 1 : index
    %get3A_4606 = arith.constant 115 : index
    %get3A_4607 = memref.load %arg1[%get3A_4604, %get3A_4605, %get3A_4606] : memref<1x3x128xi32, #tpu.memory_space<smem>>
    %get3A_4608 = arith.constant 0 : index
    %get3A_4609 = arith.constant 2 : index
    %get3A_4610 = arith.constant 115 : index
    %get3A_4611 = memref.load %arg1[%get3A_4608, %get3A_4609, %get3A_4610] : memref<1x3x128xi32, #tpu.memory_space<smem>>
    %get3A_4612 = arith.constant 0 : index
    %get3A_4613 = arith.constant 0 : index
    %get3A_4614 = arith.constant 115 : index
    %get3A_4615 = memref.load %arg2[%get3A_4612, %get3A_4613, %get3A_4614] : memref<1x1x128xf32, #tpu.memory_space<smem>>
    %get3A_4616 = arith.index_cast %get3A_4603 : i32 to index
    %get3A_4617 = arith.constant 0 : index
    %get3A_4618 = vector.load %arg3[%get3A_4616, %get3A_4617] : memref<10240x128xf32, #tpu.memory_space<vmem>>, vector<1x64xf32>
    %get3A_4619 = arith.index_cast %get3A_4607 : i32 to index
    %get3A_4620 = arith.constant 64 : index
    %get3A_4621 = vector.load %arg3[%get3A_4619, %get3A_4620] : memref<10240x128xf32, #tpu.memory_space<vmem>>, vector<1x64xf32>
    %get3A_4622 = arith.index_cast %get3A_4611 : i32 to index
    %get3A_4623 = arith.constant 0 : index
    %get3A_4624 = vector.load %arg4[%get3A_4622, %get3A_4623] : memref<8x128xf32, #tpu.memory_space<vmem>>, vector<1x64xf32>
    %add3A_4625 = arith.addf %get3A_4618, %get3A_4621 : vector<1x64xf32>
    %add3A_4626 = arith.addf %add3A_4625, %get3A_4624 : vector<1x64xf32>
    %mul3A_4627 = vector.broadcast %get3A_4615 : f32 to vector<1x64xf32>
    %mul3A_4628 = arith.mulf %mul3A_4627, %get3A_3 : vector<1x64xf32>
    %add3A_4629 = arith.addf %add3A_4626, %mul3A_4628 : vector<1x64xf32>
    %max3A_4630 = arith.constant 0.000000e+00 : f32
    %max3A_4631 = vector.broadcast %max3A_4630 : f32 to vector<1x64xf32>
    %max3A_4632 = arith.maximumf %add3A_4629, %max3A_4631 : vector<1x64xf32>
    %get3A_4633 = arith.index_cast %get3A_4607 : i32 to index
    %get3A_4634 = arith.constant 0 : index
    %get3A_4635 = vector.load %arg5[%get3A_4633, %get3A_4634] : memref<10240x64xf32, #tpu.memory_space<vmem>>, vector<1x64xf32>
    %add3A_4636 = arith.addf %get3A_4635, %max3A_4632 : vector<1x64xf32>
    %swap3A_4637 = arith.index_cast %get3A_4607 : i32 to index
    %swap3A_4638 = arith.constant 0 : index
    %swap3A_4639 = vector.load %arg5[%swap3A_4637, %swap3A_4638] : memref<10240x64xf32, #tpu.memory_space<vmem>>, vector<1x64xf32>
    tpu.vector_store %arg5[%swap3A_4637, %swap3A_4638], %add3A_4636 {strides = array<i32>} : memref<10240x64xf32, #tpu.memory_space<vmem>>, vector<1x64xf32>,
    %get3A_4640 = arith.constant 0 : index
    %get3A_4641 = arith.constant 0 : index
    %get3A_4642 = arith.constant 116 : index
    %get3A_4643 = memref.load %arg1[%get3A_4640, %get3A_4641, %get3A_4642] : memref<1x3x128xi32, #tpu.memory_space<smem>>
    %get3A_4644 = arith.constant 0 : index
    %get3A_4645 = arith.constant 1 : index
    %get3A_4646 = arith.constant 116 : index
    %get3A_4647 = memref.load %arg1[%get3A_4644, %get3A_4645, %get3A_4646] : memref<1x3x128xi32, #tpu.memory_space<smem>>
    %get3A_4648 = arith.constant 0 : index
    %get3A_4649 = arith.constant 2 : index
    %get3A_4650 = arith.constant 116 : index
    %get3A_4651 = memref.load %arg1[%get3A_4648, %get3A_4649, %get3A_4650] : memref<1x3x128xi32, #tpu.memory_space<smem>>
    %get3A_4652 = arith.constant 0 : index
    %get3A_4653 = arith.constant 0 : index
    %get3A_4654 = arith.constant 116 : index
    %get3A_4655 = memref.load %arg2[%get3A_4652, %get3A_4653, %get3A_4654] : memref<1x1x128xf32, #tpu.memory_space<smem>>
    %get3A_4656 = arith.index_cast %get3A_4643 : i32 to index
    %get3A_4657 = arith.constant 0 : index
    %get3A_4658 = vector.load %arg3[%get3A_4656, %get3A_4657] : memref<10240x128xf32, #tpu.memory_space<vmem>>, vector<1x64xf32>
    %get3A_4659 = arith.index_cast %get3A_4647 : i32 to index
    %get3A_4660 = arith.constant 64 : index
    %get3A_4661 = vector.load %arg3[%get3A_4659, %get3A_4660] : memref<10240x128xf32, #tpu.memory_space<vmem>>, vector<1x64xf32>
    %get3A_4662 = arith.index_cast %get3A_4651 : i32 to index
    %get3A_4663 = arith.constant 0 : index
    %get3A_4664 = vector.load %arg4[%get3A_4662, %get3A_4663] : memref<8x128xf32, #tpu.memory_space<vmem>>, vector<1x64xf32>
    %add3A_4665 = arith.addf %get3A_4658, %get3A_4661 : vector<1x64xf32>
    %add3A_4666 = arith.addf %add3A_4665, %get3A_4664 : vector<1x64xf32>
    %mul3A_4667 = vector.broadcast %get3A_4655 : f32 to vector<1x64xf32>
    %mul3A_4668 = arith.mulf %mul3A_4667, %get3A_3 : vector<1x64xf32>
    %add3A_4669 = arith.addf %add3A_4666, %mul3A_4668 : vector<1x64xf32>
    %max3A_4670 = arith.constant 0.000000e+00 : f32
    %max3A_4671 = vector.broadcast %max3A_4670 : f32 to vector<1x64xf32>
    %max3A_4672 = arith.maximumf %add3A_4669, %max3A_4671 : vector<1x64xf32>
    %get3A_4673 = arith.index_cast %get3A_4647 : i32 to index
    %get3A_4674 = arith.constant 0 : index
    %get3A_4675 = vector.load %arg5[%get3A_4673, %get3A_4674] : memref<10240x64xf32, #tpu.memory_space<vmem>>, vector<1x64xf32>
    %add3A_4676 = arith.addf %get3A_4675, %max3A_4672 : vector<1x64xf32>
    %swap3A_4677 = arith.index_cast %get3A_4647 : i32 to index
    %swap3A_4678 = arith.constant 0 : index
    %swap3A_4679 = vector.load %arg5[%swap3A_4677, %swap3A_4678] : memref<10240x64xf32, #tpu.memory_space<vmem>>, vector<1x64xf32>
    tpu.vector_store %arg5[%swap3A_4677, %swap3A_4678], %add3A_4676 {strides = array<i32>} : memref<10240x64xf32, #tpu.memory_space<vmem>>, vector<1x64xf32>,
    %get3A_4680 = arith.constant 0 : index
    %get3A_4681 = arith.constant 0 : index
    %get3A_4682 = arith.constant 117 : index
    %get3A_4683 = memref.load %arg1[%get3A_4680, %get3A_4681, %get3A_4682] : memref<1x3x128xi32, #tpu.memory_space<smem>>
    %get3A_4684 = arith.constant 0 : index
    %get3A_4685 = arith.constant 1 : index
    %get3A_4686 = arith.constant 117 : index
    %get3A_4687 = memref.load %arg1[%get3A_4684, %get3A_4685, %get3A_4686] : memref<1x3x128xi32, #tpu.memory_space<smem>>
    %get3A_4688 = arith.constant 0 : index
    %get3A_4689 = arith.constant 2 : index
    %get3A_4690 = arith.constant 117 : index
    %get3A_4691 = memref.load %arg1[%get3A_4688, %get3A_4689, %get3A_4690] : memref<1x3x128xi32, #tpu.memory_space<smem>>
    %get3A_4692 = arith.constant 0 : index
    %get3A_4693 = arith.constant 0 : index
    %get3A_4694 = arith.constant 117 : index
    %get3A_4695 = memref.load %arg2[%get3A_4692, %get3A_4693, %get3A_4694] : memref<1x1x128xf32, #tpu.memory_space<smem>>
    %get3A_4696 = arith.index_cast %get3A_4683 : i32 to index
    %get3A_4697 = arith.constant 0 : index
    %get3A_4698 = vector.load %arg3[%get3A_4696, %get3A_4697] : memref<10240x128xf32, #tpu.memory_space<vmem>>, vector<1x64xf32>
    %get3A_4699 = arith.index_cast %get3A_4687 : i32 to index
    %get3A_4700 = arith.constant 64 : index
    %get3A_4701 = vector.load %arg3[%get3A_4699, %get3A_4700] : memref<10240x128xf32, #tpu.memory_space<vmem>>, vector<1x64xf32>
    %get3A_4702 = arith.index_cast %get3A_4691 : i32 to index
    %get3A_4703 = arith.constant 0 : index
    %get3A_4704 = vector.load %arg4[%get3A_4702, %get3A_4703] : memref<8x128xf32, #tpu.memory_space<vmem>>, vector<1x64xf32>
    %add3A_4705 = arith.addf %get3A_4698, %get3A_4701 : vector<1x64xf32>
    %add3A_4706 = arith.addf %add3A_4705, %get3A_4704 : vector<1x64xf32>
    %mul3A_4707 = vector.broadcast %get3A_4695 : f32 to vector<1x64xf32>
    %mul3A_4708 = arith.mulf %mul3A_4707, %get3A_3 : vector<1x64xf32>
    %add3A_4709 = arith.addf %add3A_4706, %mul3A_4708 : vector<1x64xf32>
    %max3A_4710 = arith.constant 0.000000e+00 : f32
    %max3A_4711 = vector.broadcast %max3A_4710 : f32 to vector<1x64xf32>
    %max3A_4712 = arith.maximumf %add3A_4709, %max3A_4711 : vector<1x64xf32>
    %get3A_4713 = arith.index_cast %get3A_4687 : i32 to index
    %get3A_4714 = arith.constant 0 : index
    %get3A_4715 = vector.load %arg5[%get3A_4713, %get3A_4714] : memref<10240x64xf32, #tpu.memory_space<vmem>>, vector<1x64xf32>
    %add3A_4716 = arith.addf %get3A_4715, %max3A_4712 : vector<1x64xf32>
    %swap3A_4717 = arith.index_cast %get3A_4687 : i32 to index
    %swap3A_4718 = arith.constant 0 : index
    %swap3A_4719 = vector.load %arg5[%swap3A_4717, %swap3A_4718] : memref<10240x64xf32, #tpu.memory_space<vmem>>, vector<1x64xf32>
    tpu.vector_store %arg5[%swap3A_4717, %swap3A_4718], %add3A_4716 {strides = array<i32>} : memref<10240x64xf32, #tpu.memory_space<vmem>>, vector<1x64xf32>,
    %get3A_4720 = arith.constant 0 : index
    %get3A_4721 = arith.constant 0 : index
    %get3A_4722 = arith.constant 118 : index
    %get3A_4723 = memref.load %arg1[%get3A_4720, %get3A_4721, %get3A_4722] : memref<1x3x128xi32, #tpu.memory_space<smem>>
    %get3A_4724 = arith.constant 0 : index
    %get3A_4725 = arith.constant 1 : index
    %get3A_4726 = arith.constant 118 : index
    %get3A_4727 = memref.load %arg1[%get3A_4724, %get3A_4725, %get3A_4726] : memref<1x3x128xi32, #tpu.memory_space<smem>>
    %get3A_4728 = arith.constant 0 : index
    %get3A_4729 = arith.constant 2 : index
    %get3A_4730 = arith.constant 118 : index
    %get3A_4731 = memref.load %arg1[%get3A_4728, %get3A_4729, %get3A_4730] : memref<1x3x128xi32, #tpu.memory_space<smem>>
    %get3A_4732 = arith.constant 0 : index
    %get3A_4733 = arith.constant 0 : index
    %get3A_4734 = arith.constant 118 : index
    %get3A_4735 = memref.load %arg2[%get3A_4732, %get3A_4733, %get3A_4734] : memref<1x1x128xf32, #tpu.memory_space<smem>>
    %get3A_4736 = arith.index_cast %get3A_4723 : i32 to index
    %get3A_4737 = arith.constant 0 : index
    %get3A_4738 = vector.load %arg3[%get3A_4736, %get3A_4737] : memref<10240x128xf32, #tpu.memory_space<vmem>>, vector<1x64xf32>
    %get3A_4739 = arith.index_cast %get3A_4727 : i32 to index
    %get3A_4740 = arith.constant 64 : index
    %get3A_4741 = vector.load %arg3[%get3A_4739, %get3A_4740] : memref<10240x128xf32, #tpu.memory_space<vmem>>, vector<1x64xf32>
    %get3A_4742 = arith.index_cast %get3A_4731 : i32 to index
    %get3A_4743 = arith.constant 0 : index
    %get3A_4744 = vector.load %arg4[%get3A_4742, %get3A_4743] : memref<8x128xf32, #tpu.memory_space<vmem>>, vector<1x64xf32>
    %add3A_4745 = arith.addf %get3A_4738, %get3A_4741 : vector<1x64xf32>
    %add3A_4746 = arith.addf %add3A_4745, %get3A_4744 : vector<1x64xf32>
    %mul3A_4747 = vector.broadcast %get3A_4735 : f32 to vector<1x64xf32>
    %mul3A_4748 = arith.mulf %mul3A_4747, %get3A_3 : vector<1x64xf32>
    %add3A_4749 = arith.addf %add3A_4746, %mul3A_4748 : vector<1x64xf32>
    %max3A_4750 = arith.constant 0.000000e+00 : f32
    %max3A_4751 = vector.broadcast %max3A_4750 : f32 to vector<1x64xf32>
    %max3A_4752 = arith.maximumf %add3A_4749, %max3A_4751 : vector<1x64xf32>
    %get3A_4753 = arith.index_cast %get3A_4727 : i32 to index
    %get3A_4754 = arith.constant 0 : index
    %get3A_4755 = vector.load %arg5[%get3A_4753, %get3A_4754] : memref<10240x64xf32, #tpu.memory_space<vmem>>, vector<1x64xf32>
    %add3A_4756 = arith.addf %get3A_4755, %max3A_4752 : vector<1x64xf32>
    %swap3A_4757 = arith.index_cast %get3A_4727 : i32 to index
    %swap3A_4758 = arith.constant 0 : index
    %swap3A_4759 = vector.load %arg5[%swap3A_4757, %swap3A_4758] : memref<10240x64xf32, #tpu.memory_space<vmem>>, vector<1x64xf32>
    tpu.vector_store %arg5[%swap3A_4757, %swap3A_4758], %add3A_4756 {strides = array<i32>} : memref<10240x64xf32, #tpu.memory_space<vmem>>, vector<1x64xf32>,
    %get3A_4760 = arith.constant 0 : index
    %get3A_4761 = arith.constant 0 : index
    %get3A_4762 = arith.constant 119 : index
    %get3A_4763 = memref.load %arg1[%get3A_4760, %get3A_4761, %get3A_4762] : memref<1x3x128xi32, #tpu.memory_space<smem>>
    %get3A_4764 = arith.constant 0 : index
    %get3A_4765 = arith.constant 1 : index
    %get3A_4766 = arith.constant 119 : index
    %get3A_4767 = memref.load %arg1[%get3A_4764, %get3A_4765, %get3A_4766] : memref<1x3x128xi32, #tpu.memory_space<smem>>
    %get3A_4768 = arith.constant 0 : index
    %get3A_4769 = arith.constant 2 : index
    %get3A_4770 = arith.constant 119 : index
    %get3A_4771 = memref.load %arg1[%get3A_4768, %get3A_4769, %get3A_4770] : memref<1x3x128xi32, #tpu.memory_space<smem>>
    %get3A_4772 = arith.constant 0 : index
    %get3A_4773 = arith.constant 0 : index
    %get3A_4774 = arith.constant 119 : index
    %get3A_4775 = memref.load %arg2[%get3A_4772, %get3A_4773, %get3A_4774] : memref<1x1x128xf32, #tpu.memory_space<smem>>
    %get3A_4776 = arith.index_cast %get3A_4763 : i32 to index
    %get3A_4777 = arith.constant 0 : index
    %get3A_4778 = vector.load %arg3[%get3A_4776, %get3A_4777] : memref<10240x128xf32, #tpu.memory_space<vmem>>, vector<1x64xf32>
    %get3A_4779 = arith.index_cast %get3A_4767 : i32 to index
    %get3A_4780 = arith.constant 64 : index
    %get3A_4781 = vector.load %arg3[%get3A_4779, %get3A_4780] : memref<10240x128xf32, #tpu.memory_space<vmem>>, vector<1x64xf32>
    %get3A_4782 = arith.index_cast %get3A_4771 : i32 to index
    %get3A_4783 = arith.constant 0 : index
    %get3A_4784 = vector.load %arg4[%get3A_4782, %get3A_4783] : memref<8x128xf32, #tpu.memory_space<vmem>>, vector<1x64xf32>
    %add3A_4785 = arith.addf %get3A_4778, %get3A_4781 : vector<1x64xf32>
    %add3A_4786 = arith.addf %add3A_4785, %get3A_4784 : vector<1x64xf32>
    %mul3A_4787 = vector.broadcast %get3A_4775 : f32 to vector<1x64xf32>
    %mul3A_4788 = arith.mulf %mul3A_4787, %get3A_3 : vector<1x64xf32>
    %add3A_4789 = arith.addf %add3A_4786, %mul3A_4788 : vector<1x64xf32>
    %max3A_4790 = arith.constant 0.000000e+00 : f32
    %max3A_4791 = vector.broadcast %max3A_4790 : f32 to vector<1x64xf32>
    %max3A_4792 = arith.maximumf %add3A_4789, %max3A_4791 : vector<1x64xf32>
    %get3A_4793 = arith.index_cast %get3A_4767 : i32 to index
    %get3A_4794 = arith.constant 0 : index
    %get3A_4795 = vector.load %arg5[%get3A_4793, %get3A_4794] : memref<10240x64xf32, #tpu.memory_space<vmem>>, vector<1x64xf32>
    %add3A_4796 = arith.addf %get3A_4795, %max3A_4792 : vector<1x64xf32>
    %swap3A_4797 = arith.index_cast %get3A_4767 : i32 to index
    %swap3A_4798 = arith.constant 0 : index
    %swap3A_4799 = vector.load %arg5[%swap3A_4797, %swap3A_4798] : memref<10240x64xf32, #tpu.memory_space<vmem>>, vector<1x64xf32>
    tpu.vector_store %arg5[%swap3A_4797, %swap3A_4798], %add3A_4796 {strides = array<i32>} : memref<10240x64xf32, #tpu.memory_space<vmem>>, vector<1x64xf32>,
    %get3A_4800 = arith.constant 0 : index
    %get3A_4801 = arith.constant 0 : index
    %get3A_4802 = arith.constant 120 : index
    %get3A_4803 = memref.load %arg1[%get3A_4800, %get3A_4801, %get3A_4802] : memref<1x3x128xi32, #tpu.memory_space<smem>>
    %get3A_4804 = arith.constant 0 : index
    %get3A_4805 = arith.constant 1 : index
    %get3A_4806 = arith.constant 120 : index
    %get3A_4807 = memref.load %arg1[%get3A_4804, %get3A_4805, %get3A_4806] : memref<1x3x128xi32, #tpu.memory_space<smem>>
    %get3A_4808 = arith.constant 0 : index
    %get3A_4809 = arith.constant 2 : index
    %get3A_4810 = arith.constant 120 : index
    %get3A_4811 = memref.load %arg1[%get3A_4808, %get3A_4809, %get3A_4810] : memref<1x3x128xi32, #tpu.memory_space<smem>>
    %get3A_4812 = arith.constant 0 : index
    %get3A_4813 = arith.constant 0 : index
    %get3A_4814 = arith.constant 120 : index
    %get3A_4815 = memref.load %arg2[%get3A_4812, %get3A_4813, %get3A_4814] : memref<1x1x128xf32, #tpu.memory_space<smem>>
    %get3A_4816 = arith.index_cast %get3A_4803 : i32 to index
    %get3A_4817 = arith.constant 0 : index
    %get3A_4818 = vector.load %arg3[%get3A_4816, %get3A_4817] : memref<10240x128xf32, #tpu.memory_space<vmem>>, vector<1x64xf32>
    %get3A_4819 = arith.index_cast %get3A_4807 : i32 to index
    %get3A_4820 = arith.constant 64 : index
    %get3A_4821 = vector.load %arg3[%get3A_4819, %get3A_4820] : memref<10240x128xf32, #tpu.memory_space<vmem>>, vector<1x64xf32>
    %get3A_4822 = arith.index_cast %get3A_4811 : i32 to index
    %get3A_4823 = arith.constant 0 : index
    %get3A_4824 = vector.load %arg4[%get3A_4822, %get3A_4823] : memref<8x128xf32, #tpu.memory_space<vmem>>, vector<1x64xf32>
    %add3A_4825 = arith.addf %get3A_4818, %get3A_4821 : vector<1x64xf32>
    %add3A_4826 = arith.addf %add3A_4825, %get3A_4824 : vector<1x64xf32>
    %mul3A_4827 = vector.broadcast %get3A_4815 : f32 to vector<1x64xf32>
    %mul3A_4828 = arith.mulf %mul3A_4827, %get3A_3 : vector<1x64xf32>
    %add3A_4829 = arith.addf %add3A_4826, %mul3A_4828 : vector<1x64xf32>
    %max3A_4830 = arith.constant 0.000000e+00 : f32
    %max3A_4831 = vector.broadcast %max3A_4830 : f32 to vector<1x64xf32>
    %max3A_4832 = arith.maximumf %add3A_4829, %max3A_4831 : vector<1x64xf32>
    %get3A_4833 = arith.index_cast %get3A_4807 : i32 to index
    %get3A_4834 = arith.constant 0 : index
    %get3A_4835 = vector.load %arg5[%get3A_4833, %get3A_4834] : memref<10240x64xf32, #tpu.memory_space<vmem>>, vector<1x64xf32>
    %add3A_4836 = arith.addf %get3A_4835, %max3A_4832 : vector<1x64xf32>
    %swap3A_4837 = arith.index_cast %get3A_4807 : i32 to index
    %swap3A_4838 = arith.constant 0 : index
    %swap3A_4839 = vector.load %arg5[%swap3A_4837, %swap3A_4838] : memref<10240x64xf32, #tpu.memory_space<vmem>>, vector<1x64xf32>
    tpu.vector_store %arg5[%swap3A_4837, %swap3A_4838], %add3A_4836 {strides = array<i32>} : memref<10240x64xf32, #tpu.memory_space<vmem>>, vector<1x64xf32>,
    %get3A_4840 = arith.constant 0 : index
    %get3A_4841 = arith.constant 0 : index
    %get3A_4842 = arith.constant 121 : index
    %get3A_4843 = memref.load %arg1[%get3A_4840, %get3A_4841, %get3A_4842] : memref<1x3x128xi32, #tpu.memory_space<smem>>
    %get3A_4844 = arith.constant 0 : index
    %get3A_4845 = arith.constant 1 : index
    %get3A_4846 = arith.constant 121 : index
    %get3A_4847 = memref.load %arg1[%get3A_4844, %get3A_4845, %get3A_4846] : memref<1x3x128xi32, #tpu.memory_space<smem>>
    %get3A_4848 = arith.constant 0 : index
    %get3A_4849 = arith.constant 2 : index
    %get3A_4850 = arith.constant 121 : index
    %get3A_4851 = memref.load %arg1[%get3A_4848, %get3A_4849, %get3A_4850] : memref<1x3x128xi32, #tpu.memory_space<smem>>
    %get3A_4852 = arith.constant 0 : index
    %get3A_4853 = arith.constant 0 : index
    %get3A_4854 = arith.constant 121 : index
    %get3A_4855 = memref.load %arg2[%get3A_4852, %get3A_4853, %get3A_4854] : memref<1x1x128xf32, #tpu.memory_space<smem>>
    %get3A_4856 = arith.index_cast %get3A_4843 : i32 to index
    %get3A_4857 = arith.constant 0 : index
    %get3A_4858 = vector.load %arg3[%get3A_4856, %get3A_4857] : memref<10240x128xf32, #tpu.memory_space<vmem>>, vector<1x64xf32>
    %get3A_4859 = arith.index_cast %get3A_4847 : i32 to index
    %get3A_4860 = arith.constant 64 : index
    %get3A_4861 = vector.load %arg3[%get3A_4859, %get3A_4860] : memref<10240x128xf32, #tpu.memory_space<vmem>>, vector<1x64xf32>
    %get3A_4862 = arith.index_cast %get3A_4851 : i32 to index
    %get3A_4863 = arith.constant 0 : index
    %get3A_4864 = vector.load %arg4[%get3A_4862, %get3A_4863] : memref<8x128xf32, #tpu.memory_space<vmem>>, vector<1x64xf32>
    %add3A_4865 = arith.addf %get3A_4858, %get3A_4861 : vector<1x64xf32>
    %add3A_4866 = arith.addf %add3A_4865, %get3A_4864 : vector<1x64xf32>
    %mul3A_4867 = vector.broadcast %get3A_4855 : f32 to vector<1x64xf32>
    %mul3A_4868 = arith.mulf %mul3A_4867, %get3A_3 : vector<1x64xf32>
    %add3A_4869 = arith.addf %add3A_4866, %mul3A_4868 : vector<1x64xf32>
    %max3A_4870 = arith.constant 0.000000e+00 : f32
    %max3A_4871 = vector.broadcast %max3A_4870 : f32 to vector<1x64xf32>
    %max3A_4872 = arith.maximumf %add3A_4869, %max3A_4871 : vector<1x64xf32>
    %get3A_4873 = arith.index_cast %get3A_4847 : i32 to index
    %get3A_4874 = arith.constant 0 : index
    %get3A_4875 = vector.load %arg5[%get3A_4873, %get3A_4874] : memref<10240x64xf32, #tpu.memory_space<vmem>>, vector<1x64xf32>
    %add3A_4876 = arith.addf %get3A_4875, %max3A_4872 : vector<1x64xf32>
    %swap3A_4877 = arith.index_cast %get3A_4847 : i32 to index
    %swap3A_4878 = arith.constant 0 : index
    %swap3A_4879 = vector.load %arg5[%swap3A_4877, %swap3A_4878] : memref<10240x64xf32, #tpu.memory_space<vmem>>, vector<1x64xf32>
    tpu.vector_store %arg5[%swap3A_4877, %swap3A_4878], %add3A_4876 {strides = array<i32>} : memref<10240x64xf32, #tpu.memory_space<vmem>>, vector<1x64xf32>,
    %get3A_4880 = arith.constant 0 : index
    %get3A_4881 = arith.constant 0 : index
    %get3A_4882 = arith.constant 122 : index
    %get3A_4883 = memref.load %arg1[%get3A_4880, %get3A_4881, %get3A_4882] : memref<1x3x128xi32, #tpu.memory_space<smem>>
    %get3A_4884 = arith.constant 0 : index
    %get3A_4885 = arith.constant 1 : index
    %get3A_4886 = arith.constant 122 : index
    %get3A_4887 = memref.load %arg1[%get3A_4884, %get3A_4885, %get3A_4886] : memref<1x3x128xi32, #tpu.memory_space<smem>>
    %get3A_4888 = arith.constant 0 : index
    %get3A_4889 = arith.constant 2 : index
    %get3A_4890 = arith.constant 122 : index
    %get3A_4891 = memref.load %arg1[%get3A_4888, %get3A_4889, %get3A_4890] : memref<1x3x128xi32, #tpu.memory_space<smem>>
    %get3A_4892 = arith.constant 0 : index
    %get3A_4893 = arith.constant 0 : index
    %get3A_4894 = arith.constant 122 : index
    %get3A_4895 = memref.load %arg2[%get3A_4892, %get3A_4893, %get3A_4894] : memref<1x1x128xf32, #tpu.memory_space<smem>>
    %get3A_4896 = arith.index_cast %get3A_4883 : i32 to index
    %get3A_4897 = arith.constant 0 : index
    %get3A_4898 = vector.load %arg3[%get3A_4896, %get3A_4897] : memref<10240x128xf32, #tpu.memory_space<vmem>>, vector<1x64xf32>
    %get3A_4899 = arith.index_cast %get3A_4887 : i32 to index
    %get3A_4900 = arith.constant 64 : index
    %get3A_4901 = vector.load %arg3[%get3A_4899, %get3A_4900] : memref<10240x128xf32, #tpu.memory_space<vmem>>, vector<1x64xf32>
    %get3A_4902 = arith.index_cast %get3A_4891 : i32 to index
    %get3A_4903 = arith.constant 0 : index
    %get3A_4904 = vector.load %arg4[%get3A_4902, %get3A_4903] : memref<8x128xf32, #tpu.memory_space<vmem>>, vector<1x64xf32>
    %add3A_4905 = arith.addf %get3A_4898, %get3A_4901 : vector<1x64xf32>
    %add3A_4906 = arith.addf %add3A_4905, %get3A_4904 : vector<1x64xf32>
    %mul3A_4907 = vector.broadcast %get3A_4895 : f32 to vector<1x64xf32>
    %mul3A_4908 = arith.mulf %mul3A_4907, %get3A_3 : vector<1x64xf32>
    %add3A_4909 = arith.addf %add3A_4906, %mul3A_4908 : vector<1x64xf32>
    %max3A_4910 = arith.constant 0.000000e+00 : f32
    %max3A_4911 = vector.broadcast %max3A_4910 : f32 to vector<1x64xf32>
    %max3A_4912 = arith.maximumf %add3A_4909, %max3A_4911 : vector<1x64xf32>
    %get3A_4913 = arith.index_cast %get3A_4887 : i32 to index
    %get3A_4914 = arith.constant 0 : index
    %get3A_4915 = vector.load %arg5[%get3A_4913, %get3A_4914] : memref<10240x64xf32, #tpu.memory_space<vmem>>, vector<1x64xf32>
    %add3A_4916 = arith.addf %get3A_4915, %max3A_4912 : vector<1x64xf32>
    %swap3A_4917 = arith.index_cast %get3A_4887 : i32 to index
    %swap3A_4918 = arith.constant 0 : index
    %swap3A_4919 = vector.load %arg5[%swap3A_4917, %swap3A_4918] : memref<10240x64xf32, #tpu.memory_space<vmem>>, vector<1x64xf32>
    tpu.vector_store %arg5[%swap3A_4917, %swap3A_4918], %add3A_4916 {strides = array<i32>} : memref<10240x64xf32, #tpu.memory_space<vmem>>, vector<1x64xf32>,
    %get3A_4920 = arith.constant 0 : index
    %get3A_4921 = arith.constant 0 : index
    %get3A_4922 = arith.constant 123 : index
    %get3A_4923 = memref.load %arg1[%get3A_4920, %get3A_4921, %get3A_4922] : memref<1x3x128xi32, #tpu.memory_space<smem>>
    %get3A_4924 = arith.constant 0 : index
    %get3A_4925 = arith.constant 1 : index
    %get3A_4926 = arith.constant 123 : index
    %get3A_4927 = memref.load %arg1[%get3A_4924, %get3A_4925, %get3A_4926] : memref<1x3x128xi32, #tpu.memory_space<smem>>
    %get3A_4928 = arith.constant 0 : index
    %get3A_4929 = arith.constant 2 : index
    %get3A_4930 = arith.constant 123 : index
    %get3A_4931 = memref.load %arg1[%get3A_4928, %get3A_4929, %get3A_4930] : memref<1x3x128xi32, #tpu.memory_space<smem>>
    %get3A_4932 = arith.constant 0 : index
    %get3A_4933 = arith.constant 0 : index
    %get3A_4934 = arith.constant 123 : index
    %get3A_4935 = memref.load %arg2[%get3A_4932, %get3A_4933, %get3A_4934] : memref<1x1x128xf32, #tpu.memory_space<smem>>
    %get3A_4936 = arith.index_cast %get3A_4923 : i32 to index
    %get3A_4937 = arith.constant 0 : index
    %get3A_4938 = vector.load %arg3[%get3A_4936, %get3A_4937] : memref<10240x128xf32, #tpu.memory_space<vmem>>, vector<1x64xf32>
    %get3A_4939 = arith.index_cast %get3A_4927 : i32 to index
    %get3A_4940 = arith.constant 64 : index
    %get3A_4941 = vector.load %arg3[%get3A_4939, %get3A_4940] : memref<10240x128xf32, #tpu.memory_space<vmem>>, vector<1x64xf32>
    %get3A_4942 = arith.index_cast %get3A_4931 : i32 to index
    %get3A_4943 = arith.constant 0 : index
    %get3A_4944 = vector.load %arg4[%get3A_4942, %get3A_4943] : memref<8x128xf32, #tpu.memory_space<vmem>>, vector<1x64xf32>
    %add3A_4945 = arith.addf %get3A_4938, %get3A_4941 : vector<1x64xf32>
    %add3A_4946 = arith.addf %add3A_4945, %get3A_4944 : vector<1x64xf32>
    %mul3A_4947 = vector.broadcast %get3A_4935 : f32 to vector<1x64xf32>
    %mul3A_4948 = arith.mulf %mul3A_4947, %get3A_3 : vector<1x64xf32>
    %add3A_4949 = arith.addf %add3A_4946, %mul3A_4948 : vector<1x64xf32>
    %max3A_4950 = arith.constant 0.000000e+00 : f32
    %max3A_4951 = vector.broadcast %max3A_4950 : f32 to vector<1x64xf32>
    %max3A_4952 = arith.maximumf %add3A_4949, %max3A_4951 : vector<1x64xf32>
    %get3A_4953 = arith.index_cast %get3A_4927 : i32 to index
    %get3A_4954 = arith.constant 0 : index
    %get3A_4955 = vector.load %arg5[%get3A_4953, %get3A_4954] : memref<10240x64xf32, #tpu.memory_space<vmem>>, vector<1x64xf32>
    %add3A_4956 = arith.addf %get3A_4955, %max3A_4952 : vector<1x64xf32>
    %swap3A_4957 = arith.index_cast %get3A_4927 : i32 to index
    %swap3A_4958 = arith.constant 0 : index
    %swap3A_4959 = vector.load %arg5[%swap3A_4957, %swap3A_4958] : memref<10240x64xf32, #tpu.memory_space<vmem>>, vector<1x64xf32>
    tpu.vector_store %arg5[%swap3A_4957, %swap3A_4958], %add3A_4956 {strides = array<i32>} : memref<10240x64xf32, #tpu.memory_space<vmem>>, vector<1x64xf32>,
    %get3A_4960 = arith.constant 0 : index
    %get3A_4961 = arith.constant 0 : index
    %get3A_4962 = arith.constant 124 : index
    %get3A_4963 = memref.load %arg1[%get3A_4960, %get3A_4961, %get3A_4962] : memref<1x3x128xi32, #tpu.memory_space<smem>>
    %get3A_4964 = arith.constant 0 : index
    %get3A_4965 = arith.constant 1 : index
    %get3A_4966 = arith.constant 124 : index
    %get3A_4967 = memref.load %arg1[%get3A_4964, %get3A_4965, %get3A_4966] : memref<1x3x128xi32, #tpu.memory_space<smem>>
    %get3A_4968 = arith.constant 0 : index
    %get3A_4969 = arith.constant 2 : index
    %get3A_4970 = arith.constant 124 : index
    %get3A_4971 = memref.load %arg1[%get3A_4968, %get3A_4969, %get3A_4970] : memref<1x3x128xi32, #tpu.memory_space<smem>>
    %get3A_4972 = arith.constant 0 : index
    %get3A_4973 = arith.constant 0 : index
    %get3A_4974 = arith.constant 124 : index
    %get3A_4975 = memref.load %arg2[%get3A_4972, %get3A_4973, %get3A_4974] : memref<1x1x128xf32, #tpu.memory_space<smem>>
    %get3A_4976 = arith.index_cast %get3A_4963 : i32 to index
    %get3A_4977 = arith.constant 0 : index
    %get3A_4978 = vector.load %arg3[%get3A_4976, %get3A_4977] : memref<10240x128xf32, #tpu.memory_space<vmem>>, vector<1x64xf32>
    %get3A_4979 = arith.index_cast %get3A_4967 : i32 to index
    %get3A_4980 = arith.constant 64 : index
    %get3A_4981 = vector.load %arg3[%get3A_4979, %get3A_4980] : memref<10240x128xf32, #tpu.memory_space<vmem>>, vector<1x64xf32>
    %get3A_4982 = arith.index_cast %get3A_4971 : i32 to index
    %get3A_4983 = arith.constant 0 : index
    %get3A_4984 = vector.load %arg4[%get3A_4982, %get3A_4983] : memref<8x128xf32, #tpu.memory_space<vmem>>, vector<1x64xf32>
    %add3A_4985 = arith.addf %get3A_4978, %get3A_4981 : vector<1x64xf32>
    %add3A_4986 = arith.addf %add3A_4985, %get3A_4984 : vector<1x64xf32>
    %mul3A_4987 = vector.broadcast %get3A_4975 : f32 to vector<1x64xf32>
    %mul3A_4988 = arith.mulf %mul3A_4987, %get3A_3 : vector<1x64xf32>
    %add3A_4989 = arith.addf %add3A_4986, %mul3A_4988 : vector<1x64xf32>
    %max3A_4990 = arith.constant 0.000000e+00 : f32
    %max3A_4991 = vector.broadcast %max3A_4990 : f32 to vector<1x64xf32>
    %max3A_4992 = arith.maximumf %add3A_4989, %max3A_4991 : vector<1x64xf32>
    %get3A_4993 = arith.index_cast %get3A_4967 : i32 to index
    %get3A_4994 = arith.constant 0 : index
    %get3A_4995 = vector.load %arg5[%get3A_4993, %get3A_4994] : memref<10240x64xf32, #tpu.memory_space<vmem>>, vector<1x64xf32>
    %add3A_4996 = arith.addf %get3A_4995, %max3A_4992 : vector<1x64xf32>
    %swap3A_4997 = arith.index_cast %get3A_4967 : i32 to index
    %swap3A_4998 = arith.constant 0 : index
    %swap3A_4999 = vector.load %arg5[%swap3A_4997, %swap3A_4998] : memref<10240x64xf32, #tpu.memory_space<vmem>>, vector<1x64xf32>
    tpu.vector_store %arg5[%swap3A_4997, %swap3A_4998], %add3A_4996 {strides = array<i32>} : memref<10240x64xf32, #tpu.memory_space<vmem>>, vector<1x64xf32>,
    %get3A_5000 = arith.constant 0 : index
    %get3A_5001 = arith.constant 0 : index
    %get3A_5002 = arith.constant 125 : index
    %get3A_5003 = memref.load %arg1[%get3A_5000, %get3A_5001, %get3A_5002] : memref<1x3x128xi32, #tpu.memory_space<smem>>
    %get3A_5004 = arith.constant 0 : index
    %get3A_5005 = arith.constant 1 : index
    %get3A_5006 = arith.constant 125 : index
    %get3A_5007 = memref.load %arg1[%get3A_5004, %get3A_5005, %get3A_5006] : memref<1x3x128xi32, #tpu.memory_space<smem>>
    %get3A_5008 = arith.constant 0 : index
    %get3A_5009 = arith.constant 2 : index
    %get3A_5010 = arith.constant 125 : index
    %get3A_5011 = memref.load %arg1[%get3A_5008, %get3A_5009, %get3A_5010] : memref<1x3x128xi32, #tpu.memory_space<smem>>
    %get3A_5012 = arith.constant 0 : index
    %get3A_5013 = arith.constant 0 : index
    %get3A_5014 = arith.constant 125 : index
    %get3A_5015 = memref.load %arg2[%get3A_5012, %get3A_5013, %get3A_5014] : memref<1x1x128xf32, #tpu.memory_space<smem>>
    %get3A_5016 = arith.index_cast %get3A_5003 : i32 to index
    %get3A_5017 = arith.constant 0 : index
    %get3A_5018 = vector.load %arg3[%get3A_5016, %get3A_5017] : memref<10240x128xf32, #tpu.memory_space<vmem>>, vector<1x64xf32>
    %get3A_5019 = arith.index_cast %get3A_5007 : i32 to index
    %get3A_5020 = arith.constant 64 : index
    %get3A_5021 = vector.load %arg3[%get3A_5019, %get3A_5020] : memref<10240x128xf32, #tpu.memory_space<vmem>>, vector<1x64xf32>
    %get3A_5022 = arith.index_cast %get3A_5011 : i32 to index
    %get3A_5023 = arith.constant 0 : index
    %get3A_5024 = vector.load %arg4[%get3A_5022, %get3A_5023] : memref<8x128xf32, #tpu.memory_space<vmem>>, vector<1x64xf32>
    %add3A_5025 = arith.addf %get3A_5018, %get3A_5021 : vector<1x64xf32>
    %add3A_5026 = arith.addf %add3A_5025, %get3A_5024 : vector<1x64xf32>
    %mul3A_5027 = vector.broadcast %get3A_5015 : f32 to vector<1x64xf32>
    %mul3A_5028 = arith.mulf %mul3A_5027, %get3A_3 : vector<1x64xf32>
    %add3A_5029 = arith.addf %add3A_5026, %mul3A_5028 : vector<1x64xf32>
    %max3A_5030 = arith.constant 0.000000e+00 : f32
    %max3A_5031 = vector.broadcast %max3A_5030 : f32 to vector<1x64xf32>
    %max3A_5032 = arith.maximumf %add3A_5029, %max3A_5031 : vector<1x64xf32>
    %get3A_5033 = arith.index_cast %get3A_5007 : i32 to index
    %get3A_5034 = arith.constant 0 : index
    %get3A_5035 = vector.load %arg5[%get3A_5033, %get3A_5034] : memref<10240x64xf32, #tpu.memory_space<vmem>>, vector<1x64xf32>
    %add3A_5036 = arith.addf %get3A_5035, %max3A_5032 : vector<1x64xf32>
    %swap3A_5037 = arith.index_cast %get3A_5007 : i32 to index
    %swap3A_5038 = arith.constant 0 : index
    %swap3A_5039 = vector.load %arg5[%swap3A_5037, %swap3A_5038] : memref<10240x64xf32, #tpu.memory_space<vmem>>, vector<1x64xf32>
    tpu.vector_store %arg5[%swap3A_5037, %swap3A_5038], %add3A_5036 {strides = array<i32>} : memref<10240x64xf32, #tpu.memory_space<vmem>>, vector<1x64xf32>,
    %get3A_5040 = arith.constant 0 : index
    %get3A_5041 = arith.constant 0 : index
    %get3A_5042 = arith.constant 126 : index
    %get3A_5043 = memref.load %arg1[%get3A_5040, %get3A_5041, %get3A_5042] : memref<1x3x128xi32, #tpu.memory_space<smem>>
    %get3A_5044 = arith.constant 0 : index
    %get3A_5045 = arith.constant 1 : index
    %get3A_5046 = arith.constant 126 : index
    %get3A_5047 = memref.load %arg1[%get3A_5044, %get3A_5045, %get3A_5046] : memref<1x3x128xi32, #tpu.memory_space<smem>>
    %get3A_5048 = arith.constant 0 : index
    %get3A_5049 = arith.constant 2 : index
    %get3A_5050 = arith.constant 126 : index
    %get3A_5051 = memref.load %arg1[%get3A_5048, %get3A_5049, %get3A_5050] : memref<1x3x128xi32, #tpu.memory_space<smem>>
    %get3A_5052 = arith.constant 0 : index
    %get3A_5053 = arith.constant 0 : index
    %get3A_5054 = arith.constant 126 : index
    %get3A_5055 = memref.load %arg2[%get3A_5052, %get3A_5053, %get3A_5054] : memref<1x1x128xf32, #tpu.memory_space<smem>>
    %get3A_5056 = arith.index_cast %get3A_5043 : i32 to index
    %get3A_5057 = arith.constant 0 : index
    %get3A_5058 = vector.load %arg3[%get3A_5056, %get3A_5057] : memref<10240x128xf32, #tpu.memory_space<vmem>>, vector<1x64xf32>
    %get3A_5059 = arith.index_cast %get3A_5047 : i32 to index
    %get3A_5060 = arith.constant 64 : index
    %get3A_5061 = vector.load %arg3[%get3A_5059, %get3A_5060] : memref<10240x128xf32, #tpu.memory_space<vmem>>, vector<1x64xf32>
    %get3A_5062 = arith.index_cast %get3A_5051 : i32 to index
    %get3A_5063 = arith.constant 0 : index
    %get3A_5064 = vector.load %arg4[%get3A_5062, %get3A_5063] : memref<8x128xf32, #tpu.memory_space<vmem>>, vector<1x64xf32>
    %add3A_5065 = arith.addf %get3A_5058, %get3A_5061 : vector<1x64xf32>
    %add3A_5066 = arith.addf %add3A_5065, %get3A_5064 : vector<1x64xf32>
    %mul3A_5067 = vector.broadcast %get3A_5055 : f32 to vector<1x64xf32>
    %mul3A_5068 = arith.mulf %mul3A_5067, %get3A_3 : vector<1x64xf32>
    %add3A_5069 = arith.addf %add3A_5066, %mul3A_5068 : vector<1x64xf32>
    %max3A_5070 = arith.constant 0.000000e+00 : f32
    %max3A_5071 = vector.broadcast %max3A_5070 : f32 to vector<1x64xf32>
    %max3A_5072 = arith.maximumf %add3A_5069, %max3A_5071 : vector<1x64xf32>
    %get3A_5073 = arith.index_cast %get3A_5047 : i32 to index
    %get3A_5074 = arith.constant 0 : index
    %get3A_5075 = vector.load %arg5[%get3A_5073, %get3A_5074] : memref<10240x64xf32, #tpu.memory_space<vmem>>, vector<1x64xf32>
    %add3A_5076 = arith.addf %get3A_5075, %max3A_5072 : vector<1x64xf32>
    %swap3A_5077 = arith.index_cast %get3A_5047 : i32 to index
    %swap3A_5078 = arith.constant 0 : index
    %swap3A_5079 = vector.load %arg5[%swap3A_5077, %swap3A_5078] : memref<10240x64xf32, #tpu.memory_space<vmem>>, vector<1x64xf32>
    tpu.vector_store %arg5[%swap3A_5077, %swap3A_5078], %add3A_5076 {strides = array<i32>} : memref<10240x64xf32, #tpu.memory_space<vmem>>, vector<1x64xf32>,
    %get3A_5080 = arith.constant 0 : index
    %get3A_5081 = arith.constant 0 : index
    %get3A_5082 = arith.constant 127 : index
    %get3A_5083 = memref.load %arg1[%get3A_5080, %get3A_5081, %get3A_5082] : memref<1x3x128xi32, #tpu.memory_space<smem>>
    %get3A_5084 = arith.constant 0 : index
    %get3A_5085 = arith.constant 1 : index
    %get3A_5086 = arith.constant 127 : index
    %get3A_5087 = memref.load %arg1[%get3A_5084, %get3A_5085, %get3A_5086] : memref<1x3x128xi32, #tpu.memory_space<smem>>
    %get3A_5088 = arith.constant 0 : index
    %get3A_5089 = arith.constant 2 : index
    %get3A_5090 = arith.constant 127 : index
    %get3A_5091 = memref.load %arg1[%get3A_5088, %get3A_5089, %get3A_5090] : memref<1x3x128xi32, #tpu.memory_space<smem>>
    %get3A_5092 = arith.constant 0 : index
    %get3A_5093 = arith.constant 0 : index
    %get3A_5094 = arith.constant 127 : index
    %get3A_5095 = memref.load %arg2[%get3A_5092, %get3A_5093, %get3A_5094] : memref<1x1x128xf32, #tpu.memory_space<smem>>
    %get3A_5096 = arith.index_cast %get3A_5083 : i32 to index
    %get3A_5097 = arith.constant 0 : index
    %get3A_5098 = vector.load %arg3[%get3A_5096, %get3A_5097] : memref<10240x128xf32, #tpu.memory_space<vmem>>, vector<1x64xf32>
    %get3A_5099 = arith.index_cast %get3A_5087 : i32 to index
    %get3A_5100 = arith.constant 64 : index
    %get3A_5101 = vector.load %arg3[%get3A_5099, %get3A_5100] : memref<10240x128xf32, #tpu.memory_space<vmem>>, vector<1x64xf32>
    %get3A_5102 = arith.index_cast %get3A_5091 : i32 to index
    %get3A_5103 = arith.constant 0 : index
    %get3A_5104 = vector.load %arg4[%get3A_5102, %get3A_5103] : memref<8x128xf32, #tpu.memory_space<vmem>>, vector<1x64xf32>
    %add3A_5105 = arith.addf %get3A_5098, %get3A_5101 : vector<1x64xf32>
    %add3A_5106 = arith.addf %add3A_5105, %get3A_5104 : vector<1x64xf32>
    %mul3A_5107 = vector.broadcast %get3A_5095 : f32 to vector<1x64xf32>
    %mul3A_5108 = arith.mulf %mul3A_5107, %get3A_3 : vector<1x64xf32>
    %add3A_5109 = arith.addf %add3A_5106, %mul3A_5108 : vector<1x64xf32>
    %max3A_5110 = arith.constant 0.000000e+00 : f32
    %max3A_5111 = vector.broadcast %max3A_5110 : f32 to vector<1x64xf32>
    %max3A_5112 = arith.maximumf %add3A_5109, %max3A_5111 : vector<1x64xf32>
    %get3A_5113 = arith.index_cast %get3A_5087 : i32 to index
    %get3A_5114 = arith.constant 0 : index
    %get3A_5115 = vector.load %arg5[%get3A_5113, %get3A_5114] : memref<10240x64xf32, #tpu.memory_space<vmem>>, vector<1x64xf32>
    %add3A_5116 = arith.addf %get3A_5115, %max3A_5112 : vector<1x64xf32>
    %swap3A_5117 = arith.index_cast %get3A_5087 : i32 to index
    %swap3A_5118 = arith.constant 0 : index
    %swap3A_5119 = vector.load %arg5[%swap3A_5117, %swap3A_5118] : memref<10240x64xf32, #tpu.memory_space<vmem>>, vector<1x64xf32>
    tpu.vector_store %arg5[%swap3A_5117, %swap3A_5118], %add3A_5116 {strides = array<i32>} : memref<10240x64xf32, #tpu.memory_space<vmem>>, vector<1x64xf32>,
    return
  }
  func.func @transform_0(%arg0: i32) -> (i32, i32, i32) {
    %c0_i32 = arith.constant 0 : i32
    %c0_i32_0 = arith.constant 0 : i32
    %c0_i32_1 = arith.constant 0 : i32
    return %arg0, %c0_i32, %c0_i32_0 : i32, i32, i32
  }
  func.func @transform_1(%arg0: i32) -> (i32, i32, i32) {
    %c0_i32 = arith.constant 0 : i32
    %c0_i32_0 = arith.constant 0 : i32
    %c0_i32_1 = arith.constant 0 : i32
    return %arg0, %c0_i32, %c0_i32_0 : i32, i32, i32
  }
  func.func @transform_2(%arg0: i32) -> (i32, i32) {
    %c0_i32 = arith.constant 0 : i32
    %c0_i32_0 = arith.constant 0 : i32
    %c0_i32_1 = arith.constant 0 : i32
    return %c0_i32, %c0_i32_0 : i32, i32
  }
  func.func @transform_3(%arg0: i32) -> (i32, i32) {
    %c0_i32 = arith.constant 0 : i32
    %c0_i32_0 = arith.constant 0 : i32
    %c0_i32_1 = arith.constant 0 : i32
    return %c0_i32, %c0_i32_0 : i32, i32
  }
  func.func @transform_4(%arg0: i32) -> (i32, i32) {
    %c0_i32 = arith.constant 0 : i32
    %c0_i32_0 = arith.constant 0 : i32
    %c0_i32_1 = arith.constant 0 : i32
    return %c0_i32, %c0_i32_0 : i32, i32
  }
}

module attributes {stable_mosaic.version = 14 : i64} {
  func.func @_k3_body(%arg0: i32, %arg1: memref<512x128xf32, #tpu.memory_space<vmem>>, %arg2: memref<512x64xf32, #tpu.memory_space<vmem>>, %arg3: memref<512x64xf32, #tpu.memory_space<vmem>>, %arg4: memref<64x64xf32, #tpu.memory_space<vmem>>, %arg5: memref<1x64xf32, #tpu.memory_space<vmem>>, %arg6: memref<1x64xf32, #tpu.memory_space<vmem>>, %arg7: memref<512x128xf32, #tpu.memory_space<vmem>>, %arg8: memref<8x64xf32, #tpu.memory_space<vmem>>) attributes {dimension_semantics = [#tpu.dimension_semantics<arbitrary>], iteration_bounds = array<i64: 20>, scalar_prefetch = 0 : i64, scratch_operands = 0 : i64, tpu.core_type = #tpu.core_type<tc>, window_params = [{transform_indices = @transform_0, window_bounds = array<i64: 512, 128>}, {transform_indices = @transform_1, window_bounds = array<i64: 512, 64>}, {transform_indices = @transform_2, window_bounds = array<i64: 512, 64>}, {pipeline_mode = #tpu.pipeline_mode<synchronous>, transform_indices = @transform_3, window_bounds = array<i64: 64, 64>}, {pipeline_mode = #tpu.pipeline_mode<synchronous>, transform_indices = @transform_4, window_bounds = array<i64: 1, 64>}, {pipeline_mode = #tpu.pipeline_mode<synchronous>, transform_indices = @transform_5, window_bounds = array<i64: 1, 64>}, {transform_indices = @transform_6, window_bounds = array<i64: 512, 128>}, {pipeline_mode = #tpu.pipeline_mode<synchronous>, transform_indices = @transform_7, window_bounds = array<i64: 8, 64>}]} {
    %get3A = arith.constant 0 : index
    %get3A_0 = arith.constant 0 : index
    %get3A_1 = vector.load %arg2[%get3A, %get3A_0] : memref<512x64xf32, #tpu.memory_space<vmem>>, vector<512x64xf32>
    %get3A_2 = arith.constant 0 : index
    %get3A_3 = arith.constant 0 : index
    %get3A_4 = vector.load %arg3[%get3A_2, %get3A_3] : memref<512x64xf32, #tpu.memory_space<vmem>>, vector<512x64xf32>
    %add3A = arith.addf %get3A_1, %get3A_4 : vector<512x64xf32>
    %get3A_5 = arith.constant 0 : index
    %get3A_6 = arith.constant 0 : index
    %get3A_7 = vector.load %arg4[%get3A_5, %get3A_6] : memref<64x64xf32, #tpu.memory_space<vmem>>, vector<64x64xf32>
    %dot_general3A = arith.constant dense<0.000000e+00> : vector<512x64xf32>
    %dot_general3A_8 = tpu.matmul %add3A, %get3A_7, %dot_general3A {dimension_numbers = #tpu.dot_dimension_numbers<[1], [0], [0], [1], [0, 0, 1, 1], [], []>, transpose_lhs_hint = false} : vector<512x64xf32>, vector<64x64xf32>, vector<512x64xf32> -> vector<512x64xf32>
    %get3A_9 = arith.constant 0 : index
    %get3A_10 = arith.constant 0 : index
    %get3A_11 = vector.load %arg1[%get3A_9, %get3A_10] : memref<512x128xf32, #tpu.memory_space<vmem>>, vector<512x64xf32>
    %add3A_12 = arith.addf %get3A_11, %dot_general3A_8 : vector<512x64xf32>
    %reduce_sum3A = arith.constant dense<0.000000e+00> : vector<512xf32>
    %reduce_sum3A_13 = vector.multi_reduction <add>, %add3A_12, %reduce_sum3A [1] : vector<512x64xf32> to vector<512xf32>
    %broadcast_in_dim3A = vector.shape_cast %reduce_sum3A_13 : vector<512xf32> to vector<512x1xf32>
    %div3A = arith.constant 6.400000e+01 : f32
    %div3A_14 = vector.broadcast %div3A : f32 to vector<512x1xf32>
    %div3A_15 = arith.divf %broadcast_in_dim3A, %div3A_14 : vector<512x1xf32>
    %sub3A = vector.broadcast %div3A_15 : vector<512x1xf32> to vector<512x64xf32>
    %sub3A_16 = arith.subf %add3A_12, %sub3A : vector<512x64xf32>
    %integer_pow3A = arith.mulf %sub3A_16, %sub3A_16 : vector<512x64xf32>
    %reduce_sum3A_17 = arith.constant dense<0.000000e+00> : vector<512xf32>
    %reduce_sum3A_18 = vector.multi_reduction <add>, %integer_pow3A, %reduce_sum3A_17 [1] : vector<512x64xf32> to vector<512xf32>
    %broadcast_in_dim3A_19 = vector.shape_cast %reduce_sum3A_18 : vector<512xf32> to vector<512x1xf32>
    %div3A_20 = arith.constant 6.400000e+01 : f32
    %div3A_21 = vector.broadcast %div3A_20 : f32 to vector<512x1xf32>
    %div3A_22 = arith.divf %broadcast_in_dim3A_19, %div3A_21 : vector<512x1xf32>
    %sub3A_23 = vector.broadcast %div3A_15 : vector<512x1xf32> to vector<512x64xf32>
    %sub3A_24 = arith.subf %add3A_12, %sub3A_23 : vector<512x64xf32>
    %add3A_25 = arith.constant 9.99999974E-6 : f32
    %add3A_26 = vector.broadcast %add3A_25 : f32 to vector<512x1xf32>
    %add3A_27 = arith.addf %div3A_22, %add3A_26 : vector<512x1xf32>
    %rsqrt3A = math.rsqrt %add3A_27 : vector<512x1xf32>
    %mul3A = vector.broadcast %rsqrt3A : vector<512x1xf32> to vector<512x64xf32>
    %mul3A_28 = arith.mulf %sub3A_24, %mul3A : vector<512x64xf32>
    %get3A_29 = arith.constant 0 : index
    %get3A_30 = arith.constant 0 : index
    %get3A_31 = vector.load %arg5[%get3A_29, %get3A_30] : memref<1x64xf32, #tpu.memory_space<vmem>>, vector<1x64xf32>
    %mul3A_32 = vector.broadcast %get3A_31 : vector<1x64xf32> to vector<512x64xf32>
    %mul3A_33 = arith.mulf %mul3A_28, %mul3A_32 : vector<512x64xf32>
    %get3A_34 = arith.constant 0 : index
    %get3A_35 = arith.constant 0 : index
    %get3A_36 = vector.load %arg6[%get3A_34, %get3A_35] : memref<1x64xf32, #tpu.memory_space<vmem>>, vector<1x64xf32>
    %add3A_37 = vector.broadcast %get3A_36 : vector<1x64xf32> to vector<512x64xf32>
    %add3A_38 = arith.addf %mul3A_33, %add3A_37 : vector<512x64xf32>
    %broadcast_in_dim3A_39 = arith.constant 0.000000e+00 : f32
    %broadcast_in_dim3A_40 = vector.broadcast %broadcast_in_dim3A_39 : f32 to vector<512x64xf32>
    %concatenate3A = tpu.concatenate %add3A_38, %broadcast_in_dim3A_40 in 1 : vector<512x64xf32>, vector<512x64xf32> -> vector<512x128xf32>
    %swap3A = arith.constant 0 : index
    %swap3A_41 = arith.constant 0 : index
    %swap3A_42 = vector.load %arg7[%swap3A, %swap3A_41] : memref<512x128xf32, #tpu.memory_space<vmem>>, vector<512x128xf32>
    tpu.vector_store %arg7[%swap3A, %swap3A_41], %concatenate3A {strides = array<i32>} : memref<512x128xf32, #tpu.memory_space<vmem>>, vector<512x128xf32>,
    %mul3A_43 = arith.constant 512 : i32
    %mul3A_44 = arith.muli %arg0, %mul3A_43 : i32
    %iota3A = tpu.iota {dimensions = array<i32: 0>} : vector<512x1xi32>
    %add3A_45 = vector.broadcast %mul3A_44 : i32 to vector<512x1xi32>
    %add3A_46 = arith.addi %add3A_45, %iota3A : vector<512x1xi32>
    %lt3A = arith.constant 10000 : i32
    %lt3A_47 = vector.broadcast %lt3A : i32 to vector<512x1xi32>
    %lt3A_48 = arith.cmpi slt, %add3A_46, %lt3A_47 : vector<512x1xi32>
    %jit3A = arith.constant 0.000000e+00 : f32
    %broadcast_in_dim3A_49 = vector.shape_cast %lt3A_48 : vector<512x1xi1> to vector<512x1xi1>
    %broadcast_in_dim3A_50 = vector.broadcast %broadcast_in_dim3A_49 : vector<512x1xi1> to vector<512x64xi1>
    %broadcast_in_dim3A_51 = vector.broadcast %jit3A : f32 to vector<512x64xf32>
    %select_n3A = arith.select %broadcast_in_dim3A_50, %add3A_38, %broadcast_in_dim3A_51 : vector<512x64xi1>, vector<512x64xf32>
    %reduce_sum3A_52 = arith.constant dense<0.000000e+00> : vector<64xf32>
    %reduce_sum3A_53 = vector.multi_reduction <add>, %select_n3A, %reduce_sum3A_52 [0] : vector<512x64xf32> to vector<64xf32>
    %broadcast_in_dim3A_54 = vector.shape_cast %reduce_sum3A_53 : vector<64xf32> to vector<1x64xf32>
    %eq3A = arith.constant 0 : i32
    %eq3A_55 = arith.cmpi eq, %arg0, %eq3A : i32
    %convert_element_type3A = arith.extui %eq3A_55 : i1 to i32
    %cond3A = arith.constant 0 : i32
    %cond3A_56 = arith.cmpi ne, %convert_element_type3A, %cond3A : i32
    scf.if %cond3A_56 {
      %broadcast_in_dim3A_66 = arith.constant 0.000000e+00 : f32
      %broadcast_in_dim3A_67 = vector.broadcast %broadcast_in_dim3A_66 : f32 to vector<8x64xf32>
      %swap3A_68 = arith.constant 0 : index
      %swap3A_69 = arith.constant 0 : index
      %swap3A_70 = vector.load %arg8[%swap3A_68, %swap3A_69] : memref<8x64xf32, #tpu.memory_space<vmem>>, vector<8x64xf32>
      tpu.vector_store %arg8[%swap3A_68, %swap3A_69], %broadcast_in_dim3A_67 {strides = array<i32>} : memref<8x64xf32, #tpu.memory_space<vmem>>, vector<8x64xf32>,
    } else {
    }
    %get3A_57 = arith.constant 0 : index
    %get3A_58 = arith.constant 0 : index
    %get3A_59 = vector.load %arg8[%get3A_57, %get3A_58] : memref<8x64xf32, #tpu.memory_space<vmem>>, vector<8x64xf32>
    %broadcast_in_dim3A_60 = vector.shape_cast %broadcast_in_dim3A_54 : vector<1x64xf32> to vector<1x64xf32>
    %broadcast_in_dim3A_61 = vector.broadcast %broadcast_in_dim3A_60 : vector<1x64xf32> to vector<8x64xf32>
    %add3A_62 = arith.addf %get3A_59, %broadcast_in_dim3A_61 : vector<8x64xf32>
    %swap3A_63 = arith.constant 0 : index
    %swap3A_64 = arith.constant 0 : index
    %swap3A_65 = vector.load %arg8[%swap3A_63, %swap3A_64] : memref<8x64xf32, #tpu.memory_space<vmem>>, vector<8x64xf32>
    tpu.vector_store %arg8[%swap3A_63, %swap3A_64], %add3A_62 {strides = array<i32>} : memref<8x64xf32, #tpu.memory_space<vmem>>, vector<8x64xf32>,
    return
  }
  func.func @transform_0(%arg0: i32) -> (i32, i32) {
    %c0_i32 = arith.constant 0 : i32
    %c0_i32_0 = arith.constant 0 : i32
    return %arg0, %c0_i32 : i32, i32
  }
  func.func @transform_1(%arg0: i32) -> (i32, i32) {
    %c0_i32 = arith.constant 0 : i32
    %c0_i32_0 = arith.constant 0 : i32
    return %arg0, %c0_i32 : i32, i32
  }
  func.func @transform_2(%arg0: i32) -> (i32, i32) {
    %add3A = arith.constant 20 : i32
    %add3A_0 = arith.addi %arg0, %add3A : i32
    %c0_i32 = arith.constant 0 : i32
    %c0_i32_1 = arith.constant 0 : i32
    return %add3A_0, %c0_i32 : i32, i32
  }
  func.func @transform_3(%arg0: i32) -> (i32, i32) {
    %c0_i32 = arith.constant 0 : i32
    %c0_i32_0 = arith.constant 0 : i32
    %c0_i32_1 = arith.constant 0 : i32
    return %c0_i32, %c0_i32_0 : i32, i32
  }
  func.func @transform_4(%arg0: i32) -> (i32, i32) {
    %c0_i32 = arith.constant 0 : i32
    %c0_i32_0 = arith.constant 0 : i32
    %c0_i32_1 = arith.constant 0 : i32
    return %c0_i32, %c0_i32_0 : i32, i32
  }
  func.func @transform_5(%arg0: i32) -> (i32, i32) {
    %c0_i32 = arith.constant 0 : i32
    %c0_i32_0 = arith.constant 0 : i32
    %c0_i32_1 = arith.constant 0 : i32
    return %c0_i32, %c0_i32_0 : i32, i32
  }
  func.func @transform_6(%arg0: i32) -> (i32, i32) {
    %c0_i32 = arith.constant 0 : i32
    %c0_i32_0 = arith.constant 0 : i32
    return %arg0, %c0_i32 : i32, i32
  }
  func.func @transform_7(%arg0: i32) -> (i32, i32) {
    %c0_i32 = arith.constant 0 : i32
    %c0_i32_0 = arith.constant 0 : i32
    %c0_i32_1 = arith.constant 0 : i32
    return %c0_i32, %c0_i32_0 : i32, i32
  }
}

module attributes {stable_mosaic.version = 14 : i64} {
  func.func @_k5_body(%arg0: i32, %arg1: memref<1024x128xf32, #tpu.memory_space<vmem>>, %arg2: memref<512x1xi32, #tpu.memory_space<vmem>>, %arg3: memref<512x1xf32, #tpu.memory_space<vmem>>, %arg4: memref<8x64xf32, #tpu.memory_space<vmem>>, %arg5: memref<64x64xf32, #tpu.memory_space<vmem>>, %arg6: memref<64x64xf32, #tpu.memory_space<vmem>>, %arg7: memref<64x64xf32, #tpu.memory_space<vmem>>, %arg8: memref<64x64xf32, #tpu.memory_space<vmem>>, %arg9: memref<16x64xf32, #tpu.memory_space<vmem>>, %arg10: memref<1x64xf32, #tpu.memory_space<vmem>>, %arg11: memref<1x64xf32, #tpu.memory_space<vmem>>, %arg12: memref<64x64xf32, #tpu.memory_space<vmem>>, %arg13: memref<1x64xf32, #tpu.memory_space<vmem>>, %arg14: memref<64x64xf32, #tpu.memory_space<vmem>>, %arg15: memref<64x64xf32, #tpu.memory_space<vmem>>, %arg16: memref<64x64xf32, #tpu.memory_space<vmem>>, %arg17: memref<64x64xf32, #tpu.memory_space<vmem>>, %arg18: memref<1x64xf32, #tpu.memory_space<vmem>>, %arg19: memref<1x64xf32, #tpu.memory_space<vmem>>, %arg20: memref<1x64xf32, #tpu.memory_space<vmem>>, %arg21: memref<512x128xf32, #tpu.memory_space<vmem>>, %arg22: memref<512x64xf32, #tpu.memory_space<vmem>>, %arg23: memref<512x64xf32, #tpu.memory_space<vmem>>, %arg24: memref<512x64xf32, #tpu.memory_space<vmem>>) attributes {dimension_semantics = [#tpu.dimension_semantics<arbitrary>], iteration_bounds = array<i64: 16>, scalar_prefetch = 0 : i64, scratch_operands = 3 : i64, tpu.core_type = #tpu.core_type<tc>, window_params = [{pipeline_mode = #tpu.pipeline_mode<synchronous>, transform_indices = @transform_0, window_bounds = array<i64: 1024, 128>}, {pipeline_mode = #tpu.pipeline_mode<synchronous>, transform_indices = @transform_1, window_bounds = array<i64: 512, 1>}, {pipeline_mode = #tpu.pipeline_mode<synchronous>, transform_indices = @transform_2, window_bounds = array<i64: 512, 1>}, {pipeline_mode = #tpu.pipeline_mode<synchronous>, transform_indices = @transform_3, window_bounds = array<i64: 8, 64>}, {pipeline_mode = #tpu.pipeline_mode<synchronous>, transform_indices = @transform_4, window_bounds = array<i64: 64, 64>}, {pipeline_mode = #tpu.pipeline_mode<synchronous>, transform_indices = @transform_5, window_bounds = array<i64: 64, 64>}, {pipeline_mode = #tpu.pipeline_mode<synchronous>, transform_indices = @transform_6, window_bounds = array<i64: 64, 64>}, {pipeline_mode = #tpu.pipeline_mode<synchronous>, transform_indices = @transform_7, window_bounds = array<i64: 64, 64>}, {pipeline_mode = #tpu.pipeline_mode<synchronous>, transform_indices = @transform_8, window_bounds = array<i64: 16, 64>}, {pipeline_mode = #tpu.pipeline_mode<synchronous>, transform_indices = @transform_9, window_bounds = array<i64: 1, 64>}, {pipeline_mode = #tpu.pipeline_mode<synchronous>, transform_indices = @transform_10, window_bounds = array<i64: 1, 64>}, {pipeline_mode = #tpu.pipeline_mode<synchronous>, transform_indices = @transform_11, window_bounds = array<i64: 64, 64>}, {pipeline_mode = #tpu.pipeline_mode<synchronous>, transform_indices = @transform_12, window_bounds = array<i64: 1, 64>}, {pipeline_mode = #tpu.pipeline_mode<synchronous>, transform_indices = @transform_13, window_bounds = array<i64: 64, 64>}, {pipeline_mode = #tpu.pipeline_mode<synchronous>, transform_indices = @transform_14, window_bounds = array<i64: 64, 64>}, {pipeline_mode = #tpu.pipeline_mode<synchronous>, transform_indices = @transform_15, window_bounds = array<i64: 64, 64>}, {pipeline_mode = #tpu.pipeline_mode<synchronous>, transform_indices = @transform_16, window_bounds = array<i64: 64, 64>}, {pipeline_mode = #tpu.pipeline_mode<synchronous>, transform_indices = @transform_17, window_bounds = array<i64: 1, 64>}, {pipeline_mode = #tpu.pipeline_mode<synchronous>, transform_indices = @transform_18, window_bounds = array<i64: 1, 64>}, {pipeline_mode = #tpu.pipeline_mode<synchronous>, transform_indices = @transform_19, window_bounds = array<i64: 1, 64>}, {pipeline_mode = #tpu.pipeline_mode<synchronous>, transform_indices = @transform_20, window_bounds = array<i64: 512, 128>}]} {
    %eq3A = arith.constant 0 : i32
    %eq3A_0 = arith.cmpi eq, %arg0, %eq3A : i32
    %convert_element_type3A = arith.extui %eq3A_0 : i1 to i32
    %cond3A = arith.constant 0 : i32
    %cond3A_1 = arith.cmpi ne, %convert_element_type3A, %cond3A : i32
    scf.if %cond3A_1 {
      %get3A_70 = arith.constant 0 : index
      %get3A_71 = arith.constant 0 : index
      %get3A_72 = vector.load %arg1[%get3A_70, %get3A_71] : memref<1024x128xf32, #tpu.memory_space<vmem>>, vector<512x64xf32>
      %get3A_73 = arith.constant 0 : index
      %get3A_74 = arith.constant 0 : index
      %get3A_75 = vector.load %arg3[%get3A_73, %get3A_74] : memref<512x1xf32, #tpu.memory_space<vmem>>, vector<512x1xf32>
      %get3A_76 = arith.constant 512 : index
      %get3A_77 = arith.constant 0 : index
      %get3A_78 = vector.load %arg1[%get3A_76, %get3A_77] : memref<1024x128xf32, #tpu.memory_space<vmem>>, vector<512x64xf32>
      %mul3A_79 = vector.broadcast %get3A_75 : vector<512x1xf32> to vector<512x64xf32>
      %mul3A_80 = arith.mulf %get3A_78, %mul3A_79 : vector<512x64xf32>
      %get3A_81 = arith.constant 0 : index
      %get3A_82 = arith.constant 0 : index
      %get3A_83 = vector.load %arg4[%get3A_81, %get3A_82] : memref<8x64xf32, #tpu.memory_space<vmem>>, vector<1x64xf32>
      %mul3A_84 = arith.constant 9.99999974E-5 : f32
      %mul3A_85 = vector.broadcast %mul3A_84 : f32 to vector<1x64xf32>
      %mul3A_86 = arith.mulf %get3A_83, %mul3A_85 : vector<1x64xf32>
      %iota3A_87 = tpu.iota {dimensions = array<i32: 1>} : vector<512x16xi32>
      %get3A_88 = arith.constant 0 : index
      %get3A_89 = arith.constant 0 : index
      %get3A_90 = vector.load %arg2[%get3A_88, %get3A_89] : memref<512x1xi32, #tpu.memory_space<vmem>>, vector<512x1xi32>
      %eq3A_91 = vector.broadcast %get3A_90 : vector<512x1xi32> to vector<512x16xi32>
      %eq3A_92 = arith.cmpi eq, %iota3A_87, %eq3A_91 : vector<512x16xi32>
      %convert_element_type3A_93 = arith.extui %eq3A_92 : vector<512x16xi1> to vector<512x16xi32>
      %convert_element_type3A_94 = arith.sitofp %convert_element_type3A_93 : vector<512x16xi32> to vector<512x16xf32>
      %get3A_95 = arith.constant 0 : index
      %get3A_96 = arith.constant 0 : index
      %get3A_97 = vector.load %arg5[%get3A_95, %get3A_96] : memref<64x64xf32, #tpu.memory_space<vmem>>, vector<64x64xf32>
      %dot_general3A_98 = arith.constant dense<0.000000e+00> : vector<512x64xf32>
      %dot_general3A_99 = tpu.matmul %get3A_72, %get3A_97, %dot_general3A_98 {dimension_numbers = #tpu.dot_dimension_numbers<[1], [0], [0], [1], [0, 0, 1, 1], [], []>, transpose_lhs_hint = false} : vector<512x64xf32>, vector<64x64xf32>, vector<512x64xf32> -> vector<512x64xf32>
      %get3A_100 = arith.constant 0 : index
      %get3A_101 = arith.constant 0 : index
      %get3A_102 = vector.load %arg6[%get3A_100, %get3A_101] : memref<64x64xf32, #tpu.memory_space<vmem>>, vector<64x64xf32>
      %dot_general3A_103 = arith.constant dense<0.000000e+00> : vector<512x64xf32>
      %dot_general3A_104 = tpu.matmul %mul3A_80, %get3A_102, %dot_general3A_103 {dimension_numbers = #tpu.dot_dimension_numbers<[1], [0], [0], [1], [0, 0, 1, 1], [], []>, transpose_lhs_hint = false} : vector<512x64xf32>, vector<64x64xf32>, vector<512x64xf32> -> vector<512x64xf32>
      %add3A_105 = arith.addf %dot_general3A_99, %dot_general3A_104 : vector<512x64xf32>
      %sub3A_106 = arith.subf %get3A_72, %mul3A_80 : vector<512x64xf32>
      %abs3A_107 = math.absf %sub3A_106 : vector<512x64xf32>
      %get3A_108 = arith.constant 0 : index
      %get3A_109 = arith.constant 0 : index
      %get3A_110 = vector.load %arg8[%get3A_108, %get3A_109] : memref<64x64xf32, #tpu.memory_space<vmem>>, vector<64x64xf32>
      %dot_general3A_111 = arith.constant dense<0.000000e+00> : vector<512x64xf32>
      %dot_general3A_112 = tpu.matmul %abs3A_107, %get3A_110, %dot_general3A_111 {dimension_numbers = #tpu.dot_dimension_numbers<[1], [0], [0], [1], [0, 0, 1, 1], [], []>, transpose_lhs_hint = false} : vector<512x64xf32>, vector<64x64xf32>, vector<512x64xf32> -> vector<512x64xf32>
      %add3A_113 = arith.addf %add3A_105, %dot_general3A_112 : vector<512x64xf32>
      %get3A_114 = arith.constant 0 : index
      %get3A_115 = arith.constant 0 : index
      %get3A_116 = vector.load %arg9[%get3A_114, %get3A_115] : memref<16x64xf32, #tpu.memory_space<vmem>>, vector<16x64xf32>
      %dot_general3A_117 = arith.constant dense<0.000000e+00> : vector<512x64xf32>
      %dot_general3A_118 = tpu.matmul %convert_element_type3A_94, %get3A_116, %dot_general3A_117 {dimension_numbers = #tpu.dot_dimension_numbers<[1], [0], [0], [1], [0, 0, 1, 1], [], []>, transpose_lhs_hint = false} : vector<512x16xf32>, vector<16x64xf32>, vector<512x64xf32> -> vector<512x64xf32>
      %add3A_119 = arith.addf %add3A_113, %dot_general3A_118 : vector<512x64xf32>
      %get3A_120 = arith.constant 0 : index
      %get3A_121 = arith.constant 0 : index
      %get3A_122 = vector.load %arg7[%get3A_120, %get3A_121] : memref<64x64xf32, #tpu.memory_space<vmem>>, vector<64x64xf32>
      %dot_general3A_123 = arith.constant dense<0.000000e+00> : vector<1x64xf32>
      %dot_general3A_124 = tpu.matmul %mul3A_86, %get3A_122, %dot_general3A_123 {dimension_numbers = #tpu.dot_dimension_numbers<[1], [0], [0], [1], [0, 0, 1, 1], [], []>, transpose_lhs_hint = false} : vector<1x64xf32>, vector<64x64xf32>, vector<1x64xf32> -> vector<1x64xf32>
      %add3A_125 = vector.broadcast %dot_general3A_124 : vector<1x64xf32> to vector<512x64xf32>
      %add3A_126 = arith.addf %add3A_119, %add3A_125 : vector<512x64xf32>
      %get3A_127 = arith.constant 0 : index
      %get3A_128 = arith.constant 0 : index
      %get3A_129 = vector.load %arg10[%get3A_127, %get3A_128] : memref<1x64xf32, #tpu.memory_space<vmem>>, vector<1x64xf32>
      %mul3A_130 = vector.broadcast %get3A_75 : vector<512x1xf32> to vector<512x64xf32>
      %mul3A_131 = vector.broadcast %get3A_129 : vector<1x64xf32> to vector<512x64xf32>
      %mul3A_132 = arith.mulf %mul3A_130, %mul3A_131 : vector<512x64xf32>
      %add3A_133 = arith.addf %add3A_126, %mul3A_132 : vector<512x64xf32>
      %get3A_134 = arith.constant 0 : index
      %get3A_135 = arith.constant 0 : index
      %get3A_136 = vector.load %arg11[%get3A_134, %get3A_135] : memref<1x64xf32, #tpu.memory_space<vmem>>, vector<1x64xf32>
      %add3A_137 = vector.broadcast %get3A_136 : vector<1x64xf32> to vector<512x64xf32>
      %add3A_138 = arith.addf %add3A_133, %add3A_137 : vector<512x64xf32>
      %max3A_139 = arith.constant 0.000000e+00 : f32
      %max3A_140 = vector.broadcast %max3A_139 : f32 to vector<512x64xf32>
      %max3A_141 = arith.maximumf %add3A_138, %max3A_140 : vector<512x64xf32>
      %get3A_142 = arith.constant 0 : index
      %get3A_143 = arith.constant 0 : index
      %get3A_144 = vector.load %arg12[%get3A_142, %get3A_143] : memref<64x64xf32, #tpu.memory_space<vmem>>, vector<64x64xf32>
      %dot_general3A_145 = arith.constant dense<0.000000e+00> : vector<512x64xf32>
      %dot_general3A_146 = tpu.matmul %max3A_141, %get3A_144, %dot_general3A_145 {dimension_numbers = #tpu.dot_dimension_numbers<[1], [0], [0], [1], [0, 0, 1, 1], [], []>, transpose_lhs_hint = false} : vector<512x64xf32>, vector<64x64xf32>, vector<512x64xf32> -> vector<512x64xf32>
      %get3A_147 = arith.constant 0 : index
      %get3A_148 = arith.constant 0 : index
      %get3A_149 = vector.load %arg13[%get3A_147, %get3A_148] : memref<1x64xf32, #tpu.memory_space<vmem>>, vector<1x64xf32>
      %add3A_150 = vector.broadcast %get3A_149 : vector<1x64xf32> to vector<512x64xf32>
      %add3A_151 = arith.addf %dot_general3A_146, %add3A_150 : vector<512x64xf32>
      %max3A_152 = arith.constant 0.000000e+00 : f32
      %max3A_153 = vector.broadcast %max3A_152 : f32 to vector<512x64xf32>
      %max3A_154 = arith.maximumf %add3A_151, %max3A_153 : vector<512x64xf32>
      %swap3A_155 = arith.constant 0 : index
      %swap3A_156 = arith.constant 0 : index
      %swap3A_157 = vector.load %arg22[%swap3A_155, %swap3A_156] : memref<512x64xf32, #tpu.memory_space<vmem>>, vector<512x64xf32>
      tpu.vector_store %arg22[%swap3A_155, %swap3A_156], %max3A_154 {strides = array<i32>} : memref<512x64xf32, #tpu.memory_space<vmem>>, vector<512x64xf32>,
      %get3A_158 = arith.constant 0 : index
      %get3A_159 = arith.constant 0 : index
      %get3A_160 = vector.load %arg14[%get3A_158, %get3A_159] : memref<64x64xf32, #tpu.memory_space<vmem>>, vector<64x64xf32>
      %get3A_161 = arith.constant 0 : index
      %get3A_162 = arith.constant 0 : index
      %get3A_163 = vector.load %arg16[%get3A_161, %get3A_162] : memref<64x64xf32, #tpu.memory_space<vmem>>, vector<64x64xf32>
      %add3A_164 = arith.addf %get3A_160, %get3A_163 : vector<64x64xf32>
      %dot_general3A_165 = arith.constant dense<0.000000e+00> : vector<512x64xf32>
      %dot_general3A_166 = tpu.matmul %max3A_154, %add3A_164, %dot_general3A_165 {dimension_numbers = #tpu.dot_dimension_numbers<[1], [0], [0], [1], [0, 0, 1, 1], [], []>, transpose_lhs_hint = false} : vector<512x64xf32>, vector<64x64xf32>, vector<512x64xf32> -> vector<512x64xf32>
      %get3A_167 = arith.constant 0 : index
      %get3A_168 = arith.constant 0 : index
      %get3A_169 = vector.load %arg18[%get3A_167, %get3A_168] : memref<1x64xf32, #tpu.memory_space<vmem>>, vector<1x64xf32>
      %add3A_170 = vector.broadcast %get3A_169 : vector<1x64xf32> to vector<512x64xf32>
      %add3A_171 = arith.addf %dot_general3A_166, %add3A_170 : vector<512x64xf32>
      %swap3A_172 = arith.constant 0 : index
      %swap3A_173 = arith.constant 0 : index
      %swap3A_174 = vector.load %arg23[%swap3A_172, %swap3A_173] : memref<512x64xf32, #tpu.memory_space<vmem>>, vector<512x64xf32>
      tpu.vector_store %arg23[%swap3A_172, %swap3A_173], %add3A_171 {strides = array<i32>} : memref<512x64xf32, #tpu.memory_space<vmem>>, vector<512x64xf32>,
      %get3A_175 = arith.constant 0 : index
      %get3A_176 = arith.constant 0 : index
      %get3A_177 = vector.load %arg15[%get3A_175, %get3A_176] : memref<64x64xf32, #tpu.memory_space<vmem>>, vector<64x64xf32>
      %get3A_178 = arith.constant 0 : index
      %get3A_179 = arith.constant 0 : index
      %get3A_180 = vector.load %arg16[%get3A_178, %get3A_179] : memref<64x64xf32, #tpu.memory_space<vmem>>, vector<64x64xf32>
      %sub3A_181 = arith.subf %get3A_177, %get3A_180 : vector<64x64xf32>
      %dot_general3A_182 = arith.constant dense<0.000000e+00> : vector<512x64xf32>
      %dot_general3A_183 = tpu.matmul %max3A_154, %sub3A_181, %dot_general3A_182 {dimension_numbers = #tpu.dot_dimension_numbers<[1], [0], [0], [1], [0, 0, 1, 1], [], []>, transpose_lhs_hint = false} : vector<512x64xf32>, vector<64x64xf32>, vector<512x64xf32> -> vector<512x64xf32>
      %swap3A_184 = arith.constant 0 : index
      %swap3A_185 = arith.constant 0 : index
      %swap3A_186 = vector.load %arg24[%swap3A_184, %swap3A_185] : memref<512x64xf32, #tpu.memory_space<vmem>>, vector<512x64xf32>
      tpu.vector_store %arg24[%swap3A_184, %swap3A_185], %dot_general3A_183 {strides = array<i32>} : memref<512x64xf32, #tpu.memory_space<vmem>>, vector<512x64xf32>,
      %broadcast_in_dim3A_187 = arith.constant 0.000000e+00 : f32
      %broadcast_in_dim3A_188 = vector.broadcast %broadcast_in_dim3A_187 : f32 to vector<512x128xf32>
      %swap3A_189 = arith.constant 0 : index
      %swap3A_190 = arith.constant 0 : index
      %swap3A_191 = vector.load %arg21[%swap3A_189, %swap3A_190] : memref<512x128xf32, #tpu.memory_space<vmem>>, vector<512x128xf32>
      tpu.vector_store %arg21[%swap3A_189, %swap3A_190], %broadcast_in_dim3A_188 {strides = array<i32>} : memref<512x128xf32, #tpu.memory_space<vmem>>, vector<512x128xf32>,
    } else {
    }
    %get3A = arith.constant 0 : index
    %get3A_2 = arith.constant 0 : index
    %get3A_3 = vector.load %arg22[%get3A, %get3A_2] : memref<512x64xf32, #tpu.memory_space<vmem>>, vector<512x64xf32>
    %mul3A = arith.constant 32 : i32
    %mul3A_4 = arith.muli %arg0, %mul3A : i32
    %get3A_5 = arith.index_cast %mul3A_4 : i32 to index
    %get3A_6 = arith.constant 0 : index
    %get3A_7 = vector.load %arg22[%get3A_5, %get3A_6] : memref<512x64xf32, #tpu.memory_space<vmem>>, vector<32x64xf32>
    %mul3A_8 = arith.constant 32 : i32
    %mul3A_9 = arith.muli %arg0, %mul3A_8 : i32
    %get3A_10 = arith.index_cast %mul3A_9 : i32 to index
    %get3A_11 = arith.constant 0 : index
    %get3A_12 = vector.load %arg24[%get3A_10, %get3A_11] : memref<512x64xf32, #tpu.memory_space<vmem>>, vector<32x64xf32>
    %broadcast_in_dim3A = vector.shape_cast %get3A_3 : vector<512x64xf32> to vector<512x1x64xf32>
    %broadcast_in_dim3A_13 = vector.shape_cast %get3A_7 : vector<32x64xf32> to vector<1x32x64xf32>
    %sub3A = vector.broadcast %broadcast_in_dim3A : vector<512x1x64xf32> to vector<512x32x64xf32>
    %sub3A_14 = vector.broadcast %broadcast_in_dim3A_13 : vector<1x32x64xf32> to vector<512x32x64xf32>
    %sub3A_15 = arith.subf %sub3A, %sub3A_14 : vector<512x32x64xf32>
    %abs3A = math.absf %sub3A_15 : vector<512x32x64xf32>
    %reshape3A = vector.shape_cast %abs3A : vector<512x32x64xf32> to vector<16384x64xf32>
    %get3A_16 = arith.constant 0 : index
    %get3A_17 = arith.constant 0 : index
    %get3A_18 = vector.load %arg17[%get3A_16, %get3A_17] : memref<64x64xf32, #tpu.memory_space<vmem>>, vector<64x64xf32>
    %dot_general3A = arith.constant dense<0.000000e+00> : vector<16384x64xf32>
    %dot_general3A_19 = tpu.matmul %reshape3A, %get3A_18, %dot_general3A {dimension_numbers = #tpu.dot_dimension_numbers<[1], [0], [0], [1], [0, 0, 1, 1], [], []>, transpose_lhs_hint = false} : vector<16384x64xf32>, vector<64x64xf32>, vector<16384x64xf32> -> vector<16384x64xf32>
    %reshape3A_20 = vector.shape_cast %dot_general3A_19 : vector<16384x64xf32> to vector<512x32x64xf32>
    %get3A_21 = arith.constant 0 : index
    %get3A_22 = arith.constant 0 : index
    %get3A_23 = vector.load %arg23[%get3A_21, %get3A_22] : memref<512x64xf32, #tpu.memory_space<vmem>>, vector<512x64xf32>
    %broadcast_in_dim3A_24 = vector.shape_cast %get3A_23 : vector<512x64xf32> to vector<512x1x64xf32>
    %add3A = vector.broadcast %broadcast_in_dim3A_24 : vector<512x1x64xf32> to vector<512x32x64xf32>
    %add3A_25 = arith.addf %reshape3A_20, %add3A : vector<512x32x64xf32>
    %broadcast_in_dim3A_26 = vector.shape_cast %get3A_12 : vector<32x64xf32> to vector<1x32x64xf32>
    %add3A_27 = vector.broadcast %broadcast_in_dim3A_26 : vector<1x32x64xf32> to vector<512x32x64xf32>
    %add3A_28 = arith.addf %add3A_25, %add3A_27 : vector<512x32x64xf32>
    %max3A = arith.constant 0.000000e+00 : f32
    %max3A_29 = vector.broadcast %max3A : f32 to vector<512x32x64xf32>
    %max3A_30 = arith.maximumf %add3A_28, %max3A_29 : vector<512x32x64xf32>
    %get3A_31 = arith.constant 0 : index
    %get3A_32 = arith.constant 0 : index
    %get3A_33 = vector.load %arg19[%get3A_31, %get3A_32] : memref<1x64xf32, #tpu.memory_space<vmem>>, vector<1x64xf32>
    %broadcast_in_dim3A_34 = vector.shape_cast %get3A_33 : vector<1x64xf32> to vector<1x1x64xf32>
    %mul3A_35 = vector.broadcast %broadcast_in_dim3A_34 : vector<1x1x64xf32> to vector<512x32x64xf32>
    %mul3A_36 = arith.mulf %max3A_30, %mul3A_35 : vector<512x32x64xf32>
    %reduce_sum3A = arith.constant dense<0.000000e+00> : vector<512x32xf32>
    %reduce_sum3A_37 = vector.multi_reduction <add>, %mul3A_36, %reduce_sum3A [2] : vector<512x32x64xf32> to vector<512x32xf32>
    %get3A_38 = arith.constant 0 : index
    %get3A_39 = arith.constant 0 : index
    %get3A_40 = vector.load %arg20[%get3A_38, %get3A_39] : memref<1x64xf32, #tpu.memory_space<vmem>>, vector<1x1xf32>
    %get3A_41 = vector.extract %get3A_40[0, 0] : f32 from vector<1x1xf32>
    %add3A_42 = vector.broadcast %get3A_41 : f32 to vector<512x32xf32>
    %add3A_43 = arith.addf %reduce_sum3A_37, %add3A_42 : vector<512x32xf32>
    %logistic3A = arith.negf %add3A_43 : vector<512x32xf32>
    %logistic3A_44 = math.exp %logistic3A : vector<512x32xf32>
    %logistic3A_45 = arith.constant 1.000000e+00 : f32
    %logistic3A_46 = vector.broadcast %logistic3A_45 : f32 to vector<512x32xf32>
    %logistic3A_47 = arith.addf %logistic3A_46, %logistic3A_44 : vector<512x32xf32>
    %logistic3A_48 = arith.divf %logistic3A_46, %logistic3A_47 : vector<512x32xf32>
    %iota3A = tpu.iota {dimensions = array<i32: 0>} : vector<512x32xi32>
    %iota3A_49 = tpu.iota {dimensions = array<i32: 1>} : vector<512x32xi32>
    %mul3A_50 = arith.constant 32 : i32
    %mul3A_51 = arith.muli %arg0, %mul3A_50 : i32
    %add3A_52 = vector.broadcast %mul3A_51 : i32 to vector<512x32xi32>
    %add3A_53 = arith.addi %iota3A_49, %add3A_52 : vector<512x32xi32>
    %eq3A_54 = arith.cmpi eq, %iota3A, %add3A_53 : vector<512x32xi32>
    %jit3A = arith.constant 0.000000e+00 : f32
    %broadcast_in_dim3A_55 = vector.broadcast %jit3A : f32 to vector<512x32xf32>
    %select_n3A = arith.select %eq3A_54, %broadcast_in_dim3A_55, %logistic3A_48 : vector<512x32xi1>, vector<512x32xf32>
    %reduce_sum3A_56 = arith.constant dense<0.000000e+00> : vector<512xf32>
    %reduce_sum3A_57 = vector.multi_reduction <add>, %select_n3A, %reduce_sum3A_56 [1] : vector<512x32xf32> to vector<512xf32>
    %mul3A_58 = arith.constant 0.00195694715 : f32
    %mul3A_59 = vector.broadcast %mul3A_58 : f32 to vector<512xf32>
    %mul3A_60 = arith.mulf %reduce_sum3A_57, %mul3A_59 : vector<512xf32>
    %get3A_61 = arith.constant 0 : index
    %get3A_62 = arith.constant 0 : index
    %get3A_63 = vector.load %arg21[%get3A_61, %get3A_62] : memref<512x128xf32, #tpu.memory_space<vmem>>, vector<512x128xf32>
    %broadcast_in_dim3A_64 = vector.shape_cast %mul3A_60 : vector<512xf32> to vector<512x1xf32>
    %broadcast_in_dim3A_65 = vector.shape_cast %broadcast_in_dim3A_64 : vector<512x1xf32> to vector<512x1xf32>
    %broadcast_in_dim3A_66 = vector.broadcast %broadcast_in_dim3A_65 : vector<512x1xf32> to vector<512x128xf32>
    %add3A_67 = arith.addf %get3A_63, %broadcast_in_dim3A_66 : vector<512x128xf32>
    %swap3A = arith.constant 0 : index
    %swap3A_68 = arith.constant 0 : index
    %swap3A_69 = vector.load %arg21[%swap3A, %swap3A_68] : memref<512x128xf32, #tpu.memory_space<vmem>>, vector<512x128xf32>
    tpu.vector_store %arg21[%swap3A, %swap3A_68], %add3A_67 {strides = array<i32>} : memref<512x128xf32, #tpu.memory_space<vmem>>, vector<512x128xf32>,
    return
  }
  func.func @transform_0(%arg0: i32) -> (i32, i32) {
    %c0_i32 = arith.constant 0 : i32
    %c0_i32_0 = arith.constant 0 : i32
    %c0_i32_1 = arith.constant 0 : i32
    return %c0_i32, %c0_i32_0 : i32, i32
  }
  func.func @transform_1(%arg0: i32) -> (i32, i32) {
    %c0_i32 = arith.constant 0 : i32
    %c0_i32_0 = arith.constant 0 : i32
    %c0_i32_1 = arith.constant 0 : i32
    return %c0_i32, %c0_i32_0 : i32, i32
  }
  func.func @transform_2(%arg0: i32) -> (i32, i32) {
    %c0_i32 = arith.constant 0 : i32
    %c0_i32_0 = arith.constant 0 : i32
    %c0_i32_1 = arith.constant 0 : i32
    return %c0_i32, %c0_i32_0 : i32, i32
  }
  func.func @transform_3(%arg0: i32) -> (i32, i32) {
    %c0_i32 = arith.constant 0 : i32
    %c0_i32_0 = arith.constant 0 : i32
    %c0_i32_1 = arith.constant 0 : i32
    return %c0_i32, %c0_i32_0 : i32, i32
  }
  func.func @transform_4(%arg0: i32) -> (i32, i32) {
    %c0_i32 = arith.constant 0 : i32
    %c0_i32_0 = arith.constant 0 : i32
    %c0_i32_1 = arith.constant 0 : i32
    return %c0_i32, %c0_i32_0 : i32, i32
  }
  func.func @transform_5(%arg0: i32) -> (i32, i32) {
    %c0_i32 = arith.constant 0 : i32
    %c0_i32_0 = arith.constant 0 : i32
    %c0_i32_1 = arith.constant 0 : i32
    return %c0_i32, %c0_i32_0 : i32, i32
  }
  func.func @transform_6(%arg0: i32) -> (i32, i32) {
    %c0_i32 = arith.constant 0 : i32
    %c0_i32_0 = arith.constant 0 : i32
    %c0_i32_1 = arith.constant 0 : i32
    return %c0_i32, %c0_i32_0 : i32, i32
  }
  func.func @transform_7(%arg0: i32) -> (i32, i32) {
    %c0_i32 = arith.constant 0 : i32
    %c0_i32_0 = arith.constant 0 : i32
    %c0_i32_1 = arith.constant 0 : i32
    return %c0_i32, %c0_i32_0 : i32, i32
  }
  func.func @transform_8(%arg0: i32) -> (i32, i32) {
    %c0_i32 = arith.constant 0 : i32
    %c0_i32_0 = arith.constant 0 : i32
    %c0_i32_1 = arith.constant 0 : i32
    return %c0_i32, %c0_i32_0 : i32, i32
  }
  func.func @transform_9(%arg0: i32) -> (i32, i32) {
    %c0_i32 = arith.constant 0 : i32
    %c0_i32_0 = arith.constant 0 : i32
    %c0_i32_1 = arith.constant 0 : i32
    return %c0_i32, %c0_i32_0 : i32, i32
  }
  func.func @transform_10(%arg0: i32) -> (i32, i32) {
    %c0_i32 = arith.constant 0 : i32
    %c0_i32_0 = arith.constant 0 : i32
    %c0_i32_1 = arith.constant 0 : i32
    return %c0_i32, %c0_i32_0 : i32, i32
  }
  func.func @transform_11(%arg0: i32) -> (i32, i32) {
    %c0_i32 = arith.constant 0 : i32
    %c0_i32_0 = arith.constant 0 : i32
    %c0_i32_1 = arith.constant 0 : i32
    return %c0_i32, %c0_i32_0 : i32, i32
  }
  func.func @transform_12(%arg0: i32) -> (i32, i32) {
    %c0_i32 = arith.constant 0 : i32
    %c0_i32_0 = arith.constant 0 : i32
    %c0_i32_1 = arith.constant 0 : i32
    return %c0_i32, %c0_i32_0 : i32, i32
  }
  func.func @transform_13(%arg0: i32) -> (i32, i32) {
    %c0_i32 = arith.constant 0 : i32
    %c0_i32_0 = arith.constant 0 : i32
    %c0_i32_1 = arith.constant 0 : i32
    return %c0_i32, %c0_i32_0 : i32, i32
  }
  func.func @transform_14(%arg0: i32) -> (i32, i32) {
    %c0_i32 = arith.constant 0 : i32
    %c0_i32_0 = arith.constant 0 : i32
    %c0_i32_1 = arith.constant 0 : i32
    return %c0_i32, %c0_i32_0 : i32, i32
  }
  func.func @transform_15(%arg0: i32) -> (i32, i32) {
    %c0_i32 = arith.constant 0 : i32
    %c0_i32_0 = arith.constant 0 : i32
    %c0_i32_1 = arith.constant 0 : i32
    return %c0_i32, %c0_i32_0 : i32, i32
  }
  func.func @transform_16(%arg0: i32) -> (i32, i32) {
    %c0_i32 = arith.constant 0 : i32
    %c0_i32_0 = arith.constant 0 : i32
    %c0_i32_1 = arith.constant 0 : i32
    return %c0_i32, %c0_i32_0 : i32, i32
  }
  func.func @transform_17(%arg0: i32) -> (i32, i32) {
    %c0_i32 = arith.constant 0 : i32
    %c0_i32_0 = arith.constant 0 : i32
    %c0_i32_1 = arith.constant 0 : i32
    return %c0_i32, %c0_i32_0 : i32, i32
  }
  func.func @transform_18(%arg0: i32) -> (i32, i32) {
    %c0_i32 = arith.constant 0 : i32
    %c0_i32_0 = arith.constant 0 : i32
    %c0_i32_1 = arith.constant 0 : i32
    return %c0_i32, %c0_i32_0 : i32, i32
  }
  func.func @transform_19(%arg0: i32) -> (i32, i32) {
    %c0_i32 = arith.constant 0 : i32
    %c0_i32_0 = arith.constant 0 : i32
    %c0_i32_1 = arith.constant 0 : i32
    return %c0_i32, %c0_i32_0 : i32, i32
  }
  func.func @transform_20(%arg0: i32) -> (i32, i32) {
    %c0_i32 = arith.constant 0 : i32
    %c0_i32_0 = arith.constant 0 : i32
    %c0_i32_1 = arith.constant 0 : i32
    return %c0_i32, %c0_i32_0 : i32, i32
  }
}

</mosaic_0001>

<sc_bundles>
// kernel: kernel.7.cloned.1.call-start
scs
__scs_entry_jumppad:
0x0: {  	(pc) =	sbr.rel $0x88, $3  }
0x1: {  	(tag) =	ssettag $0x0;
	lr =	simm.s32 $0x1  }
0x2: {  	[smem:$0x3F87] =	sst lr;
	_ =	strace $0xD0000000  }
0x3: {  	_ = 	snop  }
0x4: {  	_ = 	snop  }
0x5: {  	_ = 	snop  }
0x6: {  	_ = 	snop  }
0x7: {  	_ = 	snop  }
__scs_overlays_trampoline_lowered:
0x8: {  	[smem:$0x3F96] =	sst s0  }
0x9: {  	[smem:$0x3F97] =	sst s1  }
0xa: {  	[smem:$0x3F98] =	sst s2  }
0xb: {  	[smem:$0x3F99] =	sst s3  }
0xc: {  	[smem:$0x3F9A] =	sst s4  }
0xd: {  	[smem:$0x3F9B] =	sst s5  }
0xe: {  	[smem:$0x3F9C] =	sst s6  }
0xf: {  	[smem:$0x3F9D] =	sst s7  }
0x10: {  	[smem:$0x3F9E] =	sst s8  }
0x11: {  	[smem:$0x3F9F] =	sst s9;
	s0 =	simm.s32 @!p0 $0x0  }
0x12: {  	s1 =	sld [smem:$0x3F85];
	s0 =	simm.s32 @p0 $0x1  }
0x13: {  	[smem:$0x3FA0] =	sst s0;
	s0 =	simm.s32 @!p1 $0x0  }
0x14: {  	s2 =	sld [smem:$0x3F84];
	s0 =	simm.s32 @p1 $0x1  }
0x15: {  	[smem:$0x3FA1] =	sst s0;
	s0 =	simm.s32 @!p2 $0x0  }
0x16: {  	s3 =	sld [smem:$0x3FDB];
	s0 =	simm.s32 @p2 $0x1  }
0x17: {  	s4 =	simm.s32 $0x1BF5;
	[smem:$0x3FA3] =	sst s0  }
0x18: {  	s0 =	sld [smem:$0x3F86];
	_ =	swait.ge [sflag:s4], $0x0  }
0x19: {  	s7 =	sld [smem:$0x3F87]  }
0x1a: {  	s8 =	sadd.s32 $0xFFFFE003, lr  }
0x1b: {  	s9 =	sadd.s32 $0xFFFFFEF7, lr;
	s5 =	simm.s32 $0xFFFFFFFF;
	p2 =	slt.u32 s8, $0xFFFFF086  }
0x1c: {  	p1 =	slt.u32 s9, $0xF7A;
	s5 =	simm.s32 @!p2 $0x0  }
0x1d: {  	s5 =	simm.s32 @p1 $0x1;
	p0 =	seq.s32 s7, s2  }
0x1e: {  	s7 =	smul.u32 @!p0 $0xF7A, s2;
	p2 =	seq.s32 @!p0 s5, $0x0  }
0x1f: {  	s9 =	smul.u32 $0xF7A, s1;
	s8 =	simm.s32 @!p0 $0x1BF5;
	p2 =	por !p2, p0  }
0x20: {  	[sflag:s8] =	ssyncset.s32 @!p0 $0xFFFFF086;
	s6 =	sadd.s32 @!p0 s3, s7;
	s7 =	simm.s32 @!p0 $0x108  }
0x21: {  	s3 =	sadd.s32 s3, s9;
	s6 =	sadd.s32 @!p0 $0x88, s6;
	s7 =	simm.s32 @p2 $0x1082  }
0x22: {  	[simem:s7], [sflag:s8] =	dma.local @!p0 [hbm:s6], $0xF7A  }
0x23: {  	s9 =	sor.u32 $0xD0000000, s2;
	s6 =	simm.s32 $0x108;
	_ =	swait.ge @!p0 [sflag:s8], $0x0  }
0x24: {  	s3 =	sadd.s32 $0x88, s3;
	s6 =	simm.s32 @!p1 $0x1082;
	[sflag:s4] =	ssyncset.s32 $0xFFFFF086  }
0x25: {  	[simem:s6], [sflag:s4] =	dma.local [hbm:s3], $0xF7A  }
0x26: {  	[smem:$0x3F87] =	sst s1;
	(tag) =	ssettag s2;
	_ =	strace s9  }
0x27: {  	s1 =	sld [smem:$0x3F97]  }
0x28: {  	s2 =	sld [smem:$0x3F98]  }
0x29: {  	s4 =	sld [smem:$0x3F9A]  }
0x2a: {  	p0 =	seq.s32 s5, $0x0;
	s5 =	sld [smem:$0x3F9B]  }
0x2b: {  	s6 =	sld [smem:$0x3F9C]  }
0x2c: {  	s7 =	sld [smem:$0x3F9D]  }
0x2d: {  	s3 =	simm.s32 $0x108;
	s8 =	sld [smem:$0x3F9E]  }
0x2e: {  	s3 =	simm.s32 @!p0 $0x1082;
	s9 =	sld [smem:$0x3F9F]  }
0x2f: {  	lr =	sadd.s32 s0, s3;
	s0 =	sld [smem:$0x3F96]  }
0x30: {  	s3 =	sld [smem:$0x3F99]  }
0x31: {  	[smem:$0x3FA2] =	sst s10  }
0x32: {  	s10 =	sld [smem:$0x3FA0];
	_ =	sdelay $0x3  }
0x33: {  	p0 =	seq.s32 s10, $0x1;
	s10 =	sld [smem:$0x3FA2];
	_ =	sdelay $0x3  }
0x34: {  	[smem:$0x3FA2] =	sst s10  }
0x35: {  	s10 =	sld [smem:$0x3FA1];
	_ =	sdelay $0x3  }
0x36: {  	p1 =	seq.s32 s10, $0x1;
	s10 =	sld [smem:$0x3FA2];
	_ =	sdelay $0x3  }
0x37: {  	[smem:$0x3FA2] =	sst s10  }
0x38: {  	s10 =	sld [smem:$0x3FA3]  }
0x39: {  	_ = 	snop;
	(pc) =	sbr.ind lr, $3  }
0x3a: {  	_ = 	snop  }
0x3b: {  	_ = 	snop  }
0x3c: {  	p2 =	seq.s32 s10, $0x1;
	s10 =	sld [smem:$0x3FA2]  }
0x3d: {  	_ =	shalt  }
0x3e: {  	_ =	shalt  }
0x3f: {  	_ =	shalt  }
0x40: {  	_ =	shalt  }
0x41: {  	_ =	shalt  }
0x42: {  	_ =	shalt  }
0x43: {  	_ =	shalt  }
0x44: {  	_ =	shalt  }
0x45: {  	_ =	shalt  }
0x46: {  	_ =	shalt  }
0x47: {  	_ =	shalt  }
0x48: {  	_ =	shalt  }
0x49: {  	_ =	shalt  }
0x4a: {  	_ =	shalt  }
0x4b: {  	_ =	shalt  }
0x4c: {  	_ =	shalt  }
0x4d: {  	_ =	shalt  }
0x4e: {  	_ =	shalt  }
0x4f: {  	_ =	shalt  }
0x50: {  	_ =	shalt  }
0x51: {  	_ =	shalt  }
0x52: {  	_ =	shalt  }
0x53: {  	_ =	shalt  }
0x54: {  	_ =	shalt  }
0x55: {  	_ =	shalt  }
0x56: {  	_ =	shalt  }
0x57: {  	_ =	shalt  }
0x58: {  	_ =	shalt  }
0x59: {  	_ =	shalt  }
0x5a: {  	_ =	shalt  }
0x5b: {  	_ =	shalt  }
0x5c: {  	_ =	shalt  }
0x5d: {  	_ =	shalt  }
0x5e: {  	_ =	shalt  }
0x5f: {  	_ =	shalt  }
0x60: {  	_ =	shalt  }
0x61: {  	_ =	shalt  }
0x62: {  	_ =	shalt  }
0x63: {  	_ =	shalt  }
0x64: {  	_ =	shalt  }
0x65: {  	_ =	shalt  }
0x66: {  	_ =	shalt  }
0x67: {  	_ =	shalt  }
0x68: {  	_ =	shalt  }
0x69: {  	_ =	shalt  }
0x6a: {  	_ =	shalt  }
0x6b: {  	_ =	shalt  }
0x6c: {  	_ =	shalt  }
0x6d: {  	_ =	shalt  }
0x6e: {  	_ =	shalt  }
0x6f: {  	_ =	shalt  }
0x70: {  	_ =	shalt  }
0x71: {  	_ =	shalt  }
0x72: {  	_ =	shalt  }
0x73: {  	_ =	shalt  }
0x74: {  	_ =	shalt  }
0x75: {  	_ =	shalt  }
0x76: {  	_ =	shalt  }
0x77: {  	_ =	shalt  }
0x78: {  	_ =	shalt  }
0x79: {  	_ =	shalt  }
0x7a: {  	_ =	shalt  }
0x7b: {  	_ =	shalt  }
0x7c: {  	_ =	shalt  }
0x7d: {  	_ =	shalt  }
0x7e: {  	_ =	shalt  }
0x7f: {  	_ =	shalt  }
0x80: {  	_ =	shalt  }
0x81: {  	_ =	shalt  }
0x82: {  	_ =	shalt  }
0x83: {  	_ =	shalt  }
0x84: {  	_ =	shalt  }
0x85: {  	_ =	shalt  }
0x86: {  	_ =	shalt  }
0x87: {  	_ =	shalt  }
.Lfunc_end0:
.L_simem_size_0:
called_computation_lowered:
.L_overlay_start_0:
0x88: {  	s2 =	sld [smem:$0x3FD9]  }
0x89: {  	s3 =	sld [smem:$0x3FFE];
	_ =	sdelay $0x1  }
0x8a: {  	s1 =	srdreg.scid  }
0x8b: {  	s0 =	sand.u32 $0x1, s1  }
0x8c: {  	s17 =	sshll.u32 s0, $0xA;
	s2 =	sadd.s32 s3, s2  }
0x8d: {  	s2 =	sadd.s32 s2, s17  }
0x8e: {  	[smem:$0x3FAE] =	sst s2  }
0x8f: {  	_ = 	snop  }
0x90: {  	s2 =	sld [smem:$0x3FC5]  }
0x91: {  	s18 =	sld [smem:$0x3FC4];
	(tm) =	ssettm $0x1  }
0x92: {  	s4 =	sld [smem:$0x3FFB];
	_ =	sdelay $0x3  }
0x93: {  	_ =	strace s4  }
0x94: {  	s4 =	sld [smem:$0x3FFC];
	_ =	sdelay $0x3  }
0x95: {  	_ =	strace s4  }
0x96: {  	s4 =	sld [smem:$0x3FFD];
	_ =	sdelay $0x3  }
0x97: {  	_ =	strace s4  }
0x98: {  	_ =	strace $0x8FFFFFFF  }
0x99: {  	s19 =	sld [smem:$0x3FDB];
	_ =	sdelay $0x1  }
0x9a: {  	s5 =	simm.s32 $_scs_section_size  }
0x9b: {  	s6 =	simm.s32 $_size__tile_overlayer_lowered;
	s7 =	simm.s32 $_tile_overlayer_lowered  }
0x9c: {  	s22 =	simm.s32 $0x1BFF;
	s21 =	sshll.u32 s7, $0x1;
	s4 =	sadd.s32 s5, s19  }
0x9d: {  	s8 =	simm.s32 $0x0;
	s20 =	sshll.u32 s6, $0x1;
	s6 =	sadd.s32 s21, s4  }
0x9e: {  	[timem:s8], [sflag:s22] =	dma.local [hbm:s6], s20  }
0x9f: {  	_ =	swait.ge [sflag:s22], s20  }
0xa0: {  	s5 =	ssub.s32 $0x0, s20;
	[sflag:s22] =	ssyncset.done $0x0  }
0xa1: {  	[sflag:s22] =	ssyncadd.s32 s5;
	_ =	sdelay $0x1  }
0xa2: {  	s23 =	simm.s32 $0x1B8B  }
0xa3: {  	_ =	swait.ge [sflag:s23], $0x1  }
0xa4: {  	[sflag:s23] =	ssyncset.done $0x0  }
0xa5: {  	s25 =	simm.s32 $0x1B8E;
	s24 =	sld [smem:$0x3FFE];
	[sflag:s23] =	ssyncadd.s32 $0xFFFFFFFF  }
0xa6: {  	s26 =	simm.s32 $execute0_lowered;
	[smem:$0x3FD2] =	sst s25  }
0xa7: {  	s6 =	sshll.u32 s26, $0x1;
	_ =	strace $0x80000046;
	[dreg:$0x1] =	wrdreg $0xFFFFFFFF  }
0xa8: {  	s28 =	simm.s32 $_size_execute0_lowered;
	s4 =	sadd.s32 s4, s6;
	[dreg:$0x0] =	wrdreg $0x0  }
0xa9: {  	s6 =	sshll.u32 s28, $0x1;
	[dreg:$0x2] =	wrdreg s4  }
0xaa: {  	[dreg:$0x3] =	wrdreg s6  }
0xab: {  	[dreg:$0x4] =	wrdreg $0xC0  }
0xac: {  	_ =	task [dreg:s8], $0x5FFFF  }
0xad: {  	[dreg:$0x1] =	wrdreg $0xFFFFFFFF  }
0xae: {  	[dreg:$0x0] =	wrdreg $0x60  }
0xaf: {  	[dreg:$0x2] =	wrdreg s24  }
0xb0: {  	[dreg:$0x3] =	wrdreg s2  }
0xb1: {  	[dreg:$0x4] =	wrdreg s18  }
0xb2: {  	[dreg:$0x5] =	wrdreg $0x9  }
0xb3: {  	_ =	task.clear_ibuf [dreg:s8], $0x6FFFF;
	_ =	strace $0x90000046  }
0xb4: {  	s29 =	simm.s32 $0x9;
	_ =	strace $0x80000048  }
0xb5: {  	_ =	swait.ge [sflag:s29], $0x1  }
0xb6: {  	[sflag:s29] =	ssyncadd.s32 $0xFFFFFFFF  }
0xb7: {  	_ =	strace $0x90000048  }
0xb8: {  	_ =	sfence  }
0xb9: {  	s30 =	sld [smem:$0x0];
	_ =	sdelay $0x2  }
0xba: {  	s31 =	sshll.u32 s1, $0xD;
	s1 =	sshrl.u32 s1, $0x2  }
0xbb: {  	s3 =	sand.u32 $0x4000, s31;
	s1 =	sadd.s32 s1, s30  }
0xbc: {  	s0 =	sor.u32 s3, s0;
	s1 =	sshll.u32 s1, $0x11  }
0xbd: {  	s0 =	sor.u32 s1, s0  }
0xbe: {  	s0 =	sadd.s32 $0x8F2B, s0  }
0xbf: {  	[sflag:s0] =	ssyncadd.remote.s32 $0x1  }
0xc0: {  	_ =	sfence.sel $0xFFFF  }
0xc1: {  	[dreg:$0x0] =	wrdreg $0xFFFFFFFF;
	(pc) =	sbr.abs _section_cstart, $3  }
0xc2: {  	[dreg:$0x1] =	wrdreg $0xFFFFFFFF  }
0xc3: {  	_ =	task.clear_ibuf [dreg:s8], $0x2FFFF;
	_ =	strace $0x9FFFFFFF  }
0xc4: {  	(tm) =	ssettm $0x7FFFFFFF  }
0xc5: {  	_ =	shalt  }
tec
execute0_lowered:
.L_overlay_start_1:
0x0: {  	(tag) =	ssettag $0x1  }
0x1: {  	s19 =	rddreg [dreg:$0x0]  }
0x2: {  	s1 =	rddreg [dreg:$0x1]  }
0x3: {  	s3 =	rddreg [dreg:$0x2]  }
0x4: {  	s0 =	rddreg [dreg:$0x3]  }
0x5: {  	s5 =	srdreg.scid;
	s4 =	simm.s32 $0x0;
	s2 =	stileid.u32  }
0x6: {  	s21 =	simm.s32 $0x2;
	s22 =	simm.s32 $0x80;
	s23 =	simm.s32 $0x1  }
0x7: {  	s7 =	sand.u32 $0x1, s5;
	[smem:$0x7FF] =	sst s4;
	p0 =	seq.s32 s2, $0x4  }
0x8: {  	p1 =	seq.s32 s2, $0x1;
	p2 =	seq.s32 s2, $0x5;
	p3 =	seq.s32 s2, $0x2  }
0x9: {  	p4 =	seq.s32 s2, $0x6;
	p5 =	seq.s32 s2, $0x3;
	s6 =	sadd.s32 $0x2BE00, s19  }
0xa: {  	s10 =	sadd.s32 $0x2D600, s19;
	s11 =	sadd.s32 $0x20, s3;
	s12 =	sadd.s32 $0x2EE00, s19  }
0xb: {  	s13 =	sadd.s32 $0x20, s1;
	s14 =	sadd.s32 $0x2CE00, s19;
	s15 =	sadd.s32 $0x10, s3  }
0xc: {  	s16 =	sadd.s32 $0x2E600, s19;
	s17 =	sadd.s32 $0x10, s1;
	s18 =	sadd.s32 $0x2C600, s19  }
0xd: {  	p6 =	seq.s32 s7, $0x0;
	s8 =	ssub.s32 $0x2, s7;
	s24 =	sor.u32 s7, s2  }
0xe: {  	p0 =	por !p0, !p6;
	p1 =	por !p1, !p6;
	p2 =	por !p2, !p6  }
0xf: {  	p3 =	por !p3, !p6;
	p4 =	por !p4, !p6;
	s9 =	sshrl.u32 s8, $0x1  }
0x10: {  	p5 =	por !p5, !p6;
	s5 =	simm.s32 @!p0 $0x0;
	s20 =	ssub.s32 s8, s9  }
0x11: {  	p1 =	por !p1, !p1;
	p2 =	por !p2, !p2;
	p3 =	por !p3, !p3  }
0x12: {  	p4 =	por !p4, !p4;
	p5 =	por !p5, !p5;
	s5 =	simm.s32 @p0 $0x1  }
0x13: {  	s8 =	sadd.s32 $0x2F600, s19;
	s9 =	sadd.s32 $0x30, s1;
	[smem:$0x7FB] =	sst s5  }
0x14: {  	p0 =	seq.s32 s2, $0x7;
	s7 =	simm.s32 @!p5 $0x0;
	_ =	strace $0x80000047  }
0x15: {  	s20 =	smax.u32 s20, $0x1;
	p6 =	por !p0, !p6;
	s31 =	sld [smem:$0x7FB]  }
0x16: {  	s5 =	sadd.s32 $0x3E00, s19;
	s7 =	simm.s32 @p5 $0x1;
	p5 =	por !p6, !p6  }
0x17: {  	s19 =	sadd.s32 $0x2DE00, s19;
	[smem:$0x7FC] =	sst s7;
	s7 =	simm.s32 @!p5 $0x0  }
0x18: {  	p6 =	sne.s32 s24, $0x0;
	s7 =	simm.s32 @p5 $0x1;
	p0 =	seq.s32 s31, $0x1  }
0x19: {  	[smem:$0x7FD] =	sst s7;
	s7 =	sadd.s32 $0x30, s3;
	p0 =	por !p0, !p0  }
.LBB2_1:
0x1a: {  	s24 =	simm.s32 @!p6 $0x0;
	s25 =	simm.s32 @!p6 $0x2  }
0x1b: {  	[tilespmem:s24], [sflag:$0x2] =	stream.linear.gather @!p6 [hbm4b:s1+s24], $0x80, $0x38;
	[tilespmem:$0x4080] =	vst v63  }
0x1c: {  	_ =	swait.ge @!p6 [sflag:s25], $0x80  }
0x1d: {  	[sflag:s25] =	ssyncset.done @!p6 $0x0  }
0x1e: {  	s26 =	simm.s32 @!p6 $0x80;
	s28 =	simm.s32 @!p6 $0x1;
	[sflag:s25] =	ssyncadd.s32 @!p6 $0xFFFFFF80  }
0x1f: {  	[tilespmem:s26], [sflag:$0x1] =	stream.indirect.gather @!p6 [hbm4b:s5+s26], $0x80, s24, s26, $0xb8;
	[tilespmem:$0x4080] =	vst v63  }
0x20: {  	_ =	swait.ge @!p6 [sflag:s28], $0x4000  }
0x21: {  	[sflag:s28] =	ssyncset.done @!p6 $0x0  }
.Ltmp0:
0x22: {  	[sflag:s28] =	ssyncadd.s32 @!p6 $0xFFFFC000;
	(pc) =	sbr.rel @!p0 .LBB2_3-.Ltmp0, $4  }
0x23: {  	[hbm4b:s6+s24] =	stream.linear.scatter @!p6 [tilespmem:s26], [sflag:$0x2], $0x4000, $0x38;
	[tilespmem:$0x4080] =	vst v63  }
0x24: {  	_ =	swait.ge @!p6 [sflag:s25], $0x4000  }
0x25: {  	[sflag:s25] =	ssyncset.done @!p6 $0x0  }
0x26: {  	[sflag:s25] =	ssyncadd.s32 @!p6 $0xFFFFC000  }
.Ltmp1:
0x27: {  	(pc) =	sbr.rel .LBB2_15-.Ltmp1, $3  }
0x28: {  	_ =	sdelay $0x1  }
0x29: {  	[tilespmem:s4], [sflag:$0x2] =	stream.linear.gather [hbm4b:s3+s4], $0x80, $0x38;
	[tilespmem:$0x4080] =	vst v63  }
0x2a: {  	s24 =	smov.u32 s19  }
.LBB2_3:
.Ltmp2:
0x2b: {  	(pc) =	sbr.rel @!p1 .LBB2_5-.Ltmp2, $1  }
0x2c: {  	_ =	sdelay $0x3  }
.Ltmp3:
0x2d: {  	(pc) =	sbr.rel .LBB2_15-.Ltmp3, $3  }
0x2e: {  	_ =	sdelay $0x1  }
0x2f: {  	[tilespmem:s4], [sflag:$0x2] =	stream.linear.gather [hbm4b:s17+s4], $0x80, $0x38;
	[tilespmem:$0x4080] =	vst v63  }
0x30: {  	s24 =	smov.u32 s18  }
.LBB2_5:
.Ltmp4:
0x31: {  	(pc) =	sbr.rel @!p2 .LBB2_7-.Ltmp4, $1  }
0x32: {  	_ =	sdelay $0x3  }
.Ltmp5:
0x33: {  	(pc) =	sbr.rel .LBB2_15-.Ltmp5, $3  }
0x34: {  	_ =	sdelay $0x1  }
0x35: {  	[tilespmem:s4], [sflag:$0x2] =	stream.linear.gather [hbm4b:s15+s4], $0x80, $0x38;
	[tilespmem:$0x4080] =	vst v63  }
0x36: {  	s24 =	smov.u32 s16  }
.LBB2_7:
.Ltmp6:
0x37: {  	(pc) =	sbr.rel @!p3 .LBB2_9-.Ltmp6, $1  }
0x38: {  	_ =	sdelay $0x3  }
.Ltmp7:
0x39: {  	(pc) =	sbr.rel .LBB2_15-.Ltmp7, $3  }
0x3a: {  	_ =	sdelay $0x1  }
0x3b: {  	[tilespmem:s4], [sflag:$0x2] =	stream.linear.gather [hbm4b:s13+s4], $0x80, $0x38;
	[tilespmem:$0x4080] =	vst v63  }
0x3c: {  	s24 =	smov.u32 s14  }
.LBB2_9:
.Ltmp8:
0x3d: {  	(pc) =	sbr.rel @!p4 .LBB2_11-.Ltmp8, $1  }
0x3e: {  	_ =	sdelay $0x3  }
.Ltmp9:
0x3f: {  	(pc) =	sbr.rel .LBB2_15-.Ltmp9, $3  }
0x40: {  	_ =	sdelay $0x1  }
0x41: {  	[tilespmem:s4], [sflag:$0x2] =	stream.linear.gather [hbm4b:s11+s4], $0x80, $0x38;
	[tilespmem:$0x4080] =	vst v63  }
0x42: {  	s24 =	smov.u32 s12  }
.LBB2_11:
0x43: {  	s24 =	sld [smem:$0x7FC];
	_ =	sdelay $0x2  }
0x44: {  	p5 =	seq.s32 s24, $0x1  }
.Ltmp10:
0x45: {  	_ = 	snop;
	(pc) =	sbr.rel @!p5 .LBB2_13-.Ltmp10, $1  }
0x46: {  	_ =	sdelay $0x3  }
.Ltmp11:
0x47: {  	(pc) =	sbr.rel .LBB2_15-.Ltmp11, $3  }
0x48: {  	_ =	sdelay $0x1  }
0x49: {  	[tilespmem:s4], [sflag:$0x2] =	stream.linear.gather [hbm4b:s9+s4], $0x80, $0x38;
	[tilespmem:$0x4080] =	vst v63  }
0x4a: {  	s24 =	smov.u32 s10  }
.LBB2_13:
0x4b: {  	s24 =	sld [smem:$0x7FD];
	_ =	sdelay $0x2  }
0x4c: {  	p5 =	seq.s32 s24, $0x1  }
.Ltmp12:
0x4d: {  	_ = 	snop;
	(pc) =	sbr.rel @!p5 .LBB2_16-.Ltmp12, $1  }
0x4e: {  	_ =	sdelay $0x3  }
0x4f: {  	[tilespmem:s4], [sflag:$0x2] =	stream.linear.gather [hbm4b:s7+s4], $0x80, $0x38;
	[tilespmem:$0x4080] =	vst v63  }
0x50: {  	s24 =	smov.u32 s8  }
.LBB2_15:
0x51: {  	_ =	swait.ge [sflag:s21], $0x80  }
0x52: {  	[sflag:s21] =	ssyncset.done $0x0  }
0x53: {  	[sflag:s21] =	ssyncadd.s32 $0xFFFFFF80  }
0x54: {  	[tilespmem:s22], [sflag:$0x1] =	stream.indirect.gather [hbm4b:s5+s22], $0x80, s4, s22, $0xb8;
	[tilespmem:$0x4080] =	vst v63  }
0x55: {  	_ =	swait.ge [sflag:s23], $0x4000  }
0x56: {  	[sflag:s23] =	ssyncset.done $0x0  }
0x57: {  	[sflag:s23] =	ssyncadd.s32 $0xFFFFC000  }
0x58: {  	[hbm4b:s24+s4] =	stream.linear.scatter [tilespmem:s22], [sflag:$0x2], $0x4000, $0x38;
	[tilespmem:$0x4080] =	vst v63  }
0x59: {  	_ =	swait.ge [sflag:s21], $0x4000  }
0x5a: {  	[sflag:s21] =	ssyncset.done $0x0  }
0x5b: {  	[sflag:s21] =	ssyncadd.s32 $0xFFFFC000  }
.LBB2_16:
0x5c: {  	s20 =	sadd.s32 $0xFFFFFFFF, s20  }
0x5d: {  	p5 =	sne.s32 s20, $0x0  }
.Ltmp13:
0x5e: {  	_ = 	snop;
	(pc) =	sbr.rel @p5 .LBB2_1-.Ltmp13, $1  }
0x5f: {  	_ =	sdelay $0x3  }
0x60: {  	_ =	sfence.sel $0x180000  }
0x61: {  	[bflag:$0x0] =	sbarrier.arrive $0xFFFF  }
0x62: {  	p0 =	sne.s32 s2, $0x0;
	_ =	strace $0x90000047  }
0x63: {  	s0 =	sadd.s32 @!p0 $0x100000, s0;
	[bflag:$0x2] =	sbarrier.arrive $0xFFFF  }
0x64: {  	[sflag:s0] =	ssyncadd.tile.s32 @!p0 $0x1;
	_ =	shalt  }
.Lfunc_end2:
_tile_overlayer_lowered:
.L_overlay_start_2:
0x65: {  	(tag) =	ssettag $0x2  }
0x66: {  	s0 =	rddreg [dreg:$0x0];
	s2 =	stileid.u32  }
0x67: {  	s1 =	rddreg [dreg:$0x1];
	p0 =	sne.s32 s2, $0x0  }
0x68: {  	s3 =	rddreg [dreg:$0x2];
	[bflag:$0x3] =	sbarrier.arrive $0xFFFF;
	s2 =	simm.s32 @!p0 $0x1C02  }
0x69: {  	[timem:s3], [sflag:s2] =	dma.local @!p0 [hbm:s0], s1  }
0x6a: {  	s0 =	simm.s32 @!p0 $0x2  }
0x6b: {  	_ =	swait.ge @!p0 [sflag:s0], s1  }
0x6c: {  	s1 =	ssub.s32 @!p0 $0x0, s1;
	[sflag:s0] =	ssyncset.done @!p0 $0x0  }
0x6d: {  	[sflag:s0] =	ssyncadd.s32 @!p0 s1  }
0x6e: {  	[bflag:$0x3] =	sbarrier.arrive $0xFFFF  }
0x6f: {  	_ =	shalt  }

</sc_bundles>
